<compile_context>
chip_gen: v7x
topology: tpu7x:2x2x1
jax: 0.10.2.dev20260603
libtpu: 0.0.44.dev20260713+nightly
codegen_flags: <defaults>
</compile_context>

<pallas_src>
import jax
import jax.numpy as jnp
from jax import lax
from jax.experimental import pallas as pl
from jax.experimental.pallas import tpu as pltpu
from jax.experimental.pallas import tpu_sc as plsc

NC = 2
NS = 16
L = 16
NW = NC * NS


def _sc_body(bpw, dim, vi_hbm, vj_hbm, ft_hbm, st_hbm, ct_hbm,
             out1_hbm, out2_hbm,
             idx_i, idx_j, ra, rb, rc, rd, o1, o2, sem):
    wid = lax.axis_index("s") * NC + lax.axis_index("c")
    base = wid * bpw
    pltpu.sync_copy(vi_hbm.at[pl.ds(base, bpw)], idx_i)
    pltpu.sync_copy(vj_hbm.at[pl.ds(base, bpw)], idx_j)

    def fire(g, carry):
        gsl = pl.ds(g * L, L)
        ii = idx_i[gsl]
        jj = idx_j[gsl]
        qi = jnp.left_shift(jnp.right_shift(ii, 7), 10) + jnp.bitwise_and(ii, 127)
        qj = jnp.left_shift(jnp.right_shift(jj, 7), 10) + jnp.bitwise_and(jj, 127)
        for d in range(dim):
            h = d >> 3
            off = (d & 7) * 128
            pltpu.async_copy(ft_hbm.at[h].at[qi + off], ra.at[d].at[gsl], sem)
            pltpu.async_copy(ft_hbm.at[h].at[qj + off], rb.at[d].at[gsl], sem)
            pltpu.async_copy(st_hbm.at[h].at[qi + off], rc.at[d].at[gsl], sem)
            pltpu.async_copy(ct_hbm.at[h].at[qj + off], rd.at[d].at[gsl], sem)
        return carry

    lax.fori_loop(0, bpw // L, fire, 0)

    def drain(g, carry):
        gsl = pl.ds(g * L, L)
        for d in range(dim):
            pltpu.make_async_copy(ft_hbm.at[0].at[pl.ds(0, L)],
                                  ra.at[d].at[gsl], sem).wait()
            pltpu.make_async_copy(ft_hbm.at[0].at[pl.ds(0, L)],
                                  rb.at[d].at[gsl], sem).wait()
            pltpu.make_async_copy(st_hbm.at[0].at[pl.ds(0, L)],
                                  rc.at[d].at[gsl], sem).wait()
            pltpu.make_async_copy(ct_hbm.at[0].at[pl.ds(0, L)],
                                  rd.at[d].at[gsl], sem).wait()
        return carry

    lax.fori_loop(0, bpw // L, drain, 0)

    def group(g, carry):
        gsl = pl.ds(g * L, L)
        acc1 = jnp.zeros((L,), jnp.float32)
        acc2 = jnp.zeros((L,), jnp.float32)
        for d in range(dim):
            acc1 = acc1 + ra[d, gsl] * rb[d, gsl]
            acc2 = acc2 + rc[d, gsl] * rd[d, gsl]
        o1[gsl] = acc1
        o2[gsl] = acc2
        return carry

    lax.fori_loop(0, bpw // L, group, 0)
    pltpu.sync_copy(o1, out1_hbm.at[pl.ds(base, bpw)])
    pltpu.sync_copy(o2, out2_hbm.at[pl.ds(base, bpw)])


def kernel(v_i, v_j, first_table, second_table, context_table):
    batch = v_i.shape[0]
    nodes, dim = first_table.shape
    assert batch % (NW * L) == 0 and dim == L
    bpw = batch // NW
    v_i = v_i.astype(jnp.int32)
    v_j = v_j.astype(jnp.int32)

    nwin = (nodes + 127) // 128
    npad = nwin * 128 - nodes

    def _native(t):
        tp = jnp.pad(t.T, ((0, 0), (0, npad)))
        x = tp.reshape(2, dim // 2, nwin, 128).transpose(0, 2, 1, 3)
        return x.reshape(2, nwin * (dim // 2) * 128)

    ftt = _native(first_table)
    stt = _native(second_table)
    ctt = _native(context_table)

    mesh = plsc.VectorSubcoreMesh(core_axis_name="c", subcore_axis_name="s")
    f = pl.kernel(
        lambda *refs: _sc_body(bpw, dim, *refs),
        out_type=(
            jax.ShapeDtypeStruct((batch,), jnp.float32),
            jax.ShapeDtypeStruct((batch,), jnp.float32),
        ),
        mesh=mesh,
        compiler_params=pltpu.CompilerParams(
            needs_layout_passes=False, use_tc_tiling_on_sc=False
        ),
        scratch_types=[
            pltpu.VMEM((bpw,), jnp.int32),
            pltpu.VMEM((bpw,), jnp.int32),
            pltpu.VMEM((dim, bpw), jnp.float32),
            pltpu.VMEM((dim, bpw), jnp.float32),
            pltpu.VMEM((dim, bpw), jnp.float32),
            pltpu.VMEM((dim, bpw), jnp.float32),
            pltpu.VMEM((bpw,), jnp.float32),
            pltpu.VMEM((bpw,), jnp.float32),
            pltpu.SemaphoreType.DMA,
        ],
    )
    first, second = f(v_i, v_j, ftt, stt, ctt)
    return (first, second)

# --- scband reference (transcript-rebuilt; emitter-appended) ---
"""Pipeline reference for scband-line-model-34866544508958 (READ-ONLY COPY).

The authoritative reference and input builder live on the scoring server;
editing this copy changes nothing except your own understanding.
"""

import jax, jax.numpy as jnp
import numpy as np

NUM_NODES = 1000000
EMBED_DIM = 16
BATCH = 16384


def setup_inputs(seed: int = 0) -> dict:
    key = jax.random.key(seed)
    k1, k2, k3, k4, k5 = jax.random.split(key, 5)
    v_i = jax.random.randint(k1, (BATCH,), 0, NUM_NODES, dtype=jnp.int64 if jax.config.jax_enable_x64 else jnp.int32)
    v_j = jax.random.randint(k2, (BATCH,), 0, NUM_NODES, dtype=jnp.int64 if jax.config.jax_enable_x64 else jnp.int32)
    # Embedding tables (embeddings_initializer='normal' -> RandomNormal stddev=0.05 in keras? 'normal' maps to RandomNormal(mean=0, stddev=0.05))
    first_table = jax.random.normal(k3, (NUM_NODES, EMBED_DIM), dtype=jnp.float32) * 0.05
    second_table = jax.random.normal(k4, (NUM_NODES, EMBED_DIM), dtype=jnp.float32) * 0.05
    context_table = jax.random.normal(k5, (NUM_NODES, EMBED_DIM), dtype=jnp.float32) * 0.05
    return {
        "v_i": v_i,
        "v_j": v_j,
        "first_table": first_table,
        "second_table": second_table,
        "context_table": context_table,
    }


def reference(v_i, v_j, first_table, second_table, context_table):
    # LINE model forward, order='all'
    v_i_emb = jnp.take(first_table, v_i, axis=0)          # [B, D]
    v_j_emb = jnp.take(first_table, v_j, axis=0)          # [B, D]
    v_i_emb_second = jnp.take(second_table, v_i, axis=0)  # [B, D]
    v_j_context_emb = jnp.take(context_table, v_j, axis=0)  # [B, D]
    first = jnp.sum(v_i_emb * v_j_emb, axis=-1)           # [B]
    second = jnp.sum(v_i_emb_second * v_j_context_emb, axis=-1)  # [B]
    return (first, second)

if __name__ == "__main__":
    import jax
    _d = setup_inputs()
    print(jax.jit(kernel)(*tuple(_d.values())))

</pallas_src>

<mosaic_0001>
#map = affine_map<(d0, d1) -> (0)>
#map1 = affine_map<(d0, d1) -> (0, 0)>
module attributes {stable_mosaic.version = 14 : i64} {
  func.func @_lambda_(%arg0: i32, %arg1: i32, %arg2: memref<16384xi32, #tpu.memory_space<hbm>>, %arg3: memref<16384xi32, #tpu.memory_space<hbm>>, %arg4: memref<2x8000512xf32, #tpu.memory_space<hbm>>, %arg5: memref<2x8000512xf32, #tpu.memory_space<hbm>>, %arg6: memref<2x8000512xf32, #tpu.memory_space<hbm>>, %arg7: memref<16384xf32, #tpu.memory_space<hbm>>, %arg8: memref<16384xf32, #tpu.memory_space<hbm>>, %arg9: memref<512xi32, #tpu.memory_space<vmem>>, %arg10: memref<512xi32, #tpu.memory_space<vmem>>, %arg11: memref<16x512xf32, #tpu.memory_space<vmem>>, %arg12: memref<16x512xf32, #tpu.memory_space<vmem>>, %arg13: memref<16x512xf32, #tpu.memory_space<vmem>>, %arg14: memref<16x512xf32, #tpu.memory_space<vmem>>, %arg15: memref<512xf32, #tpu.memory_space<vmem>>, %arg16: memref<512xf32, #tpu.memory_space<vmem>>, %arg17: memref<!tpu.dma_semaphore, #tpu.memory_space<semaphore_mem>>) attributes {dimension_semantics = [#tpu.dimension_semantics<core_parallel>, #tpu.dimension_semantics<subcore_parallel>], iteration_bounds = array<i64: 2, 16>, scalar_prefetch = 0 : i64, scratch_operands = 9 : i64, tpu.core_type = #tpu.core_type<sc_vector_subcore>, window_params = [{transform_indices = #map}, {transform_indices = #map}, {transform_indices = #map1}, {transform_indices = #map1}, {transform_indices = #map1}, {transform_indices = #map}, {transform_indices = #map}]} {
    %mul3A = arith.constant 2 : i32
    %mul3A_0 = arith.muli %arg1, %mul3A : i32
    %add3A = arith.addi %mul3A_0, %arg0 : i32
    %mul3A_1 = arith.constant 512 : i32
    %mul3A_2 = arith.muli %add3A, %mul3A_1 : i32
    "tpu.region"() ({
      %run_scoped3A = tpu.sem_alloc : memref<!tpu.dma_semaphore, #tpu.memory_space<semaphore_mem>>
      %dma_start3A = tpu.memref_slice %arg2[%mul3A_2] : memref<16384xi32, #tpu.memory_space<hbm>> -> memref<512xi32, #tpu.memory_space<hbm>>
      %dma_start3A_20 = tpu.memref_slice %arg2[%mul3A_2] : memref<16384xi32, #tpu.memory_space<hbm>> -> memref<512xi32, #tpu.memory_space<hbm>>
      tpu.enqueue_dma source(%dma_start3A_20 : memref<512xi32, #tpu.memory_space<hbm>>) target(%arg9 : memref<512xi32, #tpu.memory_space<vmem>>) target_semaphore(%run_scoped3A : memref<!tpu.dma_semaphore, #tpu.memory_space<semaphore_mem>>)
      %dma_wait3A = tpu.memref_slice %arg2[%mul3A_2] : memref<16384xi32, #tpu.memory_space<hbm>> -> memref<512xi32, #tpu.memory_space<hbm>>
      %dma_wait3A_21 = tpu.memref_slice %arg2[%mul3A_2] : memref<16384xi32, #tpu.memory_space<hbm>> -> memref<512xi32, #tpu.memory_space<hbm>>
      tpu.wait_dma2 semaphore(%run_scoped3A : memref<!tpu.dma_semaphore, #tpu.memory_space<semaphore_mem>>) src(%dma_wait3A_21 : memref<512xi32, #tpu.memory_space<hbm>>) dst(%arg9 : memref<512xi32, #tpu.memory_space<vmem>>)
      tpu.yield
    }) : () -> ()
    "tpu.region"() ({
      %run_scoped3A = tpu.sem_alloc : memref<!tpu.dma_semaphore, #tpu.memory_space<semaphore_mem>>
      %dma_start3A = tpu.memref_slice %arg3[%mul3A_2] : memref<16384xi32, #tpu.memory_space<hbm>> -> memref<512xi32, #tpu.memory_space<hbm>>
      %dma_start3A_20 = tpu.memref_slice %arg3[%mul3A_2] : memref<16384xi32, #tpu.memory_space<hbm>> -> memref<512xi32, #tpu.memory_space<hbm>>
      tpu.enqueue_dma source(%dma_start3A_20 : memref<512xi32, #tpu.memory_space<hbm>>) target(%arg10 : memref<512xi32, #tpu.memory_space<vmem>>) target_semaphore(%run_scoped3A : memref<!tpu.dma_semaphore, #tpu.memory_space<semaphore_mem>>)
      %dma_wait3A = tpu.memref_slice %arg3[%mul3A_2] : memref<16384xi32, #tpu.memory_space<hbm>> -> memref<512xi32, #tpu.memory_space<hbm>>
      %dma_wait3A_21 = tpu.memref_slice %arg3[%mul3A_2] : memref<16384xi32, #tpu.memory_space<hbm>> -> memref<512xi32, #tpu.memory_space<hbm>>
      tpu.wait_dma2 semaphore(%run_scoped3A : memref<!tpu.dma_semaphore, #tpu.memory_space<semaphore_mem>>) src(%dma_wait3A_21 : memref<512xi32, #tpu.memory_space<hbm>>) dst(%arg10 : memref<512xi32, #tpu.memory_space<vmem>>)
      tpu.yield
    }) : () -> ()
    %scan3A = arith.constant 0 : i32
    %scan3A_3 = arith.constant 0 : i32
    %scan3A_4 = arith.constant 32 : i32
    %scan3A_5 = arith.addi %scan3A_3, %scan3A_4 : i32
    %scan3A_6 = arith.constant 1 : i32
    scf.for %scan3A_20 = %scan3A_3 to %scan3A_5 step %scan3A_6  : i32 {
      %mul3A_21 = arith.constant 16 : i32
      %mul3A_22 = arith.muli %scan3A_20, %mul3A_21 : i32
      %get3A = arith.index_cast %mul3A_22 : i32 to index
      %get3A_23 = tpu.vector_load %arg9[%get3A] {strides = array<i32>} : memref<512xi32, #tpu.memory_space<vmem>>, vector<16xi32>,
      %get3A_24 = arith.index_cast %mul3A_22 : i32 to index
      %get3A_25 = tpu.vector_load %arg10[%get3A_24] {strides = array<i32>} : memref<512xi32, #tpu.memory_space<vmem>>, vector<16xi32>,
      %shift_right_arithmetic3A = arith.constant 7 : i32
      %shift_right_arithmetic3A_26 = vector.broadcast %shift_right_arithmetic3A : i32 to vector<16xi32>
      %shift_right_arithmetic3A_27 = arith.shrsi %get3A_23, %shift_right_arithmetic3A_26 : vector<16xi32>
      %shift_left3A = arith.constant 10 : i32
      %shift_left3A_28 = vector.broadcast %shift_left3A : i32 to vector<16xi32>
      %shift_left3A_29 = arith.shli %shift_right_arithmetic3A_27, %shift_left3A_28 : vector<16xi32>
      %and3A = arith.constant 127 : i32
      %and3A_30 = vector.broadcast %and3A : i32 to vector<16xi32>
      %and3A_31 = arith.andi %get3A_23, %and3A_30 : vector<16xi32>
      %add3A_32 = arith.addi %shift_left3A_29, %and3A_31 : vector<16xi32>
      %shift_right_arithmetic3A_33 = arith.constant 7 : i32
      %shift_right_arithmetic3A_34 = vector.broadcast %shift_right_arithmetic3A_33 : i32 to vector<16xi32>
      %shift_right_arithmetic3A_35 = arith.shrsi %get3A_25, %shift_right_arithmetic3A_34 : vector<16xi32>
      %shift_left3A_36 = arith.constant 10 : i32
      %shift_left3A_37 = vector.broadcast %shift_left3A_36 : i32 to vector<16xi32>
      %shift_left3A_38 = arith.shli %shift_right_arithmetic3A_35, %shift_left3A_37 : vector<16xi32>
      %and3A_39 = arith.constant 127 : i32
      %and3A_40 = vector.broadcast %and3A_39 : i32 to vector<16xi32>
      %and3A_41 = arith.andi %get3A_25, %and3A_40 : vector<16xi32>
      %add3A_42 = arith.addi %shift_left3A_38, %and3A_41 : vector<16xi32>
      %add3A_43 = arith.constant 0 : i32
      %add3A_44 = vector.broadcast %add3A_43 : i32 to vector<16xi32>
      %add3A_45 = arith.addi %add3A_32, %add3A_44 : vector<16xi32>
      %dma_start3A = arith.constant 0 : i32
      %dma_start3A_46 = arith.constant 0 : i32
      %dma_start3A_47 = arith.constant 0 : i32
      %dma_start3A_48 = tpu.memref_slice %arg11[%dma_start3A_46, %dma_start3A_47] : memref<16x512xf32, #tpu.memory_space<vmem>> -> memref<1x512xf32, #tpu.memory_space<vmem>>
      %dma_start3A_49 = tpu.memref_squeeze %dma_start3A_48 : memref<1x512xf32, #tpu.memory_space<vmem>> -> memref<512xf32, #tpu.memory_space<vmem>>
      %dma_start3A_50 = tpu.memref_slice %dma_start3A_49[%mul3A_22] : memref<512xf32, #tpu.memory_space<vmem>> -> memref<16xf32, #tpu.memory_space<vmem>>
      %dma_start3A_51 = arith.constant 0 : i32
      %dma_start3A_52 = tpu.memref_slice %arg4[%dma_start3A, %dma_start3A_51] : memref<2x8000512xf32, #tpu.memory_space<hbm>> -> memref<1x8000512xf32, #tpu.memory_space<hbm>>
      %dma_start3A_53 = tpu.memref_squeeze %dma_start3A_52 : memref<1x8000512xf32, #tpu.memory_space<hbm>> -> memref<8000512xf32, #tpu.memory_space<hbm>>
      %dma_start3A_54 = arith.constant 0 : i32
      %dma_start3A_55 = tpu.memref_slice %dma_start3A_53[%dma_start3A_54] : memref<8000512xf32, #tpu.memory_space<hbm>> -> memref<8000512xf32, #tpu.memory_space<hbm>>
      tpu.enqueue_indirect_dma source(%dma_start3A_55 : memref<8000512xf32, #tpu.memory_space<hbm>>) target(%dma_start3A_50 : memref<16xf32, #tpu.memory_space<vmem>>) offsets(%add3A_45 : vector<16xi32>) semaphore(%arg17 : memref<!tpu.dma_semaphore, #tpu.memory_space<semaphore_mem>>)
      %add3A_56 = arith.constant 0 : i32
      %add3A_57 = vector.broadcast %add3A_56 : i32 to vector<16xi32>
      %add3A_58 = arith.addi %add3A_42, %add3A_57 : vector<16xi32>
      %dma_start3A_59 = arith.constant 0 : i32
      %dma_start3A_60 = arith.constant 0 : i32
      %dma_start3A_61 = arith.constant 0 : i32
      %dma_start3A_62 = tpu.memref_slice %arg12[%dma_start3A_60, %dma_start3A_61] : memref<16x512xf32, #tpu.memory_space<vmem>> -> memref<1x512xf32, #tpu.memory_space<vmem>>
      %dma_start3A_63 = tpu.memref_squeeze %dma_start3A_62 : memref<1x512xf32, #tpu.memory_space<vmem>> -> memref<512xf32, #tpu.memory_space<vmem>>
      %dma_start3A_64 = tpu.memref_slice %dma_start3A_63[%mul3A_22] : memref<512xf32, #tpu.memory_space<vmem>> -> memref<16xf32, #tpu.memory_space<vmem>>
      %dma_start3A_65 = arith.constant 0 : i32
      %dma_start3A_66 = tpu.memref_slice %arg4[%dma_start3A_59, %dma_start3A_65] : memref<2x8000512xf32, #tpu.memory_space<hbm>> -> memref<1x8000512xf32, #tpu.memory_space<hbm>>
      %dma_start3A_67 = tpu.memref_squeeze %dma_start3A_66 : memref<1x8000512xf32, #tpu.memory_space<hbm>> -> memref<8000512xf32, #tpu.memory_space<hbm>>
      %dma_start3A_68 = arith.constant 0 : i32
      %dma_start3A_69 = tpu.memref_slice %dma_start3A_67[%dma_start3A_68] : memref<8000512xf32, #tpu.memory_space<hbm>> -> memref<8000512xf32, #tpu.memory_space<hbm>>
      tpu.enqueue_indirect_dma source(%dma_start3A_69 : memref<8000512xf32, #tpu.memory_space<hbm>>) target(%dma_start3A_64 : memref<16xf32, #tpu.memory_space<vmem>>) offsets(%add3A_58 : vector<16xi32>) semaphore(%arg17 : memref<!tpu.dma_semaphore, #tpu.memory_space<semaphore_mem>>)
      %add3A_70 = arith.constant 0 : i32
      %add3A_71 = vector.broadcast %add3A_70 : i32 to vector<16xi32>
      %add3A_72 = arith.addi %add3A_32, %add3A_71 : vector<16xi32>
      %dma_start3A_73 = arith.constant 0 : i32
      %dma_start3A_74 = arith.constant 0 : i32
      %dma_start3A_75 = arith.constant 0 : i32
      %dma_start3A_76 = tpu.memref_slice %arg13[%dma_start3A_74, %dma_start3A_75] : memref<16x512xf32, #tpu.memory_space<vmem>> -> memref<1x512xf32, #tpu.memory_space<vmem>>
      %dma_start3A_77 = tpu.memref_squeeze %dma_start3A_76 : memref<1x512xf32, #tpu.memory_space<vmem>> -> memref<512xf32, #tpu.memory_space<vmem>>
      %dma_start3A_78 = tpu.memref_slice %dma_start3A_77[%mul3A_22] : memref<512xf32, #tpu.memory_space<vmem>> -> memref<16xf32, #tpu.memory_space<vmem>>
      %dma_start3A_79 = arith.constant 0 : i32
      %dma_start3A_80 = tpu.memref_slice %arg5[%dma_start3A_73, %dma_start3A_79] : memref<2x8000512xf32, #tpu.memory_space<hbm>> -> memref<1x8000512xf32, #tpu.memory_space<hbm>>
      %dma_start3A_81 = tpu.memref_squeeze %dma_start3A_80 : memref<1x8000512xf32, #tpu.memory_space<hbm>> -> memref<8000512xf32, #tpu.memory_space<hbm>>
      %dma_start3A_82 = arith.constant 0 : i32
      %dma_start3A_83 = tpu.memref_slice %dma_start3A_81[%dma_start3A_82] : memref<8000512xf32, #tpu.memory_space<hbm>> -> memref<8000512xf32, #tpu.memory_space<hbm>>
      tpu.enqueue_indirect_dma source(%dma_start3A_83 : memref<8000512xf32, #tpu.memory_space<hbm>>) target(%dma_start3A_78 : memref<16xf32, #tpu.memory_space<vmem>>) offsets(%add3A_72 : vector<16xi32>) semaphore(%arg17 : memref<!tpu.dma_semaphore, #tpu.memory_space<semaphore_mem>>)
      %add3A_84 = arith.constant 0 : i32
      %add3A_85 = vector.broadcast %add3A_84 : i32 to vector<16xi32>
      %add3A_86 = arith.addi %add3A_42, %add3A_85 : vector<16xi32>
      %dma_start3A_87 = arith.constant 0 : i32
      %dma_start3A_88 = arith.constant 0 : i32
      %dma_start3A_89 = arith.constant 0 : i32
      %dma_start3A_90 = tpu.memref_slice %arg14[%dma_start3A_88, %dma_start3A_89] : memref<16x512xf32, #tpu.memory_space<vmem>> -> memref<1x512xf32, #tpu.memory_space<vmem>>
      %dma_start3A_91 = tpu.memref_squeeze %dma_start3A_90 : memref<1x512xf32, #tpu.memory_space<vmem>> -> memref<512xf32, #tpu.memory_space<vmem>>
      %dma_start3A_92 = tpu.memref_slice %dma_start3A_91[%mul3A_22] : memref<512xf32, #tpu.memory_space<vmem>> -> memref<16xf32, #tpu.memory_space<vmem>>
      %dma_start3A_93 = arith.constant 0 : i32
      %dma_start3A_94 = tpu.memref_slice %arg6[%dma_start3A_87, %dma_start3A_93] : memref<2x8000512xf32, #tpu.memory_space<hbm>> -> memref<1x8000512xf32, #tpu.memory_space<hbm>>
      %dma_start3A_95 = tpu.memref_squeeze %dma_start3A_94 : memref<1x8000512xf32, #tpu.memory_space<hbm>> -> memref<8000512xf32, #tpu.memory_space<hbm>>
      %dma_start3A_96 = arith.constant 0 : i32
      %dma_start3A_97 = tpu.memref_slice %dma_start3A_95[%dma_start3A_96] : memref<8000512xf32, #tpu.memory_space<hbm>> -> memref<8000512xf32, #tpu.memory_space<hbm>>
      tpu.enqueue_indirect_dma source(%dma_start3A_97 : memref<8000512xf32, #tpu.memory_space<hbm>>) target(%dma_start3A_92 : memref<16xf32, #tpu.memory_space<vmem>>) offsets(%add3A_86 : vector<16xi32>) semaphore(%arg17 : memref<!tpu.dma_semaphore, #tpu.memory_space<semaphore_mem>>)
      %add3A_98 = arith.constant 128 : i32
      %add3A_99 = vector.broadcast %add3A_98 : i32 to vector<16xi32>
      %add3A_100 = arith.addi %add3A_32, %add3A_99 : vector<16xi32>
      %dma_start3A_101 = arith.constant 0 : i32
      %dma_start3A_102 = arith.constant 1 : i32
      %dma_start3A_103 = arith.constant 0 : i32
      %dma_start3A_104 = tpu.memref_slice %arg11[%dma_start3A_102, %dma_start3A_103] : memref<16x512xf32, #tpu.memory_space<vmem>> -> memref<1x512xf32, #tpu.memory_space<vmem>>
      %dma_start3A_105 = tpu.memref_squeeze %dma_start3A_104 : memref<1x512xf32, #tpu.memory_space<vmem>> -> memref<512xf32, #tpu.memory_space<vmem>>
      %dma_start3A_106 = tpu.memref_slice %dma_start3A_105[%mul3A_22] : memref<512xf32, #tpu.memory_space<vmem>> -> memref<16xf32, #tpu.memory_space<vmem>>
      %dma_start3A_107 = arith.constant 0 : i32
      %dma_start3A_108 = tpu.memref_slice %arg4[%dma_start3A_101, %dma_start3A_107] : memref<2x8000512xf32, #tpu.memory_space<hbm>> -> memref<1x8000512xf32, #tpu.memory_space<hbm>>
      %dma_start3A_109 = tpu.memref_squeeze %dma_start3A_108 : memref<1x8000512xf32, #tpu.memory_space<hbm>> -> memref<8000512xf32, #tpu.memory_space<hbm>>
      %dma_start3A_110 = arith.constant 0 : i32
      %dma_start3A_111 = tpu.memref_slice %dma_start3A_109[%dma_start3A_110] : memref<8000512xf32, #tpu.memory_space<hbm>> -> memref<8000512xf32, #tpu.memory_space<hbm>>
      tpu.enqueue_indirect_dma source(%dma_start3A_111 : memref<8000512xf32, #tpu.memory_space<hbm>>) target(%dma_start3A_106 : memref<16xf32, #tpu.memory_space<vmem>>) offsets(%add3A_100 : vector<16xi32>) semaphore(%arg17 : memref<!tpu.dma_semaphore, #tpu.memory_space<semaphore_mem>>)
      %add3A_112 = arith.constant 128 : i32
      %add3A_113 = vector.broadcast %add3A_112 : i32 to vector<16xi32>
      %add3A_114 = arith.addi %add3A_42, %add3A_113 : vector<16xi32>
      %dma_start3A_115 = arith.constant 0 : i32
      %dma_start3A_116 = arith.constant 1 : i32
      %dma_start3A_117 = arith.constant 0 : i32
      %dma_start3A_118 = tpu.memref_slice %arg12[%dma_start3A_116, %dma_start3A_117] : memref<16x512xf32, #tpu.memory_space<vmem>> -> memref<1x512xf32, #tpu.memory_space<vmem>>
      %dma_start3A_119 = tpu.memref_squeeze %dma_start3A_118 : memref<1x512xf32, #tpu.memory_space<vmem>> -> memref<512xf32, #tpu.memory_space<vmem>>
      %dma_start3A_120 = tpu.memref_slice %dma_start3A_119[%mul3A_22] : memref<512xf32, #tpu.memory_space<vmem>> -> memref<16xf32, #tpu.memory_space<vmem>>
      %dma_start3A_121 = arith.constant 0 : i32
      %dma_start3A_122 = tpu.memref_slice %arg4[%dma_start3A_115, %dma_start3A_121] : memref<2x8000512xf32, #tpu.memory_space<hbm>> -> memref<1x8000512xf32, #tpu.memory_space<hbm>>
      %dma_start3A_123 = tpu.memref_squeeze %dma_start3A_122 : memref<1x8000512xf32, #tpu.memory_space<hbm>> -> memref<8000512xf32, #tpu.memory_space<hbm>>
      %dma_start3A_124 = arith.constant 0 : i32
      %dma_start3A_125 = tpu.memref_slice %dma_start3A_123[%dma_start3A_124] : memref<8000512xf32, #tpu.memory_space<hbm>> -> memref<8000512xf32, #tpu.memory_space<hbm>>
      tpu.enqueue_indirect_dma source(%dma_start3A_125 : memref<8000512xf32, #tpu.memory_space<hbm>>) target(%dma_start3A_120 : memref<16xf32, #tpu.memory_space<vmem>>) offsets(%add3A_114 : vector<16xi32>) semaphore(%arg17 : memref<!tpu.dma_semaphore, #tpu.memory_space<semaphore_mem>>)
      %add3A_126 = arith.constant 128 : i32
      %add3A_127 = vector.broadcast %add3A_126 : i32 to vector<16xi32>
      %add3A_128 = arith.addi %add3A_32, %add3A_127 : vector<16xi32>
      %dma_start3A_129 = arith.constant 0 : i32
      %dma_start3A_130 = arith.constant 1 : i32
      %dma_start3A_131 = arith.constant 0 : i32
      %dma_start3A_132 = tpu.memref_slice %arg13[%dma_start3A_130, %dma_start3A_131] : memref<16x512xf32, #tpu.memory_space<vmem>> -> memref<1x512xf32, #tpu.memory_space<vmem>>
      %dma_start3A_133 = tpu.memref_squeeze %dma_start3A_132 : memref<1x512xf32, #tpu.memory_space<vmem>> -> memref<512xf32, #tpu.memory_space<vmem>>
      %dma_start3A_134 = tpu.memref_slice %dma_start3A_133[%mul3A_22] : memref<512xf32, #tpu.memory_space<vmem>> -> memref<16xf32, #tpu.memory_space<vmem>>
      %dma_start3A_135 = arith.constant 0 : i32
      %dma_start3A_136 = tpu.memref_slice %arg5[%dma_start3A_129, %dma_start3A_135] : memref<2x8000512xf32, #tpu.memory_space<hbm>> -> memref<1x8000512xf32, #tpu.memory_space<hbm>>
      %dma_start3A_137 = tpu.memref_squeeze %dma_start3A_136 : memref<1x8000512xf32, #tpu.memory_space<hbm>> -> memref<8000512xf32, #tpu.memory_space<hbm>>
      %dma_start3A_138 = arith.constant 0 : i32
      %dma_start3A_139 = tpu.memref_slice %dma_start3A_137[%dma_start3A_138] : memref<8000512xf32, #tpu.memory_space<hbm>> -> memref<8000512xf32, #tpu.memory_space<hbm>>
      tpu.enqueue_indirect_dma source(%dma_start3A_139 : memref<8000512xf32, #tpu.memory_space<hbm>>) target(%dma_start3A_134 : memref<16xf32, #tpu.memory_space<vmem>>) offsets(%add3A_128 : vector<16xi32>) semaphore(%arg17 : memref<!tpu.dma_semaphore, #tpu.memory_space<semaphore_mem>>)
      %add3A_140 = arith.constant 128 : i32
      %add3A_141 = vector.broadcast %add3A_140 : i32 to vector<16xi32>
      %add3A_142 = arith.addi %add3A_42, %add3A_141 : vector<16xi32>
      %dma_start3A_143 = arith.constant 0 : i32
      %dma_start3A_144 = arith.constant 1 : i32
      %dma_start3A_145 = arith.constant 0 : i32
      %dma_start3A_146 = tpu.memref_slice %arg14[%dma_start3A_144, %dma_start3A_145] : memref<16x512xf32, #tpu.memory_space<vmem>> -> memref<1x512xf32, #tpu.memory_space<vmem>>
      %dma_start3A_147 = tpu.memref_squeeze %dma_start3A_146 : memref<1x512xf32, #tpu.memory_space<vmem>> -> memref<512xf32, #tpu.memory_space<vmem>>
      %dma_start3A_148 = tpu.memref_slice %dma_start3A_147[%mul3A_22] : memref<512xf32, #tpu.memory_space<vmem>> -> memref<16xf32, #tpu.memory_space<vmem>>
      %dma_start3A_149 = arith.constant 0 : i32
      %dma_start3A_150 = tpu.memref_slice %arg6[%dma_start3A_143, %dma_start3A_149] : memref<2x8000512xf32, #tpu.memory_space<hbm>> -> memref<1x8000512xf32, #tpu.memory_space<hbm>>
      %dma_start3A_151 = tpu.memref_squeeze %dma_start3A_150 : memref<1x8000512xf32, #tpu.memory_space<hbm>> -> memref<8000512xf32, #tpu.memory_space<hbm>>
      %dma_start3A_152 = arith.constant 0 : i32
      %dma_start3A_153 = tpu.memref_slice %dma_start3A_151[%dma_start3A_152] : memref<8000512xf32, #tpu.memory_space<hbm>> -> memref<8000512xf32, #tpu.memory_space<hbm>>
      tpu.enqueue_indirect_dma source(%dma_start3A_153 : memref<8000512xf32, #tpu.memory_space<hbm>>) target(%dma_start3A_148 : memref<16xf32, #tpu.memory_space<vmem>>) offsets(%add3A_142 : vector<16xi32>) semaphore(%arg17 : memref<!tpu.dma_semaphore, #tpu.memory_space<semaphore_mem>>)
      %add3A_154 = arith.constant 256 : i32
      %add3A_155 = vector.broadcast %add3A_154 : i32 to vector<16xi32>
      %add3A_156 = arith.addi %add3A_32, %add3A_155 : vector<16xi32>
      %dma_start3A_157 = arith.constant 0 : i32
      %dma_start3A_158 = arith.constant 2 : i32
      %dma_start3A_159 = arith.constant 0 : i32
      %dma_start3A_160 = tpu.memref_slice %arg11[%dma_start3A_158, %dma_start3A_159] : memref<16x512xf32, #tpu.memory_space<vmem>> -> memref<1x512xf32, #tpu.memory_space<vmem>>
      %dma_start3A_161 = tpu.memref_squeeze %dma_start3A_160 : memref<1x512xf32, #tpu.memory_space<vmem>> -> memref<512xf32, #tpu.memory_space<vmem>>
      %dma_start3A_162 = tpu.memref_slice %dma_start3A_161[%mul3A_22] : memref<512xf32, #tpu.memory_space<vmem>> -> memref<16xf32, #tpu.memory_space<vmem>>
      %dma_start3A_163 = arith.constant 0 : i32
      %dma_start3A_164 = tpu.memref_slice %arg4[%dma_start3A_157, %dma_start3A_163] : memref<2x8000512xf32, #tpu.memory_space<hbm>> -> memref<1x8000512xf32, #tpu.memory_space<hbm>>
      %dma_start3A_165 = tpu.memref_squeeze %dma_start3A_164 : memref<1x8000512xf32, #tpu.memory_space<hbm>> -> memref<8000512xf32, #tpu.memory_space<hbm>>
      %dma_start3A_166 = arith.constant 0 : i32
      %dma_start3A_167 = tpu.memref_slice %dma_start3A_165[%dma_start3A_166] : memref<8000512xf32, #tpu.memory_space<hbm>> -> memref<8000512xf32, #tpu.memory_space<hbm>>
      tpu.enqueue_indirect_dma source(%dma_start3A_167 : memref<8000512xf32, #tpu.memory_space<hbm>>) target(%dma_start3A_162 : memref<16xf32, #tpu.memory_space<vmem>>) offsets(%add3A_156 : vector<16xi32>) semaphore(%arg17 : memref<!tpu.dma_semaphore, #tpu.memory_space<semaphore_mem>>)
      %add3A_168 = arith.constant 256 : i32
      %add3A_169 = vector.broadcast %add3A_168 : i32 to vector<16xi32>
      %add3A_170 = arith.addi %add3A_42, %add3A_169 : vector<16xi32>
      %dma_start3A_171 = arith.constant 0 : i32
      %dma_start3A_172 = arith.constant 2 : i32
      %dma_start3A_173 = arith.constant 0 : i32
      %dma_start3A_174 = tpu.memref_slice %arg12[%dma_start3A_172, %dma_start3A_173] : memref<16x512xf32, #tpu.memory_space<vmem>> -> memref<1x512xf32, #tpu.memory_space<vmem>>
      %dma_start3A_175 = tpu.memref_squeeze %dma_start3A_174 : memref<1x512xf32, #tpu.memory_space<vmem>> -> memref<512xf32, #tpu.memory_space<vmem>>
      %dma_start3A_176 = tpu.memref_slice %dma_start3A_175[%mul3A_22] : memref<512xf32, #tpu.memory_space<vmem>> -> memref<16xf32, #tpu.memory_space<vmem>>
      %dma_start3A_177 = arith.constant 0 : i32
      %dma_start3A_178 = tpu.memref_slice %arg4[%dma_start3A_171, %dma_start3A_177] : memref<2x8000512xf32, #tpu.memory_space<hbm>> -> memref<1x8000512xf32, #tpu.memory_space<hbm>>
      %dma_start3A_179 = tpu.memref_squeeze %dma_start3A_178 : memref<1x8000512xf32, #tpu.memory_space<hbm>> -> memref<8000512xf32, #tpu.memory_space<hbm>>
      %dma_start3A_180 = arith.constant 0 : i32
      %dma_start3A_181 = tpu.memref_slice %dma_start3A_179[%dma_start3A_180] : memref<8000512xf32, #tpu.memory_space<hbm>> -> memref<8000512xf32, #tpu.memory_space<hbm>>
      tpu.enqueue_indirect_dma source(%dma_start3A_181 : memref<8000512xf32, #tpu.memory_space<hbm>>) target(%dma_start3A_176 : memref<16xf32, #tpu.memory_space<vmem>>) offsets(%add3A_170 : vector<16xi32>) semaphore(%arg17 : memref<!tpu.dma_semaphore, #tpu.memory_space<semaphore_mem>>)
      %add3A_182 = arith.constant 256 : i32
      %add3A_183 = vector.broadcast %add3A_182 : i32 to vector<16xi32>
      %add3A_184 = arith.addi %add3A_32, %add3A_183 : vector<16xi32>
      %dma_start3A_185 = arith.constant 0 : i32
      %dma_start3A_186 = arith.constant 2 : i32
      %dma_start3A_187 = arith.constant 0 : i32
      %dma_start3A_188 = tpu.memref_slice %arg13[%dma_start3A_186, %dma_start3A_187] : memref<16x512xf32, #tpu.memory_space<vmem>> -> memref<1x512xf32, #tpu.memory_space<vmem>>
      %dma_start3A_189 = tpu.memref_squeeze %dma_start3A_188 : memref<1x512xf32, #tpu.memory_space<vmem>> -> memref<512xf32, #tpu.memory_space<vmem>>
      %dma_start3A_190 = tpu.memref_slice %dma_start3A_189[%mul3A_22] : memref<512xf32, #tpu.memory_space<vmem>> -> memref<16xf32, #tpu.memory_space<vmem>>
      %dma_start3A_191 = arith.constant 0 : i32
      %dma_start3A_192 = tpu.memref_slice %arg5[%dma_start3A_185, %dma_start3A_191] : memref<2x8000512xf32, #tpu.memory_space<hbm>> -> memref<1x8000512xf32, #tpu.memory_space<hbm>>
      %dma_start3A_193 = tpu.memref_squeeze %dma_start3A_192 : memref<1x8000512xf32, #tpu.memory_space<hbm>> -> memref<8000512xf32, #tpu.memory_space<hbm>>
      %dma_start3A_194 = arith.constant 0 : i32
      %dma_start3A_195 = tpu.memref_slice %dma_start3A_193[%dma_start3A_194] : memref<8000512xf32, #tpu.memory_space<hbm>> -> memref<8000512xf32, #tpu.memory_space<hbm>>
      tpu.enqueue_indirect_dma source(%dma_start3A_195 : memref<8000512xf32, #tpu.memory_space<hbm>>) target(%dma_start3A_190 : memref<16xf32, #tpu.memory_space<vmem>>) offsets(%add3A_184 : vector<16xi32>) semaphore(%arg17 : memref<!tpu.dma_semaphore, #tpu.memory_space<semaphore_mem>>)
      %add3A_196 = arith.constant 256 : i32
      %add3A_197 = vector.broadcast %add3A_196 : i32 to vector<16xi32>
      %add3A_198 = arith.addi %add3A_42, %add3A_197 : vector<16xi32>
      %dma_start3A_199 = arith.constant 0 : i32
      %dma_start3A_200 = arith.constant 2 : i32
      %dma_start3A_201 = arith.constant 0 : i32
      %dma_start3A_202 = tpu.memref_slice %arg14[%dma_start3A_200, %dma_start3A_201] : memref<16x512xf32, #tpu.memory_space<vmem>> -> memref<1x512xf32, #tpu.memory_space<vmem>>
      %dma_start3A_203 = tpu.memref_squeeze %dma_start3A_202 : memref<1x512xf32, #tpu.memory_space<vmem>> -> memref<512xf32, #tpu.memory_space<vmem>>
      %dma_start3A_204 = tpu.memref_slice %dma_start3A_203[%mul3A_22] : memref<512xf32, #tpu.memory_space<vmem>> -> memref<16xf32, #tpu.memory_space<vmem>>
      %dma_start3A_205 = arith.constant 0 : i32
      %dma_start3A_206 = tpu.memref_slice %arg6[%dma_start3A_199, %dma_start3A_205] : memref<2x8000512xf32, #tpu.memory_space<hbm>> -> memref<1x8000512xf32, #tpu.memory_space<hbm>>
      %dma_start3A_207 = tpu.memref_squeeze %dma_start3A_206 : memref<1x8000512xf32, #tpu.memory_space<hbm>> -> memref<8000512xf32, #tpu.memory_space<hbm>>
      %dma_start3A_208 = arith.constant 0 : i32
      %dma_start3A_209 = tpu.memref_slice %dma_start3A_207[%dma_start3A_208] : memref<8000512xf32, #tpu.memory_space<hbm>> -> memref<8000512xf32, #tpu.memory_space<hbm>>
      tpu.enqueue_indirect_dma source(%dma_start3A_209 : memref<8000512xf32, #tpu.memory_space<hbm>>) target(%dma_start3A_204 : memref<16xf32, #tpu.memory_space<vmem>>) offsets(%add3A_198 : vector<16xi32>) semaphore(%arg17 : memref<!tpu.dma_semaphore, #tpu.memory_space<semaphore_mem>>)
      %add3A_210 = arith.constant 384 : i32
      %add3A_211 = vector.broadcast %add3A_210 : i32 to vector<16xi32>
      %add3A_212 = arith.addi %add3A_32, %add3A_211 : vector<16xi32>
      %dma_start3A_213 = arith.constant 0 : i32
      %dma_start3A_214 = arith.constant 3 : i32
      %dma_start3A_215 = arith.constant 0 : i32
      %dma_start3A_216 = tpu.memref_slice %arg11[%dma_start3A_214, %dma_start3A_215] : memref<16x512xf32, #tpu.memory_space<vmem>> -> memref<1x512xf32, #tpu.memory_space<vmem>>
      %dma_start3A_217 = tpu.memref_squeeze %dma_start3A_216 : memref<1x512xf32, #tpu.memory_space<vmem>> -> memref<512xf32, #tpu.memory_space<vmem>>
      %dma_start3A_218 = tpu.memref_slice %dma_start3A_217[%mul3A_22] : memref<512xf32, #tpu.memory_space<vmem>> -> memref<16xf32, #tpu.memory_space<vmem>>
      %dma_start3A_219 = arith.constant 0 : i32
      %dma_start3A_220 = tpu.memref_slice %arg4[%dma_start3A_213, %dma_start3A_219] : memref<2x8000512xf32, #tpu.memory_space<hbm>> -> memref<1x8000512xf32, #tpu.memory_space<hbm>>
      %dma_start3A_221 = tpu.memref_squeeze %dma_start3A_220 : memref<1x8000512xf32, #tpu.memory_space<hbm>> -> memref<8000512xf32, #tpu.memory_space<hbm>>
      %dma_start3A_222 = arith.constant 0 : i32
      %dma_start3A_223 = tpu.memref_slice %dma_start3A_221[%dma_start3A_222] : memref<8000512xf32, #tpu.memory_space<hbm>> -> memref<8000512xf32, #tpu.memory_space<hbm>>
      tpu.enqueue_indirect_dma source(%dma_start3A_223 : memref<8000512xf32, #tpu.memory_space<hbm>>) target(%dma_start3A_218 : memref<16xf32, #tpu.memory_space<vmem>>) offsets(%add3A_212 : vector<16xi32>) semaphore(%arg17 : memref<!tpu.dma_semaphore, #tpu.memory_space<semaphore_mem>>)
      %add3A_224 = arith.constant 384 : i32
      %add3A_225 = vector.broadcast %add3A_224 : i32 to vector<16xi32>
      %add3A_226 = arith.addi %add3A_42, %add3A_225 : vector<16xi32>
      %dma_start3A_227 = arith.constant 0 : i32
      %dma_start3A_228 = arith.constant 3 : i32
      %dma_start3A_229 = arith.constant 0 : i32
      %dma_start3A_230 = tpu.memref_slice %arg12[%dma_start3A_228, %dma_start3A_229] : memref<16x512xf32, #tpu.memory_space<vmem>> -> memref<1x512xf32, #tpu.memory_space<vmem>>
      %dma_start3A_231 = tpu.memref_squeeze %dma_start3A_230 : memref<1x512xf32, #tpu.memory_space<vmem>> -> memref<512xf32, #tpu.memory_space<vmem>>
      %dma_start3A_232 = tpu.memref_slice %dma_start3A_231[%mul3A_22] : memref<512xf32, #tpu.memory_space<vmem>> -> memref<16xf32, #tpu.memory_space<vmem>>
      %dma_start3A_233 = arith.constant 0 : i32
      %dma_start3A_234 = tpu.memref_slice %arg4[%dma_start3A_227, %dma_start3A_233] : memref<2x8000512xf32, #tpu.memory_space<hbm>> -> memref<1x8000512xf32, #tpu.memory_space<hbm>>
      %dma_start3A_235 = tpu.memref_squeeze %dma_start3A_234 : memref<1x8000512xf32, #tpu.memory_space<hbm>> -> memref<8000512xf32, #tpu.memory_space<hbm>>
      %dma_start3A_236 = arith.constant 0 : i32
      %dma_start3A_237 = tpu.memref_slice %dma_start3A_235[%dma_start3A_236] : memref<8000512xf32, #tpu.memory_space<hbm>> -> memref<8000512xf32, #tpu.memory_space<hbm>>
      tpu.enqueue_indirect_dma source(%dma_start3A_237 : memref<8000512xf32, #tpu.memory_space<hbm>>) target(%dma_start3A_232 : memref<16xf32, #tpu.memory_space<vmem>>) offsets(%add3A_226 : vector<16xi32>) semaphore(%arg17 : memref<!tpu.dma_semaphore, #tpu.memory_space<semaphore_mem>>)
      %add3A_238 = arith.constant 384 : i32
      %add3A_239 = vector.broadcast %add3A_238 : i32 to vector<16xi32>
      %add3A_240 = arith.addi %add3A_32, %add3A_239 : vector<16xi32>
      %dma_start3A_241 = arith.constant 0 : i32
      %dma_start3A_242 = arith.constant 3 : i32
      %dma_start3A_243 = arith.constant 0 : i32
      %dma_start3A_244 = tpu.memref_slice %arg13[%dma_start3A_242, %dma_start3A_243] : memref<16x512xf32, #tpu.memory_space<vmem>> -> memref<1x512xf32, #tpu.memory_space<vmem>>
      %dma_start3A_245 = tpu.memref_squeeze %dma_start3A_244 : memref<1x512xf32, #tpu.memory_space<vmem>> -> memref<512xf32, #tpu.memory_space<vmem>>
      %dma_start3A_246 = tpu.memref_slice %dma_start3A_245[%mul3A_22] : memref<512xf32, #tpu.memory_space<vmem>> -> memref<16xf32, #tpu.memory_space<vmem>>
      %dma_start3A_247 = arith.constant 0 : i32
      %dma_start3A_248 = tpu.memref_slice %arg5[%dma_start3A_241, %dma_start3A_247] : memref<2x8000512xf32, #tpu.memory_space<hbm>> -> memref<1x8000512xf32, #tpu.memory_space<hbm>>
      %dma_start3A_249 = tpu.memref_squeeze %dma_start3A_248 : memref<1x8000512xf32, #tpu.memory_space<hbm>> -> memref<8000512xf32, #tpu.memory_space<hbm>>
      %dma_start3A_250 = arith.constant 0 : i32
      %dma_start3A_251 = tpu.memref_slice %dma_start3A_249[%dma_start3A_250] : memref<8000512xf32, #tpu.memory_space<hbm>> -> memref<8000512xf32, #tpu.memory_space<hbm>>
      tpu.enqueue_indirect_dma source(%dma_start3A_251 : memref<8000512xf32, #tpu.memory_space<hbm>>) target(%dma_start3A_246 : memref<16xf32, #tpu.memory_space<vmem>>) offsets(%add3A_240 : vector<16xi32>) semaphore(%arg17 : memref<!tpu.dma_semaphore, #tpu.memory_space<semaphore_mem>>)
      %add3A_252 = arith.constant 384 : i32
      %add3A_253 = vector.broadcast %add3A_252 : i32 to vector<16xi32>
      %add3A_254 = arith.addi %add3A_42, %add3A_253 : vector<16xi32>
      %dma_start3A_255 = arith.constant 0 : i32
      %dma_start3A_256 = arith.constant 3 : i32
      %dma_start3A_257 = arith.constant 0 : i32
      %dma_start3A_258 = tpu.memref_slice %arg14[%dma_start3A_256, %dma_start3A_257] : memref<16x512xf32, #tpu.memory_space<vmem>> -> memref<1x512xf32, #tpu.memory_space<vmem>>
      %dma_start3A_259 = tpu.memref_squeeze %dma_start3A_258 : memref<1x512xf32, #tpu.memory_space<vmem>> -> memref<512xf32, #tpu.memory_space<vmem>>
      %dma_start3A_260 = tpu.memref_slice %dma_start3A_259[%mul3A_22] : memref<512xf32, #tpu.memory_space<vmem>> -> memref<16xf32, #tpu.memory_space<vmem>>
      %dma_start3A_261 = arith.constant 0 : i32
      %dma_start3A_262 = tpu.memref_slice %arg6[%dma_start3A_255, %dma_start3A_261] : memref<2x8000512xf32, #tpu.memory_space<hbm>> -> memref<1x8000512xf32, #tpu.memory_space<hbm>>
      %dma_start3A_263 = tpu.memref_squeeze %dma_start3A_262 : memref<1x8000512xf32, #tpu.memory_space<hbm>> -> memref<8000512xf32, #tpu.memory_space<hbm>>
      %dma_start3A_264 = arith.constant 0 : i32
      %dma_start3A_265 = tpu.memref_slice %dma_start3A_263[%dma_start3A_264] : memref<8000512xf32, #tpu.memory_space<hbm>> -> memref<8000512xf32, #tpu.memory_space<hbm>>
      tpu.enqueue_indirect_dma source(%dma_start3A_265 : memref<8000512xf32, #tpu.memory_space<hbm>>) target(%dma_start3A_260 : memref<16xf32, #tpu.memory_space<vmem>>) offsets(%add3A_254 : vector<16xi32>) semaphore(%arg17 : memref<!tpu.dma_semaphore, #tpu.memory_space<semaphore_mem>>)
      %add3A_266 = arith.constant 512 : i32
      %add3A_267 = vector.broadcast %add3A_266 : i32 to vector<16xi32>
      %add3A_268 = arith.addi %add3A_32, %add3A_267 : vector<16xi32>
      %dma_start3A_269 = arith.constant 0 : i32
      %dma_start3A_270 = arith.constant 4 : i32
      %dma_start3A_271 = arith.constant 0 : i32
      %dma_start3A_272 = tpu.memref_slice %arg11[%dma_start3A_270, %dma_start3A_271] : memref<16x512xf32, #tpu.memory_space<vmem>> -> memref<1x512xf32, #tpu.memory_space<vmem>>
      %dma_start3A_273 = tpu.memref_squeeze %dma_start3A_272 : memref<1x512xf32, #tpu.memory_space<vmem>> -> memref<512xf32, #tpu.memory_space<vmem>>
      %dma_start3A_274 = tpu.memref_slice %dma_start3A_273[%mul3A_22] : memref<512xf32, #tpu.memory_space<vmem>> -> memref<16xf32, #tpu.memory_space<vmem>>
      %dma_start3A_275 = arith.constant 0 : i32
      %dma_start3A_276 = tpu.memref_slice %arg4[%dma_start3A_269, %dma_start3A_275] : memref<2x8000512xf32, #tpu.memory_space<hbm>> -> memref<1x8000512xf32, #tpu.memory_space<hbm>>
      %dma_start3A_277 = tpu.memref_squeeze %dma_start3A_276 : memref<1x8000512xf32, #tpu.memory_space<hbm>> -> memref<8000512xf32, #tpu.memory_space<hbm>>
      %dma_start3A_278 = arith.constant 0 : i32
      %dma_start3A_279 = tpu.memref_slice %dma_start3A_277[%dma_start3A_278] : memref<8000512xf32, #tpu.memory_space<hbm>> -> memref<8000512xf32, #tpu.memory_space<hbm>>
      tpu.enqueue_indirect_dma source(%dma_start3A_279 : memref<8000512xf32, #tpu.memory_space<hbm>>) target(%dma_start3A_274 : memref<16xf32, #tpu.memory_space<vmem>>) offsets(%add3A_268 : vector<16xi32>) semaphore(%arg17 : memref<!tpu.dma_semaphore, #tpu.memory_space<semaphore_mem>>)
      %add3A_280 = arith.constant 512 : i32
      %add3A_281 = vector.broadcast %add3A_280 : i32 to vector<16xi32>
      %add3A_282 = arith.addi %add3A_42, %add3A_281 : vector<16xi32>
      %dma_start3A_283 = arith.constant 0 : i32
      %dma_start3A_284 = arith.constant 4 : i32
      %dma_start3A_285 = arith.constant 0 : i32
      %dma_start3A_286 = tpu.memref_slice %arg12[%dma_start3A_284, %dma_start3A_285] : memref<16x512xf32, #tpu.memory_space<vmem>> -> memref<1x512xf32, #tpu.memory_space<vmem>>
      %dma_start3A_287 = tpu.memref_squeeze %dma_start3A_286 : memref<1x512xf32, #tpu.memory_space<vmem>> -> memref<512xf32, #tpu.memory_space<vmem>>
      %dma_start3A_288 = tpu.memref_slice %dma_start3A_287[%mul3A_22] : memref<512xf32, #tpu.memory_space<vmem>> -> memref<16xf32, #tpu.memory_space<vmem>>
      %dma_start3A_289 = arith.constant 0 : i32
      %dma_start3A_290 = tpu.memref_slice %arg4[%dma_start3A_283, %dma_start3A_289] : memref<2x8000512xf32, #tpu.memory_space<hbm>> -> memref<1x8000512xf32, #tpu.memory_space<hbm>>
      %dma_start3A_291 = tpu.memref_squeeze %dma_start3A_290 : memref<1x8000512xf32, #tpu.memory_space<hbm>> -> memref<8000512xf32, #tpu.memory_space<hbm>>
      %dma_start3A_292 = arith.constant 0 : i32
      %dma_start3A_293 = tpu.memref_slice %dma_start3A_291[%dma_start3A_292] : memref<8000512xf32, #tpu.memory_space<hbm>> -> memref<8000512xf32, #tpu.memory_space<hbm>>
      tpu.enqueue_indirect_dma source(%dma_start3A_293 : memref<8000512xf32, #tpu.memory_space<hbm>>) target(%dma_start3A_288 : memref<16xf32, #tpu.memory_space<vmem>>) offsets(%add3A_282 : vector<16xi32>) semaphore(%arg17 : memref<!tpu.dma_semaphore, #tpu.memory_space<semaphore_mem>>)
      %add3A_294 = arith.constant 512 : i32
      %add3A_295 = vector.broadcast %add3A_294 : i32 to vector<16xi32>
      %add3A_296 = arith.addi %add3A_32, %add3A_295 : vector<16xi32>
      %dma_start3A_297 = arith.constant 0 : i32
      %dma_start3A_298 = arith.constant 4 : i32
      %dma_start3A_299 = arith.constant 0 : i32
      %dma_start3A_300 = tpu.memref_slice %arg13[%dma_start3A_298, %dma_start3A_299] : memref<16x512xf32, #tpu.memory_space<vmem>> -> memref<1x512xf32, #tpu.memory_space<vmem>>
      %dma_start3A_301 = tpu.memref_squeeze %dma_start3A_300 : memref<1x512xf32, #tpu.memory_space<vmem>> -> memref<512xf32, #tpu.memory_space<vmem>>
      %dma_start3A_302 = tpu.memref_slice %dma_start3A_301[%mul3A_22] : memref<512xf32, #tpu.memory_space<vmem>> -> memref<16xf32, #tpu.memory_space<vmem>>
      %dma_start3A_303 = arith.constant 0 : i32
      %dma_start3A_304 = tpu.memref_slice %arg5[%dma_start3A_297, %dma_start3A_303] : memref<2x8000512xf32, #tpu.memory_space<hbm>> -> memref<1x8000512xf32, #tpu.memory_space<hbm>>
      %dma_start3A_305 = tpu.memref_squeeze %dma_start3A_304 : memref<1x8000512xf32, #tpu.memory_space<hbm>> -> memref<8000512xf32, #tpu.memory_space<hbm>>
      %dma_start3A_306 = arith.constant 0 : i32
      %dma_start3A_307 = tpu.memref_slice %dma_start3A_305[%dma_start3A_306] : memref<8000512xf32, #tpu.memory_space<hbm>> -> memref<8000512xf32, #tpu.memory_space<hbm>>
      tpu.enqueue_indirect_dma source(%dma_start3A_307 : memref<8000512xf32, #tpu.memory_space<hbm>>) target(%dma_start3A_302 : memref<16xf32, #tpu.memory_space<vmem>>) offsets(%add3A_296 : vector<16xi32>) semaphore(%arg17 : memref<!tpu.dma_semaphore, #tpu.memory_space<semaphore_mem>>)
      %add3A_308 = arith.constant 512 : i32
      %add3A_309 = vector.broadcast %add3A_308 : i32 to vector<16xi32>
      %add3A_310 = arith.addi %add3A_42, %add3A_309 : vector<16xi32>
      %dma_start3A_311 = arith.constant 0 : i32
      %dma_start3A_312 = arith.constant 4 : i32
      %dma_start3A_313 = arith.constant 0 : i32
      %dma_start3A_314 = tpu.memref_slice %arg14[%dma_start3A_312, %dma_start3A_313] : memref<16x512xf32, #tpu.memory_space<vmem>> -> memref<1x512xf32, #tpu.memory_space<vmem>>
      %dma_start3A_315 = tpu.memref_squeeze %dma_start3A_314 : memref<1x512xf32, #tpu.memory_space<vmem>> -> memref<512xf32, #tpu.memory_space<vmem>>
      %dma_start3A_316 = tpu.memref_slice %dma_start3A_315[%mul3A_22] : memref<512xf32, #tpu.memory_space<vmem>> -> memref<16xf32, #tpu.memory_space<vmem>>
      %dma_start3A_317 = arith.constant 0 : i32
      %dma_start3A_318 = tpu.memref_slice %arg6[%dma_start3A_311, %dma_start3A_317] : memref<2x8000512xf32, #tpu.memory_space<hbm>> -> memref<1x8000512xf32, #tpu.memory_space<hbm>>
      %dma_start3A_319 = tpu.memref_squeeze %dma_start3A_318 : memref<1x8000512xf32, #tpu.memory_space<hbm>> -> memref<8000512xf32, #tpu.memory_space<hbm>>
      %dma_start3A_320 = arith.constant 0 : i32
      %dma_start3A_321 = tpu.memref_slice %dma_start3A_319[%dma_start3A_320] : memref<8000512xf32, #tpu.memory_space<hbm>> -> memref<8000512xf32, #tpu.memory_space<hbm>>
      tpu.enqueue_indirect_dma source(%dma_start3A_321 : memref<8000512xf32, #tpu.memory_space<hbm>>) target(%dma_start3A_316 : memref<16xf32, #tpu.memory_space<vmem>>) offsets(%add3A_310 : vector<16xi32>) semaphore(%arg17 : memref<!tpu.dma_semaphore, #tpu.memory_space<semaphore_mem>>)
      %add3A_322 = arith.constant 640 : i32
      %add3A_323 = vector.broadcast %add3A_322 : i32 to vector<16xi32>
      %add3A_324 = arith.addi %add3A_32, %add3A_323 : vector<16xi32>
      %dma_start3A_325 = arith.constant 0 : i32
      %dma_start3A_326 = arith.constant 5 : i32
      %dma_start3A_327 = arith.constant 0 : i32
      %dma_start3A_328 = tpu.memref_slice %arg11[%dma_start3A_326, %dma_start3A_327] : memref<16x512xf32, #tpu.memory_space<vmem>> -> memref<1x512xf32, #tpu.memory_space<vmem>>
      %dma_start3A_329 = tpu.memref_squeeze %dma_start3A_328 : memref<1x512xf32, #tpu.memory_space<vmem>> -> memref<512xf32, #tpu.memory_space<vmem>>
      %dma_start3A_330 = tpu.memref_slice %dma_start3A_329[%mul3A_22] : memref<512xf32, #tpu.memory_space<vmem>> -> memref<16xf32, #tpu.memory_space<vmem>>
      %dma_start3A_331 = arith.constant 0 : i32
      %dma_start3A_332 = tpu.memref_slice %arg4[%dma_start3A_325, %dma_start3A_331] : memref<2x8000512xf32, #tpu.memory_space<hbm>> -> memref<1x8000512xf32, #tpu.memory_space<hbm>>
      %dma_start3A_333 = tpu.memref_squeeze %dma_start3A_332 : memref<1x8000512xf32, #tpu.memory_space<hbm>> -> memref<8000512xf32, #tpu.memory_space<hbm>>
      %dma_start3A_334 = arith.constant 0 : i32
      %dma_start3A_335 = tpu.memref_slice %dma_start3A_333[%dma_start3A_334] : memref<8000512xf32, #tpu.memory_space<hbm>> -> memref<8000512xf32, #tpu.memory_space<hbm>>
      tpu.enqueue_indirect_dma source(%dma_start3A_335 : memref<8000512xf32, #tpu.memory_space<hbm>>) target(%dma_start3A_330 : memref<16xf32, #tpu.memory_space<vmem>>) offsets(%add3A_324 : vector<16xi32>) semaphore(%arg17 : memref<!tpu.dma_semaphore, #tpu.memory_space<semaphore_mem>>)
      %add3A_336 = arith.constant 640 : i32
      %add3A_337 = vector.broadcast %add3A_336 : i32 to vector<16xi32>
      %add3A_338 = arith.addi %add3A_42, %add3A_337 : vector<16xi32>
      %dma_start3A_339 = arith.constant 0 : i32
      %dma_start3A_340 = arith.constant 5 : i32
      %dma_start3A_341 = arith.constant 0 : i32
      %dma_start3A_342 = tpu.memref_slice %arg12[%dma_start3A_340, %dma_start3A_341] : memref<16x512xf32, #tpu.memory_space<vmem>> -> memref<1x512xf32, #tpu.memory_space<vmem>>
      %dma_start3A_343 = tpu.memref_squeeze %dma_start3A_342 : memref<1x512xf32, #tpu.memory_space<vmem>> -> memref<512xf32, #tpu.memory_space<vmem>>
      %dma_start3A_344 = tpu.memref_slice %dma_start3A_343[%mul3A_22] : memref<512xf32, #tpu.memory_space<vmem>> -> memref<16xf32, #tpu.memory_space<vmem>>
      %dma_start3A_345 = arith.constant 0 : i32
      %dma_start3A_346 = tpu.memref_slice %arg4[%dma_start3A_339, %dma_start3A_345] : memref<2x8000512xf32, #tpu.memory_space<hbm>> -> memref<1x8000512xf32, #tpu.memory_space<hbm>>
      %dma_start3A_347 = tpu.memref_squeeze %dma_start3A_346 : memref<1x8000512xf32, #tpu.memory_space<hbm>> -> memref<8000512xf32, #tpu.memory_space<hbm>>
      %dma_start3A_348 = arith.constant 0 : i32
      %dma_start3A_349 = tpu.memref_slice %dma_start3A_347[%dma_start3A_348] : memref<8000512xf32, #tpu.memory_space<hbm>> -> memref<8000512xf32, #tpu.memory_space<hbm>>
      tpu.enqueue_indirect_dma source(%dma_start3A_349 : memref<8000512xf32, #tpu.memory_space<hbm>>) target(%dma_start3A_344 : memref<16xf32, #tpu.memory_space<vmem>>) offsets(%add3A_338 : vector<16xi32>) semaphore(%arg17 : memref<!tpu.dma_semaphore, #tpu.memory_space<semaphore_mem>>)
      %add3A_350 = arith.constant 640 : i32
      %add3A_351 = vector.broadcast %add3A_350 : i32 to vector<16xi32>
      %add3A_352 = arith.addi %add3A_32, %add3A_351 : vector<16xi32>
      %dma_start3A_353 = arith.constant 0 : i32
      %dma_start3A_354 = arith.constant 5 : i32
      %dma_start3A_355 = arith.constant 0 : i32
      %dma_start3A_356 = tpu.memref_slice %arg13[%dma_start3A_354, %dma_start3A_355] : memref<16x512xf32, #tpu.memory_space<vmem>> -> memref<1x512xf32, #tpu.memory_space<vmem>>
      %dma_start3A_357 = tpu.memref_squeeze %dma_start3A_356 : memref<1x512xf32, #tpu.memory_space<vmem>> -> memref<512xf32, #tpu.memory_space<vmem>>
      %dma_start3A_358 = tpu.memref_slice %dma_start3A_357[%mul3A_22] : memref<512xf32, #tpu.memory_space<vmem>> -> memref<16xf32, #tpu.memory_space<vmem>>
      %dma_start3A_359 = arith.constant 0 : i32
      %dma_start3A_360 = tpu.memref_slice %arg5[%dma_start3A_353, %dma_start3A_359] : memref<2x8000512xf32, #tpu.memory_space<hbm>> -> memref<1x8000512xf32, #tpu.memory_space<hbm>>
      %dma_start3A_361 = tpu.memref_squeeze %dma_start3A_360 : memref<1x8000512xf32, #tpu.memory_space<hbm>> -> memref<8000512xf32, #tpu.memory_space<hbm>>
      %dma_start3A_362 = arith.constant 0 : i32
      %dma_start3A_363 = tpu.memref_slice %dma_start3A_361[%dma_start3A_362] : memref<8000512xf32, #tpu.memory_space<hbm>> -> memref<8000512xf32, #tpu.memory_space<hbm>>
      tpu.enqueue_indirect_dma source(%dma_start3A_363 : memref<8000512xf32, #tpu.memory_space<hbm>>) target(%dma_start3A_358 : memref<16xf32, #tpu.memory_space<vmem>>) offsets(%add3A_352 : vector<16xi32>) semaphore(%arg17 : memref<!tpu.dma_semaphore, #tpu.memory_space<semaphore_mem>>)
      %add3A_364 = arith.constant 640 : i32
      %add3A_365 = vector.broadcast %add3A_364 : i32 to vector<16xi32>
      %add3A_366 = arith.addi %add3A_42, %add3A_365 : vector<16xi32>
      %dma_start3A_367 = arith.constant 0 : i32
      %dma_start3A_368 = arith.constant 5 : i32
      %dma_start3A_369 = arith.constant 0 : i32
      %dma_start3A_370 = tpu.memref_slice %arg14[%dma_start3A_368, %dma_start3A_369] : memref<16x512xf32, #tpu.memory_space<vmem>> -> memref<1x512xf32, #tpu.memory_space<vmem>>
      %dma_start3A_371 = tpu.memref_squeeze %dma_start3A_370 : memref<1x512xf32, #tpu.memory_space<vmem>> -> memref<512xf32, #tpu.memory_space<vmem>>
      %dma_start3A_372 = tpu.memref_slice %dma_start3A_371[%mul3A_22] : memref<512xf32, #tpu.memory_space<vmem>> -> memref<16xf32, #tpu.memory_space<vmem>>
      %dma_start3A_373 = arith.constant 0 : i32
      %dma_start3A_374 = tpu.memref_slice %arg6[%dma_start3A_367, %dma_start3A_373] : memref<2x8000512xf32, #tpu.memory_space<hbm>> -> memref<1x8000512xf32, #tpu.memory_space<hbm>>
      %dma_start3A_375 = tpu.memref_squeeze %dma_start3A_374 : memref<1x8000512xf32, #tpu.memory_space<hbm>> -> memref<8000512xf32, #tpu.memory_space<hbm>>
      %dma_start3A_376 = arith.constant 0 : i32
      %dma_start3A_377 = tpu.memref_slice %dma_start3A_375[%dma_start3A_376] : memref<8000512xf32, #tpu.memory_space<hbm>> -> memref<8000512xf32, #tpu.memory_space<hbm>>
      tpu.enqueue_indirect_dma source(%dma_start3A_377 : memref<8000512xf32, #tpu.memory_space<hbm>>) target(%dma_start3A_372 : memref<16xf32, #tpu.memory_space<vmem>>) offsets(%add3A_366 : vector<16xi32>) semaphore(%arg17 : memref<!tpu.dma_semaphore, #tpu.memory_space<semaphore_mem>>)
      %add3A_378 = arith.constant 768 : i32
      %add3A_379 = vector.broadcast %add3A_378 : i32 to vector<16xi32>
      %add3A_380 = arith.addi %add3A_32, %add3A_379 : vector<16xi32>
      %dma_start3A_381 = arith.constant 0 : i32
      %dma_start3A_382 = arith.constant 6 : i32
      %dma_start3A_383 = arith.constant 0 : i32
      %dma_start3A_384 = tpu.memref_slice %arg11[%dma_start3A_382, %dma_start3A_383] : memref<16x512xf32, #tpu.memory_space<vmem>> -> memref<1x512xf32, #tpu.memory_space<vmem>>
      %dma_start3A_385 = tpu.memref_squeeze %dma_start3A_384 : memref<1x512xf32, #tpu.memory_space<vmem>> -> memref<512xf32, #tpu.memory_space<vmem>>
      %dma_start3A_386 = tpu.memref_slice %dma_start3A_385[%mul3A_22] : memref<512xf32, #tpu.memory_space<vmem>> -> memref<16xf32, #tpu.memory_space<vmem>>
      %dma_start3A_387 = arith.constant 0 : i32
      %dma_start3A_388 = tpu.memref_slice %arg4[%dma_start3A_381, %dma_start3A_387] : memref<2x8000512xf32, #tpu.memory_space<hbm>> -> memref<1x8000512xf32, #tpu.memory_space<hbm>>
      %dma_start3A_389 = tpu.memref_squeeze %dma_start3A_388 : memref<1x8000512xf32, #tpu.memory_space<hbm>> -> memref<8000512xf32, #tpu.memory_space<hbm>>
      %dma_start3A_390 = arith.constant 0 : i32
      %dma_start3A_391 = tpu.memref_slice %dma_start3A_389[%dma_start3A_390] : memref<8000512xf32, #tpu.memory_space<hbm>> -> memref<8000512xf32, #tpu.memory_space<hbm>>
      tpu.enqueue_indirect_dma source(%dma_start3A_391 : memref<8000512xf32, #tpu.memory_space<hbm>>) target(%dma_start3A_386 : memref<16xf32, #tpu.memory_space<vmem>>) offsets(%add3A_380 : vector<16xi32>) semaphore(%arg17 : memref<!tpu.dma_semaphore, #tpu.memory_space<semaphore_mem>>)
      %add3A_392 = arith.constant 768 : i32
      %add3A_393 = vector.broadcast %add3A_392 : i32 to vector<16xi32>
      %add3A_394 = arith.addi %add3A_42, %add3A_393 : vector<16xi32>
      %dma_start3A_395 = arith.constant 0 : i32
      %dma_start3A_396 = arith.constant 6 : i32
      %dma_start3A_397 = arith.constant 0 : i32
      %dma_start3A_398 = tpu.memref_slice %arg12[%dma_start3A_396, %dma_start3A_397] : memref<16x512xf32, #tpu.memory_space<vmem>> -> memref<1x512xf32, #tpu.memory_space<vmem>>
      %dma_start3A_399 = tpu.memref_squeeze %dma_start3A_398 : memref<1x512xf32, #tpu.memory_space<vmem>> -> memref<512xf32, #tpu.memory_space<vmem>>
      %dma_start3A_400 = tpu.memref_slice %dma_start3A_399[%mul3A_22] : memref<512xf32, #tpu.memory_space<vmem>> -> memref<16xf32, #tpu.memory_space<vmem>>
      %dma_start3A_401 = arith.constant 0 : i32
      %dma_start3A_402 = tpu.memref_slice %arg4[%dma_start3A_395, %dma_start3A_401] : memref<2x8000512xf32, #tpu.memory_space<hbm>> -> memref<1x8000512xf32, #tpu.memory_space<hbm>>
      %dma_start3A_403 = tpu.memref_squeeze %dma_start3A_402 : memref<1x8000512xf32, #tpu.memory_space<hbm>> -> memref<8000512xf32, #tpu.memory_space<hbm>>
      %dma_start3A_404 = arith.constant 0 : i32
      %dma_start3A_405 = tpu.memref_slice %dma_start3A_403[%dma_start3A_404] : memref<8000512xf32, #tpu.memory_space<hbm>> -> memref<8000512xf32, #tpu.memory_space<hbm>>
      tpu.enqueue_indirect_dma source(%dma_start3A_405 : memref<8000512xf32, #tpu.memory_space<hbm>>) target(%dma_start3A_400 : memref<16xf32, #tpu.memory_space<vmem>>) offsets(%add3A_394 : vector<16xi32>) semaphore(%arg17 : memref<!tpu.dma_semaphore, #tpu.memory_space<semaphore_mem>>)
      %add3A_406 = arith.constant 768 : i32
      %add3A_407 = vector.broadcast %add3A_406 : i32 to vector<16xi32>
      %add3A_408 = arith.addi %add3A_32, %add3A_407 : vector<16xi32>
      %dma_start3A_409 = arith.constant 0 : i32
      %dma_start3A_410 = arith.constant 6 : i32
      %dma_start3A_411 = arith.constant 0 : i32
      %dma_start3A_412 = tpu.memref_slice %arg13[%dma_start3A_410, %dma_start3A_411] : memref<16x512xf32, #tpu.memory_space<vmem>> -> memref<1x512xf32, #tpu.memory_space<vmem>>
      %dma_start3A_413 = tpu.memref_squeeze %dma_start3A_412 : memref<1x512xf32, #tpu.memory_space<vmem>> -> memref<512xf32, #tpu.memory_space<vmem>>
      %dma_start3A_414 = tpu.memref_slice %dma_start3A_413[%mul3A_22] : memref<512xf32, #tpu.memory_space<vmem>> -> memref<16xf32, #tpu.memory_space<vmem>>
      %dma_start3A_415 = arith.constant 0 : i32
      %dma_start3A_416 = tpu.memref_slice %arg5[%dma_start3A_409, %dma_start3A_415] : memref<2x8000512xf32, #tpu.memory_space<hbm>> -> memref<1x8000512xf32, #tpu.memory_space<hbm>>
      %dma_start3A_417 = tpu.memref_squeeze %dma_start3A_416 : memref<1x8000512xf32, #tpu.memory_space<hbm>> -> memref<8000512xf32, #tpu.memory_space<hbm>>
      %dma_start3A_418 = arith.constant 0 : i32
      %dma_start3A_419 = tpu.memref_slice %dma_start3A_417[%dma_start3A_418] : memref<8000512xf32, #tpu.memory_space<hbm>> -> memref<8000512xf32, #tpu.memory_space<hbm>>
      tpu.enqueue_indirect_dma source(%dma_start3A_419 : memref<8000512xf32, #tpu.memory_space<hbm>>) target(%dma_start3A_414 : memref<16xf32, #tpu.memory_space<vmem>>) offsets(%add3A_408 : vector<16xi32>) semaphore(%arg17 : memref<!tpu.dma_semaphore, #tpu.memory_space<semaphore_mem>>)
      %add3A_420 = arith.constant 768 : i32
      %add3A_421 = vector.broadcast %add3A_420 : i32 to vector<16xi32>
      %add3A_422 = arith.addi %add3A_42, %add3A_421 : vector<16xi32>
      %dma_start3A_423 = arith.constant 0 : i32
      %dma_start3A_424 = arith.constant 6 : i32
      %dma_start3A_425 = arith.constant 0 : i32
      %dma_start3A_426 = tpu.memref_slice %arg14[%dma_start3A_424, %dma_start3A_425] : memref<16x512xf32, #tpu.memory_space<vmem>> -> memref<1x512xf32, #tpu.memory_space<vmem>>
      %dma_start3A_427 = tpu.memref_squeeze %dma_start3A_426 : memref<1x512xf32, #tpu.memory_space<vmem>> -> memref<512xf32, #tpu.memory_space<vmem>>
      %dma_start3A_428 = tpu.memref_slice %dma_start3A_427[%mul3A_22] : memref<512xf32, #tpu.memory_space<vmem>> -> memref<16xf32, #tpu.memory_space<vmem>>
      %dma_start3A_429 = arith.constant 0 : i32
      %dma_start3A_430 = tpu.memref_slice %arg6[%dma_start3A_423, %dma_start3A_429] : memref<2x8000512xf32, #tpu.memory_space<hbm>> -> memref<1x8000512xf32, #tpu.memory_space<hbm>>
      %dma_start3A_431 = tpu.memref_squeeze %dma_start3A_430 : memref<1x8000512xf32, #tpu.memory_space<hbm>> -> memref<8000512xf32, #tpu.memory_space<hbm>>
      %dma_start3A_432 = arith.constant 0 : i32
      %dma_start3A_433 = tpu.memref_slice %dma_start3A_431[%dma_start3A_432] : memref<8000512xf32, #tpu.memory_space<hbm>> -> memref<8000512xf32, #tpu.memory_space<hbm>>
      tpu.enqueue_indirect_dma source(%dma_start3A_433 : memref<8000512xf32, #tpu.memory_space<hbm>>) target(%dma_start3A_428 : memref<16xf32, #tpu.memory_space<vmem>>) offsets(%add3A_422 : vector<16xi32>) semaphore(%arg17 : memref<!tpu.dma_semaphore, #tpu.memory_space<semaphore_mem>>)
      %add3A_434 = arith.constant 896 : i32
      %add3A_435 = vector.broadcast %add3A_434 : i32 to vector<16xi32>
      %add3A_436 = arith.addi %add3A_32, %add3A_435 : vector<16xi32>
      %dma_start3A_437 = arith.constant 0 : i32
      %dma_start3A_438 = arith.constant 7 : i32
      %dma_start3A_439 = arith.constant 0 : i32
      %dma_start3A_440 = tpu.memref_slice %arg11[%dma_start3A_438, %dma_start3A_439] : memref<16x512xf32, #tpu.memory_space<vmem>> -> memref<1x512xf32, #tpu.memory_space<vmem>>
      %dma_start3A_441 = tpu.memref_squeeze %dma_start3A_440 : memref<1x512xf32, #tpu.memory_space<vmem>> -> memref<512xf32, #tpu.memory_space<vmem>>
      %dma_start3A_442 = tpu.memref_slice %dma_start3A_441[%mul3A_22] : memref<512xf32, #tpu.memory_space<vmem>> -> memref<16xf32, #tpu.memory_space<vmem>>
      %dma_start3A_443 = arith.constant 0 : i32
      %dma_start3A_444 = tpu.memref_slice %arg4[%dma_start3A_437, %dma_start3A_443] : memref<2x8000512xf32, #tpu.memory_space<hbm>> -> memref<1x8000512xf32, #tpu.memory_space<hbm>>
      %dma_start3A_445 = tpu.memref_squeeze %dma_start3A_444 : memref<1x8000512xf32, #tpu.memory_space<hbm>> -> memref<8000512xf32, #tpu.memory_space<hbm>>
      %dma_start3A_446 = arith.constant 0 : i32
      %dma_start3A_447 = tpu.memref_slice %dma_start3A_445[%dma_start3A_446] : memref<8000512xf32, #tpu.memory_space<hbm>> -> memref<8000512xf32, #tpu.memory_space<hbm>>
      tpu.enqueue_indirect_dma source(%dma_start3A_447 : memref<8000512xf32, #tpu.memory_space<hbm>>) target(%dma_start3A_442 : memref<16xf32, #tpu.memory_space<vmem>>) offsets(%add3A_436 : vector<16xi32>) semaphore(%arg17 : memref<!tpu.dma_semaphore, #tpu.memory_space<semaphore_mem>>)
      %add3A_448 = arith.constant 896 : i32
      %add3A_449 = vector.broadcast %add3A_448 : i32 to vector<16xi32>
      %add3A_450 = arith.addi %add3A_42, %add3A_449 : vector<16xi32>
      %dma_start3A_451 = arith.constant 0 : i32
      %dma_start3A_452 = arith.constant 7 : i32
      %dma_start3A_453 = arith.constant 0 : i32
      %dma_start3A_454 = tpu.memref_slice %arg12[%dma_start3A_452, %dma_start3A_453] : memref<16x512xf32, #tpu.memory_space<vmem>> -> memref<1x512xf32, #tpu.memory_space<vmem>>
      %dma_start3A_455 = tpu.memref_squeeze %dma_start3A_454 : memref<1x512xf32, #tpu.memory_space<vmem>> -> memref<512xf32, #tpu.memory_space<vmem>>
      %dma_start3A_456 = tpu.memref_slice %dma_start3A_455[%mul3A_22] : memref<512xf32, #tpu.memory_space<vmem>> -> memref<16xf32, #tpu.memory_space<vmem>>
      %dma_start3A_457 = arith.constant 0 : i32
      %dma_start3A_458 = tpu.memref_slice %arg4[%dma_start3A_451, %dma_start3A_457] : memref<2x8000512xf32, #tpu.memory_space<hbm>> -> memref<1x8000512xf32, #tpu.memory_space<hbm>>
      %dma_start3A_459 = tpu.memref_squeeze %dma_start3A_458 : memref<1x8000512xf32, #tpu.memory_space<hbm>> -> memref<8000512xf32, #tpu.memory_space<hbm>>
      %dma_start3A_460 = arith.constant 0 : i32
      %dma_start3A_461 = tpu.memref_slice %dma_start3A_459[%dma_start3A_460] : memref<8000512xf32, #tpu.memory_space<hbm>> -> memref<8000512xf32, #tpu.memory_space<hbm>>
      tpu.enqueue_indirect_dma source(%dma_start3A_461 : memref<8000512xf32, #tpu.memory_space<hbm>>) target(%dma_start3A_456 : memref<16xf32, #tpu.memory_space<vmem>>) offsets(%add3A_450 : vector<16xi32>) semaphore(%arg17 : memref<!tpu.dma_semaphore, #tpu.memory_space<semaphore_mem>>)
      %add3A_462 = arith.constant 896 : i32
      %add3A_463 = vector.broadcast %add3A_462 : i32 to vector<16xi32>
      %add3A_464 = arith.addi %add3A_32, %add3A_463 : vector<16xi32>
      %dma_start3A_465 = arith.constant 0 : i32
      %dma_start3A_466 = arith.constant 7 : i32
      %dma_start3A_467 = arith.constant 0 : i32
      %dma_start3A_468 = tpu.memref_slice %arg13[%dma_start3A_466, %dma_start3A_467] : memref<16x512xf32, #tpu.memory_space<vmem>> -> memref<1x512xf32, #tpu.memory_space<vmem>>
      %dma_start3A_469 = tpu.memref_squeeze %dma_start3A_468 : memref<1x512xf32, #tpu.memory_space<vmem>> -> memref<512xf32, #tpu.memory_space<vmem>>
      %dma_start3A_470 = tpu.memref_slice %dma_start3A_469[%mul3A_22] : memref<512xf32, #tpu.memory_space<vmem>> -> memref<16xf32, #tpu.memory_space<vmem>>
      %dma_start3A_471 = arith.constant 0 : i32
      %dma_start3A_472 = tpu.memref_slice %arg5[%dma_start3A_465, %dma_start3A_471] : memref<2x8000512xf32, #tpu.memory_space<hbm>> -> memref<1x8000512xf32, #tpu.memory_space<hbm>>
      %dma_start3A_473 = tpu.memref_squeeze %dma_start3A_472 : memref<1x8000512xf32, #tpu.memory_space<hbm>> -> memref<8000512xf32, #tpu.memory_space<hbm>>
      %dma_start3A_474 = arith.constant 0 : i32
      %dma_start3A_475 = tpu.memref_slice %dma_start3A_473[%dma_start3A_474] : memref<8000512xf32, #tpu.memory_space<hbm>> -> memref<8000512xf32, #tpu.memory_space<hbm>>
      tpu.enqueue_indirect_dma source(%dma_start3A_475 : memref<8000512xf32, #tpu.memory_space<hbm>>) target(%dma_start3A_470 : memref<16xf32, #tpu.memory_space<vmem>>) offsets(%add3A_464 : vector<16xi32>) semaphore(%arg17 : memref<!tpu.dma_semaphore, #tpu.memory_space<semaphore_mem>>)
      %add3A_476 = arith.constant 896 : i32
      %add3A_477 = vector.broadcast %add3A_476 : i32 to vector<16xi32>
      %add3A_478 = arith.addi %add3A_42, %add3A_477 : vector<16xi32>
      %dma_start3A_479 = arith.constant 0 : i32
      %dma_start3A_480 = arith.constant 7 : i32
      %dma_start3A_481 = arith.constant 0 : i32
      %dma_start3A_482 = tpu.memref_slice %arg14[%dma_start3A_480, %dma_start3A_481] : memref<16x512xf32, #tpu.memory_space<vmem>> -> memref<1x512xf32, #tpu.memory_space<vmem>>
      %dma_start3A_483 = tpu.memref_squeeze %dma_start3A_482 : memref<1x512xf32, #tpu.memory_space<vmem>> -> memref<512xf32, #tpu.memory_space<vmem>>
      %dma_start3A_484 = tpu.memref_slice %dma_start3A_483[%mul3A_22] : memref<512xf32, #tpu.memory_space<vmem>> -> memref<16xf32, #tpu.memory_space<vmem>>
      %dma_start3A_485 = arith.constant 0 : i32
      %dma_start3A_486 = tpu.memref_slice %arg6[%dma_start3A_479, %dma_start3A_485] : memref<2x8000512xf32, #tpu.memory_space<hbm>> -> memref<1x8000512xf32, #tpu.memory_space<hbm>>
      %dma_start3A_487 = tpu.memref_squeeze %dma_start3A_486 : memref<1x8000512xf32, #tpu.memory_space<hbm>> -> memref<8000512xf32, #tpu.memory_space<hbm>>
      %dma_start3A_488 = arith.constant 0 : i32
      %dma_start3A_489 = tpu.memref_slice %dma_start3A_487[%dma_start3A_488] : memref<8000512xf32, #tpu.memory_space<hbm>> -> memref<8000512xf32, #tpu.memory_space<hbm>>
      tpu.enqueue_indirect_dma source(%dma_start3A_489 : memref<8000512xf32, #tpu.memory_space<hbm>>) target(%dma_start3A_484 : memref<16xf32, #tpu.memory_space<vmem>>) offsets(%add3A_478 : vector<16xi32>) semaphore(%arg17 : memref<!tpu.dma_semaphore, #tpu.memory_space<semaphore_mem>>)
      %add3A_490 = arith.constant 0 : i32
      %add3A_491 = vector.broadcast %add3A_490 : i32 to vector<16xi32>
      %add3A_492 = arith.addi %add3A_32, %add3A_491 : vector<16xi32>
      %dma_start3A_493 = arith.constant 1 : i32
      %dma_start3A_494 = arith.constant 8 : i32
      %dma_start3A_495 = arith.constant 0 : i32
      %dma_start3A_496 = tpu.memref_slice %arg11[%dma_start3A_494, %dma_start3A_495] : memref<16x512xf32, #tpu.memory_space<vmem>> -> memref<1x512xf32, #tpu.memory_space<vmem>>
      %dma_start3A_497 = tpu.memref_squeeze %dma_start3A_496 : memref<1x512xf32, #tpu.memory_space<vmem>> -> memref<512xf32, #tpu.memory_space<vmem>>
      %dma_start3A_498 = tpu.memref_slice %dma_start3A_497[%mul3A_22] : memref<512xf32, #tpu.memory_space<vmem>> -> memref<16xf32, #tpu.memory_space<vmem>>
      %dma_start3A_499 = arith.constant 0 : i32
      %dma_start3A_500 = tpu.memref_slice %arg4[%dma_start3A_493, %dma_start3A_499] : memref<2x8000512xf32, #tpu.memory_space<hbm>> -> memref<1x8000512xf32, #tpu.memory_space<hbm>>
      %dma_start3A_501 = tpu.memref_squeeze %dma_start3A_500 : memref<1x8000512xf32, #tpu.memory_space<hbm>> -> memref<8000512xf32, #tpu.memory_space<hbm>>
      %dma_start3A_502 = arith.constant 0 : i32
      %dma_start3A_503 = tpu.memref_slice %dma_start3A_501[%dma_start3A_502] : memref<8000512xf32, #tpu.memory_space<hbm>> -> memref<8000512xf32, #tpu.memory_space<hbm>>
      tpu.enqueue_indirect_dma source(%dma_start3A_503 : memref<8000512xf32, #tpu.memory_space<hbm>>) target(%dma_start3A_498 : memref<16xf32, #tpu.memory_space<vmem>>) offsets(%add3A_492 : vector<16xi32>) semaphore(%arg17 : memref<!tpu.dma_semaphore, #tpu.memory_space<semaphore_mem>>)
      %add3A_504 = arith.constant 0 : i32
      %add3A_505 = vector.broadcast %add3A_504 : i32 to vector<16xi32>
      %add3A_506 = arith.addi %add3A_42, %add3A_505 : vector<16xi32>
      %dma_start3A_507 = arith.constant 1 : i32
      %dma_start3A_508 = arith.constant 8 : i32
      %dma_start3A_509 = arith.constant 0 : i32
      %dma_start3A_510 = tpu.memref_slice %arg12[%dma_start3A_508, %dma_start3A_509] : memref<16x512xf32, #tpu.memory_space<vmem>> -> memref<1x512xf32, #tpu.memory_space<vmem>>
      %dma_start3A_511 = tpu.memref_squeeze %dma_start3A_510 : memref<1x512xf32, #tpu.memory_space<vmem>> -> memref<512xf32, #tpu.memory_space<vmem>>
      %dma_start3A_512 = tpu.memref_slice %dma_start3A_511[%mul3A_22] : memref<512xf32, #tpu.memory_space<vmem>> -> memref<16xf32, #tpu.memory_space<vmem>>
      %dma_start3A_513 = arith.constant 0 : i32
      %dma_start3A_514 = tpu.memref_slice %arg4[%dma_start3A_507, %dma_start3A_513] : memref<2x8000512xf32, #tpu.memory_space<hbm>> -> memref<1x8000512xf32, #tpu.memory_space<hbm>>
      %dma_start3A_515 = tpu.memref_squeeze %dma_start3A_514 : memref<1x8000512xf32, #tpu.memory_space<hbm>> -> memref<8000512xf32, #tpu.memory_space<hbm>>
      %dma_start3A_516 = arith.constant 0 : i32
      %dma_start3A_517 = tpu.memref_slice %dma_start3A_515[%dma_start3A_516] : memref<8000512xf32, #tpu.memory_space<hbm>> -> memref<8000512xf32, #tpu.memory_space<hbm>>
      tpu.enqueue_indirect_dma source(%dma_start3A_517 : memref<8000512xf32, #tpu.memory_space<hbm>>) target(%dma_start3A_512 : memref<16xf32, #tpu.memory_space<vmem>>) offsets(%add3A_506 : vector<16xi32>) semaphore(%arg17 : memref<!tpu.dma_semaphore, #tpu.memory_space<semaphore_mem>>)
      %add3A_518 = arith.constant 0 : i32
      %add3A_519 = vector.broadcast %add3A_518 : i32 to vector<16xi32>
      %add3A_520 = arith.addi %add3A_32, %add3A_519 : vector<16xi32>
      %dma_start3A_521 = arith.constant 1 : i32
      %dma_start3A_522 = arith.constant 8 : i32
      %dma_start3A_523 = arith.constant 0 : i32
      %dma_start3A_524 = tpu.memref_slice %arg13[%dma_start3A_522, %dma_start3A_523] : memref<16x512xf32, #tpu.memory_space<vmem>> -> memref<1x512xf32, #tpu.memory_space<vmem>>
      %dma_start3A_525 = tpu.memref_squeeze %dma_start3A_524 : memref<1x512xf32, #tpu.memory_space<vmem>> -> memref<512xf32, #tpu.memory_space<vmem>>
      %dma_start3A_526 = tpu.memref_slice %dma_start3A_525[%mul3A_22] : memref<512xf32, #tpu.memory_space<vmem>> -> memref<16xf32, #tpu.memory_space<vmem>>
      %dma_start3A_527 = arith.constant 0 : i32
      %dma_start3A_528 = tpu.memref_slice %arg5[%dma_start3A_521, %dma_start3A_527] : memref<2x8000512xf32, #tpu.memory_space<hbm>> -> memref<1x8000512xf32, #tpu.memory_space<hbm>>
      %dma_start3A_529 = tpu.memref_squeeze %dma_start3A_528 : memref<1x8000512xf32, #tpu.memory_space<hbm>> -> memref<8000512xf32, #tpu.memory_space<hbm>>
      %dma_start3A_530 = arith.constant 0 : i32
      %dma_start3A_531 = tpu.memref_slice %dma_start3A_529[%dma_start3A_530] : memref<8000512xf32, #tpu.memory_space<hbm>> -> memref<8000512xf32, #tpu.memory_space<hbm>>
      tpu.enqueue_indirect_dma source(%dma_start3A_531 : memref<8000512xf32, #tpu.memory_space<hbm>>) target(%dma_start3A_526 : memref<16xf32, #tpu.memory_space<vmem>>) offsets(%add3A_520 : vector<16xi32>) semaphore(%arg17 : memref<!tpu.dma_semaphore, #tpu.memory_space<semaphore_mem>>)
      %add3A_532 = arith.constant 0 : i32
      %add3A_533 = vector.broadcast %add3A_532 : i32 to vector<16xi32>
      %add3A_534 = arith.addi %add3A_42, %add3A_533 : vector<16xi32>
      %dma_start3A_535 = arith.constant 1 : i32
      %dma_start3A_536 = arith.constant 8 : i32
      %dma_start3A_537 = arith.constant 0 : i32
      %dma_start3A_538 = tpu.memref_slice %arg14[%dma_start3A_536, %dma_start3A_537] : memref<16x512xf32, #tpu.memory_space<vmem>> -> memref<1x512xf32, #tpu.memory_space<vmem>>
      %dma_start3A_539 = tpu.memref_squeeze %dma_start3A_538 : memref<1x512xf32, #tpu.memory_space<vmem>> -> memref<512xf32, #tpu.memory_space<vmem>>
      %dma_start3A_540 = tpu.memref_slice %dma_start3A_539[%mul3A_22] : memref<512xf32, #tpu.memory_space<vmem>> -> memref<16xf32, #tpu.memory_space<vmem>>
      %dma_start3A_541 = arith.constant 0 : i32
      %dma_start3A_542 = tpu.memref_slice %arg6[%dma_start3A_535, %dma_start3A_541] : memref<2x8000512xf32, #tpu.memory_space<hbm>> -> memref<1x8000512xf32, #tpu.memory_space<hbm>>
      %dma_start3A_543 = tpu.memref_squeeze %dma_start3A_542 : memref<1x8000512xf32, #tpu.memory_space<hbm>> -> memref<8000512xf32, #tpu.memory_space<hbm>>
      %dma_start3A_544 = arith.constant 0 : i32
      %dma_start3A_545 = tpu.memref_slice %dma_start3A_543[%dma_start3A_544] : memref<8000512xf32, #tpu.memory_space<hbm>> -> memref<8000512xf32, #tpu.memory_space<hbm>>
      tpu.enqueue_indirect_dma source(%dma_start3A_545 : memref<8000512xf32, #tpu.memory_space<hbm>>) target(%dma_start3A_540 : memref<16xf32, #tpu.memory_space<vmem>>) offsets(%add3A_534 : vector<16xi32>) semaphore(%arg17 : memref<!tpu.dma_semaphore, #tpu.memory_space<semaphore_mem>>)
      %add3A_546 = arith.constant 128 : i32
      %add3A_547 = vector.broadcast %add3A_546 : i32 to vector<16xi32>
      %add3A_548 = arith.addi %add3A_32, %add3A_547 : vector<16xi32>
      %dma_start3A_549 = arith.constant 1 : i32
      %dma_start3A_550 = arith.constant 9 : i32
      %dma_start3A_551 = arith.constant 0 : i32
      %dma_start3A_552 = tpu.memref_slice %arg11[%dma_start3A_550, %dma_start3A_551] : memref<16x512xf32, #tpu.memory_space<vmem>> -> memref<1x512xf32, #tpu.memory_space<vmem>>
      %dma_start3A_553 = tpu.memref_squeeze %dma_start3A_552 : memref<1x512xf32, #tpu.memory_space<vmem>> -> memref<512xf32, #tpu.memory_space<vmem>>
      %dma_start3A_554 = tpu.memref_slice %dma_start3A_553[%mul3A_22] : memref<512xf32, #tpu.memory_space<vmem>> -> memref<16xf32, #tpu.memory_space<vmem>>
      %dma_start3A_555 = arith.constant 0 : i32
      %dma_start3A_556 = tpu.memref_slice %arg4[%dma_start3A_549, %dma_start3A_555] : memref<2x8000512xf32, #tpu.memory_space<hbm>> -> memref<1x8000512xf32, #tpu.memory_space<hbm>>
      %dma_start3A_557 = tpu.memref_squeeze %dma_start3A_556 : memref<1x8000512xf32, #tpu.memory_space<hbm>> -> memref<8000512xf32, #tpu.memory_space<hbm>>
      %dma_start3A_558 = arith.constant 0 : i32
      %dma_start3A_559 = tpu.memref_slice %dma_start3A_557[%dma_start3A_558] : memref<8000512xf32, #tpu.memory_space<hbm>> -> memref<8000512xf32, #tpu.memory_space<hbm>>
      tpu.enqueue_indirect_dma source(%dma_start3A_559 : memref<8000512xf32, #tpu.memory_space<hbm>>) target(%dma_start3A_554 : memref<16xf32, #tpu.memory_space<vmem>>) offsets(%add3A_548 : vector<16xi32>) semaphore(%arg17 : memref<!tpu.dma_semaphore, #tpu.memory_space<semaphore_mem>>)
      %add3A_560 = arith.constant 128 : i32
      %add3A_561 = vector.broadcast %add3A_560 : i32 to vector<16xi32>
      %add3A_562 = arith.addi %add3A_42, %add3A_561 : vector<16xi32>
      %dma_start3A_563 = arith.constant 1 : i32
      %dma_start3A_564 = arith.constant 9 : i32
      %dma_start3A_565 = arith.constant 0 : i32
      %dma_start3A_566 = tpu.memref_slice %arg12[%dma_start3A_564, %dma_start3A_565] : memref<16x512xf32, #tpu.memory_space<vmem>> -> memref<1x512xf32, #tpu.memory_space<vmem>>
      %dma_start3A_567 = tpu.memref_squeeze %dma_start3A_566 : memref<1x512xf32, #tpu.memory_space<vmem>> -> memref<512xf32, #tpu.memory_space<vmem>>
      %dma_start3A_568 = tpu.memref_slice %dma_start3A_567[%mul3A_22] : memref<512xf32, #tpu.memory_space<vmem>> -> memref<16xf32, #tpu.memory_space<vmem>>
      %dma_start3A_569 = arith.constant 0 : i32
      %dma_start3A_570 = tpu.memref_slice %arg4[%dma_start3A_563, %dma_start3A_569] : memref<2x8000512xf32, #tpu.memory_space<hbm>> -> memref<1x8000512xf32, #tpu.memory_space<hbm>>
      %dma_start3A_571 = tpu.memref_squeeze %dma_start3A_570 : memref<1x8000512xf32, #tpu.memory_space<hbm>> -> memref<8000512xf32, #tpu.memory_space<hbm>>
      %dma_start3A_572 = arith.constant 0 : i32
      %dma_start3A_573 = tpu.memref_slice %dma_start3A_571[%dma_start3A_572] : memref<8000512xf32, #tpu.memory_space<hbm>> -> memref<8000512xf32, #tpu.memory_space<hbm>>
      tpu.enqueue_indirect_dma source(%dma_start3A_573 : memref<8000512xf32, #tpu.memory_space<hbm>>) target(%dma_start3A_568 : memref<16xf32, #tpu.memory_space<vmem>>) offsets(%add3A_562 : vector<16xi32>) semaphore(%arg17 : memref<!tpu.dma_semaphore, #tpu.memory_space<semaphore_mem>>)
      %add3A_574 = arith.constant 128 : i32
      %add3A_575 = vector.broadcast %add3A_574 : i32 to vector<16xi32>
      %add3A_576 = arith.addi %add3A_32, %add3A_575 : vector<16xi32>
      %dma_start3A_577 = arith.constant 1 : i32
      %dma_start3A_578 = arith.constant 9 : i32
      %dma_start3A_579 = arith.constant 0 : i32
      %dma_start3A_580 = tpu.memref_slice %arg13[%dma_start3A_578, %dma_start3A_579] : memref<16x512xf32, #tpu.memory_space<vmem>> -> memref<1x512xf32, #tpu.memory_space<vmem>>
      %dma_start3A_581 = tpu.memref_squeeze %dma_start3A_580 : memref<1x512xf32, #tpu.memory_space<vmem>> -> memref<512xf32, #tpu.memory_space<vmem>>
      %dma_start3A_582 = tpu.memref_slice %dma_start3A_581[%mul3A_22] : memref<512xf32, #tpu.memory_space<vmem>> -> memref<16xf32, #tpu.memory_space<vmem>>
      %dma_start3A_583 = arith.constant 0 : i32
      %dma_start3A_584 = tpu.memref_slice %arg5[%dma_start3A_577, %dma_start3A_583] : memref<2x8000512xf32, #tpu.memory_space<hbm>> -> memref<1x8000512xf32, #tpu.memory_space<hbm>>
      %dma_start3A_585 = tpu.memref_squeeze %dma_start3A_584 : memref<1x8000512xf32, #tpu.memory_space<hbm>> -> memref<8000512xf32, #tpu.memory_space<hbm>>
      %dma_start3A_586 = arith.constant 0 : i32
      %dma_start3A_587 = tpu.memref_slice %dma_start3A_585[%dma_start3A_586] : memref<8000512xf32, #tpu.memory_space<hbm>> -> memref<8000512xf32, #tpu.memory_space<hbm>>
      tpu.enqueue_indirect_dma source(%dma_start3A_587 : memref<8000512xf32, #tpu.memory_space<hbm>>) target(%dma_start3A_582 : memref<16xf32, #tpu.memory_space<vmem>>) offsets(%add3A_576 : vector<16xi32>) semaphore(%arg17 : memref<!tpu.dma_semaphore, #tpu.memory_space<semaphore_mem>>)
      %add3A_588 = arith.constant 128 : i32
      %add3A_589 = vector.broadcast %add3A_588 : i32 to vector<16xi32>
      %add3A_590 = arith.addi %add3A_42, %add3A_589 : vector<16xi32>
      %dma_start3A_591 = arith.constant 1 : i32
      %dma_start3A_592 = arith.constant 9 : i32
      %dma_start3A_593 = arith.constant 0 : i32
      %dma_start3A_594 = tpu.memref_slice %arg14[%dma_start3A_592, %dma_start3A_593] : memref<16x512xf32, #tpu.memory_space<vmem>> -> memref<1x512xf32, #tpu.memory_space<vmem>>
      %dma_start3A_595 = tpu.memref_squeeze %dma_start3A_594 : memref<1x512xf32, #tpu.memory_space<vmem>> -> memref<512xf32, #tpu.memory_space<vmem>>
      %dma_start3A_596 = tpu.memref_slice %dma_start3A_595[%mul3A_22] : memref<512xf32, #tpu.memory_space<vmem>> -> memref<16xf32, #tpu.memory_space<vmem>>
      %dma_start3A_597 = arith.constant 0 : i32
      %dma_start3A_598 = tpu.memref_slice %arg6[%dma_start3A_591, %dma_start3A_597] : memref<2x8000512xf32, #tpu.memory_space<hbm>> -> memref<1x8000512xf32, #tpu.memory_space<hbm>>
      %dma_start3A_599 = tpu.memref_squeeze %dma_start3A_598 : memref<1x8000512xf32, #tpu.memory_space<hbm>> -> memref<8000512xf32, #tpu.memory_space<hbm>>
      %dma_start3A_600 = arith.constant 0 : i32
      %dma_start3A_601 = tpu.memref_slice %dma_start3A_599[%dma_start3A_600] : memref<8000512xf32, #tpu.memory_space<hbm>> -> memref<8000512xf32, #tpu.memory_space<hbm>>
      tpu.enqueue_indirect_dma source(%dma_start3A_601 : memref<8000512xf32, #tpu.memory_space<hbm>>) target(%dma_start3A_596 : memref<16xf32, #tpu.memory_space<vmem>>) offsets(%add3A_590 : vector<16xi32>) semaphore(%arg17 : memref<!tpu.dma_semaphore, #tpu.memory_space<semaphore_mem>>)
      %add3A_602 = arith.constant 256 : i32
      %add3A_603 = vector.broadcast %add3A_602 : i32 to vector<16xi32>
      %add3A_604 = arith.addi %add3A_32, %add3A_603 : vector<16xi32>
      %dma_start3A_605 = arith.constant 1 : i32
      %dma_start3A_606 = arith.constant 10 : i32
      %dma_start3A_607 = arith.constant 0 : i32
      %dma_start3A_608 = tpu.memref_slice %arg11[%dma_start3A_606, %dma_start3A_607] : memref<16x512xf32, #tpu.memory_space<vmem>> -> memref<1x512xf32, #tpu.memory_space<vmem>>
      %dma_start3A_609 = tpu.memref_squeeze %dma_start3A_608 : memref<1x512xf32, #tpu.memory_space<vmem>> -> memref<512xf32, #tpu.memory_space<vmem>>
      %dma_start3A_610 = tpu.memref_slice %dma_start3A_609[%mul3A_22] : memref<512xf32, #tpu.memory_space<vmem>> -> memref<16xf32, #tpu.memory_space<vmem>>
      %dma_start3A_611 = arith.constant 0 : i32
      %dma_start3A_612 = tpu.memref_slice %arg4[%dma_start3A_605, %dma_start3A_611] : memref<2x8000512xf32, #tpu.memory_space<hbm>> -> memref<1x8000512xf32, #tpu.memory_space<hbm>>
      %dma_start3A_613 = tpu.memref_squeeze %dma_start3A_612 : memref<1x8000512xf32, #tpu.memory_space<hbm>> -> memref<8000512xf32, #tpu.memory_space<hbm>>
      %dma_start3A_614 = arith.constant 0 : i32
      %dma_start3A_615 = tpu.memref_slice %dma_start3A_613[%dma_start3A_614] : memref<8000512xf32, #tpu.memory_space<hbm>> -> memref<8000512xf32, #tpu.memory_space<hbm>>
      tpu.enqueue_indirect_dma source(%dma_start3A_615 : memref<8000512xf32, #tpu.memory_space<hbm>>) target(%dma_start3A_610 : memref<16xf32, #tpu.memory_space<vmem>>) offsets(%add3A_604 : vector<16xi32>) semaphore(%arg17 : memref<!tpu.dma_semaphore, #tpu.memory_space<semaphore_mem>>)
      %add3A_616 = arith.constant 256 : i32
      %add3A_617 = vector.broadcast %add3A_616 : i32 to vector<16xi32>
      %add3A_618 = arith.addi %add3A_42, %add3A_617 : vector<16xi32>
      %dma_start3A_619 = arith.constant 1 : i32
      %dma_start3A_620 = arith.constant 10 : i32
      %dma_start3A_621 = arith.constant 0 : i32
      %dma_start3A_622 = tpu.memref_slice %arg12[%dma_start3A_620, %dma_start3A_621] : memref<16x512xf32, #tpu.memory_space<vmem>> -> memref<1x512xf32, #tpu.memory_space<vmem>>
      %dma_start3A_623 = tpu.memref_squeeze %dma_start3A_622 : memref<1x512xf32, #tpu.memory_space<vmem>> -> memref<512xf32, #tpu.memory_space<vmem>>
      %dma_start3A_624 = tpu.memref_slice %dma_start3A_623[%mul3A_22] : memref<512xf32, #tpu.memory_space<vmem>> -> memref<16xf32, #tpu.memory_space<vmem>>
      %dma_start3A_625 = arith.constant 0 : i32
      %dma_start3A_626 = tpu.memref_slice %arg4[%dma_start3A_619, %dma_start3A_625] : memref<2x8000512xf32, #tpu.memory_space<hbm>> -> memref<1x8000512xf32, #tpu.memory_space<hbm>>
      %dma_start3A_627 = tpu.memref_squeeze %dma_start3A_626 : memref<1x8000512xf32, #tpu.memory_space<hbm>> -> memref<8000512xf32, #tpu.memory_space<hbm>>
      %dma_start3A_628 = arith.constant 0 : i32
      %dma_start3A_629 = tpu.memref_slice %dma_start3A_627[%dma_start3A_628] : memref<8000512xf32, #tpu.memory_space<hbm>> -> memref<8000512xf32, #tpu.memory_space<hbm>>
      tpu.enqueue_indirect_dma source(%dma_start3A_629 : memref<8000512xf32, #tpu.memory_space<hbm>>) target(%dma_start3A_624 : memref<16xf32, #tpu.memory_space<vmem>>) offsets(%add3A_618 : vector<16xi32>) semaphore(%arg17 : memref<!tpu.dma_semaphore, #tpu.memory_space<semaphore_mem>>)
      %add3A_630 = arith.constant 256 : i32
      %add3A_631 = vector.broadcast %add3A_630 : i32 to vector<16xi32>
      %add3A_632 = arith.addi %add3A_32, %add3A_631 : vector<16xi32>
      %dma_start3A_633 = arith.constant 1 : i32
      %dma_start3A_634 = arith.constant 10 : i32
      %dma_start3A_635 = arith.constant 0 : i32
      %dma_start3A_636 = tpu.memref_slice %arg13[%dma_start3A_634, %dma_start3A_635] : memref<16x512xf32, #tpu.memory_space<vmem>> -> memref<1x512xf32, #tpu.memory_space<vmem>>
      %dma_start3A_637 = tpu.memref_squeeze %dma_start3A_636 : memref<1x512xf32, #tpu.memory_space<vmem>> -> memref<512xf32, #tpu.memory_space<vmem>>
      %dma_start3A_638 = tpu.memref_slice %dma_start3A_637[%mul3A_22] : memref<512xf32, #tpu.memory_space<vmem>> -> memref<16xf32, #tpu.memory_space<vmem>>
      %dma_start3A_639 = arith.constant 0 : i32
      %dma_start3A_640 = tpu.memref_slice %arg5[%dma_start3A_633, %dma_start3A_639] : memref<2x8000512xf32, #tpu.memory_space<hbm>> -> memref<1x8000512xf32, #tpu.memory_space<hbm>>
      %dma_start3A_641 = tpu.memref_squeeze %dma_start3A_640 : memref<1x8000512xf32, #tpu.memory_space<hbm>> -> memref<8000512xf32, #tpu.memory_space<hbm>>
      %dma_start3A_642 = arith.constant 0 : i32
      %dma_start3A_643 = tpu.memref_slice %dma_start3A_641[%dma_start3A_642] : memref<8000512xf32, #tpu.memory_space<hbm>> -> memref<8000512xf32, #tpu.memory_space<hbm>>
      tpu.enqueue_indirect_dma source(%dma_start3A_643 : memref<8000512xf32, #tpu.memory_space<hbm>>) target(%dma_start3A_638 : memref<16xf32, #tpu.memory_space<vmem>>) offsets(%add3A_632 : vector<16xi32>) semaphore(%arg17 : memref<!tpu.dma_semaphore, #tpu.memory_space<semaphore_mem>>)
      %add3A_644 = arith.constant 256 : i32
      %add3A_645 = vector.broadcast %add3A_644 : i32 to vector<16xi32>
      %add3A_646 = arith.addi %add3A_42, %add3A_645 : vector<16xi32>
      %dma_start3A_647 = arith.constant 1 : i32
      %dma_start3A_648 = arith.constant 10 : i32
      %dma_start3A_649 = arith.constant 0 : i32
      %dma_start3A_650 = tpu.memref_slice %arg14[%dma_start3A_648, %dma_start3A_649] : memref<16x512xf32, #tpu.memory_space<vmem>> -> memref<1x512xf32, #tpu.memory_space<vmem>>
      %dma_start3A_651 = tpu.memref_squeeze %dma_start3A_650 : memref<1x512xf32, #tpu.memory_space<vmem>> -> memref<512xf32, #tpu.memory_space<vmem>>
      %dma_start3A_652 = tpu.memref_slice %dma_start3A_651[%mul3A_22] : memref<512xf32, #tpu.memory_space<vmem>> -> memref<16xf32, #tpu.memory_space<vmem>>
      %dma_start3A_653 = arith.constant 0 : i32
      %dma_start3A_654 = tpu.memref_slice %arg6[%dma_start3A_647, %dma_start3A_653] : memref<2x8000512xf32, #tpu.memory_space<hbm>> -> memref<1x8000512xf32, #tpu.memory_space<hbm>>
      %dma_start3A_655 = tpu.memref_squeeze %dma_start3A_654 : memref<1x8000512xf32, #tpu.memory_space<hbm>> -> memref<8000512xf32, #tpu.memory_space<hbm>>
      %dma_start3A_656 = arith.constant 0 : i32
      %dma_start3A_657 = tpu.memref_slice %dma_start3A_655[%dma_start3A_656] : memref<8000512xf32, #tpu.memory_space<hbm>> -> memref<8000512xf32, #tpu.memory_space<hbm>>
      tpu.enqueue_indirect_dma source(%dma_start3A_657 : memref<8000512xf32, #tpu.memory_space<hbm>>) target(%dma_start3A_652 : memref<16xf32, #tpu.memory_space<vmem>>) offsets(%add3A_646 : vector<16xi32>) semaphore(%arg17 : memref<!tpu.dma_semaphore, #tpu.memory_space<semaphore_mem>>)
      %add3A_658 = arith.constant 384 : i32
      %add3A_659 = vector.broadcast %add3A_658 : i32 to vector<16xi32>
      %add3A_660 = arith.addi %add3A_32, %add3A_659 : vector<16xi32>
      %dma_start3A_661 = arith.constant 1 : i32
      %dma_start3A_662 = arith.constant 11 : i32
      %dma_start3A_663 = arith.constant 0 : i32
      %dma_start3A_664 = tpu.memref_slice %arg11[%dma_start3A_662, %dma_start3A_663] : memref<16x512xf32, #tpu.memory_space<vmem>> -> memref<1x512xf32, #tpu.memory_space<vmem>>
      %dma_start3A_665 = tpu.memref_squeeze %dma_start3A_664 : memref<1x512xf32, #tpu.memory_space<vmem>> -> memref<512xf32, #tpu.memory_space<vmem>>
      %dma_start3A_666 = tpu.memref_slice %dma_start3A_665[%mul3A_22] : memref<512xf32, #tpu.memory_space<vmem>> -> memref<16xf32, #tpu.memory_space<vmem>>
      %dma_start3A_667 = arith.constant 0 : i32
      %dma_start3A_668 = tpu.memref_slice %arg4[%dma_start3A_661, %dma_start3A_667] : memref<2x8000512xf32, #tpu.memory_space<hbm>> -> memref<1x8000512xf32, #tpu.memory_space<hbm>>
      %dma_start3A_669 = tpu.memref_squeeze %dma_start3A_668 : memref<1x8000512xf32, #tpu.memory_space<hbm>> -> memref<8000512xf32, #tpu.memory_space<hbm>>
      %dma_start3A_670 = arith.constant 0 : i32
      %dma_start3A_671 = tpu.memref_slice %dma_start3A_669[%dma_start3A_670] : memref<8000512xf32, #tpu.memory_space<hbm>> -> memref<8000512xf32, #tpu.memory_space<hbm>>
      tpu.enqueue_indirect_dma source(%dma_start3A_671 : memref<8000512xf32, #tpu.memory_space<hbm>>) target(%dma_start3A_666 : memref<16xf32, #tpu.memory_space<vmem>>) offsets(%add3A_660 : vector<16xi32>) semaphore(%arg17 : memref<!tpu.dma_semaphore, #tpu.memory_space<semaphore_mem>>)
      %add3A_672 = arith.constant 384 : i32
      %add3A_673 = vector.broadcast %add3A_672 : i32 to vector<16xi32>
      %add3A_674 = arith.addi %add3A_42, %add3A_673 : vector<16xi32>
      %dma_start3A_675 = arith.constant 1 : i32
      %dma_start3A_676 = arith.constant 11 : i32
      %dma_start3A_677 = arith.constant 0 : i32
      %dma_start3A_678 = tpu.memref_slice %arg12[%dma_start3A_676, %dma_start3A_677] : memref<16x512xf32, #tpu.memory_space<vmem>> -> memref<1x512xf32, #tpu.memory_space<vmem>>
      %dma_start3A_679 = tpu.memref_squeeze %dma_start3A_678 : memref<1x512xf32, #tpu.memory_space<vmem>> -> memref<512xf32, #tpu.memory_space<vmem>>
      %dma_start3A_680 = tpu.memref_slice %dma_start3A_679[%mul3A_22] : memref<512xf32, #tpu.memory_space<vmem>> -> memref<16xf32, #tpu.memory_space<vmem>>
      %dma_start3A_681 = arith.constant 0 : i32
      %dma_start3A_682 = tpu.memref_slice %arg4[%dma_start3A_675, %dma_start3A_681] : memref<2x8000512xf32, #tpu.memory_space<hbm>> -> memref<1x8000512xf32, #tpu.memory_space<hbm>>
      %dma_start3A_683 = tpu.memref_squeeze %dma_start3A_682 : memref<1x8000512xf32, #tpu.memory_space<hbm>> -> memref<8000512xf32, #tpu.memory_space<hbm>>
      %dma_start3A_684 = arith.constant 0 : i32
      %dma_start3A_685 = tpu.memref_slice %dma_start3A_683[%dma_start3A_684] : memref<8000512xf32, #tpu.memory_space<hbm>> -> memref<8000512xf32, #tpu.memory_space<hbm>>
      tpu.enqueue_indirect_dma source(%dma_start3A_685 : memref<8000512xf32, #tpu.memory_space<hbm>>) target(%dma_start3A_680 : memref<16xf32, #tpu.memory_space<vmem>>) offsets(%add3A_674 : vector<16xi32>) semaphore(%arg17 : memref<!tpu.dma_semaphore, #tpu.memory_space<semaphore_mem>>)
      %add3A_686 = arith.constant 384 : i32
      %add3A_687 = vector.broadcast %add3A_686 : i32 to vector<16xi32>
      %add3A_688 = arith.addi %add3A_32, %add3A_687 : vector<16xi32>
      %dma_start3A_689 = arith.constant 1 : i32
      %dma_start3A_690 = arith.constant 11 : i32
      %dma_start3A_691 = arith.constant 0 : i32
      %dma_start3A_692 = tpu.memref_slice %arg13[%dma_start3A_690, %dma_start3A_691] : memref<16x512xf32, #tpu.memory_space<vmem>> -> memref<1x512xf32, #tpu.memory_space<vmem>>
      %dma_start3A_693 = tpu.memref_squeeze %dma_start3A_692 : memref<1x512xf32, #tpu.memory_space<vmem>> -> memref<512xf32, #tpu.memory_space<vmem>>
      %dma_start3A_694 = tpu.memref_slice %dma_start3A_693[%mul3A_22] : memref<512xf32, #tpu.memory_space<vmem>> -> memref<16xf32, #tpu.memory_space<vmem>>
      %dma_start3A_695 = arith.constant 0 : i32
      %dma_start3A_696 = tpu.memref_slice %arg5[%dma_start3A_689, %dma_start3A_695] : memref<2x8000512xf32, #tpu.memory_space<hbm>> -> memref<1x8000512xf32, #tpu.memory_space<hbm>>
      %dma_start3A_697 = tpu.memref_squeeze %dma_start3A_696 : memref<1x8000512xf32, #tpu.memory_space<hbm>> -> memref<8000512xf32, #tpu.memory_space<hbm>>
      %dma_start3A_698 = arith.constant 0 : i32
      %dma_start3A_699 = tpu.memref_slice %dma_start3A_697[%dma_start3A_698] : memref<8000512xf32, #tpu.memory_space<hbm>> -> memref<8000512xf32, #tpu.memory_space<hbm>>
      tpu.enqueue_indirect_dma source(%dma_start3A_699 : memref<8000512xf32, #tpu.memory_space<hbm>>) target(%dma_start3A_694 : memref<16xf32, #tpu.memory_space<vmem>>) offsets(%add3A_688 : vector<16xi32>) semaphore(%arg17 : memref<!tpu.dma_semaphore, #tpu.memory_space<semaphore_mem>>)
      %add3A_700 = arith.constant 384 : i32
      %add3A_701 = vector.broadcast %add3A_700 : i32 to vector<16xi32>
      %add3A_702 = arith.addi %add3A_42, %add3A_701 : vector<16xi32>
      %dma_start3A_703 = arith.constant 1 : i32
      %dma_start3A_704 = arith.constant 11 : i32
      %dma_start3A_705 = arith.constant 0 : i32
      %dma_start3A_706 = tpu.memref_slice %arg14[%dma_start3A_704, %dma_start3A_705] : memref<16x512xf32, #tpu.memory_space<vmem>> -> memref<1x512xf32, #tpu.memory_space<vmem>>
      %dma_start3A_707 = tpu.memref_squeeze %dma_start3A_706 : memref<1x512xf32, #tpu.memory_space<vmem>> -> memref<512xf32, #tpu.memory_space<vmem>>
      %dma_start3A_708 = tpu.memref_slice %dma_start3A_707[%mul3A_22] : memref<512xf32, #tpu.memory_space<vmem>> -> memref<16xf32, #tpu.memory_space<vmem>>
      %dma_start3A_709 = arith.constant 0 : i32
      %dma_start3A_710 = tpu.memref_slice %arg6[%dma_start3A_703, %dma_start3A_709] : memref<2x8000512xf32, #tpu.memory_space<hbm>> -> memref<1x8000512xf32, #tpu.memory_space<hbm>>
      %dma_start3A_711 = tpu.memref_squeeze %dma_start3A_710 : memref<1x8000512xf32, #tpu.memory_space<hbm>> -> memref<8000512xf32, #tpu.memory_space<hbm>>
      %dma_start3A_712 = arith.constant 0 : i32
      %dma_start3A_713 = tpu.memref_slice %dma_start3A_711[%dma_start3A_712] : memref<8000512xf32, #tpu.memory_space<hbm>> -> memref<8000512xf32, #tpu.memory_space<hbm>>
      tpu.enqueue_indirect_dma source(%dma_start3A_713 : memref<8000512xf32, #tpu.memory_space<hbm>>) target(%dma_start3A_708 : memref<16xf32, #tpu.memory_space<vmem>>) offsets(%add3A_702 : vector<16xi32>) semaphore(%arg17 : memref<!tpu.dma_semaphore, #tpu.memory_space<semaphore_mem>>)
      %add3A_714 = arith.constant 512 : i32
      %add3A_715 = vector.broadcast %add3A_714 : i32 to vector<16xi32>
      %add3A_716 = arith.addi %add3A_32, %add3A_715 : vector<16xi32>
      %dma_start3A_717 = arith.constant 1 : i32
      %dma_start3A_718 = arith.constant 12 : i32
      %dma_start3A_719 = arith.constant 0 : i32
      %dma_start3A_720 = tpu.memref_slice %arg11[%dma_start3A_718, %dma_start3A_719] : memref<16x512xf32, #tpu.memory_space<vmem>> -> memref<1x512xf32, #tpu.memory_space<vmem>>
      %dma_start3A_721 = tpu.memref_squeeze %dma_start3A_720 : memref<1x512xf32, #tpu.memory_space<vmem>> -> memref<512xf32, #tpu.memory_space<vmem>>
      %dma_start3A_722 = tpu.memref_slice %dma_start3A_721[%mul3A_22] : memref<512xf32, #tpu.memory_space<vmem>> -> memref<16xf32, #tpu.memory_space<vmem>>
      %dma_start3A_723 = arith.constant 0 : i32
      %dma_start3A_724 = tpu.memref_slice %arg4[%dma_start3A_717, %dma_start3A_723] : memref<2x8000512xf32, #tpu.memory_space<hbm>> -> memref<1x8000512xf32, #tpu.memory_space<hbm>>
      %dma_start3A_725 = tpu.memref_squeeze %dma_start3A_724 : memref<1x8000512xf32, #tpu.memory_space<hbm>> -> memref<8000512xf32, #tpu.memory_space<hbm>>
      %dma_start3A_726 = arith.constant 0 : i32
      %dma_start3A_727 = tpu.memref_slice %dma_start3A_725[%dma_start3A_726] : memref<8000512xf32, #tpu.memory_space<hbm>> -> memref<8000512xf32, #tpu.memory_space<hbm>>
      tpu.enqueue_indirect_dma source(%dma_start3A_727 : memref<8000512xf32, #tpu.memory_space<hbm>>) target(%dma_start3A_722 : memref<16xf32, #tpu.memory_space<vmem>>) offsets(%add3A_716 : vector<16xi32>) semaphore(%arg17 : memref<!tpu.dma_semaphore, #tpu.memory_space<semaphore_mem>>)
      %add3A_728 = arith.constant 512 : i32
      %add3A_729 = vector.broadcast %add3A_728 : i32 to vector<16xi32>
      %add3A_730 = arith.addi %add3A_42, %add3A_729 : vector<16xi32>
      %dma_start3A_731 = arith.constant 1 : i32
      %dma_start3A_732 = arith.constant 12 : i32
      %dma_start3A_733 = arith.constant 0 : i32
      %dma_start3A_734 = tpu.memref_slice %arg12[%dma_start3A_732, %dma_start3A_733] : memref<16x512xf32, #tpu.memory_space<vmem>> -> memref<1x512xf32, #tpu.memory_space<vmem>>
      %dma_start3A_735 = tpu.memref_squeeze %dma_start3A_734 : memref<1x512xf32, #tpu.memory_space<vmem>> -> memref<512xf32, #tpu.memory_space<vmem>>
      %dma_start3A_736 = tpu.memref_slice %dma_start3A_735[%mul3A_22] : memref<512xf32, #tpu.memory_space<vmem>> -> memref<16xf32, #tpu.memory_space<vmem>>
      %dma_start3A_737 = arith.constant 0 : i32
      %dma_start3A_738 = tpu.memref_slice %arg4[%dma_start3A_731, %dma_start3A_737] : memref<2x8000512xf32, #tpu.memory_space<hbm>> -> memref<1x8000512xf32, #tpu.memory_space<hbm>>
      %dma_start3A_739 = tpu.memref_squeeze %dma_start3A_738 : memref<1x8000512xf32, #tpu.memory_space<hbm>> -> memref<8000512xf32, #tpu.memory_space<hbm>>
      %dma_start3A_740 = arith.constant 0 : i32
      %dma_start3A_741 = tpu.memref_slice %dma_start3A_739[%dma_start3A_740] : memref<8000512xf32, #tpu.memory_space<hbm>> -> memref<8000512xf32, #tpu.memory_space<hbm>>
      tpu.enqueue_indirect_dma source(%dma_start3A_741 : memref<8000512xf32, #tpu.memory_space<hbm>>) target(%dma_start3A_736 : memref<16xf32, #tpu.memory_space<vmem>>) offsets(%add3A_730 : vector<16xi32>) semaphore(%arg17 : memref<!tpu.dma_semaphore, #tpu.memory_space<semaphore_mem>>)
      %add3A_742 = arith.constant 512 : i32
      %add3A_743 = vector.broadcast %add3A_742 : i32 to vector<16xi32>
      %add3A_744 = arith.addi %add3A_32, %add3A_743 : vector<16xi32>
      %dma_start3A_745 = arith.constant 1 : i32
      %dma_start3A_746 = arith.constant 12 : i32
      %dma_start3A_747 = arith.constant 0 : i32
      %dma_start3A_748 = tpu.memref_slice %arg13[%dma_start3A_746, %dma_start3A_747] : memref<16x512xf32, #tpu.memory_space<vmem>> -> memref<1x512xf32, #tpu.memory_space<vmem>>
      %dma_start3A_749 = tpu.memref_squeeze %dma_start3A_748 : memref<1x512xf32, #tpu.memory_space<vmem>> -> memref<512xf32, #tpu.memory_space<vmem>>
      %dma_start3A_750 = tpu.memref_slice %dma_start3A_749[%mul3A_22] : memref<512xf32, #tpu.memory_space<vmem>> -> memref<16xf32, #tpu.memory_space<vmem>>
      %dma_start3A_751 = arith.constant 0 : i32
      %dma_start3A_752 = tpu.memref_slice %arg5[%dma_start3A_745, %dma_start3A_751] : memref<2x8000512xf32, #tpu.memory_space<hbm>> -> memref<1x8000512xf32, #tpu.memory_space<hbm>>
      %dma_start3A_753 = tpu.memref_squeeze %dma_start3A_752 : memref<1x8000512xf32, #tpu.memory_space<hbm>> -> memref<8000512xf32, #tpu.memory_space<hbm>>
      %dma_start3A_754 = arith.constant 0 : i32
      %dma_start3A_755 = tpu.memref_slice %dma_start3A_753[%dma_start3A_754] : memref<8000512xf32, #tpu.memory_space<hbm>> -> memref<8000512xf32, #tpu.memory_space<hbm>>
      tpu.enqueue_indirect_dma source(%dma_start3A_755 : memref<8000512xf32, #tpu.memory_space<hbm>>) target(%dma_start3A_750 : memref<16xf32, #tpu.memory_space<vmem>>) offsets(%add3A_744 : vector<16xi32>) semaphore(%arg17 : memref<!tpu.dma_semaphore, #tpu.memory_space<semaphore_mem>>)
      %add3A_756 = arith.constant 512 : i32
      %add3A_757 = vector.broadcast %add3A_756 : i32 to vector<16xi32>
      %add3A_758 = arith.addi %add3A_42, %add3A_757 : vector<16xi32>
      %dma_start3A_759 = arith.constant 1 : i32
      %dma_start3A_760 = arith.constant 12 : i32
      %dma_start3A_761 = arith.constant 0 : i32
      %dma_start3A_762 = tpu.memref_slice %arg14[%dma_start3A_760, %dma_start3A_761] : memref<16x512xf32, #tpu.memory_space<vmem>> -> memref<1x512xf32, #tpu.memory_space<vmem>>
      %dma_start3A_763 = tpu.memref_squeeze %dma_start3A_762 : memref<1x512xf32, #tpu.memory_space<vmem>> -> memref<512xf32, #tpu.memory_space<vmem>>
      %dma_start3A_764 = tpu.memref_slice %dma_start3A_763[%mul3A_22] : memref<512xf32, #tpu.memory_space<vmem>> -> memref<16xf32, #tpu.memory_space<vmem>>
      %dma_start3A_765 = arith.constant 0 : i32
      %dma_start3A_766 = tpu.memref_slice %arg6[%dma_start3A_759, %dma_start3A_765] : memref<2x8000512xf32, #tpu.memory_space<hbm>> -> memref<1x8000512xf32, #tpu.memory_space<hbm>>
      %dma_start3A_767 = tpu.memref_squeeze %dma_start3A_766 : memref<1x8000512xf32, #tpu.memory_space<hbm>> -> memref<8000512xf32, #tpu.memory_space<hbm>>
      %dma_start3A_768 = arith.constant 0 : i32
      %dma_start3A_769 = tpu.memref_slice %dma_start3A_767[%dma_start3A_768] : memref<8000512xf32, #tpu.memory_space<hbm>> -> memref<8000512xf32, #tpu.memory_space<hbm>>
      tpu.enqueue_indirect_dma source(%dma_start3A_769 : memref<8000512xf32, #tpu.memory_space<hbm>>) target(%dma_start3A_764 : memref<16xf32, #tpu.memory_space<vmem>>) offsets(%add3A_758 : vector<16xi32>) semaphore(%arg17 : memref<!tpu.dma_semaphore, #tpu.memory_space<semaphore_mem>>)
      %add3A_770 = arith.constant 640 : i32
      %add3A_771 = vector.broadcast %add3A_770 : i32 to vector<16xi32>
      %add3A_772 = arith.addi %add3A_32, %add3A_771 : vector<16xi32>
      %dma_start3A_773 = arith.constant 1 : i32
      %dma_start3A_774 = arith.constant 13 : i32
      %dma_start3A_775 = arith.constant 0 : i32
      %dma_start3A_776 = tpu.memref_slice %arg11[%dma_start3A_774, %dma_start3A_775] : memref<16x512xf32, #tpu.memory_space<vmem>> -> memref<1x512xf32, #tpu.memory_space<vmem>>
      %dma_start3A_777 = tpu.memref_squeeze %dma_start3A_776 : memref<1x512xf32, #tpu.memory_space<vmem>> -> memref<512xf32, #tpu.memory_space<vmem>>
      %dma_start3A_778 = tpu.memref_slice %dma_start3A_777[%mul3A_22] : memref<512xf32, #tpu.memory_space<vmem>> -> memref<16xf32, #tpu.memory_space<vmem>>
      %dma_start3A_779 = arith.constant 0 : i32
      %dma_start3A_780 = tpu.memref_slice %arg4[%dma_start3A_773, %dma_start3A_779] : memref<2x8000512xf32, #tpu.memory_space<hbm>> -> memref<1x8000512xf32, #tpu.memory_space<hbm>>
      %dma_start3A_781 = tpu.memref_squeeze %dma_start3A_780 : memref<1x8000512xf32, #tpu.memory_space<hbm>> -> memref<8000512xf32, #tpu.memory_space<hbm>>
      %dma_start3A_782 = arith.constant 0 : i32
      %dma_start3A_783 = tpu.memref_slice %dma_start3A_781[%dma_start3A_782] : memref<8000512xf32, #tpu.memory_space<hbm>> -> memref<8000512xf32, #tpu.memory_space<hbm>>
      tpu.enqueue_indirect_dma source(%dma_start3A_783 : memref<8000512xf32, #tpu.memory_space<hbm>>) target(%dma_start3A_778 : memref<16xf32, #tpu.memory_space<vmem>>) offsets(%add3A_772 : vector<16xi32>) semaphore(%arg17 : memref<!tpu.dma_semaphore, #tpu.memory_space<semaphore_mem>>)
      %add3A_784 = arith.constant 640 : i32
      %add3A_785 = vector.broadcast %add3A_784 : i32 to vector<16xi32>
      %add3A_786 = arith.addi %add3A_42, %add3A_785 : vector<16xi32>
      %dma_start3A_787 = arith.constant 1 : i32
      %dma_start3A_788 = arith.constant 13 : i32
      %dma_start3A_789 = arith.constant 0 : i32
      %dma_start3A_790 = tpu.memref_slice %arg12[%dma_start3A_788, %dma_start3A_789] : memref<16x512xf32, #tpu.memory_space<vmem>> -> memref<1x512xf32, #tpu.memory_space<vmem>>
      %dma_start3A_791 = tpu.memref_squeeze %dma_start3A_790 : memref<1x512xf32, #tpu.memory_space<vmem>> -> memref<512xf32, #tpu.memory_space<vmem>>
      %dma_start3A_792 = tpu.memref_slice %dma_start3A_791[%mul3A_22] : memref<512xf32, #tpu.memory_space<vmem>> -> memref<16xf32, #tpu.memory_space<vmem>>
      %dma_start3A_793 = arith.constant 0 : i32
      %dma_start3A_794 = tpu.memref_slice %arg4[%dma_start3A_787, %dma_start3A_793] : memref<2x8000512xf32, #tpu.memory_space<hbm>> -> memref<1x8000512xf32, #tpu.memory_space<hbm>>
      %dma_start3A_795 = tpu.memref_squeeze %dma_start3A_794 : memref<1x8000512xf32, #tpu.memory_space<hbm>> -> memref<8000512xf32, #tpu.memory_space<hbm>>
      %dma_start3A_796 = arith.constant 0 : i32
      %dma_start3A_797 = tpu.memref_slice %dma_start3A_795[%dma_start3A_796] : memref<8000512xf32, #tpu.memory_space<hbm>> -> memref<8000512xf32, #tpu.memory_space<hbm>>
      tpu.enqueue_indirect_dma source(%dma_start3A_797 : memref<8000512xf32, #tpu.memory_space<hbm>>) target(%dma_start3A_792 : memref<16xf32, #tpu.memory_space<vmem>>) offsets(%add3A_786 : vector<16xi32>) semaphore(%arg17 : memref<!tpu.dma_semaphore, #tpu.memory_space<semaphore_mem>>)
      %add3A_798 = arith.constant 640 : i32
      %add3A_799 = vector.broadcast %add3A_798 : i32 to vector<16xi32>
      %add3A_800 = arith.addi %add3A_32, %add3A_799 : vector<16xi32>
      %dma_start3A_801 = arith.constant 1 : i32
      %dma_start3A_802 = arith.constant 13 : i32
      %dma_start3A_803 = arith.constant 0 : i32
      %dma_start3A_804 = tpu.memref_slice %arg13[%dma_start3A_802, %dma_start3A_803] : memref<16x512xf32, #tpu.memory_space<vmem>> -> memref<1x512xf32, #tpu.memory_space<vmem>>
      %dma_start3A_805 = tpu.memref_squeeze %dma_start3A_804 : memref<1x512xf32, #tpu.memory_space<vmem>> -> memref<512xf32, #tpu.memory_space<vmem>>
      %dma_start3A_806 = tpu.memref_slice %dma_start3A_805[%mul3A_22] : memref<512xf32, #tpu.memory_space<vmem>> -> memref<16xf32, #tpu.memory_space<vmem>>
      %dma_start3A_807 = arith.constant 0 : i32
      %dma_start3A_808 = tpu.memref_slice %arg5[%dma_start3A_801, %dma_start3A_807] : memref<2x8000512xf32, #tpu.memory_space<hbm>> -> memref<1x8000512xf32, #tpu.memory_space<hbm>>
      %dma_start3A_809 = tpu.memref_squeeze %dma_start3A_808 : memref<1x8000512xf32, #tpu.memory_space<hbm>> -> memref<8000512xf32, #tpu.memory_space<hbm>>
      %dma_start3A_810 = arith.constant 0 : i32
      %dma_start3A_811 = tpu.memref_slice %dma_start3A_809[%dma_start3A_810] : memref<8000512xf32, #tpu.memory_space<hbm>> -> memref<8000512xf32, #tpu.memory_space<hbm>>
      tpu.enqueue_indirect_dma source(%dma_start3A_811 : memref<8000512xf32, #tpu.memory_space<hbm>>) target(%dma_start3A_806 : memref<16xf32, #tpu.memory_space<vmem>>) offsets(%add3A_800 : vector<16xi32>) semaphore(%arg17 : memref<!tpu.dma_semaphore, #tpu.memory_space<semaphore_mem>>)
      %add3A_812 = arith.constant 640 : i32
      %add3A_813 = vector.broadcast %add3A_812 : i32 to vector<16xi32>
      %add3A_814 = arith.addi %add3A_42, %add3A_813 : vector<16xi32>
      %dma_start3A_815 = arith.constant 1 : i32
      %dma_start3A_816 = arith.constant 13 : i32
      %dma_start3A_817 = arith.constant 0 : i32
      %dma_start3A_818 = tpu.memref_slice %arg14[%dma_start3A_816, %dma_start3A_817] : memref<16x512xf32, #tpu.memory_space<vmem>> -> memref<1x512xf32, #tpu.memory_space<vmem>>
      %dma_start3A_819 = tpu.memref_squeeze %dma_start3A_818 : memref<1x512xf32, #tpu.memory_space<vmem>> -> memref<512xf32, #tpu.memory_space<vmem>>
      %dma_start3A_820 = tpu.memref_slice %dma_start3A_819[%mul3A_22] : memref<512xf32, #tpu.memory_space<vmem>> -> memref<16xf32, #tpu.memory_space<vmem>>
      %dma_start3A_821 = arith.constant 0 : i32
      %dma_start3A_822 = tpu.memref_slice %arg6[%dma_start3A_815, %dma_start3A_821] : memref<2x8000512xf32, #tpu.memory_space<hbm>> -> memref<1x8000512xf32, #tpu.memory_space<hbm>>
      %dma_start3A_823 = tpu.memref_squeeze %dma_start3A_822 : memref<1x8000512xf32, #tpu.memory_space<hbm>> -> memref<8000512xf32, #tpu.memory_space<hbm>>
      %dma_start3A_824 = arith.constant 0 : i32
      %dma_start3A_825 = tpu.memref_slice %dma_start3A_823[%dma_start3A_824] : memref<8000512xf32, #tpu.memory_space<hbm>> -> memref<8000512xf32, #tpu.memory_space<hbm>>
      tpu.enqueue_indirect_dma source(%dma_start3A_825 : memref<8000512xf32, #tpu.memory_space<hbm>>) target(%dma_start3A_820 : memref<16xf32, #tpu.memory_space<vmem>>) offsets(%add3A_814 : vector<16xi32>) semaphore(%arg17 : memref<!tpu.dma_semaphore, #tpu.memory_space<semaphore_mem>>)
      %add3A_826 = arith.constant 768 : i32
      %add3A_827 = vector.broadcast %add3A_826 : i32 to vector<16xi32>
      %add3A_828 = arith.addi %add3A_32, %add3A_827 : vector<16xi32>
      %dma_start3A_829 = arith.constant 1 : i32
      %dma_start3A_830 = arith.constant 14 : i32
      %dma_start3A_831 = arith.constant 0 : i32
      %dma_start3A_832 = tpu.memref_slice %arg11[%dma_start3A_830, %dma_start3A_831] : memref<16x512xf32, #tpu.memory_space<vmem>> -> memref<1x512xf32, #tpu.memory_space<vmem>>
      %dma_start3A_833 = tpu.memref_squeeze %dma_start3A_832 : memref<1x512xf32, #tpu.memory_space<vmem>> -> memref<512xf32, #tpu.memory_space<vmem>>
      %dma_start3A_834 = tpu.memref_slice %dma_start3A_833[%mul3A_22] : memref<512xf32, #tpu.memory_space<vmem>> -> memref<16xf32, #tpu.memory_space<vmem>>
      %dma_start3A_835 = arith.constant 0 : i32
      %dma_start3A_836 = tpu.memref_slice %arg4[%dma_start3A_829, %dma_start3A_835] : memref<2x8000512xf32, #tpu.memory_space<hbm>> -> memref<1x8000512xf32, #tpu.memory_space<hbm>>
      %dma_start3A_837 = tpu.memref_squeeze %dma_start3A_836 : memref<1x8000512xf32, #tpu.memory_space<hbm>> -> memref<8000512xf32, #tpu.memory_space<hbm>>
      %dma_start3A_838 = arith.constant 0 : i32
      %dma_start3A_839 = tpu.memref_slice %dma_start3A_837[%dma_start3A_838] : memref<8000512xf32, #tpu.memory_space<hbm>> -> memref<8000512xf32, #tpu.memory_space<hbm>>
      tpu.enqueue_indirect_dma source(%dma_start3A_839 : memref<8000512xf32, #tpu.memory_space<hbm>>) target(%dma_start3A_834 : memref<16xf32, #tpu.memory_space<vmem>>) offsets(%add3A_828 : vector<16xi32>) semaphore(%arg17 : memref<!tpu.dma_semaphore, #tpu.memory_space<semaphore_mem>>)
      %add3A_840 = arith.constant 768 : i32
      %add3A_841 = vector.broadcast %add3A_840 : i32 to vector<16xi32>
      %add3A_842 = arith.addi %add3A_42, %add3A_841 : vector<16xi32>
      %dma_start3A_843 = arith.constant 1 : i32
      %dma_start3A_844 = arith.constant 14 : i32
      %dma_start3A_845 = arith.constant 0 : i32
      %dma_start3A_846 = tpu.memref_slice %arg12[%dma_start3A_844, %dma_start3A_845] : memref<16x512xf32, #tpu.memory_space<vmem>> -> memref<1x512xf32, #tpu.memory_space<vmem>>
      %dma_start3A_847 = tpu.memref_squeeze %dma_start3A_846 : memref<1x512xf32, #tpu.memory_space<vmem>> -> memref<512xf32, #tpu.memory_space<vmem>>
      %dma_start3A_848 = tpu.memref_slice %dma_start3A_847[%mul3A_22] : memref<512xf32, #tpu.memory_space<vmem>> -> memref<16xf32, #tpu.memory_space<vmem>>
      %dma_start3A_849 = arith.constant 0 : i32
      %dma_start3A_850 = tpu.memref_slice %arg4[%dma_start3A_843, %dma_start3A_849] : memref<2x8000512xf32, #tpu.memory_space<hbm>> -> memref<1x8000512xf32, #tpu.memory_space<hbm>>
      %dma_start3A_851 = tpu.memref_squeeze %dma_start3A_850 : memref<1x8000512xf32, #tpu.memory_space<hbm>> -> memref<8000512xf32, #tpu.memory_space<hbm>>
      %dma_start3A_852 = arith.constant 0 : i32
      %dma_start3A_853 = tpu.memref_slice %dma_start3A_851[%dma_start3A_852] : memref<8000512xf32, #tpu.memory_space<hbm>> -> memref<8000512xf32, #tpu.memory_space<hbm>>
      tpu.enqueue_indirect_dma source(%dma_start3A_853 : memref<8000512xf32, #tpu.memory_space<hbm>>) target(%dma_start3A_848 : memref<16xf32, #tpu.memory_space<vmem>>) offsets(%add3A_842 : vector<16xi32>) semaphore(%arg17 : memref<!tpu.dma_semaphore, #tpu.memory_space<semaphore_mem>>)
      %add3A_854 = arith.constant 768 : i32
      %add3A_855 = vector.broadcast %add3A_854 : i32 to vector<16xi32>
      %add3A_856 = arith.addi %add3A_32, %add3A_855 : vector<16xi32>
      %dma_start3A_857 = arith.constant 1 : i32
      %dma_start3A_858 = arith.constant 14 : i32
      %dma_start3A_859 = arith.constant 0 : i32
      %dma_start3A_860 = tpu.memref_slice %arg13[%dma_start3A_858, %dma_start3A_859] : memref<16x512xf32, #tpu.memory_space<vmem>> -> memref<1x512xf32, #tpu.memory_space<vmem>>
      %dma_start3A_861 = tpu.memref_squeeze %dma_start3A_860 : memref<1x512xf32, #tpu.memory_space<vmem>> -> memref<512xf32, #tpu.memory_space<vmem>>
      %dma_start3A_862 = tpu.memref_slice %dma_start3A_861[%mul3A_22] : memref<512xf32, #tpu.memory_space<vmem>> -> memref<16xf32, #tpu.memory_space<vmem>>
      %dma_start3A_863 = arith.constant 0 : i32
      %dma_start3A_864 = tpu.memref_slice %arg5[%dma_start3A_857, %dma_start3A_863] : memref<2x8000512xf32, #tpu.memory_space<hbm>> -> memref<1x8000512xf32, #tpu.memory_space<hbm>>
      %dma_start3A_865 = tpu.memref_squeeze %dma_start3A_864 : memref<1x8000512xf32, #tpu.memory_space<hbm>> -> memref<8000512xf32, #tpu.memory_space<hbm>>
      %dma_start3A_866 = arith.constant 0 : i32
      %dma_start3A_867 = tpu.memref_slice %dma_start3A_865[%dma_start3A_866] : memref<8000512xf32, #tpu.memory_space<hbm>> -> memref<8000512xf32, #tpu.memory_space<hbm>>
      tpu.enqueue_indirect_dma source(%dma_start3A_867 : memref<8000512xf32, #tpu.memory_space<hbm>>) target(%dma_start3A_862 : memref<16xf32, #tpu.memory_space<vmem>>) offsets(%add3A_856 : vector<16xi32>) semaphore(%arg17 : memref<!tpu.dma_semaphore, #tpu.memory_space<semaphore_mem>>)
      %add3A_868 = arith.constant 768 : i32
      %add3A_869 = vector.broadcast %add3A_868 : i32 to vector<16xi32>
      %add3A_870 = arith.addi %add3A_42, %add3A_869 : vector<16xi32>
      %dma_start3A_871 = arith.constant 1 : i32
      %dma_start3A_872 = arith.constant 14 : i32
      %dma_start3A_873 = arith.constant 0 : i32
      %dma_start3A_874 = tpu.memref_slice %arg14[%dma_start3A_872, %dma_start3A_873] : memref<16x512xf32, #tpu.memory_space<vmem>> -> memref<1x512xf32, #tpu.memory_space<vmem>>
      %dma_start3A_875 = tpu.memref_squeeze %dma_start3A_874 : memref<1x512xf32, #tpu.memory_space<vmem>> -> memref<512xf32, #tpu.memory_space<vmem>>
      %dma_start3A_876 = tpu.memref_slice %dma_start3A_875[%mul3A_22] : memref<512xf32, #tpu.memory_space<vmem>> -> memref<16xf32, #tpu.memory_space<vmem>>
      %dma_start3A_877 = arith.constant 0 : i32
      %dma_start3A_878 = tpu.memref_slice %arg6[%dma_start3A_871, %dma_start3A_877] : memref<2x8000512xf32, #tpu.memory_space<hbm>> -> memref<1x8000512xf32, #tpu.memory_space<hbm>>
      %dma_start3A_879 = tpu.memref_squeeze %dma_start3A_878 : memref<1x8000512xf32, #tpu.memory_space<hbm>> -> memref<8000512xf32, #tpu.memory_space<hbm>>
      %dma_start3A_880 = arith.constant 0 : i32
      %dma_start3A_881 = tpu.memref_slice %dma_start3A_879[%dma_start3A_880] : memref<8000512xf32, #tpu.memory_space<hbm>> -> memref<8000512xf32, #tpu.memory_space<hbm>>
      tpu.enqueue_indirect_dma source(%dma_start3A_881 : memref<8000512xf32, #tpu.memory_space<hbm>>) target(%dma_start3A_876 : memref<16xf32, #tpu.memory_space<vmem>>) offsets(%add3A_870 : vector<16xi32>) semaphore(%arg17 : memref<!tpu.dma_semaphore, #tpu.memory_space<semaphore_mem>>)
      %add3A_882 = arith.constant 896 : i32
      %add3A_883 = vector.broadcast %add3A_882 : i32 to vector<16xi32>
      %add3A_884 = arith.addi %add3A_32, %add3A_883 : vector<16xi32>
      %dma_start3A_885 = arith.constant 1 : i32
      %dma_start3A_886 = arith.constant 15 : i32
      %dma_start3A_887 = arith.constant 0 : i32
      %dma_start3A_888 = tpu.memref_slice %arg11[%dma_start3A_886, %dma_start3A_887] : memref<16x512xf32, #tpu.memory_space<vmem>> -> memref<1x512xf32, #tpu.memory_space<vmem>>
      %dma_start3A_889 = tpu.memref_squeeze %dma_start3A_888 : memref<1x512xf32, #tpu.memory_space<vmem>> -> memref<512xf32, #tpu.memory_space<vmem>>
      %dma_start3A_890 = tpu.memref_slice %dma_start3A_889[%mul3A_22] : memref<512xf32, #tpu.memory_space<vmem>> -> memref<16xf32, #tpu.memory_space<vmem>>
      %dma_start3A_891 = arith.constant 0 : i32
      %dma_start3A_892 = tpu.memref_slice %arg4[%dma_start3A_885, %dma_start3A_891] : memref<2x8000512xf32, #tpu.memory_space<hbm>> -> memref<1x8000512xf32, #tpu.memory_space<hbm>>
      %dma_start3A_893 = tpu.memref_squeeze %dma_start3A_892 : memref<1x8000512xf32, #tpu.memory_space<hbm>> -> memref<8000512xf32, #tpu.memory_space<hbm>>
      %dma_start3A_894 = arith.constant 0 : i32
      %dma_start3A_895 = tpu.memref_slice %dma_start3A_893[%dma_start3A_894] : memref<8000512xf32, #tpu.memory_space<hbm>> -> memref<8000512xf32, #tpu.memory_space<hbm>>
      tpu.enqueue_indirect_dma source(%dma_start3A_895 : memref<8000512xf32, #tpu.memory_space<hbm>>) target(%dma_start3A_890 : memref<16xf32, #tpu.memory_space<vmem>>) offsets(%add3A_884 : vector<16xi32>) semaphore(%arg17 : memref<!tpu.dma_semaphore, #tpu.memory_space<semaphore_mem>>)
      %add3A_896 = arith.constant 896 : i32
      %add3A_897 = vector.broadcast %add3A_896 : i32 to vector<16xi32>
      %add3A_898 = arith.addi %add3A_42, %add3A_897 : vector<16xi32>
      %dma_start3A_899 = arith.constant 1 : i32
      %dma_start3A_900 = arith.constant 15 : i32
      %dma_start3A_901 = arith.constant 0 : i32
      %dma_start3A_902 = tpu.memref_slice %arg12[%dma_start3A_900, %dma_start3A_901] : memref<16x512xf32, #tpu.memory_space<vmem>> -> memref<1x512xf32, #tpu.memory_space<vmem>>
      %dma_start3A_903 = tpu.memref_squeeze %dma_start3A_902 : memref<1x512xf32, #tpu.memory_space<vmem>> -> memref<512xf32, #tpu.memory_space<vmem>>
      %dma_start3A_904 = tpu.memref_slice %dma_start3A_903[%mul3A_22] : memref<512xf32, #tpu.memory_space<vmem>> -> memref<16xf32, #tpu.memory_space<vmem>>
      %dma_start3A_905 = arith.constant 0 : i32
      %dma_start3A_906 = tpu.memref_slice %arg4[%dma_start3A_899, %dma_start3A_905] : memref<2x8000512xf32, #tpu.memory_space<hbm>> -> memref<1x8000512xf32, #tpu.memory_space<hbm>>
      %dma_start3A_907 = tpu.memref_squeeze %dma_start3A_906 : memref<1x8000512xf32, #tpu.memory_space<hbm>> -> memref<8000512xf32, #tpu.memory_space<hbm>>
      %dma_start3A_908 = arith.constant 0 : i32
      %dma_start3A_909 = tpu.memref_slice %dma_start3A_907[%dma_start3A_908] : memref<8000512xf32, #tpu.memory_space<hbm>> -> memref<8000512xf32, #tpu.memory_space<hbm>>
      tpu.enqueue_indirect_dma source(%dma_start3A_909 : memref<8000512xf32, #tpu.memory_space<hbm>>) target(%dma_start3A_904 : memref<16xf32, #tpu.memory_space<vmem>>) offsets(%add3A_898 : vector<16xi32>) semaphore(%arg17 : memref<!tpu.dma_semaphore, #tpu.memory_space<semaphore_mem>>)
      %add3A_910 = arith.constant 896 : i32
      %add3A_911 = vector.broadcast %add3A_910 : i32 to vector<16xi32>
      %add3A_912 = arith.addi %add3A_32, %add3A_911 : vector<16xi32>
      %dma_start3A_913 = arith.constant 1 : i32
      %dma_start3A_914 = arith.constant 15 : i32
      %dma_start3A_915 = arith.constant 0 : i32
      %dma_start3A_916 = tpu.memref_slice %arg13[%dma_start3A_914, %dma_start3A_915] : memref<16x512xf32, #tpu.memory_space<vmem>> -> memref<1x512xf32, #tpu.memory_space<vmem>>
      %dma_start3A_917 = tpu.memref_squeeze %dma_start3A_916 : memref<1x512xf32, #tpu.memory_space<vmem>> -> memref<512xf32, #tpu.memory_space<vmem>>
      %dma_start3A_918 = tpu.memref_slice %dma_start3A_917[%mul3A_22] : memref<512xf32, #tpu.memory_space<vmem>> -> memref<16xf32, #tpu.memory_space<vmem>>
      %dma_start3A_919 = arith.constant 0 : i32
      %dma_start3A_920 = tpu.memref_slice %arg5[%dma_start3A_913, %dma_start3A_919] : memref<2x8000512xf32, #tpu.memory_space<hbm>> -> memref<1x8000512xf32, #tpu.memory_space<hbm>>
      %dma_start3A_921 = tpu.memref_squeeze %dma_start3A_920 : memref<1x8000512xf32, #tpu.memory_space<hbm>> -> memref<8000512xf32, #tpu.memory_space<hbm>>
      %dma_start3A_922 = arith.constant 0 : i32
      %dma_start3A_923 = tpu.memref_slice %dma_start3A_921[%dma_start3A_922] : memref<8000512xf32, #tpu.memory_space<hbm>> -> memref<8000512xf32, #tpu.memory_space<hbm>>
      tpu.enqueue_indirect_dma source(%dma_start3A_923 : memref<8000512xf32, #tpu.memory_space<hbm>>) target(%dma_start3A_918 : memref<16xf32, #tpu.memory_space<vmem>>) offsets(%add3A_912 : vector<16xi32>) semaphore(%arg17 : memref<!tpu.dma_semaphore, #tpu.memory_space<semaphore_mem>>)
      %add3A_924 = arith.constant 896 : i32
      %add3A_925 = vector.broadcast %add3A_924 : i32 to vector<16xi32>
      %add3A_926 = arith.addi %add3A_42, %add3A_925 : vector<16xi32>
      %dma_start3A_927 = arith.constant 1 : i32
      %dma_start3A_928 = arith.constant 15 : i32
      %dma_start3A_929 = arith.constant 0 : i32
      %dma_start3A_930 = tpu.memref_slice %arg14[%dma_start3A_928, %dma_start3A_929] : memref<16x512xf32, #tpu.memory_space<vmem>> -> memref<1x512xf32, #tpu.memory_space<vmem>>
      %dma_start3A_931 = tpu.memref_squeeze %dma_start3A_930 : memref<1x512xf32, #tpu.memory_space<vmem>> -> memref<512xf32, #tpu.memory_space<vmem>>
      %dma_start3A_932 = tpu.memref_slice %dma_start3A_931[%mul3A_22] : memref<512xf32, #tpu.memory_space<vmem>> -> memref<16xf32, #tpu.memory_space<vmem>>
      %dma_start3A_933 = arith.constant 0 : i32
      %dma_start3A_934 = tpu.memref_slice %arg6[%dma_start3A_927, %dma_start3A_933] : memref<2x8000512xf32, #tpu.memory_space<hbm>> -> memref<1x8000512xf32, #tpu.memory_space<hbm>>
      %dma_start3A_935 = tpu.memref_squeeze %dma_start3A_934 : memref<1x8000512xf32, #tpu.memory_space<hbm>> -> memref<8000512xf32, #tpu.memory_space<hbm>>
      %dma_start3A_936 = arith.constant 0 : i32
      %dma_start3A_937 = tpu.memref_slice %dma_start3A_935[%dma_start3A_936] : memref<8000512xf32, #tpu.memory_space<hbm>> -> memref<8000512xf32, #tpu.memory_space<hbm>>
      tpu.enqueue_indirect_dma source(%dma_start3A_937 : memref<8000512xf32, #tpu.memory_space<hbm>>) target(%dma_start3A_932 : memref<16xf32, #tpu.memory_space<vmem>>) offsets(%add3A_926 : vector<16xi32>) semaphore(%arg17 : memref<!tpu.dma_semaphore, #tpu.memory_space<semaphore_mem>>)
    }
    %scan3A_7 = arith.constant 32 : i32
    %scan3A_8 = arith.constant 0 : i32
    %scan3A_9 = arith.constant 0 : i32
    %scan3A_10 = arith.constant 32 : i32
    %scan3A_11 = arith.addi %scan3A_9, %scan3A_10 : i32
    %scan3A_12 = arith.constant 1 : i32
    scf.for %scan3A_20 = %scan3A_9 to %scan3A_11 step %scan3A_12  : i32 {
      %mul3A_21 = arith.constant 16 : i32
      %mul3A_22 = arith.muli %scan3A_20, %mul3A_21 : i32
      %dma_wait3A = arith.constant 0 : i32
      %dma_wait3A_23 = arith.constant 0 : i32
      %dma_wait3A_24 = arith.constant 0 : i32
      %dma_wait3A_25 = tpu.memref_slice %arg11[%dma_wait3A_23, %dma_wait3A_24] : memref<16x512xf32, #tpu.memory_space<vmem>> -> memref<1x512xf32, #tpu.memory_space<vmem>>
      %dma_wait3A_26 = tpu.memref_squeeze %dma_wait3A_25 : memref<1x512xf32, #tpu.memory_space<vmem>> -> memref<512xf32, #tpu.memory_space<vmem>>
      %dma_wait3A_27 = tpu.memref_slice %dma_wait3A_26[%mul3A_22] : memref<512xf32, #tpu.memory_space<vmem>> -> memref<16xf32, #tpu.memory_space<vmem>>
      %dma_wait3A_28 = arith.constant 0 : i32
      %dma_wait3A_29 = tpu.memref_slice %arg4[%dma_wait3A, %dma_wait3A_28] : memref<2x8000512xf32, #tpu.memory_space<hbm>> -> memref<1x8000512xf32, #tpu.memory_space<hbm>>
      %dma_wait3A_30 = tpu.memref_squeeze %dma_wait3A_29 : memref<1x8000512xf32, #tpu.memory_space<hbm>> -> memref<8000512xf32, #tpu.memory_space<hbm>>
      %dma_wait3A_31 = arith.constant 0 : i32
      %dma_wait3A_32 = tpu.memref_slice %dma_wait3A_30[%dma_wait3A_31] : memref<8000512xf32, #tpu.memory_space<hbm>> -> memref<16xf32, #tpu.memory_space<hbm>>
      %dma_wait3A_33 = arith.constant 0 : i32
      %dma_wait3A_34 = tpu.memref_slice %arg11[%dma_wait3A_23, %dma_wait3A_33] : memref<16x512xf32, #tpu.memory_space<vmem>> -> memref<1x512xf32, #tpu.memory_space<vmem>>
      %dma_wait3A_35 = tpu.memref_squeeze %dma_wait3A_34 : memref<1x512xf32, #tpu.memory_space<vmem>> -> memref<512xf32, #tpu.memory_space<vmem>>
      %dma_wait3A_36 = tpu.memref_slice %dma_wait3A_35[%mul3A_22] : memref<512xf32, #tpu.memory_space<vmem>> -> memref<16xf32, #tpu.memory_space<vmem>>
      %dma_wait3A_37 = arith.constant 0 : i32
      %dma_wait3A_38 = tpu.memref_slice %arg4[%dma_wait3A, %dma_wait3A_37] : memref<2x8000512xf32, #tpu.memory_space<hbm>> -> memref<1x8000512xf32, #tpu.memory_space<hbm>>
      %dma_wait3A_39 = tpu.memref_squeeze %dma_wait3A_38 : memref<1x8000512xf32, #tpu.memory_space<hbm>> -> memref<8000512xf32, #tpu.memory_space<hbm>>
      %dma_wait3A_40 = arith.constant 0 : i32
      %dma_wait3A_41 = tpu.memref_slice %dma_wait3A_39[%dma_wait3A_40] : memref<8000512xf32, #tpu.memory_space<hbm>> -> memref<16xf32, #tpu.memory_space<hbm>>
      tpu.wait_dma2 semaphore(%arg17 : memref<!tpu.dma_semaphore, #tpu.memory_space<semaphore_mem>>) src(%dma_wait3A_41 : memref<16xf32, #tpu.memory_space<hbm>>) dst(%dma_wait3A_36 : memref<16xf32, #tpu.memory_space<vmem>>)
      %dma_wait3A_42 = arith.constant 0 : i32
      %dma_wait3A_43 = arith.constant 0 : i32
      %dma_wait3A_44 = arith.constant 0 : i32
      %dma_wait3A_45 = tpu.memref_slice %arg12[%dma_wait3A_43, %dma_wait3A_44] : memref<16x512xf32, #tpu.memory_space<vmem>> -> memref<1x512xf32, #tpu.memory_space<vmem>>
      %dma_wait3A_46 = tpu.memref_squeeze %dma_wait3A_45 : memref<1x512xf32, #tpu.memory_space<vmem>> -> memref<512xf32, #tpu.memory_space<vmem>>
      %dma_wait3A_47 = tpu.memref_slice %dma_wait3A_46[%mul3A_22] : memref<512xf32, #tpu.memory_space<vmem>> -> memref<16xf32, #tpu.memory_space<vmem>>
      %dma_wait3A_48 = arith.constant 0 : i32
      %dma_wait3A_49 = tpu.memref_slice %arg4[%dma_wait3A_42, %dma_wait3A_48] : memref<2x8000512xf32, #tpu.memory_space<hbm>> -> memref<1x8000512xf32, #tpu.memory_space<hbm>>
      %dma_wait3A_50 = tpu.memref_squeeze %dma_wait3A_49 : memref<1x8000512xf32, #tpu.memory_space<hbm>> -> memref<8000512xf32, #tpu.memory_space<hbm>>
      %dma_wait3A_51 = arith.constant 0 : i32
      %dma_wait3A_52 = tpu.memref_slice %dma_wait3A_50[%dma_wait3A_51] : memref<8000512xf32, #tpu.memory_space<hbm>> -> memref<16xf32, #tpu.memory_space<hbm>>
      %dma_wait3A_53 = arith.constant 0 : i32
      %dma_wait3A_54 = tpu.memref_slice %arg12[%dma_wait3A_43, %dma_wait3A_53] : memref<16x512xf32, #tpu.memory_space<vmem>> -> memref<1x512xf32, #tpu.memory_space<vmem>>
      %dma_wait3A_55 = tpu.memref_squeeze %dma_wait3A_54 : memref<1x512xf32, #tpu.memory_space<vmem>> -> memref<512xf32, #tpu.memory_space<vmem>>
      %dma_wait3A_56 = tpu.memref_slice %dma_wait3A_55[%mul3A_22] : memref<512xf32, #tpu.memory_space<vmem>> -> memref<16xf32, #tpu.memory_space<vmem>>
      %dma_wait3A_57 = arith.constant 0 : i32
      %dma_wait3A_58 = tpu.memref_slice %arg4[%dma_wait3A_42, %dma_wait3A_57] : memref<2x8000512xf32, #tpu.memory_space<hbm>> -> memref<1x8000512xf32, #tpu.memory_space<hbm>>
      %dma_wait3A_59 = tpu.memref_squeeze %dma_wait3A_58 : memref<1x8000512xf32, #tpu.memory_space<hbm>> -> memref<8000512xf32, #tpu.memory_space<hbm>>
      %dma_wait3A_60 = arith.constant 0 : i32
      %dma_wait3A_61 = tpu.memref_slice %dma_wait3A_59[%dma_wait3A_60] : memref<8000512xf32, #tpu.memory_space<hbm>> -> memref<16xf32, #tpu.memory_space<hbm>>
      tpu.wait_dma2 semaphore(%arg17 : memref<!tpu.dma_semaphore, #tpu.memory_space<semaphore_mem>>) src(%dma_wait3A_61 : memref<16xf32, #tpu.memory_space<hbm>>) dst(%dma_wait3A_56 : memref<16xf32, #tpu.memory_space<vmem>>)
      %dma_wait3A_62 = arith.constant 0 : i32
      %dma_wait3A_63 = arith.constant 0 : i32
      %dma_wait3A_64 = arith.constant 0 : i32
      %dma_wait3A_65 = tpu.memref_slice %arg13[%dma_wait3A_63, %dma_wait3A_64] : memref<16x512xf32, #tpu.memory_space<vmem>> -> memref<1x512xf32, #tpu.memory_space<vmem>>
      %dma_wait3A_66 = tpu.memref_squeeze %dma_wait3A_65 : memref<1x512xf32, #tpu.memory_space<vmem>> -> memref<512xf32, #tpu.memory_space<vmem>>
      %dma_wait3A_67 = tpu.memref_slice %dma_wait3A_66[%mul3A_22] : memref<512xf32, #tpu.memory_space<vmem>> -> memref<16xf32, #tpu.memory_space<vmem>>
      %dma_wait3A_68 = arith.constant 0 : i32
      %dma_wait3A_69 = tpu.memref_slice %arg5[%dma_wait3A_62, %dma_wait3A_68] : memref<2x8000512xf32, #tpu.memory_space<hbm>> -> memref<1x8000512xf32, #tpu.memory_space<hbm>>
      %dma_wait3A_70 = tpu.memref_squeeze %dma_wait3A_69 : memref<1x8000512xf32, #tpu.memory_space<hbm>> -> memref<8000512xf32, #tpu.memory_space<hbm>>
      %dma_wait3A_71 = arith.constant 0 : i32
      %dma_wait3A_72 = tpu.memref_slice %dma_wait3A_70[%dma_wait3A_71] : memref<8000512xf32, #tpu.memory_space<hbm>> -> memref<16xf32, #tpu.memory_space<hbm>>
      %dma_wait3A_73 = arith.constant 0 : i32
      %dma_wait3A_74 = tpu.memref_slice %arg13[%dma_wait3A_63, %dma_wait3A_73] : memref<16x512xf32, #tpu.memory_space<vmem>> -> memref<1x512xf32, #tpu.memory_space<vmem>>
      %dma_wait3A_75 = tpu.memref_squeeze %dma_wait3A_74 : memref<1x512xf32, #tpu.memory_space<vmem>> -> memref<512xf32, #tpu.memory_space<vmem>>
      %dma_wait3A_76 = tpu.memref_slice %dma_wait3A_75[%mul3A_22] : memref<512xf32, #tpu.memory_space<vmem>> -> memref<16xf32, #tpu.memory_space<vmem>>
      %dma_wait3A_77 = arith.constant 0 : i32
      %dma_wait3A_78 = tpu.memref_slice %arg5[%dma_wait3A_62, %dma_wait3A_77] : memref<2x8000512xf32, #tpu.memory_space<hbm>> -> memref<1x8000512xf32, #tpu.memory_space<hbm>>
      %dma_wait3A_79 = tpu.memref_squeeze %dma_wait3A_78 : memref<1x8000512xf32, #tpu.memory_space<hbm>> -> memref<8000512xf32, #tpu.memory_space<hbm>>
      %dma_wait3A_80 = arith.constant 0 : i32
      %dma_wait3A_81 = tpu.memref_slice %dma_wait3A_79[%dma_wait3A_80] : memref<8000512xf32, #tpu.memory_space<hbm>> -> memref<16xf32, #tpu.memory_space<hbm>>
      tpu.wait_dma2 semaphore(%arg17 : memref<!tpu.dma_semaphore, #tpu.memory_space<semaphore_mem>>) src(%dma_wait3A_81 : memref<16xf32, #tpu.memory_space<hbm>>) dst(%dma_wait3A_76 : memref<16xf32, #tpu.memory_space<vmem>>)
      %dma_wait3A_82 = arith.constant 0 : i32
      %dma_wait3A_83 = arith.constant 0 : i32
      %dma_wait3A_84 = arith.constant 0 : i32
      %dma_wait3A_85 = tpu.memref_slice %arg14[%dma_wait3A_83, %dma_wait3A_84] : memref<16x512xf32, #tpu.memory_space<vmem>> -> memref<1x512xf32, #tpu.memory_space<vmem>>
      %dma_wait3A_86 = tpu.memref_squeeze %dma_wait3A_85 : memref<1x512xf32, #tpu.memory_space<vmem>> -> memref<512xf32, #tpu.memory_space<vmem>>
      %dma_wait3A_87 = tpu.memref_slice %dma_wait3A_86[%mul3A_22] : memref<512xf32, #tpu.memory_space<vmem>> -> memref<16xf32, #tpu.memory_space<vmem>>
      %dma_wait3A_88 = arith.constant 0 : i32
      %dma_wait3A_89 = tpu.memref_slice %arg6[%dma_wait3A_82, %dma_wait3A_88] : memref<2x8000512xf32, #tpu.memory_space<hbm>> -> memref<1x8000512xf32, #tpu.memory_space<hbm>>
      %dma_wait3A_90 = tpu.memref_squeeze %dma_wait3A_89 : memref<1x8000512xf32, #tpu.memory_space<hbm>> -> memref<8000512xf32, #tpu.memory_space<hbm>>
      %dma_wait3A_91 = arith.constant 0 : i32
      %dma_wait3A_92 = tpu.memref_slice %dma_wait3A_90[%dma_wait3A_91] : memref<8000512xf32, #tpu.memory_space<hbm>> -> memref<16xf32, #tpu.memory_space<hbm>>
      %dma_wait3A_93 = arith.constant 0 : i32
      %dma_wait3A_94 = tpu.memref_slice %arg14[%dma_wait3A_83, %dma_wait3A_93] : memref<16x512xf32, #tpu.memory_space<vmem>> -> memref<1x512xf32, #tpu.memory_space<vmem>>
      %dma_wait3A_95 = tpu.memref_squeeze %dma_wait3A_94 : memref<1x512xf32, #tpu.memory_space<vmem>> -> memref<512xf32, #tpu.memory_space<vmem>>
      %dma_wait3A_96 = tpu.memref_slice %dma_wait3A_95[%mul3A_22] : memref<512xf32, #tpu.memory_space<vmem>> -> memref<16xf32, #tpu.memory_space<vmem>>
      %dma_wait3A_97 = arith.constant 0 : i32
      %dma_wait3A_98 = tpu.memref_slice %arg6[%dma_wait3A_82, %dma_wait3A_97] : memref<2x8000512xf32, #tpu.memory_space<hbm>> -> memref<1x8000512xf32, #tpu.memory_space<hbm>>
      %dma_wait3A_99 = tpu.memref_squeeze %dma_wait3A_98 : memref<1x8000512xf32, #tpu.memory_space<hbm>> -> memref<8000512xf32, #tpu.memory_space<hbm>>
      %dma_wait3A_100 = arith.constant 0 : i32
      %dma_wait3A_101 = tpu.memref_slice %dma_wait3A_99[%dma_wait3A_100] : memref<8000512xf32, #tpu.memory_space<hbm>> -> memref<16xf32, #tpu.memory_space<hbm>>
      tpu.wait_dma2 semaphore(%arg17 : memref<!tpu.dma_semaphore, #tpu.memory_space<semaphore_mem>>) src(%dma_wait3A_101 : memref<16xf32, #tpu.memory_space<hbm>>) dst(%dma_wait3A_96 : memref<16xf32, #tpu.memory_space<vmem>>)
      %dma_wait3A_102 = arith.constant 0 : i32
      %dma_wait3A_103 = arith.constant 1 : i32
      %dma_wait3A_104 = arith.constant 0 : i32
      %dma_wait3A_105 = tpu.memref_slice %arg11[%dma_wait3A_103, %dma_wait3A_104] : memref<16x512xf32, #tpu.memory_space<vmem>> -> memref<1x512xf32, #tpu.memory_space<vmem>>
      %dma_wait3A_106 = tpu.memref_squeeze %dma_wait3A_105 : memref<1x512xf32, #tpu.memory_space<vmem>> -> memref<512xf32, #tpu.memory_space<vmem>>
      %dma_wait3A_107 = tpu.memref_slice %dma_wait3A_106[%mul3A_22] : memref<512xf32, #tpu.memory_space<vmem>> -> memref<16xf32, #tpu.memory_space<vmem>>
      %dma_wait3A_108 = arith.constant 0 : i32
      %dma_wait3A_109 = tpu.memref_slice %arg4[%dma_wait3A_102, %dma_wait3A_108] : memref<2x8000512xf32, #tpu.memory_space<hbm>> -> memref<1x8000512xf32, #tpu.memory_space<hbm>>
      %dma_wait3A_110 = tpu.memref_squeeze %dma_wait3A_109 : memref<1x8000512xf32, #tpu.memory_space<hbm>> -> memref<8000512xf32, #tpu.memory_space<hbm>>
      %dma_wait3A_111 = arith.constant 0 : i32
      %dma_wait3A_112 = tpu.memref_slice %dma_wait3A_110[%dma_wait3A_111] : memref<8000512xf32, #tpu.memory_space<hbm>> -> memref<16xf32, #tpu.memory_space<hbm>>
      %dma_wait3A_113 = arith.constant 0 : i32
      %dma_wait3A_114 = tpu.memref_slice %arg11[%dma_wait3A_103, %dma_wait3A_113] : memref<16x512xf32, #tpu.memory_space<vmem>> -> memref<1x512xf32, #tpu.memory_space<vmem>>
      %dma_wait3A_115 = tpu.memref_squeeze %dma_wait3A_114 : memref<1x512xf32, #tpu.memory_space<vmem>> -> memref<512xf32, #tpu.memory_space<vmem>>
      %dma_wait3A_116 = tpu.memref_slice %dma_wait3A_115[%mul3A_22] : memref<512xf32, #tpu.memory_space<vmem>> -> memref<16xf32, #tpu.memory_space<vmem>>
      %dma_wait3A_117 = arith.constant 0 : i32
      %dma_wait3A_118 = tpu.memref_slice %arg4[%dma_wait3A_102, %dma_wait3A_117] : memref<2x8000512xf32, #tpu.memory_space<hbm>> -> memref<1x8000512xf32, #tpu.memory_space<hbm>>
      %dma_wait3A_119 = tpu.memref_squeeze %dma_wait3A_118 : memref<1x8000512xf32, #tpu.memory_space<hbm>> -> memref<8000512xf32, #tpu.memory_space<hbm>>
      %dma_wait3A_120 = arith.constant 0 : i32
      %dma_wait3A_121 = tpu.memref_slice %dma_wait3A_119[%dma_wait3A_120] : memref<8000512xf32, #tpu.memory_space<hbm>> -> memref<16xf32, #tpu.memory_space<hbm>>
      tpu.wait_dma2 semaphore(%arg17 : memref<!tpu.dma_semaphore, #tpu.memory_space<semaphore_mem>>) src(%dma_wait3A_121 : memref<16xf32, #tpu.memory_space<hbm>>) dst(%dma_wait3A_116 : memref<16xf32, #tpu.memory_space<vmem>>)
      %dma_wait3A_122 = arith.constant 0 : i32
      %dma_wait3A_123 = arith.constant 1 : i32
      %dma_wait3A_124 = arith.constant 0 : i32
      %dma_wait3A_125 = tpu.memref_slice %arg12[%dma_wait3A_123, %dma_wait3A_124] : memref<16x512xf32, #tpu.memory_space<vmem>> -> memref<1x512xf32, #tpu.memory_space<vmem>>
      %dma_wait3A_126 = tpu.memref_squeeze %dma_wait3A_125 : memref<1x512xf32, #tpu.memory_space<vmem>> -> memref<512xf32, #tpu.memory_space<vmem>>
      %dma_wait3A_127 = tpu.memref_slice %dma_wait3A_126[%mul3A_22] : memref<512xf32, #tpu.memory_space<vmem>> -> memref<16xf32, #tpu.memory_space<vmem>>
      %dma_wait3A_128 = arith.constant 0 : i32
      %dma_wait3A_129 = tpu.memref_slice %arg4[%dma_wait3A_122, %dma_wait3A_128] : memref<2x8000512xf32, #tpu.memory_space<hbm>> -> memref<1x8000512xf32, #tpu.memory_space<hbm>>
      %dma_wait3A_130 = tpu.memref_squeeze %dma_wait3A_129 : memref<1x8000512xf32, #tpu.memory_space<hbm>> -> memref<8000512xf32, #tpu.memory_space<hbm>>
      %dma_wait3A_131 = arith.constant 0 : i32
      %dma_wait3A_132 = tpu.memref_slice %dma_wait3A_130[%dma_wait3A_131] : memref<8000512xf32, #tpu.memory_space<hbm>> -> memref<16xf32, #tpu.memory_space<hbm>>
      %dma_wait3A_133 = arith.constant 0 : i32
      %dma_wait3A_134 = tpu.memref_slice %arg12[%dma_wait3A_123, %dma_wait3A_133] : memref<16x512xf32, #tpu.memory_space<vmem>> -> memref<1x512xf32, #tpu.memory_space<vmem>>
      %dma_wait3A_135 = tpu.memref_squeeze %dma_wait3A_134 : memref<1x512xf32, #tpu.memory_space<vmem>> -> memref<512xf32, #tpu.memory_space<vmem>>
      %dma_wait3A_136 = tpu.memref_slice %dma_wait3A_135[%mul3A_22] : memref<512xf32, #tpu.memory_space<vmem>> -> memref<16xf32, #tpu.memory_space<vmem>>
      %dma_wait3A_137 = arith.constant 0 : i32
      %dma_wait3A_138 = tpu.memref_slice %arg4[%dma_wait3A_122, %dma_wait3A_137] : memref<2x8000512xf32, #tpu.memory_space<hbm>> -> memref<1x8000512xf32, #tpu.memory_space<hbm>>
      %dma_wait3A_139 = tpu.memref_squeeze %dma_wait3A_138 : memref<1x8000512xf32, #tpu.memory_space<hbm>> -> memref<8000512xf32, #tpu.memory_space<hbm>>
      %dma_wait3A_140 = arith.constant 0 : i32
      %dma_wait3A_141 = tpu.memref_slice %dma_wait3A_139[%dma_wait3A_140] : memref<8000512xf32, #tpu.memory_space<hbm>> -> memref<16xf32, #tpu.memory_space<hbm>>
      tpu.wait_dma2 semaphore(%arg17 : memref<!tpu.dma_semaphore, #tpu.memory_space<semaphore_mem>>) src(%dma_wait3A_141 : memref<16xf32, #tpu.memory_space<hbm>>) dst(%dma_wait3A_136 : memref<16xf32, #tpu.memory_space<vmem>>)
      %dma_wait3A_142 = arith.constant 0 : i32
      %dma_wait3A_143 = arith.constant 1 : i32
      %dma_wait3A_144 = arith.constant 0 : i32
      %dma_wait3A_145 = tpu.memref_slice %arg13[%dma_wait3A_143, %dma_wait3A_144] : memref<16x512xf32, #tpu.memory_space<vmem>> -> memref<1x512xf32, #tpu.memory_space<vmem>>
      %dma_wait3A_146 = tpu.memref_squeeze %dma_wait3A_145 : memref<1x512xf32, #tpu.memory_space<vmem>> -> memref<512xf32, #tpu.memory_space<vmem>>
      %dma_wait3A_147 = tpu.memref_slice %dma_wait3A_146[%mul3A_22] : memref<512xf32, #tpu.memory_space<vmem>> -> memref<16xf32, #tpu.memory_space<vmem>>
      %dma_wait3A_148 = arith.constant 0 : i32
      %dma_wait3A_149 = tpu.memref_slice %arg5[%dma_wait3A_142, %dma_wait3A_148] : memref<2x8000512xf32, #tpu.memory_space<hbm>> -> memref<1x8000512xf32, #tpu.memory_space<hbm>>
      %dma_wait3A_150 = tpu.memref_squeeze %dma_wait3A_149 : memref<1x8000512xf32, #tpu.memory_space<hbm>> -> memref<8000512xf32, #tpu.memory_space<hbm>>
      %dma_wait3A_151 = arith.constant 0 : i32
      %dma_wait3A_152 = tpu.memref_slice %dma_wait3A_150[%dma_wait3A_151] : memref<8000512xf32, #tpu.memory_space<hbm>> -> memref<16xf32, #tpu.memory_space<hbm>>
      %dma_wait3A_153 = arith.constant 0 : i32
      %dma_wait3A_154 = tpu.memref_slice %arg13[%dma_wait3A_143, %dma_wait3A_153] : memref<16x512xf32, #tpu.memory_space<vmem>> -> memref<1x512xf32, #tpu.memory_space<vmem>>
      %dma_wait3A_155 = tpu.memref_squeeze %dma_wait3A_154 : memref<1x512xf32, #tpu.memory_space<vmem>> -> memref<512xf32, #tpu.memory_space<vmem>>
      %dma_wait3A_156 = tpu.memref_slice %dma_wait3A_155[%mul3A_22] : memref<512xf32, #tpu.memory_space<vmem>> -> memref<16xf32, #tpu.memory_space<vmem>>
      %dma_wait3A_157 = arith.constant 0 : i32
      %dma_wait3A_158 = tpu.memref_slice %arg5[%dma_wait3A_142, %dma_wait3A_157] : memref<2x8000512xf32, #tpu.memory_space<hbm>> -> memref<1x8000512xf32, #tpu.memory_space<hbm>>
      %dma_wait3A_159 = tpu.memref_squeeze %dma_wait3A_158 : memref<1x8000512xf32, #tpu.memory_space<hbm>> -> memref<8000512xf32, #tpu.memory_space<hbm>>
      %dma_wait3A_160 = arith.constant 0 : i32
      %dma_wait3A_161 = tpu.memref_slice %dma_wait3A_159[%dma_wait3A_160] : memref<8000512xf32, #tpu.memory_space<hbm>> -> memref<16xf32, #tpu.memory_space<hbm>>
      tpu.wait_dma2 semaphore(%arg17 : memref<!tpu.dma_semaphore, #tpu.memory_space<semaphore_mem>>) src(%dma_wait3A_161 : memref<16xf32, #tpu.memory_space<hbm>>) dst(%dma_wait3A_156 : memref<16xf32, #tpu.memory_space<vmem>>)
      %dma_wait3A_162 = arith.constant 0 : i32
      %dma_wait3A_163 = arith.constant 1 : i32
      %dma_wait3A_164 = arith.constant 0 : i32
      %dma_wait3A_165 = tpu.memref_slice %arg14[%dma_wait3A_163, %dma_wait3A_164] : memref<16x512xf32, #tpu.memory_space<vmem>> -> memref<1x512xf32, #tpu.memory_space<vmem>>
      %dma_wait3A_166 = tpu.memref_squeeze %dma_wait3A_165 : memref<1x512xf32, #tpu.memory_space<vmem>> -> memref<512xf32, #tpu.memory_space<vmem>>
      %dma_wait3A_167 = tpu.memref_slice %dma_wait3A_166[%mul3A_22] : memref<512xf32, #tpu.memory_space<vmem>> -> memref<16xf32, #tpu.memory_space<vmem>>
      %dma_wait3A_168 = arith.constant 0 : i32
      %dma_wait3A_169 = tpu.memref_slice %arg6[%dma_wait3A_162, %dma_wait3A_168] : memref<2x8000512xf32, #tpu.memory_space<hbm>> -> memref<1x8000512xf32, #tpu.memory_space<hbm>>
      %dma_wait3A_170 = tpu.memref_squeeze %dma_wait3A_169 : memref<1x8000512xf32, #tpu.memory_space<hbm>> -> memref<8000512xf32, #tpu.memory_space<hbm>>
      %dma_wait3A_171 = arith.constant 0 : i32
      %dma_wait3A_172 = tpu.memref_slice %dma_wait3A_170[%dma_wait3A_171] : memref<8000512xf32, #tpu.memory_space<hbm>> -> memref<16xf32, #tpu.memory_space<hbm>>
      %dma_wait3A_173 = arith.constant 0 : i32
      %dma_wait3A_174 = tpu.memref_slice %arg14[%dma_wait3A_163, %dma_wait3A_173] : memref<16x512xf32, #tpu.memory_space<vmem>> -> memref<1x512xf32, #tpu.memory_space<vmem>>
      %dma_wait3A_175 = tpu.memref_squeeze %dma_wait3A_174 : memref<1x512xf32, #tpu.memory_space<vmem>> -> memref<512xf32, #tpu.memory_space<vmem>>
      %dma_wait3A_176 = tpu.memref_slice %dma_wait3A_175[%mul3A_22] : memref<512xf32, #tpu.memory_space<vmem>> -> memref<16xf32, #tpu.memory_space<vmem>>
      %dma_wait3A_177 = arith.constant 0 : i32
      %dma_wait3A_178 = tpu.memref_slice %arg6[%dma_wait3A_162, %dma_wait3A_177] : memref<2x8000512xf32, #tpu.memory_space<hbm>> -> memref<1x8000512xf32, #tpu.memory_space<hbm>>
      %dma_wait3A_179 = tpu.memref_squeeze %dma_wait3A_178 : memref<1x8000512xf32, #tpu.memory_space<hbm>> -> memref<8000512xf32, #tpu.memory_space<hbm>>
      %dma_wait3A_180 = arith.constant 0 : i32
      %dma_wait3A_181 = tpu.memref_slice %dma_wait3A_179[%dma_wait3A_180] : memref<8000512xf32, #tpu.memory_space<hbm>> -> memref<16xf32, #tpu.memory_space<hbm>>
      tpu.wait_dma2 semaphore(%arg17 : memref<!tpu.dma_semaphore, #tpu.memory_space<semaphore_mem>>) src(%dma_wait3A_181 : memref<16xf32, #tpu.memory_space<hbm>>) dst(%dma_wait3A_176 : memref<16xf32, #tpu.memory_space<vmem>>)
      %dma_wait3A_182 = arith.constant 0 : i32
      %dma_wait3A_183 = arith.constant 2 : i32
      %dma_wait3A_184 = arith.constant 0 : i32
      %dma_wait3A_185 = tpu.memref_slice %arg11[%dma_wait3A_183, %dma_wait3A_184] : memref<16x512xf32, #tpu.memory_space<vmem>> -> memref<1x512xf32, #tpu.memory_space<vmem>>
      %dma_wait3A_186 = tpu.memref_squeeze %dma_wait3A_185 : memref<1x512xf32, #tpu.memory_space<vmem>> -> memref<512xf32, #tpu.memory_space<vmem>>
      %dma_wait3A_187 = tpu.memref_slice %dma_wait3A_186[%mul3A_22] : memref<512xf32, #tpu.memory_space<vmem>> -> memref<16xf32, #tpu.memory_space<vmem>>
      %dma_wait3A_188 = arith.constant 0 : i32
      %dma_wait3A_189 = tpu.memref_slice %arg4[%dma_wait3A_182, %dma_wait3A_188] : memref<2x8000512xf32, #tpu.memory_space<hbm>> -> memref<1x8000512xf32, #tpu.memory_space<hbm>>
      %dma_wait3A_190 = tpu.memref_squeeze %dma_wait3A_189 : memref<1x8000512xf32, #tpu.memory_space<hbm>> -> memref<8000512xf32, #tpu.memory_space<hbm>>
      %dma_wait3A_191 = arith.constant 0 : i32
      %dma_wait3A_192 = tpu.memref_slice %dma_wait3A_190[%dma_wait3A_191] : memref<8000512xf32, #tpu.memory_space<hbm>> -> memref<16xf32, #tpu.memory_space<hbm>>
      %dma_wait3A_193 = arith.constant 0 : i32
      %dma_wait3A_194 = tpu.memref_slice %arg11[%dma_wait3A_183, %dma_wait3A_193] : memref<16x512xf32, #tpu.memory_space<vmem>> -> memref<1x512xf32, #tpu.memory_space<vmem>>
      %dma_wait3A_195 = tpu.memref_squeeze %dma_wait3A_194 : memref<1x512xf32, #tpu.memory_space<vmem>> -> memref<512xf32, #tpu.memory_space<vmem>>
      %dma_wait3A_196 = tpu.memref_slice %dma_wait3A_195[%mul3A_22] : memref<512xf32, #tpu.memory_space<vmem>> -> memref<16xf32, #tpu.memory_space<vmem>>
      %dma_wait3A_197 = arith.constant 0 : i32
      %dma_wait3A_198 = tpu.memref_slice %arg4[%dma_wait3A_182, %dma_wait3A_197] : memref<2x8000512xf32, #tpu.memory_space<hbm>> -> memref<1x8000512xf32, #tpu.memory_space<hbm>>
      %dma_wait3A_199 = tpu.memref_squeeze %dma_wait3A_198 : memref<1x8000512xf32, #tpu.memory_space<hbm>> -> memref<8000512xf32, #tpu.memory_space<hbm>>
      %dma_wait3A_200 = arith.constant 0 : i32
      %dma_wait3A_201 = tpu.memref_slice %dma_wait3A_199[%dma_wait3A_200] : memref<8000512xf32, #tpu.memory_space<hbm>> -> memref<16xf32, #tpu.memory_space<hbm>>
      tpu.wait_dma2 semaphore(%arg17 : memref<!tpu.dma_semaphore, #tpu.memory_space<semaphore_mem>>) src(%dma_wait3A_201 : memref<16xf32, #tpu.memory_space<hbm>>) dst(%dma_wait3A_196 : memref<16xf32, #tpu.memory_space<vmem>>)
      %dma_wait3A_202 = arith.constant 0 : i32
      %dma_wait3A_203 = arith.constant 2 : i32
      %dma_wait3A_204 = arith.constant 0 : i32
      %dma_wait3A_205 = tpu.memref_slice %arg12[%dma_wait3A_203, %dma_wait3A_204] : memref<16x512xf32, #tpu.memory_space<vmem>> -> memref<1x512xf32, #tpu.memory_space<vmem>>
      %dma_wait3A_206 = tpu.memref_squeeze %dma_wait3A_205 : memref<1x512xf32, #tpu.memory_space<vmem>> -> memref<512xf32, #tpu.memory_space<vmem>>
      %dma_wait3A_207 = tpu.memref_slice %dma_wait3A_206[%mul3A_22] : memref<512xf32, #tpu.memory_space<vmem>> -> memref<16xf32, #tpu.memory_space<vmem>>
      %dma_wait3A_208 = arith.constant 0 : i32
      %dma_wait3A_209 = tpu.memref_slice %arg4[%dma_wait3A_202, %dma_wait3A_208] : memref<2x8000512xf32, #tpu.memory_space<hbm>> -> memref<1x8000512xf32, #tpu.memory_space<hbm>>
      %dma_wait3A_210 = tpu.memref_squeeze %dma_wait3A_209 : memref<1x8000512xf32, #tpu.memory_space<hbm>> -> memref<8000512xf32, #tpu.memory_space<hbm>>
      %dma_wait3A_211 = arith.constant 0 : i32
      %dma_wait3A_212 = tpu.memref_slice %dma_wait3A_210[%dma_wait3A_211] : memref<8000512xf32, #tpu.memory_space<hbm>> -> memref<16xf32, #tpu.memory_space<hbm>>
      %dma_wait3A_213 = arith.constant 0 : i32
      %dma_wait3A_214 = tpu.memref_slice %arg12[%dma_wait3A_203, %dma_wait3A_213] : memref<16x512xf32, #tpu.memory_space<vmem>> -> memref<1x512xf32, #tpu.memory_space<vmem>>
      %dma_wait3A_215 = tpu.memref_squeeze %dma_wait3A_214 : memref<1x512xf32, #tpu.memory_space<vmem>> -> memref<512xf32, #tpu.memory_space<vmem>>
      %dma_wait3A_216 = tpu.memref_slice %dma_wait3A_215[%mul3A_22] : memref<512xf32, #tpu.memory_space<vmem>> -> memref<16xf32, #tpu.memory_space<vmem>>
      %dma_wait3A_217 = arith.constant 0 : i32
      %dma_wait3A_218 = tpu.memref_slice %arg4[%dma_wait3A_202, %dma_wait3A_217] : memref<2x8000512xf32, #tpu.memory_space<hbm>> -> memref<1x8000512xf32, #tpu.memory_space<hbm>>
      %dma_wait3A_219 = tpu.memref_squeeze %dma_wait3A_218 : memref<1x8000512xf32, #tpu.memory_space<hbm>> -> memref<8000512xf32, #tpu.memory_space<hbm>>
      %dma_wait3A_220 = arith.constant 0 : i32
      %dma_wait3A_221 = tpu.memref_slice %dma_wait3A_219[%dma_wait3A_220] : memref<8000512xf32, #tpu.memory_space<hbm>> -> memref<16xf32, #tpu.memory_space<hbm>>
      tpu.wait_dma2 semaphore(%arg17 : memref<!tpu.dma_semaphore, #tpu.memory_space<semaphore_mem>>) src(%dma_wait3A_221 : memref<16xf32, #tpu.memory_space<hbm>>) dst(%dma_wait3A_216 : memref<16xf32, #tpu.memory_space<vmem>>)
      %dma_wait3A_222 = arith.constant 0 : i32
      %dma_wait3A_223 = arith.constant 2 : i32
      %dma_wait3A_224 = arith.constant 0 : i32
      %dma_wait3A_225 = tpu.memref_slice %arg13[%dma_wait3A_223, %dma_wait3A_224] : memref<16x512xf32, #tpu.memory_space<vmem>> -> memref<1x512xf32, #tpu.memory_space<vmem>>
      %dma_wait3A_226 = tpu.memref_squeeze %dma_wait3A_225 : memref<1x512xf32, #tpu.memory_space<vmem>> -> memref<512xf32, #tpu.memory_space<vmem>>
      %dma_wait3A_227 = tpu.memref_slice %dma_wait3A_226[%mul3A_22] : memref<512xf32, #tpu.memory_space<vmem>> -> memref<16xf32, #tpu.memory_space<vmem>>
      %dma_wait3A_228 = arith.constant 0 : i32
      %dma_wait3A_229 = tpu.memref_slice %arg5[%dma_wait3A_222, %dma_wait3A_228] : memref<2x8000512xf32, #tpu.memory_space<hbm>> -> memref<1x8000512xf32, #tpu.memory_space<hbm>>
      %dma_wait3A_230 = tpu.memref_squeeze %dma_wait3A_229 : memref<1x8000512xf32, #tpu.memory_space<hbm>> -> memref<8000512xf32, #tpu.memory_space<hbm>>
      %dma_wait3A_231 = arith.constant 0 : i32
      %dma_wait3A_232 = tpu.memref_slice %dma_wait3A_230[%dma_wait3A_231] : memref<8000512xf32, #tpu.memory_space<hbm>> -> memref<16xf32, #tpu.memory_space<hbm>>
      %dma_wait3A_233 = arith.constant 0 : i32
      %dma_wait3A_234 = tpu.memref_slice %arg13[%dma_wait3A_223, %dma_wait3A_233] : memref<16x512xf32, #tpu.memory_space<vmem>> -> memref<1x512xf32, #tpu.memory_space<vmem>>
      %dma_wait3A_235 = tpu.memref_squeeze %dma_wait3A_234 : memref<1x512xf32, #tpu.memory_space<vmem>> -> memref<512xf32, #tpu.memory_space<vmem>>
      %dma_wait3A_236 = tpu.memref_slice %dma_wait3A_235[%mul3A_22] : memref<512xf32, #tpu.memory_space<vmem>> -> memref<16xf32, #tpu.memory_space<vmem>>
      %dma_wait3A_237 = arith.constant 0 : i32
      %dma_wait3A_238 = tpu.memref_slice %arg5[%dma_wait3A_222, %dma_wait3A_237] : memref<2x8000512xf32, #tpu.memory_space<hbm>> -> memref<1x8000512xf32, #tpu.memory_space<hbm>>
      %dma_wait3A_239 = tpu.memref_squeeze %dma_wait3A_238 : memref<1x8000512xf32, #tpu.memory_space<hbm>> -> memref<8000512xf32, #tpu.memory_space<hbm>>
      %dma_wait3A_240 = arith.constant 0 : i32
      %dma_wait3A_241 = tpu.memref_slice %dma_wait3A_239[%dma_wait3A_240] : memref<8000512xf32, #tpu.memory_space<hbm>> -> memref<16xf32, #tpu.memory_space<hbm>>
      tpu.wait_dma2 semaphore(%arg17 : memref<!tpu.dma_semaphore, #tpu.memory_space<semaphore_mem>>) src(%dma_wait3A_241 : memref<16xf32, #tpu.memory_space<hbm>>) dst(%dma_wait3A_236 : memref<16xf32, #tpu.memory_space<vmem>>)
      %dma_wait3A_242 = arith.constant 0 : i32
      %dma_wait3A_243 = arith.constant 2 : i32
      %dma_wait3A_244 = arith.constant 0 : i32
      %dma_wait3A_245 = tpu.memref_slice %arg14[%dma_wait3A_243, %dma_wait3A_244] : memref<16x512xf32, #tpu.memory_space<vmem>> -> memref<1x512xf32, #tpu.memory_space<vmem>>
      %dma_wait3A_246 = tpu.memref_squeeze %dma_wait3A_245 : memref<1x512xf32, #tpu.memory_space<vmem>> -> memref<512xf32, #tpu.memory_space<vmem>>
      %dma_wait3A_247 = tpu.memref_slice %dma_wait3A_246[%mul3A_22] : memref<512xf32, #tpu.memory_space<vmem>> -> memref<16xf32, #tpu.memory_space<vmem>>
      %dma_wait3A_248 = arith.constant 0 : i32
      %dma_wait3A_249 = tpu.memref_slice %arg6[%dma_wait3A_242, %dma_wait3A_248] : memref<2x8000512xf32, #tpu.memory_space<hbm>> -> memref<1x8000512xf32, #tpu.memory_space<hbm>>
      %dma_wait3A_250 = tpu.memref_squeeze %dma_wait3A_249 : memref<1x8000512xf32, #tpu.memory_space<hbm>> -> memref<8000512xf32, #tpu.memory_space<hbm>>
      %dma_wait3A_251 = arith.constant 0 : i32
      %dma_wait3A_252 = tpu.memref_slice %dma_wait3A_250[%dma_wait3A_251] : memref<8000512xf32, #tpu.memory_space<hbm>> -> memref<16xf32, #tpu.memory_space<hbm>>
      %dma_wait3A_253 = arith.constant 0 : i32
      %dma_wait3A_254 = tpu.memref_slice %arg14[%dma_wait3A_243, %dma_wait3A_253] : memref<16x512xf32, #tpu.memory_space<vmem>> -> memref<1x512xf32, #tpu.memory_space<vmem>>
      %dma_wait3A_255 = tpu.memref_squeeze %dma_wait3A_254 : memref<1x512xf32, #tpu.memory_space<vmem>> -> memref<512xf32, #tpu.memory_space<vmem>>
      %dma_wait3A_256 = tpu.memref_slice %dma_wait3A_255[%mul3A_22] : memref<512xf32, #tpu.memory_space<vmem>> -> memref<16xf32, #tpu.memory_space<vmem>>
      %dma_wait3A_257 = arith.constant 0 : i32
      %dma_wait3A_258 = tpu.memref_slice %arg6[%dma_wait3A_242, %dma_wait3A_257] : memref<2x8000512xf32, #tpu.memory_space<hbm>> -> memref<1x8000512xf32, #tpu.memory_space<hbm>>
      %dma_wait3A_259 = tpu.memref_squeeze %dma_wait3A_258 : memref<1x8000512xf32, #tpu.memory_space<hbm>> -> memref<8000512xf32, #tpu.memory_space<hbm>>
      %dma_wait3A_260 = arith.constant 0 : i32
      %dma_wait3A_261 = tpu.memref_slice %dma_wait3A_259[%dma_wait3A_260] : memref<8000512xf32, #tpu.memory_space<hbm>> -> memref<16xf32, #tpu.memory_space<hbm>>
      tpu.wait_dma2 semaphore(%arg17 : memref<!tpu.dma_semaphore, #tpu.memory_space<semaphore_mem>>) src(%dma_wait3A_261 : memref<16xf32, #tpu.memory_space<hbm>>) dst(%dma_wait3A_256 : memref<16xf32, #tpu.memory_space<vmem>>)
      %dma_wait3A_262 = arith.constant 0 : i32
      %dma_wait3A_263 = arith.constant 3 : i32
      %dma_wait3A_264 = arith.constant 0 : i32
      %dma_wait3A_265 = tpu.memref_slice %arg11[%dma_wait3A_263, %dma_wait3A_264] : memref<16x512xf32, #tpu.memory_space<vmem>> -> memref<1x512xf32, #tpu.memory_space<vmem>>
      %dma_wait3A_266 = tpu.memref_squeeze %dma_wait3A_265 : memref<1x512xf32, #tpu.memory_space<vmem>> -> memref<512xf32, #tpu.memory_space<vmem>>
      %dma_wait3A_267 = tpu.memref_slice %dma_wait3A_266[%mul3A_22] : memref<512xf32, #tpu.memory_space<vmem>> -> memref<16xf32, #tpu.memory_space<vmem>>
      %dma_wait3A_268 = arith.constant 0 : i32
      %dma_wait3A_269 = tpu.memref_slice %arg4[%dma_wait3A_262, %dma_wait3A_268] : memref<2x8000512xf32, #tpu.memory_space<hbm>> -> memref<1x8000512xf32, #tpu.memory_space<hbm>>
      %dma_wait3A_270 = tpu.memref_squeeze %dma_wait3A_269 : memref<1x8000512xf32, #tpu.memory_space<hbm>> -> memref<8000512xf32, #tpu.memory_space<hbm>>
      %dma_wait3A_271 = arith.constant 0 : i32
      %dma_wait3A_272 = tpu.memref_slice %dma_wait3A_270[%dma_wait3A_271] : memref<8000512xf32, #tpu.memory_space<hbm>> -> memref<16xf32, #tpu.memory_space<hbm>>
      %dma_wait3A_273 = arith.constant 0 : i32
      %dma_wait3A_274 = tpu.memref_slice %arg11[%dma_wait3A_263, %dma_wait3A_273] : memref<16x512xf32, #tpu.memory_space<vmem>> -> memref<1x512xf32, #tpu.memory_space<vmem>>
      %dma_wait3A_275 = tpu.memref_squeeze %dma_wait3A_274 : memref<1x512xf32, #tpu.memory_space<vmem>> -> memref<512xf32, #tpu.memory_space<vmem>>
      %dma_wait3A_276 = tpu.memref_slice %dma_wait3A_275[%mul3A_22] : memref<512xf32, #tpu.memory_space<vmem>> -> memref<16xf32, #tpu.memory_space<vmem>>
      %dma_wait3A_277 = arith.constant 0 : i32
      %dma_wait3A_278 = tpu.memref_slice %arg4[%dma_wait3A_262, %dma_wait3A_277] : memref<2x8000512xf32, #tpu.memory_space<hbm>> -> memref<1x8000512xf32, #tpu.memory_space<hbm>>
      %dma_wait3A_279 = tpu.memref_squeeze %dma_wait3A_278 : memref<1x8000512xf32, #tpu.memory_space<hbm>> -> memref<8000512xf32, #tpu.memory_space<hbm>>
      %dma_wait3A_280 = arith.constant 0 : i32
      %dma_wait3A_281 = tpu.memref_slice %dma_wait3A_279[%dma_wait3A_280] : memref<8000512xf32, #tpu.memory_space<hbm>> -> memref<16xf32, #tpu.memory_space<hbm>>
      tpu.wait_dma2 semaphore(%arg17 : memref<!tpu.dma_semaphore, #tpu.memory_space<semaphore_mem>>) src(%dma_wait3A_281 : memref<16xf32, #tpu.memory_space<hbm>>) dst(%dma_wait3A_276 : memref<16xf32, #tpu.memory_space<vmem>>)
      %dma_wait3A_282 = arith.constant 0 : i32
      %dma_wait3A_283 = arith.constant 3 : i32
      %dma_wait3A_284 = arith.constant 0 : i32
      %dma_wait3A_285 = tpu.memref_slice %arg12[%dma_wait3A_283, %dma_wait3A_284] : memref<16x512xf32, #tpu.memory_space<vmem>> -> memref<1x512xf32, #tpu.memory_space<vmem>>
      %dma_wait3A_286 = tpu.memref_squeeze %dma_wait3A_285 : memref<1x512xf32, #tpu.memory_space<vmem>> -> memref<512xf32, #tpu.memory_space<vmem>>
      %dma_wait3A_287 = tpu.memref_slice %dma_wait3A_286[%mul3A_22] : memref<512xf32, #tpu.memory_space<vmem>> -> memref<16xf32, #tpu.memory_space<vmem>>
      %dma_wait3A_288 = arith.constant 0 : i32
      %dma_wait3A_289 = tpu.memref_slice %arg4[%dma_wait3A_282, %dma_wait3A_288] : memref<2x8000512xf32, #tpu.memory_space<hbm>> -> memref<1x8000512xf32, #tpu.memory_space<hbm>>
      %dma_wait3A_290 = tpu.memref_squeeze %dma_wait3A_289 : memref<1x8000512xf32, #tpu.memory_space<hbm>> -> memref<8000512xf32, #tpu.memory_space<hbm>>
      %dma_wait3A_291 = arith.constant 0 : i32
      %dma_wait3A_292 = tpu.memref_slice %dma_wait3A_290[%dma_wait3A_291] : memref<8000512xf32, #tpu.memory_space<hbm>> -> memref<16xf32, #tpu.memory_space<hbm>>
      %dma_wait3A_293 = arith.constant 0 : i32
      %dma_wait3A_294 = tpu.memref_slice %arg12[%dma_wait3A_283, %dma_wait3A_293] : memref<16x512xf32, #tpu.memory_space<vmem>> -> memref<1x512xf32, #tpu.memory_space<vmem>>
      %dma_wait3A_295 = tpu.memref_squeeze %dma_wait3A_294 : memref<1x512xf32, #tpu.memory_space<vmem>> -> memref<512xf32, #tpu.memory_space<vmem>>
      %dma_wait3A_296 = tpu.memref_slice %dma_wait3A_295[%mul3A_22] : memref<512xf32, #tpu.memory_space<vmem>> -> memref<16xf32, #tpu.memory_space<vmem>>
      %dma_wait3A_297 = arith.constant 0 : i32
      %dma_wait3A_298 = tpu.memref_slice %arg4[%dma_wait3A_282, %dma_wait3A_297] : memref<2x8000512xf32, #tpu.memory_space<hbm>> -> memref<1x8000512xf32, #tpu.memory_space<hbm>>
      %dma_wait3A_299 = tpu.memref_squeeze %dma_wait3A_298 : memref<1x8000512xf32, #tpu.memory_space<hbm>> -> memref<8000512xf32, #tpu.memory_space<hbm>>
      %dma_wait3A_300 = arith.constant 0 : i32
      %dma_wait3A_301 = tpu.memref_slice %dma_wait3A_299[%dma_wait3A_300] : memref<8000512xf32, #tpu.memory_space<hbm>> -> memref<16xf32, #tpu.memory_space<hbm>>
      tpu.wait_dma2 semaphore(%arg17 : memref<!tpu.dma_semaphore, #tpu.memory_space<semaphore_mem>>) src(%dma_wait3A_301 : memref<16xf32, #tpu.memory_space<hbm>>) dst(%dma_wait3A_296 : memref<16xf32, #tpu.memory_space<vmem>>)
      %dma_wait3A_302 = arith.constant 0 : i32
      %dma_wait3A_303 = arith.constant 3 : i32
      %dma_wait3A_304 = arith.constant 0 : i32
      %dma_wait3A_305 = tpu.memref_slice %arg13[%dma_wait3A_303, %dma_wait3A_304] : memref<16x512xf32, #tpu.memory_space<vmem>> -> memref<1x512xf32, #tpu.memory_space<vmem>>
      %dma_wait3A_306 = tpu.memref_squeeze %dma_wait3A_305 : memref<1x512xf32, #tpu.memory_space<vmem>> -> memref<512xf32, #tpu.memory_space<vmem>>
      %dma_wait3A_307 = tpu.memref_slice %dma_wait3A_306[%mul3A_22] : memref<512xf32, #tpu.memory_space<vmem>> -> memref<16xf32, #tpu.memory_space<vmem>>
      %dma_wait3A_308 = arith.constant 0 : i32
      %dma_wait3A_309 = tpu.memref_slice %arg5[%dma_wait3A_302, %dma_wait3A_308] : memref<2x8000512xf32, #tpu.memory_space<hbm>> -> memref<1x8000512xf32, #tpu.memory_space<hbm>>
      %dma_wait3A_310 = tpu.memref_squeeze %dma_wait3A_309 : memref<1x8000512xf32, #tpu.memory_space<hbm>> -> memref<8000512xf32, #tpu.memory_space<hbm>>
      %dma_wait3A_311 = arith.constant 0 : i32
      %dma_wait3A_312 = tpu.memref_slice %dma_wait3A_310[%dma_wait3A_311] : memref<8000512xf32, #tpu.memory_space<hbm>> -> memref<16xf32, #tpu.memory_space<hbm>>
      %dma_wait3A_313 = arith.constant 0 : i32
      %dma_wait3A_314 = tpu.memref_slice %arg13[%dma_wait3A_303, %dma_wait3A_313] : memref<16x512xf32, #tpu.memory_space<vmem>> -> memref<1x512xf32, #tpu.memory_space<vmem>>
      %dma_wait3A_315 = tpu.memref_squeeze %dma_wait3A_314 : memref<1x512xf32, #tpu.memory_space<vmem>> -> memref<512xf32, #tpu.memory_space<vmem>>
      %dma_wait3A_316 = tpu.memref_slice %dma_wait3A_315[%mul3A_22] : memref<512xf32, #tpu.memory_space<vmem>> -> memref<16xf32, #tpu.memory_space<vmem>>
      %dma_wait3A_317 = arith.constant 0 : i32
      %dma_wait3A_318 = tpu.memref_slice %arg5[%dma_wait3A_302, %dma_wait3A_317] : memref<2x8000512xf32, #tpu.memory_space<hbm>> -> memref<1x8000512xf32, #tpu.memory_space<hbm>>
      %dma_wait3A_319 = tpu.memref_squeeze %dma_wait3A_318 : memref<1x8000512xf32, #tpu.memory_space<hbm>> -> memref<8000512xf32, #tpu.memory_space<hbm>>
      %dma_wait3A_320 = arith.constant 0 : i32
      %dma_wait3A_321 = tpu.memref_slice %dma_wait3A_319[%dma_wait3A_320] : memref<8000512xf32, #tpu.memory_space<hbm>> -> memref<16xf32, #tpu.memory_space<hbm>>
      tpu.wait_dma2 semaphore(%arg17 : memref<!tpu.dma_semaphore, #tpu.memory_space<semaphore_mem>>) src(%dma_wait3A_321 : memref<16xf32, #tpu.memory_space<hbm>>) dst(%dma_wait3A_316 : memref<16xf32, #tpu.memory_space<vmem>>)
      %dma_wait3A_322 = arith.constant 0 : i32
      %dma_wait3A_323 = arith.constant 3 : i32
      %dma_wait3A_324 = arith.constant 0 : i32
      %dma_wait3A_325 = tpu.memref_slice %arg14[%dma_wait3A_323, %dma_wait3A_324] : memref<16x512xf32, #tpu.memory_space<vmem>> -> memref<1x512xf32, #tpu.memory_space<vmem>>
      %dma_wait3A_326 = tpu.memref_squeeze %dma_wait3A_325 : memref<1x512xf32, #tpu.memory_space<vmem>> -> memref<512xf32, #tpu.memory_space<vmem>>
      %dma_wait3A_327 = tpu.memref_slice %dma_wait3A_326[%mul3A_22] : memref<512xf32, #tpu.memory_space<vmem>> -> memref<16xf32, #tpu.memory_space<vmem>>
      %dma_wait3A_328 = arith.constant 0 : i32
      %dma_wait3A_329 = tpu.memref_slice %arg6[%dma_wait3A_322, %dma_wait3A_328] : memref<2x8000512xf32, #tpu.memory_space<hbm>> -> memref<1x8000512xf32, #tpu.memory_space<hbm>>
      %dma_wait3A_330 = tpu.memref_squeeze %dma_wait3A_329 : memref<1x8000512xf32, #tpu.memory_space<hbm>> -> memref<8000512xf32, #tpu.memory_space<hbm>>
      %dma_wait3A_331 = arith.constant 0 : i32
      %dma_wait3A_332 = tpu.memref_slice %dma_wait3A_330[%dma_wait3A_331] : memref<8000512xf32, #tpu.memory_space<hbm>> -> memref<16xf32, #tpu.memory_space<hbm>>
      %dma_wait3A_333 = arith.constant 0 : i32
      %dma_wait3A_334 = tpu.memref_slice %arg14[%dma_wait3A_323, %dma_wait3A_333] : memref<16x512xf32, #tpu.memory_space<vmem>> -> memref<1x512xf32, #tpu.memory_space<vmem>>
      %dma_wait3A_335 = tpu.memref_squeeze %dma_wait3A_334 : memref<1x512xf32, #tpu.memory_space<vmem>> -> memref<512xf32, #tpu.memory_space<vmem>>
      %dma_wait3A_336 = tpu.memref_slice %dma_wait3A_335[%mul3A_22] : memref<512xf32, #tpu.memory_space<vmem>> -> memref<16xf32, #tpu.memory_space<vmem>>
      %dma_wait3A_337 = arith.constant 0 : i32
      %dma_wait3A_338 = tpu.memref_slice %arg6[%dma_wait3A_322, %dma_wait3A_337] : memref<2x8000512xf32, #tpu.memory_space<hbm>> -> memref<1x8000512xf32, #tpu.memory_space<hbm>>
      %dma_wait3A_339 = tpu.memref_squeeze %dma_wait3A_338 : memref<1x8000512xf32, #tpu.memory_space<hbm>> -> memref<8000512xf32, #tpu.memory_space<hbm>>
      %dma_wait3A_340 = arith.constant 0 : i32
      %dma_wait3A_341 = tpu.memref_slice %dma_wait3A_339[%dma_wait3A_340] : memref<8000512xf32, #tpu.memory_space<hbm>> -> memref<16xf32, #tpu.memory_space<hbm>>
      tpu.wait_dma2 semaphore(%arg17 : memref<!tpu.dma_semaphore, #tpu.memory_space<semaphore_mem>>) src(%dma_wait3A_341 : memref<16xf32, #tpu.memory_space<hbm>>) dst(%dma_wait3A_336 : memref<16xf32, #tpu.memory_space<vmem>>)
      %dma_wait3A_342 = arith.constant 0 : i32
      %dma_wait3A_343 = arith.constant 4 : i32
      %dma_wait3A_344 = arith.constant 0 : i32
      %dma_wait3A_345 = tpu.memref_slice %arg11[%dma_wait3A_343, %dma_wait3A_344] : memref<16x512xf32, #tpu.memory_space<vmem>> -> memref<1x512xf32, #tpu.memory_space<vmem>>
      %dma_wait3A_346 = tpu.memref_squeeze %dma_wait3A_345 : memref<1x512xf32, #tpu.memory_space<vmem>> -> memref<512xf32, #tpu.memory_space<vmem>>
      %dma_wait3A_347 = tpu.memref_slice %dma_wait3A_346[%mul3A_22] : memref<512xf32, #tpu.memory_space<vmem>> -> memref<16xf32, #tpu.memory_space<vmem>>
      %dma_wait3A_348 = arith.constant 0 : i32
      %dma_wait3A_349 = tpu.memref_slice %arg4[%dma_wait3A_342, %dma_wait3A_348] : memref<2x8000512xf32, #tpu.memory_space<hbm>> -> memref<1x8000512xf32, #tpu.memory_space<hbm>>
      %dma_wait3A_350 = tpu.memref_squeeze %dma_wait3A_349 : memref<1x8000512xf32, #tpu.memory_space<hbm>> -> memref<8000512xf32, #tpu.memory_space<hbm>>
      %dma_wait3A_351 = arith.constant 0 : i32
      %dma_wait3A_352 = tpu.memref_slice %dma_wait3A_350[%dma_wait3A_351] : memref<8000512xf32, #tpu.memory_space<hbm>> -> memref<16xf32, #tpu.memory_space<hbm>>
      %dma_wait3A_353 = arith.constant 0 : i32
      %dma_wait3A_354 = tpu.memref_slice %arg11[%dma_wait3A_343, %dma_wait3A_353] : memref<16x512xf32, #tpu.memory_space<vmem>> -> memref<1x512xf32, #tpu.memory_space<vmem>>
      %dma_wait3A_355 = tpu.memref_squeeze %dma_wait3A_354 : memref<1x512xf32, #tpu.memory_space<vmem>> -> memref<512xf32, #tpu.memory_space<vmem>>
      %dma_wait3A_356 = tpu.memref_slice %dma_wait3A_355[%mul3A_22] : memref<512xf32, #tpu.memory_space<vmem>> -> memref<16xf32, #tpu.memory_space<vmem>>
      %dma_wait3A_357 = arith.constant 0 : i32
      %dma_wait3A_358 = tpu.memref_slice %arg4[%dma_wait3A_342, %dma_wait3A_357] : memref<2x8000512xf32, #tpu.memory_space<hbm>> -> memref<1x8000512xf32, #tpu.memory_space<hbm>>
      %dma_wait3A_359 = tpu.memref_squeeze %dma_wait3A_358 : memref<1x8000512xf32, #tpu.memory_space<hbm>> -> memref<8000512xf32, #tpu.memory_space<hbm>>
      %dma_wait3A_360 = arith.constant 0 : i32
      %dma_wait3A_361 = tpu.memref_slice %dma_wait3A_359[%dma_wait3A_360] : memref<8000512xf32, #tpu.memory_space<hbm>> -> memref<16xf32, #tpu.memory_space<hbm>>
      tpu.wait_dma2 semaphore(%arg17 : memref<!tpu.dma_semaphore, #tpu.memory_space<semaphore_mem>>) src(%dma_wait3A_361 : memref<16xf32, #tpu.memory_space<hbm>>) dst(%dma_wait3A_356 : memref<16xf32, #tpu.memory_space<vmem>>)
      %dma_wait3A_362 = arith.constant 0 : i32
      %dma_wait3A_363 = arith.constant 4 : i32
      %dma_wait3A_364 = arith.constant 0 : i32
      %dma_wait3A_365 = tpu.memref_slice %arg12[%dma_wait3A_363, %dma_wait3A_364] : memref<16x512xf32, #tpu.memory_space<vmem>> -> memref<1x512xf32, #tpu.memory_space<vmem>>
      %dma_wait3A_366 = tpu.memref_squeeze %dma_wait3A_365 : memref<1x512xf32, #tpu.memory_space<vmem>> -> memref<512xf32, #tpu.memory_space<vmem>>
      %dma_wait3A_367 = tpu.memref_slice %dma_wait3A_366[%mul3A_22] : memref<512xf32, #tpu.memory_space<vmem>> -> memref<16xf32, #tpu.memory_space<vmem>>
      %dma_wait3A_368 = arith.constant 0 : i32
      %dma_wait3A_369 = tpu.memref_slice %arg4[%dma_wait3A_362, %dma_wait3A_368] : memref<2x8000512xf32, #tpu.memory_space<hbm>> -> memref<1x8000512xf32, #tpu.memory_space<hbm>>
      %dma_wait3A_370 = tpu.memref_squeeze %dma_wait3A_369 : memref<1x8000512xf32, #tpu.memory_space<hbm>> -> memref<8000512xf32, #tpu.memory_space<hbm>>
      %dma_wait3A_371 = arith.constant 0 : i32
      %dma_wait3A_372 = tpu.memref_slice %dma_wait3A_370[%dma_wait3A_371] : memref<8000512xf32, #tpu.memory_space<hbm>> -> memref<16xf32, #tpu.memory_space<hbm>>
      %dma_wait3A_373 = arith.constant 0 : i32
      %dma_wait3A_374 = tpu.memref_slice %arg12[%dma_wait3A_363, %dma_wait3A_373] : memref<16x512xf32, #tpu.memory_space<vmem>> -> memref<1x512xf32, #tpu.memory_space<vmem>>
      %dma_wait3A_375 = tpu.memref_squeeze %dma_wait3A_374 : memref<1x512xf32, #tpu.memory_space<vmem>> -> memref<512xf32, #tpu.memory_space<vmem>>
      %dma_wait3A_376 = tpu.memref_slice %dma_wait3A_375[%mul3A_22] : memref<512xf32, #tpu.memory_space<vmem>> -> memref<16xf32, #tpu.memory_space<vmem>>
      %dma_wait3A_377 = arith.constant 0 : i32
      %dma_wait3A_378 = tpu.memref_slice %arg4[%dma_wait3A_362, %dma_wait3A_377] : memref<2x8000512xf32, #tpu.memory_space<hbm>> -> memref<1x8000512xf32, #tpu.memory_space<hbm>>
      %dma_wait3A_379 = tpu.memref_squeeze %dma_wait3A_378 : memref<1x8000512xf32, #tpu.memory_space<hbm>> -> memref<8000512xf32, #tpu.memory_space<hbm>>
      %dma_wait3A_380 = arith.constant 0 : i32
      %dma_wait3A_381 = tpu.memref_slice %dma_wait3A_379[%dma_wait3A_380] : memref<8000512xf32, #tpu.memory_space<hbm>> -> memref<16xf32, #tpu.memory_space<hbm>>
      tpu.wait_dma2 semaphore(%arg17 : memref<!tpu.dma_semaphore, #tpu.memory_space<semaphore_mem>>) src(%dma_wait3A_381 : memref<16xf32, #tpu.memory_space<hbm>>) dst(%dma_wait3A_376 : memref<16xf32, #tpu.memory_space<vmem>>)
      %dma_wait3A_382 = arith.constant 0 : i32
      %dma_wait3A_383 = arith.constant 4 : i32
      %dma_wait3A_384 = arith.constant 0 : i32
      %dma_wait3A_385 = tpu.memref_slice %arg13[%dma_wait3A_383, %dma_wait3A_384] : memref<16x512xf32, #tpu.memory_space<vmem>> -> memref<1x512xf32, #tpu.memory_space<vmem>>
      %dma_wait3A_386 = tpu.memref_squeeze %dma_wait3A_385 : memref<1x512xf32, #tpu.memory_space<vmem>> -> memref<512xf32, #tpu.memory_space<vmem>>
      %dma_wait3A_387 = tpu.memref_slice %dma_wait3A_386[%mul3A_22] : memref<512xf32, #tpu.memory_space<vmem>> -> memref<16xf32, #tpu.memory_space<vmem>>
      %dma_wait3A_388 = arith.constant 0 : i32
      %dma_wait3A_389 = tpu.memref_slice %arg5[%dma_wait3A_382, %dma_wait3A_388] : memref<2x8000512xf32, #tpu.memory_space<hbm>> -> memref<1x8000512xf32, #tpu.memory_space<hbm>>
      %dma_wait3A_390 = tpu.memref_squeeze %dma_wait3A_389 : memref<1x8000512xf32, #tpu.memory_space<hbm>> -> memref<8000512xf32, #tpu.memory_space<hbm>>
      %dma_wait3A_391 = arith.constant 0 : i32
      %dma_wait3A_392 = tpu.memref_slice %dma_wait3A_390[%dma_wait3A_391] : memref<8000512xf32, #tpu.memory_space<hbm>> -> memref<16xf32, #tpu.memory_space<hbm>>
      %dma_wait3A_393 = arith.constant 0 : i32
      %dma_wait3A_394 = tpu.memref_slice %arg13[%dma_wait3A_383, %dma_wait3A_393] : memref<16x512xf32, #tpu.memory_space<vmem>> -> memref<1x512xf32, #tpu.memory_space<vmem>>
      %dma_wait3A_395 = tpu.memref_squeeze %dma_wait3A_394 : memref<1x512xf32, #tpu.memory_space<vmem>> -> memref<512xf32, #tpu.memory_space<vmem>>
      %dma_wait3A_396 = tpu.memref_slice %dma_wait3A_395[%mul3A_22] : memref<512xf32, #tpu.memory_space<vmem>> -> memref<16xf32, #tpu.memory_space<vmem>>
      %dma_wait3A_397 = arith.constant 0 : i32
      %dma_wait3A_398 = tpu.memref_slice %arg5[%dma_wait3A_382, %dma_wait3A_397] : memref<2x8000512xf32, #tpu.memory_space<hbm>> -> memref<1x8000512xf32, #tpu.memory_space<hbm>>
      %dma_wait3A_399 = tpu.memref_squeeze %dma_wait3A_398 : memref<1x8000512xf32, #tpu.memory_space<hbm>> -> memref<8000512xf32, #tpu.memory_space<hbm>>
      %dma_wait3A_400 = arith.constant 0 : i32
      %dma_wait3A_401 = tpu.memref_slice %dma_wait3A_399[%dma_wait3A_400] : memref<8000512xf32, #tpu.memory_space<hbm>> -> memref<16xf32, #tpu.memory_space<hbm>>
      tpu.wait_dma2 semaphore(%arg17 : memref<!tpu.dma_semaphore, #tpu.memory_space<semaphore_mem>>) src(%dma_wait3A_401 : memref<16xf32, #tpu.memory_space<hbm>>) dst(%dma_wait3A_396 : memref<16xf32, #tpu.memory_space<vmem>>)
      %dma_wait3A_402 = arith.constant 0 : i32
      %dma_wait3A_403 = arith.constant 4 : i32
      %dma_wait3A_404 = arith.constant 0 : i32
      %dma_wait3A_405 = tpu.memref_slice %arg14[%dma_wait3A_403, %dma_wait3A_404] : memref<16x512xf32, #tpu.memory_space<vmem>> -> memref<1x512xf32, #tpu.memory_space<vmem>>
      %dma_wait3A_406 = tpu.memref_squeeze %dma_wait3A_405 : memref<1x512xf32, #tpu.memory_space<vmem>> -> memref<512xf32, #tpu.memory_space<vmem>>
      %dma_wait3A_407 = tpu.memref_slice %dma_wait3A_406[%mul3A_22] : memref<512xf32, #tpu.memory_space<vmem>> -> memref<16xf32, #tpu.memory_space<vmem>>
      %dma_wait3A_408 = arith.constant 0 : i32
      %dma_wait3A_409 = tpu.memref_slice %arg6[%dma_wait3A_402, %dma_wait3A_408] : memref<2x8000512xf32, #tpu.memory_space<hbm>> -> memref<1x8000512xf32, #tpu.memory_space<hbm>>
      %dma_wait3A_410 = tpu.memref_squeeze %dma_wait3A_409 : memref<1x8000512xf32, #tpu.memory_space<hbm>> -> memref<8000512xf32, #tpu.memory_space<hbm>>
      %dma_wait3A_411 = arith.constant 0 : i32
      %dma_wait3A_412 = tpu.memref_slice %dma_wait3A_410[%dma_wait3A_411] : memref<8000512xf32, #tpu.memory_space<hbm>> -> memref<16xf32, #tpu.memory_space<hbm>>
      %dma_wait3A_413 = arith.constant 0 : i32
      %dma_wait3A_414 = tpu.memref_slice %arg14[%dma_wait3A_403, %dma_wait3A_413] : memref<16x512xf32, #tpu.memory_space<vmem>> -> memref<1x512xf32, #tpu.memory_space<vmem>>
      %dma_wait3A_415 = tpu.memref_squeeze %dma_wait3A_414 : memref<1x512xf32, #tpu.memory_space<vmem>> -> memref<512xf32, #tpu.memory_space<vmem>>
      %dma_wait3A_416 = tpu.memref_slice %dma_wait3A_415[%mul3A_22] : memref<512xf32, #tpu.memory_space<vmem>> -> memref<16xf32, #tpu.memory_space<vmem>>
      %dma_wait3A_417 = arith.constant 0 : i32
      %dma_wait3A_418 = tpu.memref_slice %arg6[%dma_wait3A_402, %dma_wait3A_417] : memref<2x8000512xf32, #tpu.memory_space<hbm>> -> memref<1x8000512xf32, #tpu.memory_space<hbm>>
      %dma_wait3A_419 = tpu.memref_squeeze %dma_wait3A_418 : memref<1x8000512xf32, #tpu.memory_space<hbm>> -> memref<8000512xf32, #tpu.memory_space<hbm>>
      %dma_wait3A_420 = arith.constant 0 : i32
      %dma_wait3A_421 = tpu.memref_slice %dma_wait3A_419[%dma_wait3A_420] : memref<8000512xf32, #tpu.memory_space<hbm>> -> memref<16xf32, #tpu.memory_space<hbm>>
      tpu.wait_dma2 semaphore(%arg17 : memref<!tpu.dma_semaphore, #tpu.memory_space<semaphore_mem>>) src(%dma_wait3A_421 : memref<16xf32, #tpu.memory_space<hbm>>) dst(%dma_wait3A_416 : memref<16xf32, #tpu.memory_space<vmem>>)
      %dma_wait3A_422 = arith.constant 0 : i32
      %dma_wait3A_423 = arith.constant 5 : i32
      %dma_wait3A_424 = arith.constant 0 : i32
      %dma_wait3A_425 = tpu.memref_slice %arg11[%dma_wait3A_423, %dma_wait3A_424] : memref<16x512xf32, #tpu.memory_space<vmem>> -> memref<1x512xf32, #tpu.memory_space<vmem>>
      %dma_wait3A_426 = tpu.memref_squeeze %dma_wait3A_425 : memref<1x512xf32, #tpu.memory_space<vmem>> -> memref<512xf32, #tpu.memory_space<vmem>>
      %dma_wait3A_427 = tpu.memref_slice %dma_wait3A_426[%mul3A_22] : memref<512xf32, #tpu.memory_space<vmem>> -> memref<16xf32, #tpu.memory_space<vmem>>
      %dma_wait3A_428 = arith.constant 0 : i32
      %dma_wait3A_429 = tpu.memref_slice %arg4[%dma_wait3A_422, %dma_wait3A_428] : memref<2x8000512xf32, #tpu.memory_space<hbm>> -> memref<1x8000512xf32, #tpu.memory_space<hbm>>
      %dma_wait3A_430 = tpu.memref_squeeze %dma_wait3A_429 : memref<1x8000512xf32, #tpu.memory_space<hbm>> -> memref<8000512xf32, #tpu.memory_space<hbm>>
      %dma_wait3A_431 = arith.constant 0 : i32
      %dma_wait3A_432 = tpu.memref_slice %dma_wait3A_430[%dma_wait3A_431] : memref<8000512xf32, #tpu.memory_space<hbm>> -> memref<16xf32, #tpu.memory_space<hbm>>
      %dma_wait3A_433 = arith.constant 0 : i32
      %dma_wait3A_434 = tpu.memref_slice %arg11[%dma_wait3A_423, %dma_wait3A_433] : memref<16x512xf32, #tpu.memory_space<vmem>> -> memref<1x512xf32, #tpu.memory_space<vmem>>
      %dma_wait3A_435 = tpu.memref_squeeze %dma_wait3A_434 : memref<1x512xf32, #tpu.memory_space<vmem>> -> memref<512xf32, #tpu.memory_space<vmem>>
      %dma_wait3A_436 = tpu.memref_slice %dma_wait3A_435[%mul3A_22] : memref<512xf32, #tpu.memory_space<vmem>> -> memref<16xf32, #tpu.memory_space<vmem>>
      %dma_wait3A_437 = arith.constant 0 : i32
      %dma_wait3A_438 = tpu.memref_slice %arg4[%dma_wait3A_422, %dma_wait3A_437] : memref<2x8000512xf32, #tpu.memory_space<hbm>> -> memref<1x8000512xf32, #tpu.memory_space<hbm>>
      %dma_wait3A_439 = tpu.memref_squeeze %dma_wait3A_438 : memref<1x8000512xf32, #tpu.memory_space<hbm>> -> memref<8000512xf32, #tpu.memory_space<hbm>>
      %dma_wait3A_440 = arith.constant 0 : i32
      %dma_wait3A_441 = tpu.memref_slice %dma_wait3A_439[%dma_wait3A_440] : memref<8000512xf32, #tpu.memory_space<hbm>> -> memref<16xf32, #tpu.memory_space<hbm>>
      tpu.wait_dma2 semaphore(%arg17 : memref<!tpu.dma_semaphore, #tpu.memory_space<semaphore_mem>>) src(%dma_wait3A_441 : memref<16xf32, #tpu.memory_space<hbm>>) dst(%dma_wait3A_436 : memref<16xf32, #tpu.memory_space<vmem>>)
      %dma_wait3A_442 = arith.constant 0 : i32
      %dma_wait3A_443 = arith.constant 5 : i32
      %dma_wait3A_444 = arith.constant 0 : i32
      %dma_wait3A_445 = tpu.memref_slice %arg12[%dma_wait3A_443, %dma_wait3A_444] : memref<16x512xf32, #tpu.memory_space<vmem>> -> memref<1x512xf32, #tpu.memory_space<vmem>>
      %dma_wait3A_446 = tpu.memref_squeeze %dma_wait3A_445 : memref<1x512xf32, #tpu.memory_space<vmem>> -> memref<512xf32, #tpu.memory_space<vmem>>
      %dma_wait3A_447 = tpu.memref_slice %dma_wait3A_446[%mul3A_22] : memref<512xf32, #tpu.memory_space<vmem>> -> memref<16xf32, #tpu.memory_space<vmem>>
      %dma_wait3A_448 = arith.constant 0 : i32
      %dma_wait3A_449 = tpu.memref_slice %arg4[%dma_wait3A_442, %dma_wait3A_448] : memref<2x8000512xf32, #tpu.memory_space<hbm>> -> memref<1x8000512xf32, #tpu.memory_space<hbm>>
      %dma_wait3A_450 = tpu.memref_squeeze %dma_wait3A_449 : memref<1x8000512xf32, #tpu.memory_space<hbm>> -> memref<8000512xf32, #tpu.memory_space<hbm>>
      %dma_wait3A_451 = arith.constant 0 : i32
      %dma_wait3A_452 = tpu.memref_slice %dma_wait3A_450[%dma_wait3A_451] : memref<8000512xf32, #tpu.memory_space<hbm>> -> memref<16xf32, #tpu.memory_space<hbm>>
      %dma_wait3A_453 = arith.constant 0 : i32
      %dma_wait3A_454 = tpu.memref_slice %arg12[%dma_wait3A_443, %dma_wait3A_453] : memref<16x512xf32, #tpu.memory_space<vmem>> -> memref<1x512xf32, #tpu.memory_space<vmem>>
      %dma_wait3A_455 = tpu.memref_squeeze %dma_wait3A_454 : memref<1x512xf32, #tpu.memory_space<vmem>> -> memref<512xf32, #tpu.memory_space<vmem>>
      %dma_wait3A_456 = tpu.memref_slice %dma_wait3A_455[%mul3A_22] : memref<512xf32, #tpu.memory_space<vmem>> -> memref<16xf32, #tpu.memory_space<vmem>>
      %dma_wait3A_457 = arith.constant 0 : i32
      %dma_wait3A_458 = tpu.memref_slice %arg4[%dma_wait3A_442, %dma_wait3A_457] : memref<2x8000512xf32, #tpu.memory_space<hbm>> -> memref<1x8000512xf32, #tpu.memory_space<hbm>>
      %dma_wait3A_459 = tpu.memref_squeeze %dma_wait3A_458 : memref<1x8000512xf32, #tpu.memory_space<hbm>> -> memref<8000512xf32, #tpu.memory_space<hbm>>
      %dma_wait3A_460 = arith.constant 0 : i32
      %dma_wait3A_461 = tpu.memref_slice %dma_wait3A_459[%dma_wait3A_460] : memref<8000512xf32, #tpu.memory_space<hbm>> -> memref<16xf32, #tpu.memory_space<hbm>>
      tpu.wait_dma2 semaphore(%arg17 : memref<!tpu.dma_semaphore, #tpu.memory_space<semaphore_mem>>) src(%dma_wait3A_461 : memref<16xf32, #tpu.memory_space<hbm>>) dst(%dma_wait3A_456 : memref<16xf32, #tpu.memory_space<vmem>>)
      %dma_wait3A_462 = arith.constant 0 : i32
      %dma_wait3A_463 = arith.constant 5 : i32
      %dma_wait3A_464 = arith.constant 0 : i32
      %dma_wait3A_465 = tpu.memref_slice %arg13[%dma_wait3A_463, %dma_wait3A_464] : memref<16x512xf32, #tpu.memory_space<vmem>> -> memref<1x512xf32, #tpu.memory_space<vmem>>
      %dma_wait3A_466 = tpu.memref_squeeze %dma_wait3A_465 : memref<1x512xf32, #tpu.memory_space<vmem>> -> memref<512xf32, #tpu.memory_space<vmem>>
      %dma_wait3A_467 = tpu.memref_slice %dma_wait3A_466[%mul3A_22] : memref<512xf32, #tpu.memory_space<vmem>> -> memref<16xf32, #tpu.memory_space<vmem>>
      %dma_wait3A_468 = arith.constant 0 : i32
      %dma_wait3A_469 = tpu.memref_slice %arg5[%dma_wait3A_462, %dma_wait3A_468] : memref<2x8000512xf32, #tpu.memory_space<hbm>> -> memref<1x8000512xf32, #tpu.memory_space<hbm>>
      %dma_wait3A_470 = tpu.memref_squeeze %dma_wait3A_469 : memref<1x8000512xf32, #tpu.memory_space<hbm>> -> memref<8000512xf32, #tpu.memory_space<hbm>>
      %dma_wait3A_471 = arith.constant 0 : i32
      %dma_wait3A_472 = tpu.memref_slice %dma_wait3A_470[%dma_wait3A_471] : memref<8000512xf32, #tpu.memory_space<hbm>> -> memref<16xf32, #tpu.memory_space<hbm>>
      %dma_wait3A_473 = arith.constant 0 : i32
      %dma_wait3A_474 = tpu.memref_slice %arg13[%dma_wait3A_463, %dma_wait3A_473] : memref<16x512xf32, #tpu.memory_space<vmem>> -> memref<1x512xf32, #tpu.memory_space<vmem>>
      %dma_wait3A_475 = tpu.memref_squeeze %dma_wait3A_474 : memref<1x512xf32, #tpu.memory_space<vmem>> -> memref<512xf32, #tpu.memory_space<vmem>>
      %dma_wait3A_476 = tpu.memref_slice %dma_wait3A_475[%mul3A_22] : memref<512xf32, #tpu.memory_space<vmem>> -> memref<16xf32, #tpu.memory_space<vmem>>
      %dma_wait3A_477 = arith.constant 0 : i32
      %dma_wait3A_478 = tpu.memref_slice %arg5[%dma_wait3A_462, %dma_wait3A_477] : memref<2x8000512xf32, #tpu.memory_space<hbm>> -> memref<1x8000512xf32, #tpu.memory_space<hbm>>
      %dma_wait3A_479 = tpu.memref_squeeze %dma_wait3A_478 : memref<1x8000512xf32, #tpu.memory_space<hbm>> -> memref<8000512xf32, #tpu.memory_space<hbm>>
      %dma_wait3A_480 = arith.constant 0 : i32
      %dma_wait3A_481 = tpu.memref_slice %dma_wait3A_479[%dma_wait3A_480] : memref<8000512xf32, #tpu.memory_space<hbm>> -> memref<16xf32, #tpu.memory_space<hbm>>
      tpu.wait_dma2 semaphore(%arg17 : memref<!tpu.dma_semaphore, #tpu.memory_space<semaphore_mem>>) src(%dma_wait3A_481 : memref<16xf32, #tpu.memory_space<hbm>>) dst(%dma_wait3A_476 : memref<16xf32, #tpu.memory_space<vmem>>)
      %dma_wait3A_482 = arith.constant 0 : i32
      %dma_wait3A_483 = arith.constant 5 : i32
      %dma_wait3A_484 = arith.constant 0 : i32
      %dma_wait3A_485 = tpu.memref_slice %arg14[%dma_wait3A_483, %dma_wait3A_484] : memref<16x512xf32, #tpu.memory_space<vmem>> -> memref<1x512xf32, #tpu.memory_space<vmem>>
      %dma_wait3A_486 = tpu.memref_squeeze %dma_wait3A_485 : memref<1x512xf32, #tpu.memory_space<vmem>> -> memref<512xf32, #tpu.memory_space<vmem>>
      %dma_wait3A_487 = tpu.memref_slice %dma_wait3A_486[%mul3A_22] : memref<512xf32, #tpu.memory_space<vmem>> -> memref<16xf32, #tpu.memory_space<vmem>>
      %dma_wait3A_488 = arith.constant 0 : i32
      %dma_wait3A_489 = tpu.memref_slice %arg6[%dma_wait3A_482, %dma_wait3A_488] : memref<2x8000512xf32, #tpu.memory_space<hbm>> -> memref<1x8000512xf32, #tpu.memory_space<hbm>>
      %dma_wait3A_490 = tpu.memref_squeeze %dma_wait3A_489 : memref<1x8000512xf32, #tpu.memory_space<hbm>> -> memref<8000512xf32, #tpu.memory_space<hbm>>
      %dma_wait3A_491 = arith.constant 0 : i32
      %dma_wait3A_492 = tpu.memref_slice %dma_wait3A_490[%dma_wait3A_491] : memref<8000512xf32, #tpu.memory_space<hbm>> -> memref<16xf32, #tpu.memory_space<hbm>>
      %dma_wait3A_493 = arith.constant 0 : i32
      %dma_wait3A_494 = tpu.memref_slice %arg14[%dma_wait3A_483, %dma_wait3A_493] : memref<16x512xf32, #tpu.memory_space<vmem>> -> memref<1x512xf32, #tpu.memory_space<vmem>>
      %dma_wait3A_495 = tpu.memref_squeeze %dma_wait3A_494 : memref<1x512xf32, #tpu.memory_space<vmem>> -> memref<512xf32, #tpu.memory_space<vmem>>
      %dma_wait3A_496 = tpu.memref_slice %dma_wait3A_495[%mul3A_22] : memref<512xf32, #tpu.memory_space<vmem>> -> memref<16xf32, #tpu.memory_space<vmem>>
      %dma_wait3A_497 = arith.constant 0 : i32
      %dma_wait3A_498 = tpu.memref_slice %arg6[%dma_wait3A_482, %dma_wait3A_497] : memref<2x8000512xf32, #tpu.memory_space<hbm>> -> memref<1x8000512xf32, #tpu.memory_space<hbm>>
      %dma_wait3A_499 = tpu.memref_squeeze %dma_wait3A_498 : memref<1x8000512xf32, #tpu.memory_space<hbm>> -> memref<8000512xf32, #tpu.memory_space<hbm>>
      %dma_wait3A_500 = arith.constant 0 : i32
      %dma_wait3A_501 = tpu.memref_slice %dma_wait3A_499[%dma_wait3A_500] : memref<8000512xf32, #tpu.memory_space<hbm>> -> memref<16xf32, #tpu.memory_space<hbm>>
      tpu.wait_dma2 semaphore(%arg17 : memref<!tpu.dma_semaphore, #tpu.memory_space<semaphore_mem>>) src(%dma_wait3A_501 : memref<16xf32, #tpu.memory_space<hbm>>) dst(%dma_wait3A_496 : memref<16xf32, #tpu.memory_space<vmem>>)
      %dma_wait3A_502 = arith.constant 0 : i32
      %dma_wait3A_503 = arith.constant 6 : i32
      %dma_wait3A_504 = arith.constant 0 : i32
      %dma_wait3A_505 = tpu.memref_slice %arg11[%dma_wait3A_503, %dma_wait3A_504] : memref<16x512xf32, #tpu.memory_space<vmem>> -> memref<1x512xf32, #tpu.memory_space<vmem>>
      %dma_wait3A_506 = tpu.memref_squeeze %dma_wait3A_505 : memref<1x512xf32, #tpu.memory_space<vmem>> -> memref<512xf32, #tpu.memory_space<vmem>>
      %dma_wait3A_507 = tpu.memref_slice %dma_wait3A_506[%mul3A_22] : memref<512xf32, #tpu.memory_space<vmem>> -> memref<16xf32, #tpu.memory_space<vmem>>
      %dma_wait3A_508 = arith.constant 0 : i32
      %dma_wait3A_509 = tpu.memref_slice %arg4[%dma_wait3A_502, %dma_wait3A_508] : memref<2x8000512xf32, #tpu.memory_space<hbm>> -> memref<1x8000512xf32, #tpu.memory_space<hbm>>
      %dma_wait3A_510 = tpu.memref_squeeze %dma_wait3A_509 : memref<1x8000512xf32, #tpu.memory_space<hbm>> -> memref<8000512xf32, #tpu.memory_space<hbm>>
      %dma_wait3A_511 = arith.constant 0 : i32
      %dma_wait3A_512 = tpu.memref_slice %dma_wait3A_510[%dma_wait3A_511] : memref<8000512xf32, #tpu.memory_space<hbm>> -> memref<16xf32, #tpu.memory_space<hbm>>
      %dma_wait3A_513 = arith.constant 0 : i32
      %dma_wait3A_514 = tpu.memref_slice %arg11[%dma_wait3A_503, %dma_wait3A_513] : memref<16x512xf32, #tpu.memory_space<vmem>> -> memref<1x512xf32, #tpu.memory_space<vmem>>
      %dma_wait3A_515 = tpu.memref_squeeze %dma_wait3A_514 : memref<1x512xf32, #tpu.memory_space<vmem>> -> memref<512xf32, #tpu.memory_space<vmem>>
      %dma_wait3A_516 = tpu.memref_slice %dma_wait3A_515[%mul3A_22] : memref<512xf32, #tpu.memory_space<vmem>> -> memref<16xf32, #tpu.memory_space<vmem>>
      %dma_wait3A_517 = arith.constant 0 : i32
      %dma_wait3A_518 = tpu.memref_slice %arg4[%dma_wait3A_502, %dma_wait3A_517] : memref<2x8000512xf32, #tpu.memory_space<hbm>> -> memref<1x8000512xf32, #tpu.memory_space<hbm>>
      %dma_wait3A_519 = tpu.memref_squeeze %dma_wait3A_518 : memref<1x8000512xf32, #tpu.memory_space<hbm>> -> memref<8000512xf32, #tpu.memory_space<hbm>>
      %dma_wait3A_520 = arith.constant 0 : i32
      %dma_wait3A_521 = tpu.memref_slice %dma_wait3A_519[%dma_wait3A_520] : memref<8000512xf32, #tpu.memory_space<hbm>> -> memref<16xf32, #tpu.memory_space<hbm>>
      tpu.wait_dma2 semaphore(%arg17 : memref<!tpu.dma_semaphore, #tpu.memory_space<semaphore_mem>>) src(%dma_wait3A_521 : memref<16xf32, #tpu.memory_space<hbm>>) dst(%dma_wait3A_516 : memref<16xf32, #tpu.memory_space<vmem>>)
      %dma_wait3A_522 = arith.constant 0 : i32
      %dma_wait3A_523 = arith.constant 6 : i32
      %dma_wait3A_524 = arith.constant 0 : i32
      %dma_wait3A_525 = tpu.memref_slice %arg12[%dma_wait3A_523, %dma_wait3A_524] : memref<16x512xf32, #tpu.memory_space<vmem>> -> memref<1x512xf32, #tpu.memory_space<vmem>>
      %dma_wait3A_526 = tpu.memref_squeeze %dma_wait3A_525 : memref<1x512xf32, #tpu.memory_space<vmem>> -> memref<512xf32, #tpu.memory_space<vmem>>
      %dma_wait3A_527 = tpu.memref_slice %dma_wait3A_526[%mul3A_22] : memref<512xf32, #tpu.memory_space<vmem>> -> memref<16xf32, #tpu.memory_space<vmem>>
      %dma_wait3A_528 = arith.constant 0 : i32
      %dma_wait3A_529 = tpu.memref_slice %arg4[%dma_wait3A_522, %dma_wait3A_528] : memref<2x8000512xf32, #tpu.memory_space<hbm>> -> memref<1x8000512xf32, #tpu.memory_space<hbm>>
      %dma_wait3A_530 = tpu.memref_squeeze %dma_wait3A_529 : memref<1x8000512xf32, #tpu.memory_space<hbm>> -> memref<8000512xf32, #tpu.memory_space<hbm>>
      %dma_wait3A_531 = arith.constant 0 : i32
      %dma_wait3A_532 = tpu.memref_slice %dma_wait3A_530[%dma_wait3A_531] : memref<8000512xf32, #tpu.memory_space<hbm>> -> memref<16xf32, #tpu.memory_space<hbm>>
      %dma_wait3A_533 = arith.constant 0 : i32
      %dma_wait3A_534 = tpu.memref_slice %arg12[%dma_wait3A_523, %dma_wait3A_533] : memref<16x512xf32, #tpu.memory_space<vmem>> -> memref<1x512xf32, #tpu.memory_space<vmem>>
      %dma_wait3A_535 = tpu.memref_squeeze %dma_wait3A_534 : memref<1x512xf32, #tpu.memory_space<vmem>> -> memref<512xf32, #tpu.memory_space<vmem>>
      %dma_wait3A_536 = tpu.memref_slice %dma_wait3A_535[%mul3A_22] : memref<512xf32, #tpu.memory_space<vmem>> -> memref<16xf32, #tpu.memory_space<vmem>>
      %dma_wait3A_537 = arith.constant 0 : i32
      %dma_wait3A_538 = tpu.memref_slice %arg4[%dma_wait3A_522, %dma_wait3A_537] : memref<2x8000512xf32, #tpu.memory_space<hbm>> -> memref<1x8000512xf32, #tpu.memory_space<hbm>>
      %dma_wait3A_539 = tpu.memref_squeeze %dma_wait3A_538 : memref<1x8000512xf32, #tpu.memory_space<hbm>> -> memref<8000512xf32, #tpu.memory_space<hbm>>
      %dma_wait3A_540 = arith.constant 0 : i32
      %dma_wait3A_541 = tpu.memref_slice %dma_wait3A_539[%dma_wait3A_540] : memref<8000512xf32, #tpu.memory_space<hbm>> -> memref<16xf32, #tpu.memory_space<hbm>>
      tpu.wait_dma2 semaphore(%arg17 : memref<!tpu.dma_semaphore, #tpu.memory_space<semaphore_mem>>) src(%dma_wait3A_541 : memref<16xf32, #tpu.memory_space<hbm>>) dst(%dma_wait3A_536 : memref<16xf32, #tpu.memory_space<vmem>>)
      %dma_wait3A_542 = arith.constant 0 : i32
      %dma_wait3A_543 = arith.constant 6 : i32
      %dma_wait3A_544 = arith.constant 0 : i32
      %dma_wait3A_545 = tpu.memref_slice %arg13[%dma_wait3A_543, %dma_wait3A_544] : memref<16x512xf32, #tpu.memory_space<vmem>> -> memref<1x512xf32, #tpu.memory_space<vmem>>
      %dma_wait3A_546 = tpu.memref_squeeze %dma_wait3A_545 : memref<1x512xf32, #tpu.memory_space<vmem>> -> memref<512xf32, #tpu.memory_space<vmem>>
      %dma_wait3A_547 = tpu.memref_slice %dma_wait3A_546[%mul3A_22] : memref<512xf32, #tpu.memory_space<vmem>> -> memref<16xf32, #tpu.memory_space<vmem>>
      %dma_wait3A_548 = arith.constant 0 : i32
      %dma_wait3A_549 = tpu.memref_slice %arg5[%dma_wait3A_542, %dma_wait3A_548] : memref<2x8000512xf32, #tpu.memory_space<hbm>> -> memref<1x8000512xf32, #tpu.memory_space<hbm>>
      %dma_wait3A_550 = tpu.memref_squeeze %dma_wait3A_549 : memref<1x8000512xf32, #tpu.memory_space<hbm>> -> memref<8000512xf32, #tpu.memory_space<hbm>>
      %dma_wait3A_551 = arith.constant 0 : i32
      %dma_wait3A_552 = tpu.memref_slice %dma_wait3A_550[%dma_wait3A_551] : memref<8000512xf32, #tpu.memory_space<hbm>> -> memref<16xf32, #tpu.memory_space<hbm>>
      %dma_wait3A_553 = arith.constant 0 : i32
      %dma_wait3A_554 = tpu.memref_slice %arg13[%dma_wait3A_543, %dma_wait3A_553] : memref<16x512xf32, #tpu.memory_space<vmem>> -> memref<1x512xf32, #tpu.memory_space<vmem>>
      %dma_wait3A_555 = tpu.memref_squeeze %dma_wait3A_554 : memref<1x512xf32, #tpu.memory_space<vmem>> -> memref<512xf32, #tpu.memory_space<vmem>>
      %dma_wait3A_556 = tpu.memref_slice %dma_wait3A_555[%mul3A_22] : memref<512xf32, #tpu.memory_space<vmem>> -> memref<16xf32, #tpu.memory_space<vmem>>
      %dma_wait3A_557 = arith.constant 0 : i32
      %dma_wait3A_558 = tpu.memref_slice %arg5[%dma_wait3A_542, %dma_wait3A_557] : memref<2x8000512xf32, #tpu.memory_space<hbm>> -> memref<1x8000512xf32, #tpu.memory_space<hbm>>
      %dma_wait3A_559 = tpu.memref_squeeze %dma_wait3A_558 : memref<1x8000512xf32, #tpu.memory_space<hbm>> -> memref<8000512xf32, #tpu.memory_space<hbm>>
      %dma_wait3A_560 = arith.constant 0 : i32
      %dma_wait3A_561 = tpu.memref_slice %dma_wait3A_559[%dma_wait3A_560] : memref<8000512xf32, #tpu.memory_space<hbm>> -> memref<16xf32, #tpu.memory_space<hbm>>
      tpu.wait_dma2 semaphore(%arg17 : memref<!tpu.dma_semaphore, #tpu.memory_space<semaphore_mem>>) src(%dma_wait3A_561 : memref<16xf32, #tpu.memory_space<hbm>>) dst(%dma_wait3A_556 : memref<16xf32, #tpu.memory_space<vmem>>)
      %dma_wait3A_562 = arith.constant 0 : i32
      %dma_wait3A_563 = arith.constant 6 : i32
      %dma_wait3A_564 = arith.constant 0 : i32
      %dma_wait3A_565 = tpu.memref_slice %arg14[%dma_wait3A_563, %dma_wait3A_564] : memref<16x512xf32, #tpu.memory_space<vmem>> -> memref<1x512xf32, #tpu.memory_space<vmem>>
      %dma_wait3A_566 = tpu.memref_squeeze %dma_wait3A_565 : memref<1x512xf32, #tpu.memory_space<vmem>> -> memref<512xf32, #tpu.memory_space<vmem>>
      %dma_wait3A_567 = tpu.memref_slice %dma_wait3A_566[%mul3A_22] : memref<512xf32, #tpu.memory_space<vmem>> -> memref<16xf32, #tpu.memory_space<vmem>>
      %dma_wait3A_568 = arith.constant 0 : i32
      %dma_wait3A_569 = tpu.memref_slice %arg6[%dma_wait3A_562, %dma_wait3A_568] : memref<2x8000512xf32, #tpu.memory_space<hbm>> -> memref<1x8000512xf32, #tpu.memory_space<hbm>>
      %dma_wait3A_570 = tpu.memref_squeeze %dma_wait3A_569 : memref<1x8000512xf32, #tpu.memory_space<hbm>> -> memref<8000512xf32, #tpu.memory_space<hbm>>
      %dma_wait3A_571 = arith.constant 0 : i32
      %dma_wait3A_572 = tpu.memref_slice %dma_wait3A_570[%dma_wait3A_571] : memref<8000512xf32, #tpu.memory_space<hbm>> -> memref<16xf32, #tpu.memory_space<hbm>>
      %dma_wait3A_573 = arith.constant 0 : i32
      %dma_wait3A_574 = tpu.memref_slice %arg14[%dma_wait3A_563, %dma_wait3A_573] : memref<16x512xf32, #tpu.memory_space<vmem>> -> memref<1x512xf32, #tpu.memory_space<vmem>>
      %dma_wait3A_575 = tpu.memref_squeeze %dma_wait3A_574 : memref<1x512xf32, #tpu.memory_space<vmem>> -> memref<512xf32, #tpu.memory_space<vmem>>
      %dma_wait3A_576 = tpu.memref_slice %dma_wait3A_575[%mul3A_22] : memref<512xf32, #tpu.memory_space<vmem>> -> memref<16xf32, #tpu.memory_space<vmem>>
      %dma_wait3A_577 = arith.constant 0 : i32
      %dma_wait3A_578 = tpu.memref_slice %arg6[%dma_wait3A_562, %dma_wait3A_577] : memref<2x8000512xf32, #tpu.memory_space<hbm>> -> memref<1x8000512xf32, #tpu.memory_space<hbm>>
      %dma_wait3A_579 = tpu.memref_squeeze %dma_wait3A_578 : memref<1x8000512xf32, #tpu.memory_space<hbm>> -> memref<8000512xf32, #tpu.memory_space<hbm>>
      %dma_wait3A_580 = arith.constant 0 : i32
      %dma_wait3A_581 = tpu.memref_slice %dma_wait3A_579[%dma_wait3A_580] : memref<8000512xf32, #tpu.memory_space<hbm>> -> memref<16xf32, #tpu.memory_space<hbm>>
      tpu.wait_dma2 semaphore(%arg17 : memref<!tpu.dma_semaphore, #tpu.memory_space<semaphore_mem>>) src(%dma_wait3A_581 : memref<16xf32, #tpu.memory_space<hbm>>) dst(%dma_wait3A_576 : memref<16xf32, #tpu.memory_space<vmem>>)
      %dma_wait3A_582 = arith.constant 0 : i32
      %dma_wait3A_583 = arith.constant 7 : i32
      %dma_wait3A_584 = arith.constant 0 : i32
      %dma_wait3A_585 = tpu.memref_slice %arg11[%dma_wait3A_583, %dma_wait3A_584] : memref<16x512xf32, #tpu.memory_space<vmem>> -> memref<1x512xf32, #tpu.memory_space<vmem>>
      %dma_wait3A_586 = tpu.memref_squeeze %dma_wait3A_585 : memref<1x512xf32, #tpu.memory_space<vmem>> -> memref<512xf32, #tpu.memory_space<vmem>>
      %dma_wait3A_587 = tpu.memref_slice %dma_wait3A_586[%mul3A_22] : memref<512xf32, #tpu.memory_space<vmem>> -> memref<16xf32, #tpu.memory_space<vmem>>
      %dma_wait3A_588 = arith.constant 0 : i32
      %dma_wait3A_589 = tpu.memref_slice %arg4[%dma_wait3A_582, %dma_wait3A_588] : memref<2x8000512xf32, #tpu.memory_space<hbm>> -> memref<1x8000512xf32, #tpu.memory_space<hbm>>
      %dma_wait3A_590 = tpu.memref_squeeze %dma_wait3A_589 : memref<1x8000512xf32, #tpu.memory_space<hbm>> -> memref<8000512xf32, #tpu.memory_space<hbm>>
      %dma_wait3A_591 = arith.constant 0 : i32
      %dma_wait3A_592 = tpu.memref_slice %dma_wait3A_590[%dma_wait3A_591] : memref<8000512xf32, #tpu.memory_space<hbm>> -> memref<16xf32, #tpu.memory_space<hbm>>
      %dma_wait3A_593 = arith.constant 0 : i32
      %dma_wait3A_594 = tpu.memref_slice %arg11[%dma_wait3A_583, %dma_wait3A_593] : memref<16x512xf32, #tpu.memory_space<vmem>> -> memref<1x512xf32, #tpu.memory_space<vmem>>
      %dma_wait3A_595 = tpu.memref_squeeze %dma_wait3A_594 : memref<1x512xf32, #tpu.memory_space<vmem>> -> memref<512xf32, #tpu.memory_space<vmem>>
      %dma_wait3A_596 = tpu.memref_slice %dma_wait3A_595[%mul3A_22] : memref<512xf32, #tpu.memory_space<vmem>> -> memref<16xf32, #tpu.memory_space<vmem>>
      %dma_wait3A_597 = arith.constant 0 : i32
      %dma_wait3A_598 = tpu.memref_slice %arg4[%dma_wait3A_582, %dma_wait3A_597] : memref<2x8000512xf32, #tpu.memory_space<hbm>> -> memref<1x8000512xf32, #tpu.memory_space<hbm>>
      %dma_wait3A_599 = tpu.memref_squeeze %dma_wait3A_598 : memref<1x8000512xf32, #tpu.memory_space<hbm>> -> memref<8000512xf32, #tpu.memory_space<hbm>>
      %dma_wait3A_600 = arith.constant 0 : i32
      %dma_wait3A_601 = tpu.memref_slice %dma_wait3A_599[%dma_wait3A_600] : memref<8000512xf32, #tpu.memory_space<hbm>> -> memref<16xf32, #tpu.memory_space<hbm>>
      tpu.wait_dma2 semaphore(%arg17 : memref<!tpu.dma_semaphore, #tpu.memory_space<semaphore_mem>>) src(%dma_wait3A_601 : memref<16xf32, #tpu.memory_space<hbm>>) dst(%dma_wait3A_596 : memref<16xf32, #tpu.memory_space<vmem>>)
      %dma_wait3A_602 = arith.constant 0 : i32
      %dma_wait3A_603 = arith.constant 7 : i32
      %dma_wait3A_604 = arith.constant 0 : i32
      %dma_wait3A_605 = tpu.memref_slice %arg12[%dma_wait3A_603, %dma_wait3A_604] : memref<16x512xf32, #tpu.memory_space<vmem>> -> memref<1x512xf32, #tpu.memory_space<vmem>>
      %dma_wait3A_606 = tpu.memref_squeeze %dma_wait3A_605 : memref<1x512xf32, #tpu.memory_space<vmem>> -> memref<512xf32, #tpu.memory_space<vmem>>
      %dma_wait3A_607 = tpu.memref_slice %dma_wait3A_606[%mul3A_22] : memref<512xf32, #tpu.memory_space<vmem>> -> memref<16xf32, #tpu.memory_space<vmem>>
      %dma_wait3A_608 = arith.constant 0 : i32
      %dma_wait3A_609 = tpu.memref_slice %arg4[%dma_wait3A_602, %dma_wait3A_608] : memref<2x8000512xf32, #tpu.memory_space<hbm>> -> memref<1x8000512xf32, #tpu.memory_space<hbm>>
      %dma_wait3A_610 = tpu.memref_squeeze %dma_wait3A_609 : memref<1x8000512xf32, #tpu.memory_space<hbm>> -> memref<8000512xf32, #tpu.memory_space<hbm>>
      %dma_wait3A_611 = arith.constant 0 : i32
      %dma_wait3A_612 = tpu.memref_slice %dma_wait3A_610[%dma_wait3A_611] : memref<8000512xf32, #tpu.memory_space<hbm>> -> memref<16xf32, #tpu.memory_space<hbm>>
      %dma_wait3A_613 = arith.constant 0 : i32
      %dma_wait3A_614 = tpu.memref_slice %arg12[%dma_wait3A_603, %dma_wait3A_613] : memref<16x512xf32, #tpu.memory_space<vmem>> -> memref<1x512xf32, #tpu.memory_space<vmem>>
      %dma_wait3A_615 = tpu.memref_squeeze %dma_wait3A_614 : memref<1x512xf32, #tpu.memory_space<vmem>> -> memref<512xf32, #tpu.memory_space<vmem>>
      %dma_wait3A_616 = tpu.memref_slice %dma_wait3A_615[%mul3A_22] : memref<512xf32, #tpu.memory_space<vmem>> -> memref<16xf32, #tpu.memory_space<vmem>>
      %dma_wait3A_617 = arith.constant 0 : i32
      %dma_wait3A_618 = tpu.memref_slice %arg4[%dma_wait3A_602, %dma_wait3A_617] : memref<2x8000512xf32, #tpu.memory_space<hbm>> -> memref<1x8000512xf32, #tpu.memory_space<hbm>>
      %dma_wait3A_619 = tpu.memref_squeeze %dma_wait3A_618 : memref<1x8000512xf32, #tpu.memory_space<hbm>> -> memref<8000512xf32, #tpu.memory_space<hbm>>
      %dma_wait3A_620 = arith.constant 0 : i32
      %dma_wait3A_621 = tpu.memref_slice %dma_wait3A_619[%dma_wait3A_620] : memref<8000512xf32, #tpu.memory_space<hbm>> -> memref<16xf32, #tpu.memory_space<hbm>>
      tpu.wait_dma2 semaphore(%arg17 : memref<!tpu.dma_semaphore, #tpu.memory_space<semaphore_mem>>) src(%dma_wait3A_621 : memref<16xf32, #tpu.memory_space<hbm>>) dst(%dma_wait3A_616 : memref<16xf32, #tpu.memory_space<vmem>>)
      %dma_wait3A_622 = arith.constant 0 : i32
      %dma_wait3A_623 = arith.constant 7 : i32
      %dma_wait3A_624 = arith.constant 0 : i32
      %dma_wait3A_625 = tpu.memref_slice %arg13[%dma_wait3A_623, %dma_wait3A_624] : memref<16x512xf32, #tpu.memory_space<vmem>> -> memref<1x512xf32, #tpu.memory_space<vmem>>
      %dma_wait3A_626 = tpu.memref_squeeze %dma_wait3A_625 : memref<1x512xf32, #tpu.memory_space<vmem>> -> memref<512xf32, #tpu.memory_space<vmem>>
      %dma_wait3A_627 = tpu.memref_slice %dma_wait3A_626[%mul3A_22] : memref<512xf32, #tpu.memory_space<vmem>> -> memref<16xf32, #tpu.memory_space<vmem>>
      %dma_wait3A_628 = arith.constant 0 : i32
      %dma_wait3A_629 = tpu.memref_slice %arg5[%dma_wait3A_622, %dma_wait3A_628] : memref<2x8000512xf32, #tpu.memory_space<hbm>> -> memref<1x8000512xf32, #tpu.memory_space<hbm>>
      %dma_wait3A_630 = tpu.memref_squeeze %dma_wait3A_629 : memref<1x8000512xf32, #tpu.memory_space<hbm>> -> memref<8000512xf32, #tpu.memory_space<hbm>>
      %dma_wait3A_631 = arith.constant 0 : i32
      %dma_wait3A_632 = tpu.memref_slice %dma_wait3A_630[%dma_wait3A_631] : memref<8000512xf32, #tpu.memory_space<hbm>> -> memref<16xf32, #tpu.memory_space<hbm>>
      %dma_wait3A_633 = arith.constant 0 : i32
      %dma_wait3A_634 = tpu.memref_slice %arg13[%dma_wait3A_623, %dma_wait3A_633] : memref<16x512xf32, #tpu.memory_space<vmem>> -> memref<1x512xf32, #tpu.memory_space<vmem>>
      %dma_wait3A_635 = tpu.memref_squeeze %dma_wait3A_634 : memref<1x512xf32, #tpu.memory_space<vmem>> -> memref<512xf32, #tpu.memory_space<vmem>>
      %dma_wait3A_636 = tpu.memref_slice %dma_wait3A_635[%mul3A_22] : memref<512xf32, #tpu.memory_space<vmem>> -> memref<16xf32, #tpu.memory_space<vmem>>
      %dma_wait3A_637 = arith.constant 0 : i32
      %dma_wait3A_638 = tpu.memref_slice %arg5[%dma_wait3A_622, %dma_wait3A_637] : memref<2x8000512xf32, #tpu.memory_space<hbm>> -> memref<1x8000512xf32, #tpu.memory_space<hbm>>
      %dma_wait3A_639 = tpu.memref_squeeze %dma_wait3A_638 : memref<1x8000512xf32, #tpu.memory_space<hbm>> -> memref<8000512xf32, #tpu.memory_space<hbm>>
      %dma_wait3A_640 = arith.constant 0 : i32
      %dma_wait3A_641 = tpu.memref_slice %dma_wait3A_639[%dma_wait3A_640] : memref<8000512xf32, #tpu.memory_space<hbm>> -> memref<16xf32, #tpu.memory_space<hbm>>
      tpu.wait_dma2 semaphore(%arg17 : memref<!tpu.dma_semaphore, #tpu.memory_space<semaphore_mem>>) src(%dma_wait3A_641 : memref<16xf32, #tpu.memory_space<hbm>>) dst(%dma_wait3A_636 : memref<16xf32, #tpu.memory_space<vmem>>)
      %dma_wait3A_642 = arith.constant 0 : i32
      %dma_wait3A_643 = arith.constant 7 : i32
      %dma_wait3A_644 = arith.constant 0 : i32
      %dma_wait3A_645 = tpu.memref_slice %arg14[%dma_wait3A_643, %dma_wait3A_644] : memref<16x512xf32, #tpu.memory_space<vmem>> -> memref<1x512xf32, #tpu.memory_space<vmem>>
      %dma_wait3A_646 = tpu.memref_squeeze %dma_wait3A_645 : memref<1x512xf32, #tpu.memory_space<vmem>> -> memref<512xf32, #tpu.memory_space<vmem>>
      %dma_wait3A_647 = tpu.memref_slice %dma_wait3A_646[%mul3A_22] : memref<512xf32, #tpu.memory_space<vmem>> -> memref<16xf32, #tpu.memory_space<vmem>>
      %dma_wait3A_648 = arith.constant 0 : i32
      %dma_wait3A_649 = tpu.memref_slice %arg6[%dma_wait3A_642, %dma_wait3A_648] : memref<2x8000512xf32, #tpu.memory_space<hbm>> -> memref<1x8000512xf32, #tpu.memory_space<hbm>>
      %dma_wait3A_650 = tpu.memref_squeeze %dma_wait3A_649 : memref<1x8000512xf32, #tpu.memory_space<hbm>> -> memref<8000512xf32, #tpu.memory_space<hbm>>
      %dma_wait3A_651 = arith.constant 0 : i32
      %dma_wait3A_652 = tpu.memref_slice %dma_wait3A_650[%dma_wait3A_651] : memref<8000512xf32, #tpu.memory_space<hbm>> -> memref<16xf32, #tpu.memory_space<hbm>>
      %dma_wait3A_653 = arith.constant 0 : i32
      %dma_wait3A_654 = tpu.memref_slice %arg14[%dma_wait3A_643, %dma_wait3A_653] : memref<16x512xf32, #tpu.memory_space<vmem>> -> memref<1x512xf32, #tpu.memory_space<vmem>>
      %dma_wait3A_655 = tpu.memref_squeeze %dma_wait3A_654 : memref<1x512xf32, #tpu.memory_space<vmem>> -> memref<512xf32, #tpu.memory_space<vmem>>
      %dma_wait3A_656 = tpu.memref_slice %dma_wait3A_655[%mul3A_22] : memref<512xf32, #tpu.memory_space<vmem>> -> memref<16xf32, #tpu.memory_space<vmem>>
      %dma_wait3A_657 = arith.constant 0 : i32
      %dma_wait3A_658 = tpu.memref_slice %arg6[%dma_wait3A_642, %dma_wait3A_657] : memref<2x8000512xf32, #tpu.memory_space<hbm>> -> memref<1x8000512xf32, #tpu.memory_space<hbm>>
      %dma_wait3A_659 = tpu.memref_squeeze %dma_wait3A_658 : memref<1x8000512xf32, #tpu.memory_space<hbm>> -> memref<8000512xf32, #tpu.memory_space<hbm>>
      %dma_wait3A_660 = arith.constant 0 : i32
      %dma_wait3A_661 = tpu.memref_slice %dma_wait3A_659[%dma_wait3A_660] : memref<8000512xf32, #tpu.memory_space<hbm>> -> memref<16xf32, #tpu.memory_space<hbm>>
      tpu.wait_dma2 semaphore(%arg17 : memref<!tpu.dma_semaphore, #tpu.memory_space<semaphore_mem>>) src(%dma_wait3A_661 : memref<16xf32, #tpu.memory_space<hbm>>) dst(%dma_wait3A_656 : memref<16xf32, #tpu.memory_space<vmem>>)
      %dma_wait3A_662 = arith.constant 0 : i32
      %dma_wait3A_663 = arith.constant 8 : i32
      %dma_wait3A_664 = arith.constant 0 : i32
      %dma_wait3A_665 = tpu.memref_slice %arg11[%dma_wait3A_663, %dma_wait3A_664] : memref<16x512xf32, #tpu.memory_space<vmem>> -> memref<1x512xf32, #tpu.memory_space<vmem>>
      %dma_wait3A_666 = tpu.memref_squeeze %dma_wait3A_665 : memref<1x512xf32, #tpu.memory_space<vmem>> -> memref<512xf32, #tpu.memory_space<vmem>>
      %dma_wait3A_667 = tpu.memref_slice %dma_wait3A_666[%mul3A_22] : memref<512xf32, #tpu.memory_space<vmem>> -> memref<16xf32, #tpu.memory_space<vmem>>
      %dma_wait3A_668 = arith.constant 0 : i32
      %dma_wait3A_669 = tpu.memref_slice %arg4[%dma_wait3A_662, %dma_wait3A_668] : memref<2x8000512xf32, #tpu.memory_space<hbm>> -> memref<1x8000512xf32, #tpu.memory_space<hbm>>
      %dma_wait3A_670 = tpu.memref_squeeze %dma_wait3A_669 : memref<1x8000512xf32, #tpu.memory_space<hbm>> -> memref<8000512xf32, #tpu.memory_space<hbm>>
      %dma_wait3A_671 = arith.constant 0 : i32
      %dma_wait3A_672 = tpu.memref_slice %dma_wait3A_670[%dma_wait3A_671] : memref<8000512xf32, #tpu.memory_space<hbm>> -> memref<16xf32, #tpu.memory_space<hbm>>
      %dma_wait3A_673 = arith.constant 0 : i32
      %dma_wait3A_674 = tpu.memref_slice %arg11[%dma_wait3A_663, %dma_wait3A_673] : memref<16x512xf32, #tpu.memory_space<vmem>> -> memref<1x512xf32, #tpu.memory_space<vmem>>
      %dma_wait3A_675 = tpu.memref_squeeze %dma_wait3A_674 : memref<1x512xf32, #tpu.memory_space<vmem>> -> memref<512xf32, #tpu.memory_space<vmem>>
      %dma_wait3A_676 = tpu.memref_slice %dma_wait3A_675[%mul3A_22] : memref<512xf32, #tpu.memory_space<vmem>> -> memref<16xf32, #tpu.memory_space<vmem>>
      %dma_wait3A_677 = arith.constant 0 : i32
      %dma_wait3A_678 = tpu.memref_slice %arg4[%dma_wait3A_662, %dma_wait3A_677] : memref<2x8000512xf32, #tpu.memory_space<hbm>> -> memref<1x8000512xf32, #tpu.memory_space<hbm>>
      %dma_wait3A_679 = tpu.memref_squeeze %dma_wait3A_678 : memref<1x8000512xf32, #tpu.memory_space<hbm>> -> memref<8000512xf32, #tpu.memory_space<hbm>>
      %dma_wait3A_680 = arith.constant 0 : i32
      %dma_wait3A_681 = tpu.memref_slice %dma_wait3A_679[%dma_wait3A_680] : memref<8000512xf32, #tpu.memory_space<hbm>> -> memref<16xf32, #tpu.memory_space<hbm>>
      tpu.wait_dma2 semaphore(%arg17 : memref<!tpu.dma_semaphore, #tpu.memory_space<semaphore_mem>>) src(%dma_wait3A_681 : memref<16xf32, #tpu.memory_space<hbm>>) dst(%dma_wait3A_676 : memref<16xf32, #tpu.memory_space<vmem>>)
      %dma_wait3A_682 = arith.constant 0 : i32
      %dma_wait3A_683 = arith.constant 8 : i32
      %dma_wait3A_684 = arith.constant 0 : i32
      %dma_wait3A_685 = tpu.memref_slice %arg12[%dma_wait3A_683, %dma_wait3A_684] : memref<16x512xf32, #tpu.memory_space<vmem>> -> memref<1x512xf32, #tpu.memory_space<vmem>>
      %dma_wait3A_686 = tpu.memref_squeeze %dma_wait3A_685 : memref<1x512xf32, #tpu.memory_space<vmem>> -> memref<512xf32, #tpu.memory_space<vmem>>
      %dma_wait3A_687 = tpu.memref_slice %dma_wait3A_686[%mul3A_22] : memref<512xf32, #tpu.memory_space<vmem>> -> memref<16xf32, #tpu.memory_space<vmem>>
      %dma_wait3A_688 = arith.constant 0 : i32
      %dma_wait3A_689 = tpu.memref_slice %arg4[%dma_wait3A_682, %dma_wait3A_688] : memref<2x8000512xf32, #tpu.memory_space<hbm>> -> memref<1x8000512xf32, #tpu.memory_space<hbm>>
      %dma_wait3A_690 = tpu.memref_squeeze %dma_wait3A_689 : memref<1x8000512xf32, #tpu.memory_space<hbm>> -> memref<8000512xf32, #tpu.memory_space<hbm>>
      %dma_wait3A_691 = arith.constant 0 : i32
      %dma_wait3A_692 = tpu.memref_slice %dma_wait3A_690[%dma_wait3A_691] : memref<8000512xf32, #tpu.memory_space<hbm>> -> memref<16xf32, #tpu.memory_space<hbm>>
      %dma_wait3A_693 = arith.constant 0 : i32
      %dma_wait3A_694 = tpu.memref_slice %arg12[%dma_wait3A_683, %dma_wait3A_693] : memref<16x512xf32, #tpu.memory_space<vmem>> -> memref<1x512xf32, #tpu.memory_space<vmem>>
      %dma_wait3A_695 = tpu.memref_squeeze %dma_wait3A_694 : memref<1x512xf32, #tpu.memory_space<vmem>> -> memref<512xf32, #tpu.memory_space<vmem>>
      %dma_wait3A_696 = tpu.memref_slice %dma_wait3A_695[%mul3A_22] : memref<512xf32, #tpu.memory_space<vmem>> -> memref<16xf32, #tpu.memory_space<vmem>>
      %dma_wait3A_697 = arith.constant 0 : i32
      %dma_wait3A_698 = tpu.memref_slice %arg4[%dma_wait3A_682, %dma_wait3A_697] : memref<2x8000512xf32, #tpu.memory_space<hbm>> -> memref<1x8000512xf32, #tpu.memory_space<hbm>>
      %dma_wait3A_699 = tpu.memref_squeeze %dma_wait3A_698 : memref<1x8000512xf32, #tpu.memory_space<hbm>> -> memref<8000512xf32, #tpu.memory_space<hbm>>
      %dma_wait3A_700 = arith.constant 0 : i32
      %dma_wait3A_701 = tpu.memref_slice %dma_wait3A_699[%dma_wait3A_700] : memref<8000512xf32, #tpu.memory_space<hbm>> -> memref<16xf32, #tpu.memory_space<hbm>>
      tpu.wait_dma2 semaphore(%arg17 : memref<!tpu.dma_semaphore, #tpu.memory_space<semaphore_mem>>) src(%dma_wait3A_701 : memref<16xf32, #tpu.memory_space<hbm>>) dst(%dma_wait3A_696 : memref<16xf32, #tpu.memory_space<vmem>>)
      %dma_wait3A_702 = arith.constant 0 : i32
      %dma_wait3A_703 = arith.constant 8 : i32
      %dma_wait3A_704 = arith.constant 0 : i32
      %dma_wait3A_705 = tpu.memref_slice %arg13[%dma_wait3A_703, %dma_wait3A_704] : memref<16x512xf32, #tpu.memory_space<vmem>> -> memref<1x512xf32, #tpu.memory_space<vmem>>
      %dma_wait3A_706 = tpu.memref_squeeze %dma_wait3A_705 : memref<1x512xf32, #tpu.memory_space<vmem>> -> memref<512xf32, #tpu.memory_space<vmem>>
      %dma_wait3A_707 = tpu.memref_slice %dma_wait3A_706[%mul3A_22] : memref<512xf32, #tpu.memory_space<vmem>> -> memref<16xf32, #tpu.memory_space<vmem>>
      %dma_wait3A_708 = arith.constant 0 : i32
      %dma_wait3A_709 = tpu.memref_slice %arg5[%dma_wait3A_702, %dma_wait3A_708] : memref<2x8000512xf32, #tpu.memory_space<hbm>> -> memref<1x8000512xf32, #tpu.memory_space<hbm>>
      %dma_wait3A_710 = tpu.memref_squeeze %dma_wait3A_709 : memref<1x8000512xf32, #tpu.memory_space<hbm>> -> memref<8000512xf32, #tpu.memory_space<hbm>>
      %dma_wait3A_711 = arith.constant 0 : i32
      %dma_wait3A_712 = tpu.memref_slice %dma_wait3A_710[%dma_wait3A_711] : memref<8000512xf32, #tpu.memory_space<hbm>> -> memref<16xf32, #tpu.memory_space<hbm>>
      %dma_wait3A_713 = arith.constant 0 : i32
      %dma_wait3A_714 = tpu.memref_slice %arg13[%dma_wait3A_703, %dma_wait3A_713] : memref<16x512xf32, #tpu.memory_space<vmem>> -> memref<1x512xf32, #tpu.memory_space<vmem>>
      %dma_wait3A_715 = tpu.memref_squeeze %dma_wait3A_714 : memref<1x512xf32, #tpu.memory_space<vmem>> -> memref<512xf32, #tpu.memory_space<vmem>>
      %dma_wait3A_716 = tpu.memref_slice %dma_wait3A_715[%mul3A_22] : memref<512xf32, #tpu.memory_space<vmem>> -> memref<16xf32, #tpu.memory_space<vmem>>
      %dma_wait3A_717 = arith.constant 0 : i32
      %dma_wait3A_718 = tpu.memref_slice %arg5[%dma_wait3A_702, %dma_wait3A_717] : memref<2x8000512xf32, #tpu.memory_space<hbm>> -> memref<1x8000512xf32, #tpu.memory_space<hbm>>
      %dma_wait3A_719 = tpu.memref_squeeze %dma_wait3A_718 : memref<1x8000512xf32, #tpu.memory_space<hbm>> -> memref<8000512xf32, #tpu.memory_space<hbm>>
      %dma_wait3A_720 = arith.constant 0 : i32
      %dma_wait3A_721 = tpu.memref_slice %dma_wait3A_719[%dma_wait3A_720] : memref<8000512xf32, #tpu.memory_space<hbm>> -> memref<16xf32, #tpu.memory_space<hbm>>
      tpu.wait_dma2 semaphore(%arg17 : memref<!tpu.dma_semaphore, #tpu.memory_space<semaphore_mem>>) src(%dma_wait3A_721 : memref<16xf32, #tpu.memory_space<hbm>>) dst(%dma_wait3A_716 : memref<16xf32, #tpu.memory_space<vmem>>)
      %dma_wait3A_722 = arith.constant 0 : i32
      %dma_wait3A_723 = arith.constant 8 : i32
      %dma_wait3A_724 = arith.constant 0 : i32
      %dma_wait3A_725 = tpu.memref_slice %arg14[%dma_wait3A_723, %dma_wait3A_724] : memref<16x512xf32, #tpu.memory_space<vmem>> -> memref<1x512xf32, #tpu.memory_space<vmem>>
      %dma_wait3A_726 = tpu.memref_squeeze %dma_wait3A_725 : memref<1x512xf32, #tpu.memory_space<vmem>> -> memref<512xf32, #tpu.memory_space<vmem>>
      %dma_wait3A_727 = tpu.memref_slice %dma_wait3A_726[%mul3A_22] : memref<512xf32, #tpu.memory_space<vmem>> -> memref<16xf32, #tpu.memory_space<vmem>>
      %dma_wait3A_728 = arith.constant 0 : i32
      %dma_wait3A_729 = tpu.memref_slice %arg6[%dma_wait3A_722, %dma_wait3A_728] : memref<2x8000512xf32, #tpu.memory_space<hbm>> -> memref<1x8000512xf32, #tpu.memory_space<hbm>>
      %dma_wait3A_730 = tpu.memref_squeeze %dma_wait3A_729 : memref<1x8000512xf32, #tpu.memory_space<hbm>> -> memref<8000512xf32, #tpu.memory_space<hbm>>
      %dma_wait3A_731 = arith.constant 0 : i32
      %dma_wait3A_732 = tpu.memref_slice %dma_wait3A_730[%dma_wait3A_731] : memref<8000512xf32, #tpu.memory_space<hbm>> -> memref<16xf32, #tpu.memory_space<hbm>>
      %dma_wait3A_733 = arith.constant 0 : i32
      %dma_wait3A_734 = tpu.memref_slice %arg14[%dma_wait3A_723, %dma_wait3A_733] : memref<16x512xf32, #tpu.memory_space<vmem>> -> memref<1x512xf32, #tpu.memory_space<vmem>>
      %dma_wait3A_735 = tpu.memref_squeeze %dma_wait3A_734 : memref<1x512xf32, #tpu.memory_space<vmem>> -> memref<512xf32, #tpu.memory_space<vmem>>
      %dma_wait3A_736 = tpu.memref_slice %dma_wait3A_735[%mul3A_22] : memref<512xf32, #tpu.memory_space<vmem>> -> memref<16xf32, #tpu.memory_space<vmem>>
      %dma_wait3A_737 = arith.constant 0 : i32
      %dma_wait3A_738 = tpu.memref_slice %arg6[%dma_wait3A_722, %dma_wait3A_737] : memref<2x8000512xf32, #tpu.memory_space<hbm>> -> memref<1x8000512xf32, #tpu.memory_space<hbm>>
      %dma_wait3A_739 = tpu.memref_squeeze %dma_wait3A_738 : memref<1x8000512xf32, #tpu.memory_space<hbm>> -> memref<8000512xf32, #tpu.memory_space<hbm>>
      %dma_wait3A_740 = arith.constant 0 : i32
      %dma_wait3A_741 = tpu.memref_slice %dma_wait3A_739[%dma_wait3A_740] : memref<8000512xf32, #tpu.memory_space<hbm>> -> memref<16xf32, #tpu.memory_space<hbm>>
      tpu.wait_dma2 semaphore(%arg17 : memref<!tpu.dma_semaphore, #tpu.memory_space<semaphore_mem>>) src(%dma_wait3A_741 : memref<16xf32, #tpu.memory_space<hbm>>) dst(%dma_wait3A_736 : memref<16xf32, #tpu.memory_space<vmem>>)
      %dma_wait3A_742 = arith.constant 0 : i32
      %dma_wait3A_743 = arith.constant 9 : i32
      %dma_wait3A_744 = arith.constant 0 : i32
      %dma_wait3A_745 = tpu.memref_slice %arg11[%dma_wait3A_743, %dma_wait3A_744] : memref<16x512xf32, #tpu.memory_space<vmem>> -> memref<1x512xf32, #tpu.memory_space<vmem>>
      %dma_wait3A_746 = tpu.memref_squeeze %dma_wait3A_745 : memref<1x512xf32, #tpu.memory_space<vmem>> -> memref<512xf32, #tpu.memory_space<vmem>>
      %dma_wait3A_747 = tpu.memref_slice %dma_wait3A_746[%mul3A_22] : memref<512xf32, #tpu.memory_space<vmem>> -> memref<16xf32, #tpu.memory_space<vmem>>
      %dma_wait3A_748 = arith.constant 0 : i32
      %dma_wait3A_749 = tpu.memref_slice %arg4[%dma_wait3A_742, %dma_wait3A_748] : memref<2x8000512xf32, #tpu.memory_space<hbm>> -> memref<1x8000512xf32, #tpu.memory_space<hbm>>
      %dma_wait3A_750 = tpu.memref_squeeze %dma_wait3A_749 : memref<1x8000512xf32, #tpu.memory_space<hbm>> -> memref<8000512xf32, #tpu.memory_space<hbm>>
      %dma_wait3A_751 = arith.constant 0 : i32
      %dma_wait3A_752 = tpu.memref_slice %dma_wait3A_750[%dma_wait3A_751] : memref<8000512xf32, #tpu.memory_space<hbm>> -> memref<16xf32, #tpu.memory_space<hbm>>
      %dma_wait3A_753 = arith.constant 0 : i32
      %dma_wait3A_754 = tpu.memref_slice %arg11[%dma_wait3A_743, %dma_wait3A_753] : memref<16x512xf32, #tpu.memory_space<vmem>> -> memref<1x512xf32, #tpu.memory_space<vmem>>
      %dma_wait3A_755 = tpu.memref_squeeze %dma_wait3A_754 : memref<1x512xf32, #tpu.memory_space<vmem>> -> memref<512xf32, #tpu.memory_space<vmem>>
      %dma_wait3A_756 = tpu.memref_slice %dma_wait3A_755[%mul3A_22] : memref<512xf32, #tpu.memory_space<vmem>> -> memref<16xf32, #tpu.memory_space<vmem>>
      %dma_wait3A_757 = arith.constant 0 : i32
      %dma_wait3A_758 = tpu.memref_slice %arg4[%dma_wait3A_742, %dma_wait3A_757] : memref<2x8000512xf32, #tpu.memory_space<hbm>> -> memref<1x8000512xf32, #tpu.memory_space<hbm>>
      %dma_wait3A_759 = tpu.memref_squeeze %dma_wait3A_758 : memref<1x8000512xf32, #tpu.memory_space<hbm>> -> memref<8000512xf32, #tpu.memory_space<hbm>>
      %dma_wait3A_760 = arith.constant 0 : i32
      %dma_wait3A_761 = tpu.memref_slice %dma_wait3A_759[%dma_wait3A_760] : memref<8000512xf32, #tpu.memory_space<hbm>> -> memref<16xf32, #tpu.memory_space<hbm>>
      tpu.wait_dma2 semaphore(%arg17 : memref<!tpu.dma_semaphore, #tpu.memory_space<semaphore_mem>>) src(%dma_wait3A_761 : memref<16xf32, #tpu.memory_space<hbm>>) dst(%dma_wait3A_756 : memref<16xf32, #tpu.memory_space<vmem>>)
      %dma_wait3A_762 = arith.constant 0 : i32
      %dma_wait3A_763 = arith.constant 9 : i32
      %dma_wait3A_764 = arith.constant 0 : i32
      %dma_wait3A_765 = tpu.memref_slice %arg12[%dma_wait3A_763, %dma_wait3A_764] : memref<16x512xf32, #tpu.memory_space<vmem>> -> memref<1x512xf32, #tpu.memory_space<vmem>>
      %dma_wait3A_766 = tpu.memref_squeeze %dma_wait3A_765 : memref<1x512xf32, #tpu.memory_space<vmem>> -> memref<512xf32, #tpu.memory_space<vmem>>
      %dma_wait3A_767 = tpu.memref_slice %dma_wait3A_766[%mul3A_22] : memref<512xf32, #tpu.memory_space<vmem>> -> memref<16xf32, #tpu.memory_space<vmem>>
      %dma_wait3A_768 = arith.constant 0 : i32
      %dma_wait3A_769 = tpu.memref_slice %arg4[%dma_wait3A_762, %dma_wait3A_768] : memref<2x8000512xf32, #tpu.memory_space<hbm>> -> memref<1x8000512xf32, #tpu.memory_space<hbm>>
      %dma_wait3A_770 = tpu.memref_squeeze %dma_wait3A_769 : memref<1x8000512xf32, #tpu.memory_space<hbm>> -> memref<8000512xf32, #tpu.memory_space<hbm>>
      %dma_wait3A_771 = arith.constant 0 : i32
      %dma_wait3A_772 = tpu.memref_slice %dma_wait3A_770[%dma_wait3A_771] : memref<8000512xf32, #tpu.memory_space<hbm>> -> memref<16xf32, #tpu.memory_space<hbm>>
      %dma_wait3A_773 = arith.constant 0 : i32
      %dma_wait3A_774 = tpu.memref_slice %arg12[%dma_wait3A_763, %dma_wait3A_773] : memref<16x512xf32, #tpu.memory_space<vmem>> -> memref<1x512xf32, #tpu.memory_space<vmem>>
      %dma_wait3A_775 = tpu.memref_squeeze %dma_wait3A_774 : memref<1x512xf32, #tpu.memory_space<vmem>> -> memref<512xf32, #tpu.memory_space<vmem>>
      %dma_wait3A_776 = tpu.memref_slice %dma_wait3A_775[%mul3A_22] : memref<512xf32, #tpu.memory_space<vmem>> -> memref<16xf32, #tpu.memory_space<vmem>>
      %dma_wait3A_777 = arith.constant 0 : i32
      %dma_wait3A_778 = tpu.memref_slice %arg4[%dma_wait3A_762, %dma_wait3A_777] : memref<2x8000512xf32, #tpu.memory_space<hbm>> -> memref<1x8000512xf32, #tpu.memory_space<hbm>>
      %dma_wait3A_779 = tpu.memref_squeeze %dma_wait3A_778 : memref<1x8000512xf32, #tpu.memory_space<hbm>> -> memref<8000512xf32, #tpu.memory_space<hbm>>
      %dma_wait3A_780 = arith.constant 0 : i32
      %dma_wait3A_781 = tpu.memref_slice %dma_wait3A_779[%dma_wait3A_780] : memref<8000512xf32, #tpu.memory_space<hbm>> -> memref<16xf32, #tpu.memory_space<hbm>>
      tpu.wait_dma2 semaphore(%arg17 : memref<!tpu.dma_semaphore, #tpu.memory_space<semaphore_mem>>) src(%dma_wait3A_781 : memref<16xf32, #tpu.memory_space<hbm>>) dst(%dma_wait3A_776 : memref<16xf32, #tpu.memory_space<vmem>>)
      %dma_wait3A_782 = arith.constant 0 : i32
      %dma_wait3A_783 = arith.constant 9 : i32
      %dma_wait3A_784 = arith.constant 0 : i32
      %dma_wait3A_785 = tpu.memref_slice %arg13[%dma_wait3A_783, %dma_wait3A_784] : memref<16x512xf32, #tpu.memory_space<vmem>> -> memref<1x512xf32, #tpu.memory_space<vmem>>
      %dma_wait3A_786 = tpu.memref_squeeze %dma_wait3A_785 : memref<1x512xf32, #tpu.memory_space<vmem>> -> memref<512xf32, #tpu.memory_space<vmem>>
      %dma_wait3A_787 = tpu.memref_slice %dma_wait3A_786[%mul3A_22] : memref<512xf32, #tpu.memory_space<vmem>> -> memref<16xf32, #tpu.memory_space<vmem>>
      %dma_wait3A_788 = arith.constant 0 : i32
      %dma_wait3A_789 = tpu.memref_slice %arg5[%dma_wait3A_782, %dma_wait3A_788] : memref<2x8000512xf32, #tpu.memory_space<hbm>> -> memref<1x8000512xf32, #tpu.memory_space<hbm>>
      %dma_wait3A_790 = tpu.memref_squeeze %dma_wait3A_789 : memref<1x8000512xf32, #tpu.memory_space<hbm>> -> memref<8000512xf32, #tpu.memory_space<hbm>>
      %dma_wait3A_791 = arith.constant 0 : i32
      %dma_wait3A_792 = tpu.memref_slice %dma_wait3A_790[%dma_wait3A_791] : memref<8000512xf32, #tpu.memory_space<hbm>> -> memref<16xf32, #tpu.memory_space<hbm>>
      %dma_wait3A_793 = arith.constant 0 : i32
      %dma_wait3A_794 = tpu.memref_slice %arg13[%dma_wait3A_783, %dma_wait3A_793] : memref<16x512xf32, #tpu.memory_space<vmem>> -> memref<1x512xf32, #tpu.memory_space<vmem>>
      %dma_wait3A_795 = tpu.memref_squeeze %dma_wait3A_794 : memref<1x512xf32, #tpu.memory_space<vmem>> -> memref<512xf32, #tpu.memory_space<vmem>>
      %dma_wait3A_796 = tpu.memref_slice %dma_wait3A_795[%mul3A_22] : memref<512xf32, #tpu.memory_space<vmem>> -> memref<16xf32, #tpu.memory_space<vmem>>
      %dma_wait3A_797 = arith.constant 0 : i32
      %dma_wait3A_798 = tpu.memref_slice %arg5[%dma_wait3A_782, %dma_wait3A_797] : memref<2x8000512xf32, #tpu.memory_space<hbm>> -> memref<1x8000512xf32, #tpu.memory_space<hbm>>
      %dma_wait3A_799 = tpu.memref_squeeze %dma_wait3A_798 : memref<1x8000512xf32, #tpu.memory_space<hbm>> -> memref<8000512xf32, #tpu.memory_space<hbm>>
      %dma_wait3A_800 = arith.constant 0 : i32
      %dma_wait3A_801 = tpu.memref_slice %dma_wait3A_799[%dma_wait3A_800] : memref<8000512xf32, #tpu.memory_space<hbm>> -> memref<16xf32, #tpu.memory_space<hbm>>
      tpu.wait_dma2 semaphore(%arg17 : memref<!tpu.dma_semaphore, #tpu.memory_space<semaphore_mem>>) src(%dma_wait3A_801 : memref<16xf32, #tpu.memory_space<hbm>>) dst(%dma_wait3A_796 : memref<16xf32, #tpu.memory_space<vmem>>)
      %dma_wait3A_802 = arith.constant 0 : i32
      %dma_wait3A_803 = arith.constant 9 : i32
      %dma_wait3A_804 = arith.constant 0 : i32
      %dma_wait3A_805 = tpu.memref_slice %arg14[%dma_wait3A_803, %dma_wait3A_804] : memref<16x512xf32, #tpu.memory_space<vmem>> -> memref<1x512xf32, #tpu.memory_space<vmem>>
      %dma_wait3A_806 = tpu.memref_squeeze %dma_wait3A_805 : memref<1x512xf32, #tpu.memory_space<vmem>> -> memref<512xf32, #tpu.memory_space<vmem>>
      %dma_wait3A_807 = tpu.memref_slice %dma_wait3A_806[%mul3A_22] : memref<512xf32, #tpu.memory_space<vmem>> -> memref<16xf32, #tpu.memory_space<vmem>>
      %dma_wait3A_808 = arith.constant 0 : i32
      %dma_wait3A_809 = tpu.memref_slice %arg6[%dma_wait3A_802, %dma_wait3A_808] : memref<2x8000512xf32, #tpu.memory_space<hbm>> -> memref<1x8000512xf32, #tpu.memory_space<hbm>>
      %dma_wait3A_810 = tpu.memref_squeeze %dma_wait3A_809 : memref<1x8000512xf32, #tpu.memory_space<hbm>> -> memref<8000512xf32, #tpu.memory_space<hbm>>
      %dma_wait3A_811 = arith.constant 0 : i32
      %dma_wait3A_812 = tpu.memref_slice %dma_wait3A_810[%dma_wait3A_811] : memref<8000512xf32, #tpu.memory_space<hbm>> -> memref<16xf32, #tpu.memory_space<hbm>>
      %dma_wait3A_813 = arith.constant 0 : i32
      %dma_wait3A_814 = tpu.memref_slice %arg14[%dma_wait3A_803, %dma_wait3A_813] : memref<16x512xf32, #tpu.memory_space<vmem>> -> memref<1x512xf32, #tpu.memory_space<vmem>>
      %dma_wait3A_815 = tpu.memref_squeeze %dma_wait3A_814 : memref<1x512xf32, #tpu.memory_space<vmem>> -> memref<512xf32, #tpu.memory_space<vmem>>
      %dma_wait3A_816 = tpu.memref_slice %dma_wait3A_815[%mul3A_22] : memref<512xf32, #tpu.memory_space<vmem>> -> memref<16xf32, #tpu.memory_space<vmem>>
      %dma_wait3A_817 = arith.constant 0 : i32
      %dma_wait3A_818 = tpu.memref_slice %arg6[%dma_wait3A_802, %dma_wait3A_817] : memref<2x8000512xf32, #tpu.memory_space<hbm>> -> memref<1x8000512xf32, #tpu.memory_space<hbm>>
      %dma_wait3A_819 = tpu.memref_squeeze %dma_wait3A_818 : memref<1x8000512xf32, #tpu.memory_space<hbm>> -> memref<8000512xf32, #tpu.memory_space<hbm>>
      %dma_wait3A_820 = arith.constant 0 : i32
      %dma_wait3A_821 = tpu.memref_slice %dma_wait3A_819[%dma_wait3A_820] : memref<8000512xf32, #tpu.memory_space<hbm>> -> memref<16xf32, #tpu.memory_space<hbm>>
      tpu.wait_dma2 semaphore(%arg17 : memref<!tpu.dma_semaphore, #tpu.memory_space<semaphore_mem>>) src(%dma_wait3A_821 : memref<16xf32, #tpu.memory_space<hbm>>) dst(%dma_wait3A_816 : memref<16xf32, #tpu.memory_space<vmem>>)
      %dma_wait3A_822 = arith.constant 0 : i32
      %dma_wait3A_823 = arith.constant 10 : i32
      %dma_wait3A_824 = arith.constant 0 : i32
      %dma_wait3A_825 = tpu.memref_slice %arg11[%dma_wait3A_823, %dma_wait3A_824] : memref<16x512xf32, #tpu.memory_space<vmem>> -> memref<1x512xf32, #tpu.memory_space<vmem>>
      %dma_wait3A_826 = tpu.memref_squeeze %dma_wait3A_825 : memref<1x512xf32, #tpu.memory_space<vmem>> -> memref<512xf32, #tpu.memory_space<vmem>>
      %dma_wait3A_827 = tpu.memref_slice %dma_wait3A_826[%mul3A_22] : memref<512xf32, #tpu.memory_space<vmem>> -> memref<16xf32, #tpu.memory_space<vmem>>
      %dma_wait3A_828 = arith.constant 0 : i32
      %dma_wait3A_829 = tpu.memref_slice %arg4[%dma_wait3A_822, %dma_wait3A_828] : memref<2x8000512xf32, #tpu.memory_space<hbm>> -> memref<1x8000512xf32, #tpu.memory_space<hbm>>
      %dma_wait3A_830 = tpu.memref_squeeze %dma_wait3A_829 : memref<1x8000512xf32, #tpu.memory_space<hbm>> -> memref<8000512xf32, #tpu.memory_space<hbm>>
      %dma_wait3A_831 = arith.constant 0 : i32
      %dma_wait3A_832 = tpu.memref_slice %dma_wait3A_830[%dma_wait3A_831] : memref<8000512xf32, #tpu.memory_space<hbm>> -> memref<16xf32, #tpu.memory_space<hbm>>
      %dma_wait3A_833 = arith.constant 0 : i32
      %dma_wait3A_834 = tpu.memref_slice %arg11[%dma_wait3A_823, %dma_wait3A_833] : memref<16x512xf32, #tpu.memory_space<vmem>> -> memref<1x512xf32, #tpu.memory_space<vmem>>
      %dma_wait3A_835 = tpu.memref_squeeze %dma_wait3A_834 : memref<1x512xf32, #tpu.memory_space<vmem>> -> memref<512xf32, #tpu.memory_space<vmem>>
      %dma_wait3A_836 = tpu.memref_slice %dma_wait3A_835[%mul3A_22] : memref<512xf32, #tpu.memory_space<vmem>> -> memref<16xf32, #tpu.memory_space<vmem>>
      %dma_wait3A_837 = arith.constant 0 : i32
      %dma_wait3A_838 = tpu.memref_slice %arg4[%dma_wait3A_822, %dma_wait3A_837] : memref<2x8000512xf32, #tpu.memory_space<hbm>> -> memref<1x8000512xf32, #tpu.memory_space<hbm>>
      %dma_wait3A_839 = tpu.memref_squeeze %dma_wait3A_838 : memref<1x8000512xf32, #tpu.memory_space<hbm>> -> memref<8000512xf32, #tpu.memory_space<hbm>>
      %dma_wait3A_840 = arith.constant 0 : i32
      %dma_wait3A_841 = tpu.memref_slice %dma_wait3A_839[%dma_wait3A_840] : memref<8000512xf32, #tpu.memory_space<hbm>> -> memref<16xf32, #tpu.memory_space<hbm>>
      tpu.wait_dma2 semaphore(%arg17 : memref<!tpu.dma_semaphore, #tpu.memory_space<semaphore_mem>>) src(%dma_wait3A_841 : memref<16xf32, #tpu.memory_space<hbm>>) dst(%dma_wait3A_836 : memref<16xf32, #tpu.memory_space<vmem>>)
      %dma_wait3A_842 = arith.constant 0 : i32
      %dma_wait3A_843 = arith.constant 10 : i32
      %dma_wait3A_844 = arith.constant 0 : i32
      %dma_wait3A_845 = tpu.memref_slice %arg12[%dma_wait3A_843, %dma_wait3A_844] : memref<16x512xf32, #tpu.memory_space<vmem>> -> memref<1x512xf32, #tpu.memory_space<vmem>>
      %dma_wait3A_846 = tpu.memref_squeeze %dma_wait3A_845 : memref<1x512xf32, #tpu.memory_space<vmem>> -> memref<512xf32, #tpu.memory_space<vmem>>
      %dma_wait3A_847 = tpu.memref_slice %dma_wait3A_846[%mul3A_22] : memref<512xf32, #tpu.memory_space<vmem>> -> memref<16xf32, #tpu.memory_space<vmem>>
      %dma_wait3A_848 = arith.constant 0 : i32
      %dma_wait3A_849 = tpu.memref_slice %arg4[%dma_wait3A_842, %dma_wait3A_848] : memref<2x8000512xf32, #tpu.memory_space<hbm>> -> memref<1x8000512xf32, #tpu.memory_space<hbm>>
      %dma_wait3A_850 = tpu.memref_squeeze %dma_wait3A_849 : memref<1x8000512xf32, #tpu.memory_space<hbm>> -> memref<8000512xf32, #tpu.memory_space<hbm>>
      %dma_wait3A_851 = arith.constant 0 : i32
      %dma_wait3A_852 = tpu.memref_slice %dma_wait3A_850[%dma_wait3A_851] : memref<8000512xf32, #tpu.memory_space<hbm>> -> memref<16xf32, #tpu.memory_space<hbm>>
      %dma_wait3A_853 = arith.constant 0 : i32
      %dma_wait3A_854 = tpu.memref_slice %arg12[%dma_wait3A_843, %dma_wait3A_853] : memref<16x512xf32, #tpu.memory_space<vmem>> -> memref<1x512xf32, #tpu.memory_space<vmem>>
      %dma_wait3A_855 = tpu.memref_squeeze %dma_wait3A_854 : memref<1x512xf32, #tpu.memory_space<vmem>> -> memref<512xf32, #tpu.memory_space<vmem>>
      %dma_wait3A_856 = tpu.memref_slice %dma_wait3A_855[%mul3A_22] : memref<512xf32, #tpu.memory_space<vmem>> -> memref<16xf32, #tpu.memory_space<vmem>>
      %dma_wait3A_857 = arith.constant 0 : i32
      %dma_wait3A_858 = tpu.memref_slice %arg4[%dma_wait3A_842, %dma_wait3A_857] : memref<2x8000512xf32, #tpu.memory_space<hbm>> -> memref<1x8000512xf32, #tpu.memory_space<hbm>>
      %dma_wait3A_859 = tpu.memref_squeeze %dma_wait3A_858 : memref<1x8000512xf32, #tpu.memory_space<hbm>> -> memref<8000512xf32, #tpu.memory_space<hbm>>
      %dma_wait3A_860 = arith.constant 0 : i32
      %dma_wait3A_861 = tpu.memref_slice %dma_wait3A_859[%dma_wait3A_860] : memref<8000512xf32, #tpu.memory_space<hbm>> -> memref<16xf32, #tpu.memory_space<hbm>>
      tpu.wait_dma2 semaphore(%arg17 : memref<!tpu.dma_semaphore, #tpu.memory_space<semaphore_mem>>) src(%dma_wait3A_861 : memref<16xf32, #tpu.memory_space<hbm>>) dst(%dma_wait3A_856 : memref<16xf32, #tpu.memory_space<vmem>>)
      %dma_wait3A_862 = arith.constant 0 : i32
      %dma_wait3A_863 = arith.constant 10 : i32
      %dma_wait3A_864 = arith.constant 0 : i32
      %dma_wait3A_865 = tpu.memref_slice %arg13[%dma_wait3A_863, %dma_wait3A_864] : memref<16x512xf32, #tpu.memory_space<vmem>> -> memref<1x512xf32, #tpu.memory_space<vmem>>
      %dma_wait3A_866 = tpu.memref_squeeze %dma_wait3A_865 : memref<1x512xf32, #tpu.memory_space<vmem>> -> memref<512xf32, #tpu.memory_space<vmem>>
      %dma_wait3A_867 = tpu.memref_slice %dma_wait3A_866[%mul3A_22] : memref<512xf32, #tpu.memory_space<vmem>> -> memref<16xf32, #tpu.memory_space<vmem>>
      %dma_wait3A_868 = arith.constant 0 : i32
      %dma_wait3A_869 = tpu.memref_slice %arg5[%dma_wait3A_862, %dma_wait3A_868] : memref<2x8000512xf32, #tpu.memory_space<hbm>> -> memref<1x8000512xf32, #tpu.memory_space<hbm>>
      %dma_wait3A_870 = tpu.memref_squeeze %dma_wait3A_869 : memref<1x8000512xf32, #tpu.memory_space<hbm>> -> memref<8000512xf32, #tpu.memory_space<hbm>>
      %dma_wait3A_871 = arith.constant 0 : i32
      %dma_wait3A_872 = tpu.memref_slice %dma_wait3A_870[%dma_wait3A_871] : memref<8000512xf32, #tpu.memory_space<hbm>> -> memref<16xf32, #tpu.memory_space<hbm>>
      %dma_wait3A_873 = arith.constant 0 : i32
      %dma_wait3A_874 = tpu.memref_slice %arg13[%dma_wait3A_863, %dma_wait3A_873] : memref<16x512xf32, #tpu.memory_space<vmem>> -> memref<1x512xf32, #tpu.memory_space<vmem>>
      %dma_wait3A_875 = tpu.memref_squeeze %dma_wait3A_874 : memref<1x512xf32, #tpu.memory_space<vmem>> -> memref<512xf32, #tpu.memory_space<vmem>>
      %dma_wait3A_876 = tpu.memref_slice %dma_wait3A_875[%mul3A_22] : memref<512xf32, #tpu.memory_space<vmem>> -> memref<16xf32, #tpu.memory_space<vmem>>
      %dma_wait3A_877 = arith.constant 0 : i32
      %dma_wait3A_878 = tpu.memref_slice %arg5[%dma_wait3A_862, %dma_wait3A_877] : memref<2x8000512xf32, #tpu.memory_space<hbm>> -> memref<1x8000512xf32, #tpu.memory_space<hbm>>
      %dma_wait3A_879 = tpu.memref_squeeze %dma_wait3A_878 : memref<1x8000512xf32, #tpu.memory_space<hbm>> -> memref<8000512xf32, #tpu.memory_space<hbm>>
      %dma_wait3A_880 = arith.constant 0 : i32
      %dma_wait3A_881 = tpu.memref_slice %dma_wait3A_879[%dma_wait3A_880] : memref<8000512xf32, #tpu.memory_space<hbm>> -> memref<16xf32, #tpu.memory_space<hbm>>
      tpu.wait_dma2 semaphore(%arg17 : memref<!tpu.dma_semaphore, #tpu.memory_space<semaphore_mem>>) src(%dma_wait3A_881 : memref<16xf32, #tpu.memory_space<hbm>>) dst(%dma_wait3A_876 : memref<16xf32, #tpu.memory_space<vmem>>)
      %dma_wait3A_882 = arith.constant 0 : i32
      %dma_wait3A_883 = arith.constant 10 : i32
      %dma_wait3A_884 = arith.constant 0 : i32
      %dma_wait3A_885 = tpu.memref_slice %arg14[%dma_wait3A_883, %dma_wait3A_884] : memref<16x512xf32, #tpu.memory_space<vmem>> -> memref<1x512xf32, #tpu.memory_space<vmem>>
      %dma_wait3A_886 = tpu.memref_squeeze %dma_wait3A_885 : memref<1x512xf32, #tpu.memory_space<vmem>> -> memref<512xf32, #tpu.memory_space<vmem>>
      %dma_wait3A_887 = tpu.memref_slice %dma_wait3A_886[%mul3A_22] : memref<512xf32, #tpu.memory_space<vmem>> -> memref<16xf32, #tpu.memory_space<vmem>>
      %dma_wait3A_888 = arith.constant 0 : i32
      %dma_wait3A_889 = tpu.memref_slice %arg6[%dma_wait3A_882, %dma_wait3A_888] : memref<2x8000512xf32, #tpu.memory_space<hbm>> -> memref<1x8000512xf32, #tpu.memory_space<hbm>>
      %dma_wait3A_890 = tpu.memref_squeeze %dma_wait3A_889 : memref<1x8000512xf32, #tpu.memory_space<hbm>> -> memref<8000512xf32, #tpu.memory_space<hbm>>
      %dma_wait3A_891 = arith.constant 0 : i32
      %dma_wait3A_892 = tpu.memref_slice %dma_wait3A_890[%dma_wait3A_891] : memref<8000512xf32, #tpu.memory_space<hbm>> -> memref<16xf32, #tpu.memory_space<hbm>>
      %dma_wait3A_893 = arith.constant 0 : i32
      %dma_wait3A_894 = tpu.memref_slice %arg14[%dma_wait3A_883, %dma_wait3A_893] : memref<16x512xf32, #tpu.memory_space<vmem>> -> memref<1x512xf32, #tpu.memory_space<vmem>>
      %dma_wait3A_895 = tpu.memref_squeeze %dma_wait3A_894 : memref<1x512xf32, #tpu.memory_space<vmem>> -> memref<512xf32, #tpu.memory_space<vmem>>
      %dma_wait3A_896 = tpu.memref_slice %dma_wait3A_895[%mul3A_22] : memref<512xf32, #tpu.memory_space<vmem>> -> memref<16xf32, #tpu.memory_space<vmem>>
      %dma_wait3A_897 = arith.constant 0 : i32
      %dma_wait3A_898 = tpu.memref_slice %arg6[%dma_wait3A_882, %dma_wait3A_897] : memref<2x8000512xf32, #tpu.memory_space<hbm>> -> memref<1x8000512xf32, #tpu.memory_space<hbm>>
      %dma_wait3A_899 = tpu.memref_squeeze %dma_wait3A_898 : memref<1x8000512xf32, #tpu.memory_space<hbm>> -> memref<8000512xf32, #tpu.memory_space<hbm>>
      %dma_wait3A_900 = arith.constant 0 : i32
      %dma_wait3A_901 = tpu.memref_slice %dma_wait3A_899[%dma_wait3A_900] : memref<8000512xf32, #tpu.memory_space<hbm>> -> memref<16xf32, #tpu.memory_space<hbm>>
      tpu.wait_dma2 semaphore(%arg17 : memref<!tpu.dma_semaphore, #tpu.memory_space<semaphore_mem>>) src(%dma_wait3A_901 : memref<16xf32, #tpu.memory_space<hbm>>) dst(%dma_wait3A_896 : memref<16xf32, #tpu.memory_space<vmem>>)
      %dma_wait3A_902 = arith.constant 0 : i32
      %dma_wait3A_903 = arith.constant 11 : i32
      %dma_wait3A_904 = arith.constant 0 : i32
      %dma_wait3A_905 = tpu.memref_slice %arg11[%dma_wait3A_903, %dma_wait3A_904] : memref<16x512xf32, #tpu.memory_space<vmem>> -> memref<1x512xf32, #tpu.memory_space<vmem>>
      %dma_wait3A_906 = tpu.memref_squeeze %dma_wait3A_905 : memref<1x512xf32, #tpu.memory_space<vmem>> -> memref<512xf32, #tpu.memory_space<vmem>>
      %dma_wait3A_907 = tpu.memref_slice %dma_wait3A_906[%mul3A_22] : memref<512xf32, #tpu.memory_space<vmem>> -> memref<16xf32, #tpu.memory_space<vmem>>
      %dma_wait3A_908 = arith.constant 0 : i32
      %dma_wait3A_909 = tpu.memref_slice %arg4[%dma_wait3A_902, %dma_wait3A_908] : memref<2x8000512xf32, #tpu.memory_space<hbm>> -> memref<1x8000512xf32, #tpu.memory_space<hbm>>
      %dma_wait3A_910 = tpu.memref_squeeze %dma_wait3A_909 : memref<1x8000512xf32, #tpu.memory_space<hbm>> -> memref<8000512xf32, #tpu.memory_space<hbm>>
      %dma_wait3A_911 = arith.constant 0 : i32
      %dma_wait3A_912 = tpu.memref_slice %dma_wait3A_910[%dma_wait3A_911] : memref<8000512xf32, #tpu.memory_space<hbm>> -> memref<16xf32, #tpu.memory_space<hbm>>
      %dma_wait3A_913 = arith.constant 0 : i32
      %dma_wait3A_914 = tpu.memref_slice %arg11[%dma_wait3A_903, %dma_wait3A_913] : memref<16x512xf32, #tpu.memory_space<vmem>> -> memref<1x512xf32, #tpu.memory_space<vmem>>
      %dma_wait3A_915 = tpu.memref_squeeze %dma_wait3A_914 : memref<1x512xf32, #tpu.memory_space<vmem>> -> memref<512xf32, #tpu.memory_space<vmem>>
      %dma_wait3A_916 = tpu.memref_slice %dma_wait3A_915[%mul3A_22] : memref<512xf32, #tpu.memory_space<vmem>> -> memref<16xf32, #tpu.memory_space<vmem>>
      %dma_wait3A_917 = arith.constant 0 : i32
      %dma_wait3A_918 = tpu.memref_slice %arg4[%dma_wait3A_902, %dma_wait3A_917] : memref<2x8000512xf32, #tpu.memory_space<hbm>> -> memref<1x8000512xf32, #tpu.memory_space<hbm>>
      %dma_wait3A_919 = tpu.memref_squeeze %dma_wait3A_918 : memref<1x8000512xf32, #tpu.memory_space<hbm>> -> memref<8000512xf32, #tpu.memory_space<hbm>>
      %dma_wait3A_920 = arith.constant 0 : i32
      %dma_wait3A_921 = tpu.memref_slice %dma_wait3A_919[%dma_wait3A_920] : memref<8000512xf32, #tpu.memory_space<hbm>> -> memref<16xf32, #tpu.memory_space<hbm>>
      tpu.wait_dma2 semaphore(%arg17 : memref<!tpu.dma_semaphore, #tpu.memory_space<semaphore_mem>>) src(%dma_wait3A_921 : memref<16xf32, #tpu.memory_space<hbm>>) dst(%dma_wait3A_916 : memref<16xf32, #tpu.memory_space<vmem>>)
      %dma_wait3A_922 = arith.constant 0 : i32
      %dma_wait3A_923 = arith.constant 11 : i32
      %dma_wait3A_924 = arith.constant 0 : i32
      %dma_wait3A_925 = tpu.memref_slice %arg12[%dma_wait3A_923, %dma_wait3A_924] : memref<16x512xf32, #tpu.memory_space<vmem>> -> memref<1x512xf32, #tpu.memory_space<vmem>>
      %dma_wait3A_926 = tpu.memref_squeeze %dma_wait3A_925 : memref<1x512xf32, #tpu.memory_space<vmem>> -> memref<512xf32, #tpu.memory_space<vmem>>
      %dma_wait3A_927 = tpu.memref_slice %dma_wait3A_926[%mul3A_22] : memref<512xf32, #tpu.memory_space<vmem>> -> memref<16xf32, #tpu.memory_space<vmem>>
      %dma_wait3A_928 = arith.constant 0 : i32
      %dma_wait3A_929 = tpu.memref_slice %arg4[%dma_wait3A_922, %dma_wait3A_928] : memref<2x8000512xf32, #tpu.memory_space<hbm>> -> memref<1x8000512xf32, #tpu.memory_space<hbm>>
      %dma_wait3A_930 = tpu.memref_squeeze %dma_wait3A_929 : memref<1x8000512xf32, #tpu.memory_space<hbm>> -> memref<8000512xf32, #tpu.memory_space<hbm>>
      %dma_wait3A_931 = arith.constant 0 : i32
      %dma_wait3A_932 = tpu.memref_slice %dma_wait3A_930[%dma_wait3A_931] : memref<8000512xf32, #tpu.memory_space<hbm>> -> memref<16xf32, #tpu.memory_space<hbm>>
      %dma_wait3A_933 = arith.constant 0 : i32
      %dma_wait3A_934 = tpu.memref_slice %arg12[%dma_wait3A_923, %dma_wait3A_933] : memref<16x512xf32, #tpu.memory_space<vmem>> -> memref<1x512xf32, #tpu.memory_space<vmem>>
      %dma_wait3A_935 = tpu.memref_squeeze %dma_wait3A_934 : memref<1x512xf32, #tpu.memory_space<vmem>> -> memref<512xf32, #tpu.memory_space<vmem>>
      %dma_wait3A_936 = tpu.memref_slice %dma_wait3A_935[%mul3A_22] : memref<512xf32, #tpu.memory_space<vmem>> -> memref<16xf32, #tpu.memory_space<vmem>>
      %dma_wait3A_937 = arith.constant 0 : i32
      %dma_wait3A_938 = tpu.memref_slice %arg4[%dma_wait3A_922, %dma_wait3A_937] : memref<2x8000512xf32, #tpu.memory_space<hbm>> -> memref<1x8000512xf32, #tpu.memory_space<hbm>>
      %dma_wait3A_939 = tpu.memref_squeeze %dma_wait3A_938 : memref<1x8000512xf32, #tpu.memory_space<hbm>> -> memref<8000512xf32, #tpu.memory_space<hbm>>
      %dma_wait3A_940 = arith.constant 0 : i32
      %dma_wait3A_941 = tpu.memref_slice %dma_wait3A_939[%dma_wait3A_940] : memref<8000512xf32, #tpu.memory_space<hbm>> -> memref<16xf32, #tpu.memory_space<hbm>>
      tpu.wait_dma2 semaphore(%arg17 : memref<!tpu.dma_semaphore, #tpu.memory_space<semaphore_mem>>) src(%dma_wait3A_941 : memref<16xf32, #tpu.memory_space<hbm>>) dst(%dma_wait3A_936 : memref<16xf32, #tpu.memory_space<vmem>>)
      %dma_wait3A_942 = arith.constant 0 : i32
      %dma_wait3A_943 = arith.constant 11 : i32
      %dma_wait3A_944 = arith.constant 0 : i32
      %dma_wait3A_945 = tpu.memref_slice %arg13[%dma_wait3A_943, %dma_wait3A_944] : memref<16x512xf32, #tpu.memory_space<vmem>> -> memref<1x512xf32, #tpu.memory_space<vmem>>
      %dma_wait3A_946 = tpu.memref_squeeze %dma_wait3A_945 : memref<1x512xf32, #tpu.memory_space<vmem>> -> memref<512xf32, #tpu.memory_space<vmem>>
      %dma_wait3A_947 = tpu.memref_slice %dma_wait3A_946[%mul3A_22] : memref<512xf32, #tpu.memory_space<vmem>> -> memref<16xf32, #tpu.memory_space<vmem>>
      %dma_wait3A_948 = arith.constant 0 : i32
      %dma_wait3A_949 = tpu.memref_slice %arg5[%dma_wait3A_942, %dma_wait3A_948] : memref<2x8000512xf32, #tpu.memory_space<hbm>> -> memref<1x8000512xf32, #tpu.memory_space<hbm>>
      %dma_wait3A_950 = tpu.memref_squeeze %dma_wait3A_949 : memref<1x8000512xf32, #tpu.memory_space<hbm>> -> memref<8000512xf32, #tpu.memory_space<hbm>>
      %dma_wait3A_951 = arith.constant 0 : i32
      %dma_wait3A_952 = tpu.memref_slice %dma_wait3A_950[%dma_wait3A_951] : memref<8000512xf32, #tpu.memory_space<hbm>> -> memref<16xf32, #tpu.memory_space<hbm>>
      %dma_wait3A_953 = arith.constant 0 : i32
      %dma_wait3A_954 = tpu.memref_slice %arg13[%dma_wait3A_943, %dma_wait3A_953] : memref<16x512xf32, #tpu.memory_space<vmem>> -> memref<1x512xf32, #tpu.memory_space<vmem>>
      %dma_wait3A_955 = tpu.memref_squeeze %dma_wait3A_954 : memref<1x512xf32, #tpu.memory_space<vmem>> -> memref<512xf32, #tpu.memory_space<vmem>>
      %dma_wait3A_956 = tpu.memref_slice %dma_wait3A_955[%mul3A_22] : memref<512xf32, #tpu.memory_space<vmem>> -> memref<16xf32, #tpu.memory_space<vmem>>
      %dma_wait3A_957 = arith.constant 0 : i32
      %dma_wait3A_958 = tpu.memref_slice %arg5[%dma_wait3A_942, %dma_wait3A_957] : memref<2x8000512xf32, #tpu.memory_space<hbm>> -> memref<1x8000512xf32, #tpu.memory_space<hbm>>
      %dma_wait3A_959 = tpu.memref_squeeze %dma_wait3A_958 : memref<1x8000512xf32, #tpu.memory_space<hbm>> -> memref<8000512xf32, #tpu.memory_space<hbm>>
      %dma_wait3A_960 = arith.constant 0 : i32
      %dma_wait3A_961 = tpu.memref_slice %dma_wait3A_959[%dma_wait3A_960] : memref<8000512xf32, #tpu.memory_space<hbm>> -> memref<16xf32, #tpu.memory_space<hbm>>
      tpu.wait_dma2 semaphore(%arg17 : memref<!tpu.dma_semaphore, #tpu.memory_space<semaphore_mem>>) src(%dma_wait3A_961 : memref<16xf32, #tpu.memory_space<hbm>>) dst(%dma_wait3A_956 : memref<16xf32, #tpu.memory_space<vmem>>)
      %dma_wait3A_962 = arith.constant 0 : i32
      %dma_wait3A_963 = arith.constant 11 : i32
      %dma_wait3A_964 = arith.constant 0 : i32
      %dma_wait3A_965 = tpu.memref_slice %arg14[%dma_wait3A_963, %dma_wait3A_964] : memref<16x512xf32, #tpu.memory_space<vmem>> -> memref<1x512xf32, #tpu.memory_space<vmem>>
      %dma_wait3A_966 = tpu.memref_squeeze %dma_wait3A_965 : memref<1x512xf32, #tpu.memory_space<vmem>> -> memref<512xf32, #tpu.memory_space<vmem>>
      %dma_wait3A_967 = tpu.memref_slice %dma_wait3A_966[%mul3A_22] : memref<512xf32, #tpu.memory_space<vmem>> -> memref<16xf32, #tpu.memory_space<vmem>>
      %dma_wait3A_968 = arith.constant 0 : i32
      %dma_wait3A_969 = tpu.memref_slice %arg6[%dma_wait3A_962, %dma_wait3A_968] : memref<2x8000512xf32, #tpu.memory_space<hbm>> -> memref<1x8000512xf32, #tpu.memory_space<hbm>>
      %dma_wait3A_970 = tpu.memref_squeeze %dma_wait3A_969 : memref<1x8000512xf32, #tpu.memory_space<hbm>> -> memref<8000512xf32, #tpu.memory_space<hbm>>
      %dma_wait3A_971 = arith.constant 0 : i32
      %dma_wait3A_972 = tpu.memref_slice %dma_wait3A_970[%dma_wait3A_971] : memref<8000512xf32, #tpu.memory_space<hbm>> -> memref<16xf32, #tpu.memory_space<hbm>>
      %dma_wait3A_973 = arith.constant 0 : i32
      %dma_wait3A_974 = tpu.memref_slice %arg14[%dma_wait3A_963, %dma_wait3A_973] : memref<16x512xf32, #tpu.memory_space<vmem>> -> memref<1x512xf32, #tpu.memory_space<vmem>>
      %dma_wait3A_975 = tpu.memref_squeeze %dma_wait3A_974 : memref<1x512xf32, #tpu.memory_space<vmem>> -> memref<512xf32, #tpu.memory_space<vmem>>
      %dma_wait3A_976 = tpu.memref_slice %dma_wait3A_975[%mul3A_22] : memref<512xf32, #tpu.memory_space<vmem>> -> memref<16xf32, #tpu.memory_space<vmem>>
      %dma_wait3A_977 = arith.constant 0 : i32
      %dma_wait3A_978 = tpu.memref_slice %arg6[%dma_wait3A_962, %dma_wait3A_977] : memref<2x8000512xf32, #tpu.memory_space<hbm>> -> memref<1x8000512xf32, #tpu.memory_space<hbm>>
      %dma_wait3A_979 = tpu.memref_squeeze %dma_wait3A_978 : memref<1x8000512xf32, #tpu.memory_space<hbm>> -> memref<8000512xf32, #tpu.memory_space<hbm>>
      %dma_wait3A_980 = arith.constant 0 : i32
      %dma_wait3A_981 = tpu.memref_slice %dma_wait3A_979[%dma_wait3A_980] : memref<8000512xf32, #tpu.memory_space<hbm>> -> memref<16xf32, #tpu.memory_space<hbm>>
      tpu.wait_dma2 semaphore(%arg17 : memref<!tpu.dma_semaphore, #tpu.memory_space<semaphore_mem>>) src(%dma_wait3A_981 : memref<16xf32, #tpu.memory_space<hbm>>) dst(%dma_wait3A_976 : memref<16xf32, #tpu.memory_space<vmem>>)
      %dma_wait3A_982 = arith.constant 0 : i32
      %dma_wait3A_983 = arith.constant 12 : i32
      %dma_wait3A_984 = arith.constant 0 : i32
      %dma_wait3A_985 = tpu.memref_slice %arg11[%dma_wait3A_983, %dma_wait3A_984] : memref<16x512xf32, #tpu.memory_space<vmem>> -> memref<1x512xf32, #tpu.memory_space<vmem>>
      %dma_wait3A_986 = tpu.memref_squeeze %dma_wait3A_985 : memref<1x512xf32, #tpu.memory_space<vmem>> -> memref<512xf32, #tpu.memory_space<vmem>>
      %dma_wait3A_987 = tpu.memref_slice %dma_wait3A_986[%mul3A_22] : memref<512xf32, #tpu.memory_space<vmem>> -> memref<16xf32, #tpu.memory_space<vmem>>
      %dma_wait3A_988 = arith.constant 0 : i32
      %dma_wait3A_989 = tpu.memref_slice %arg4[%dma_wait3A_982, %dma_wait3A_988] : memref<2x8000512xf32, #tpu.memory_space<hbm>> -> memref<1x8000512xf32, #tpu.memory_space<hbm>>
      %dma_wait3A_990 = tpu.memref_squeeze %dma_wait3A_989 : memref<1x8000512xf32, #tpu.memory_space<hbm>> -> memref<8000512xf32, #tpu.memory_space<hbm>>
      %dma_wait3A_991 = arith.constant 0 : i32
      %dma_wait3A_992 = tpu.memref_slice %dma_wait3A_990[%dma_wait3A_991] : memref<8000512xf32, #tpu.memory_space<hbm>> -> memref<16xf32, #tpu.memory_space<hbm>>
      %dma_wait3A_993 = arith.constant 0 : i32
      %dma_wait3A_994 = tpu.memref_slice %arg11[%dma_wait3A_983, %dma_wait3A_993] : memref<16x512xf32, #tpu.memory_space<vmem>> -> memref<1x512xf32, #tpu.memory_space<vmem>>
      %dma_wait3A_995 = tpu.memref_squeeze %dma_wait3A_994 : memref<1x512xf32, #tpu.memory_space<vmem>> -> memref<512xf32, #tpu.memory_space<vmem>>
      %dma_wait3A_996 = tpu.memref_slice %dma_wait3A_995[%mul3A_22] : memref<512xf32, #tpu.memory_space<vmem>> -> memref<16xf32, #tpu.memory_space<vmem>>
      %dma_wait3A_997 = arith.constant 0 : i32
      %dma_wait3A_998 = tpu.memref_slice %arg4[%dma_wait3A_982, %dma_wait3A_997] : memref<2x8000512xf32, #tpu.memory_space<hbm>> -> memref<1x8000512xf32, #tpu.memory_space<hbm>>
      %dma_wait3A_999 = tpu.memref_squeeze %dma_wait3A_998 : memref<1x8000512xf32, #tpu.memory_space<hbm>> -> memref<8000512xf32, #tpu.memory_space<hbm>>
      %dma_wait3A_1000 = arith.constant 0 : i32
      %dma_wait3A_1001 = tpu.memref_slice %dma_wait3A_999[%dma_wait3A_1000] : memref<8000512xf32, #tpu.memory_space<hbm>> -> memref<16xf32, #tpu.memory_space<hbm>>
      tpu.wait_dma2 semaphore(%arg17 : memref<!tpu.dma_semaphore, #tpu.memory_space<semaphore_mem>>) src(%dma_wait3A_1001 : memref<16xf32, #tpu.memory_space<hbm>>) dst(%dma_wait3A_996 : memref<16xf32, #tpu.memory_space<vmem>>)
      %dma_wait3A_1002 = arith.constant 0 : i32
      %dma_wait3A_1003 = arith.constant 12 : i32
      %dma_wait3A_1004 = arith.constant 0 : i32
      %dma_wait3A_1005 = tpu.memref_slice %arg12[%dma_wait3A_1003, %dma_wait3A_1004] : memref<16x512xf32, #tpu.memory_space<vmem>> -> memref<1x512xf32, #tpu.memory_space<vmem>>
      %dma_wait3A_1006 = tpu.memref_squeeze %dma_wait3A_1005 : memref<1x512xf32, #tpu.memory_space<vmem>> -> memref<512xf32, #tpu.memory_space<vmem>>
      %dma_wait3A_1007 = tpu.memref_slice %dma_wait3A_1006[%mul3A_22] : memref<512xf32, #tpu.memory_space<vmem>> -> memref<16xf32, #tpu.memory_space<vmem>>
      %dma_wait3A_1008 = arith.constant 0 : i32
      %dma_wait3A_1009 = tpu.memref_slice %arg4[%dma_wait3A_1002, %dma_wait3A_1008] : memref<2x8000512xf32, #tpu.memory_space<hbm>> -> memref<1x8000512xf32, #tpu.memory_space<hbm>>
      %dma_wait3A_1010 = tpu.memref_squeeze %dma_wait3A_1009 : memref<1x8000512xf32, #tpu.memory_space<hbm>> -> memref<8000512xf32, #tpu.memory_space<hbm>>
      %dma_wait3A_1011 = arith.constant 0 : i32
      %dma_wait3A_1012 = tpu.memref_slice %dma_wait3A_1010[%dma_wait3A_1011] : memref<8000512xf32, #tpu.memory_space<hbm>> -> memref<16xf32, #tpu.memory_space<hbm>>
      %dma_wait3A_1013 = arith.constant 0 : i32
      %dma_wait3A_1014 = tpu.memref_slice %arg12[%dma_wait3A_1003, %dma_wait3A_1013] : memref<16x512xf32, #tpu.memory_space<vmem>> -> memref<1x512xf32, #tpu.memory_space<vmem>>
      %dma_wait3A_1015 = tpu.memref_squeeze %dma_wait3A_1014 : memref<1x512xf32, #tpu.memory_space<vmem>> -> memref<512xf32, #tpu.memory_space<vmem>>
      %dma_wait3A_1016 = tpu.memref_slice %dma_wait3A_1015[%mul3A_22] : memref<512xf32, #tpu.memory_space<vmem>> -> memref<16xf32, #tpu.memory_space<vmem>>
      %dma_wait3A_1017 = arith.constant 0 : i32
      %dma_wait3A_1018 = tpu.memref_slice %arg4[%dma_wait3A_1002, %dma_wait3A_1017] : memref<2x8000512xf32, #tpu.memory_space<hbm>> -> memref<1x8000512xf32, #tpu.memory_space<hbm>>
      %dma_wait3A_1019 = tpu.memref_squeeze %dma_wait3A_1018 : memref<1x8000512xf32, #tpu.memory_space<hbm>> -> memref<8000512xf32, #tpu.memory_space<hbm>>
      %dma_wait3A_1020 = arith.constant 0 : i32
      %dma_wait3A_1021 = tpu.memref_slice %dma_wait3A_1019[%dma_wait3A_1020] : memref<8000512xf32, #tpu.memory_space<hbm>> -> memref<16xf32, #tpu.memory_space<hbm>>
      tpu.wait_dma2 semaphore(%arg17 : memref<!tpu.dma_semaphore, #tpu.memory_space<semaphore_mem>>) src(%dma_wait3A_1021 : memref<16xf32, #tpu.memory_space<hbm>>) dst(%dma_wait3A_1016 : memref<16xf32, #tpu.memory_space<vmem>>)
      %dma_wait3A_1022 = arith.constant 0 : i32
      %dma_wait3A_1023 = arith.constant 12 : i32
      %dma_wait3A_1024 = arith.constant 0 : i32
      %dma_wait3A_1025 = tpu.memref_slice %arg13[%dma_wait3A_1023, %dma_wait3A_1024] : memref<16x512xf32, #tpu.memory_space<vmem>> -> memref<1x512xf32, #tpu.memory_space<vmem>>
      %dma_wait3A_1026 = tpu.memref_squeeze %dma_wait3A_1025 : memref<1x512xf32, #tpu.memory_space<vmem>> -> memref<512xf32, #tpu.memory_space<vmem>>
      %dma_wait3A_1027 = tpu.memref_slice %dma_wait3A_1026[%mul3A_22] : memref<512xf32, #tpu.memory_space<vmem>> -> memref<16xf32, #tpu.memory_space<vmem>>
      %dma_wait3A_1028 = arith.constant 0 : i32
      %dma_wait3A_1029 = tpu.memref_slice %arg5[%dma_wait3A_1022, %dma_wait3A_1028] : memref<2x8000512xf32, #tpu.memory_space<hbm>> -> memref<1x8000512xf32, #tpu.memory_space<hbm>>
      %dma_wait3A_1030 = tpu.memref_squeeze %dma_wait3A_1029 : memref<1x8000512xf32, #tpu.memory_space<hbm>> -> memref<8000512xf32, #tpu.memory_space<hbm>>
      %dma_wait3A_1031 = arith.constant 0 : i32
      %dma_wait3A_1032 = tpu.memref_slice %dma_wait3A_1030[%dma_wait3A_1031] : memref<8000512xf32, #tpu.memory_space<hbm>> -> memref<16xf32, #tpu.memory_space<hbm>>
      %dma_wait3A_1033 = arith.constant 0 : i32
      %dma_wait3A_1034 = tpu.memref_slice %arg13[%dma_wait3A_1023, %dma_wait3A_1033] : memref<16x512xf32, #tpu.memory_space<vmem>> -> memref<1x512xf32, #tpu.memory_space<vmem>>
      %dma_wait3A_1035 = tpu.memref_squeeze %dma_wait3A_1034 : memref<1x512xf32, #tpu.memory_space<vmem>> -> memref<512xf32, #tpu.memory_space<vmem>>
      %dma_wait3A_1036 = tpu.memref_slice %dma_wait3A_1035[%mul3A_22] : memref<512xf32, #tpu.memory_space<vmem>> -> memref<16xf32, #tpu.memory_space<vmem>>
      %dma_wait3A_1037 = arith.constant 0 : i32
      %dma_wait3A_1038 = tpu.memref_slice %arg5[%dma_wait3A_1022, %dma_wait3A_1037] : memref<2x8000512xf32, #tpu.memory_space<hbm>> -> memref<1x8000512xf32, #tpu.memory_space<hbm>>
      %dma_wait3A_1039 = tpu.memref_squeeze %dma_wait3A_1038 : memref<1x8000512xf32, #tpu.memory_space<hbm>> -> memref<8000512xf32, #tpu.memory_space<hbm>>
      %dma_wait3A_1040 = arith.constant 0 : i32
      %dma_wait3A_1041 = tpu.memref_slice %dma_wait3A_1039[%dma_wait3A_1040] : memref<8000512xf32, #tpu.memory_space<hbm>> -> memref<16xf32, #tpu.memory_space<hbm>>
      tpu.wait_dma2 semaphore(%arg17 : memref<!tpu.dma_semaphore, #tpu.memory_space<semaphore_mem>>) src(%dma_wait3A_1041 : memref<16xf32, #tpu.memory_space<hbm>>) dst(%dma_wait3A_1036 : memref<16xf32, #tpu.memory_space<vmem>>)
      %dma_wait3A_1042 = arith.constant 0 : i32
      %dma_wait3A_1043 = arith.constant 12 : i32
      %dma_wait3A_1044 = arith.constant 0 : i32
      %dma_wait3A_1045 = tpu.memref_slice %arg14[%dma_wait3A_1043, %dma_wait3A_1044] : memref<16x512xf32, #tpu.memory_space<vmem>> -> memref<1x512xf32, #tpu.memory_space<vmem>>
      %dma_wait3A_1046 = tpu.memref_squeeze %dma_wait3A_1045 : memref<1x512xf32, #tpu.memory_space<vmem>> -> memref<512xf32, #tpu.memory_space<vmem>>
      %dma_wait3A_1047 = tpu.memref_slice %dma_wait3A_1046[%mul3A_22] : memref<512xf32, #tpu.memory_space<vmem>> -> memref<16xf32, #tpu.memory_space<vmem>>
      %dma_wait3A_1048 = arith.constant 0 : i32
      %dma_wait3A_1049 = tpu.memref_slice %arg6[%dma_wait3A_1042, %dma_wait3A_1048] : memref<2x8000512xf32, #tpu.memory_space<hbm>> -> memref<1x8000512xf32, #tpu.memory_space<hbm>>
      %dma_wait3A_1050 = tpu.memref_squeeze %dma_wait3A_1049 : memref<1x8000512xf32, #tpu.memory_space<hbm>> -> memref<8000512xf32, #tpu.memory_space<hbm>>
      %dma_wait3A_1051 = arith.constant 0 : i32
      %dma_wait3A_1052 = tpu.memref_slice %dma_wait3A_1050[%dma_wait3A_1051] : memref<8000512xf32, #tpu.memory_space<hbm>> -> memref<16xf32, #tpu.memory_space<hbm>>
      %dma_wait3A_1053 = arith.constant 0 : i32
      %dma_wait3A_1054 = tpu.memref_slice %arg14[%dma_wait3A_1043, %dma_wait3A_1053] : memref<16x512xf32, #tpu.memory_space<vmem>> -> memref<1x512xf32, #tpu.memory_space<vmem>>
      %dma_wait3A_1055 = tpu.memref_squeeze %dma_wait3A_1054 : memref<1x512xf32, #tpu.memory_space<vmem>> -> memref<512xf32, #tpu.memory_space<vmem>>
      %dma_wait3A_1056 = tpu.memref_slice %dma_wait3A_1055[%mul3A_22] : memref<512xf32, #tpu.memory_space<vmem>> -> memref<16xf32, #tpu.memory_space<vmem>>
      %dma_wait3A_1057 = arith.constant 0 : i32
      %dma_wait3A_1058 = tpu.memref_slice %arg6[%dma_wait3A_1042, %dma_wait3A_1057] : memref<2x8000512xf32, #tpu.memory_space<hbm>> -> memref<1x8000512xf32, #tpu.memory_space<hbm>>
      %dma_wait3A_1059 = tpu.memref_squeeze %dma_wait3A_1058 : memref<1x8000512xf32, #tpu.memory_space<hbm>> -> memref<8000512xf32, #tpu.memory_space<hbm>>
      %dma_wait3A_1060 = arith.constant 0 : i32
      %dma_wait3A_1061 = tpu.memref_slice %dma_wait3A_1059[%dma_wait3A_1060] : memref<8000512xf32, #tpu.memory_space<hbm>> -> memref<16xf32, #tpu.memory_space<hbm>>
      tpu.wait_dma2 semaphore(%arg17 : memref<!tpu.dma_semaphore, #tpu.memory_space<semaphore_mem>>) src(%dma_wait3A_1061 : memref<16xf32, #tpu.memory_space<hbm>>) dst(%dma_wait3A_1056 : memref<16xf32, #tpu.memory_space<vmem>>)
      %dma_wait3A_1062 = arith.constant 0 : i32
      %dma_wait3A_1063 = arith.constant 13 : i32
      %dma_wait3A_1064 = arith.constant 0 : i32
      %dma_wait3A_1065 = tpu.memref_slice %arg11[%dma_wait3A_1063, %dma_wait3A_1064] : memref<16x512xf32, #tpu.memory_space<vmem>> -> memref<1x512xf32, #tpu.memory_space<vmem>>
      %dma_wait3A_1066 = tpu.memref_squeeze %dma_wait3A_1065 : memref<1x512xf32, #tpu.memory_space<vmem>> -> memref<512xf32, #tpu.memory_space<vmem>>
      %dma_wait3A_1067 = tpu.memref_slice %dma_wait3A_1066[%mul3A_22] : memref<512xf32, #tpu.memory_space<vmem>> -> memref<16xf32, #tpu.memory_space<vmem>>
      %dma_wait3A_1068 = arith.constant 0 : i32
      %dma_wait3A_1069 = tpu.memref_slice %arg4[%dma_wait3A_1062, %dma_wait3A_1068] : memref<2x8000512xf32, #tpu.memory_space<hbm>> -> memref<1x8000512xf32, #tpu.memory_space<hbm>>
      %dma_wait3A_1070 = tpu.memref_squeeze %dma_wait3A_1069 : memref<1x8000512xf32, #tpu.memory_space<hbm>> -> memref<8000512xf32, #tpu.memory_space<hbm>>
      %dma_wait3A_1071 = arith.constant 0 : i32
      %dma_wait3A_1072 = tpu.memref_slice %dma_wait3A_1070[%dma_wait3A_1071] : memref<8000512xf32, #tpu.memory_space<hbm>> -> memref<16xf32, #tpu.memory_space<hbm>>
      %dma_wait3A_1073 = arith.constant 0 : i32
      %dma_wait3A_1074 = tpu.memref_slice %arg11[%dma_wait3A_1063, %dma_wait3A_1073] : memref<16x512xf32, #tpu.memory_space<vmem>> -> memref<1x512xf32, #tpu.memory_space<vmem>>
      %dma_wait3A_1075 = tpu.memref_squeeze %dma_wait3A_1074 : memref<1x512xf32, #tpu.memory_space<vmem>> -> memref<512xf32, #tpu.memory_space<vmem>>
      %dma_wait3A_1076 = tpu.memref_slice %dma_wait3A_1075[%mul3A_22] : memref<512xf32, #tpu.memory_space<vmem>> -> memref<16xf32, #tpu.memory_space<vmem>>
      %dma_wait3A_1077 = arith.constant 0 : i32
      %dma_wait3A_1078 = tpu.memref_slice %arg4[%dma_wait3A_1062, %dma_wait3A_1077] : memref<2x8000512xf32, #tpu.memory_space<hbm>> -> memref<1x8000512xf32, #tpu.memory_space<hbm>>
      %dma_wait3A_1079 = tpu.memref_squeeze %dma_wait3A_1078 : memref<1x8000512xf32, #tpu.memory_space<hbm>> -> memref<8000512xf32, #tpu.memory_space<hbm>>
      %dma_wait3A_1080 = arith.constant 0 : i32
      %dma_wait3A_1081 = tpu.memref_slice %dma_wait3A_1079[%dma_wait3A_1080] : memref<8000512xf32, #tpu.memory_space<hbm>> -> memref<16xf32, #tpu.memory_space<hbm>>
      tpu.wait_dma2 semaphore(%arg17 : memref<!tpu.dma_semaphore, #tpu.memory_space<semaphore_mem>>) src(%dma_wait3A_1081 : memref<16xf32, #tpu.memory_space<hbm>>) dst(%dma_wait3A_1076 : memref<16xf32, #tpu.memory_space<vmem>>)
      %dma_wait3A_1082 = arith.constant 0 : i32
      %dma_wait3A_1083 = arith.constant 13 : i32
      %dma_wait3A_1084 = arith.constant 0 : i32
      %dma_wait3A_1085 = tpu.memref_slice %arg12[%dma_wait3A_1083, %dma_wait3A_1084] : memref<16x512xf32, #tpu.memory_space<vmem>> -> memref<1x512xf32, #tpu.memory_space<vmem>>
      %dma_wait3A_1086 = tpu.memref_squeeze %dma_wait3A_1085 : memref<1x512xf32, #tpu.memory_space<vmem>> -> memref<512xf32, #tpu.memory_space<vmem>>
      %dma_wait3A_1087 = tpu.memref_slice %dma_wait3A_1086[%mul3A_22] : memref<512xf32, #tpu.memory_space<vmem>> -> memref<16xf32, #tpu.memory_space<vmem>>
      %dma_wait3A_1088 = arith.constant 0 : i32
      %dma_wait3A_1089 = tpu.memref_slice %arg4[%dma_wait3A_1082, %dma_wait3A_1088] : memref<2x8000512xf32, #tpu.memory_space<hbm>> -> memref<1x8000512xf32, #tpu.memory_space<hbm>>
      %dma_wait3A_1090 = tpu.memref_squeeze %dma_wait3A_1089 : memref<1x8000512xf32, #tpu.memory_space<hbm>> -> memref<8000512xf32, #tpu.memory_space<hbm>>
      %dma_wait3A_1091 = arith.constant 0 : i32
      %dma_wait3A_1092 = tpu.memref_slice %dma_wait3A_1090[%dma_wait3A_1091] : memref<8000512xf32, #tpu.memory_space<hbm>> -> memref<16xf32, #tpu.memory_space<hbm>>
      %dma_wait3A_1093 = arith.constant 0 : i32
      %dma_wait3A_1094 = tpu.memref_slice %arg12[%dma_wait3A_1083, %dma_wait3A_1093] : memref<16x512xf32, #tpu.memory_space<vmem>> -> memref<1x512xf32, #tpu.memory_space<vmem>>
      %dma_wait3A_1095 = tpu.memref_squeeze %dma_wait3A_1094 : memref<1x512xf32, #tpu.memory_space<vmem>> -> memref<512xf32, #tpu.memory_space<vmem>>
      %dma_wait3A_1096 = tpu.memref_slice %dma_wait3A_1095[%mul3A_22] : memref<512xf32, #tpu.memory_space<vmem>> -> memref<16xf32, #tpu.memory_space<vmem>>
      %dma_wait3A_1097 = arith.constant 0 : i32
      %dma_wait3A_1098 = tpu.memref_slice %arg4[%dma_wait3A_1082, %dma_wait3A_1097] : memref<2x8000512xf32, #tpu.memory_space<hbm>> -> memref<1x8000512xf32, #tpu.memory_space<hbm>>
      %dma_wait3A_1099 = tpu.memref_squeeze %dma_wait3A_1098 : memref<1x8000512xf32, #tpu.memory_space<hbm>> -> memref<8000512xf32, #tpu.memory_space<hbm>>
      %dma_wait3A_1100 = arith.constant 0 : i32
      %dma_wait3A_1101 = tpu.memref_slice %dma_wait3A_1099[%dma_wait3A_1100] : memref<8000512xf32, #tpu.memory_space<hbm>> -> memref<16xf32, #tpu.memory_space<hbm>>
      tpu.wait_dma2 semaphore(%arg17 : memref<!tpu.dma_semaphore, #tpu.memory_space<semaphore_mem>>) src(%dma_wait3A_1101 : memref<16xf32, #tpu.memory_space<hbm>>) dst(%dma_wait3A_1096 : memref<16xf32, #tpu.memory_space<vmem>>)
      %dma_wait3A_1102 = arith.constant 0 : i32
      %dma_wait3A_1103 = arith.constant 13 : i32
      %dma_wait3A_1104 = arith.constant 0 : i32
      %dma_wait3A_1105 = tpu.memref_slice %arg13[%dma_wait3A_1103, %dma_wait3A_1104] : memref<16x512xf32, #tpu.memory_space<vmem>> -> memref<1x512xf32, #tpu.memory_space<vmem>>
      %dma_wait3A_1106 = tpu.memref_squeeze %dma_wait3A_1105 : memref<1x512xf32, #tpu.memory_space<vmem>> -> memref<512xf32, #tpu.memory_space<vmem>>
      %dma_wait3A_1107 = tpu.memref_slice %dma_wait3A_1106[%mul3A_22] : memref<512xf32, #tpu.memory_space<vmem>> -> memref<16xf32, #tpu.memory_space<vmem>>
      %dma_wait3A_1108 = arith.constant 0 : i32
      %dma_wait3A_1109 = tpu.memref_slice %arg5[%dma_wait3A_1102, %dma_wait3A_1108] : memref<2x8000512xf32, #tpu.memory_space<hbm>> -> memref<1x8000512xf32, #tpu.memory_space<hbm>>
      %dma_wait3A_1110 = tpu.memref_squeeze %dma_wait3A_1109 : memref<1x8000512xf32, #tpu.memory_space<hbm>> -> memref<8000512xf32, #tpu.memory_space<hbm>>
      %dma_wait3A_1111 = arith.constant 0 : i32
      %dma_wait3A_1112 = tpu.memref_slice %dma_wait3A_1110[%dma_wait3A_1111] : memref<8000512xf32, #tpu.memory_space<hbm>> -> memref<16xf32, #tpu.memory_space<hbm>>
      %dma_wait3A_1113 = arith.constant 0 : i32
      %dma_wait3A_1114 = tpu.memref_slice %arg13[%dma_wait3A_1103, %dma_wait3A_1113] : memref<16x512xf32, #tpu.memory_space<vmem>> -> memref<1x512xf32, #tpu.memory_space<vmem>>
      %dma_wait3A_1115 = tpu.memref_squeeze %dma_wait3A_1114 : memref<1x512xf32, #tpu.memory_space<vmem>> -> memref<512xf32, #tpu.memory_space<vmem>>
      %dma_wait3A_1116 = tpu.memref_slice %dma_wait3A_1115[%mul3A_22] : memref<512xf32, #tpu.memory_space<vmem>> -> memref<16xf32, #tpu.memory_space<vmem>>
      %dma_wait3A_1117 = arith.constant 0 : i32
      %dma_wait3A_1118 = tpu.memref_slice %arg5[%dma_wait3A_1102, %dma_wait3A_1117] : memref<2x8000512xf32, #tpu.memory_space<hbm>> -> memref<1x8000512xf32, #tpu.memory_space<hbm>>
      %dma_wait3A_1119 = tpu.memref_squeeze %dma_wait3A_1118 : memref<1x8000512xf32, #tpu.memory_space<hbm>> -> memref<8000512xf32, #tpu.memory_space<hbm>>
      %dma_wait3A_1120 = arith.constant 0 : i32
      %dma_wait3A_1121 = tpu.memref_slice %dma_wait3A_1119[%dma_wait3A_1120] : memref<8000512xf32, #tpu.memory_space<hbm>> -> memref<16xf32, #tpu.memory_space<hbm>>
      tpu.wait_dma2 semaphore(%arg17 : memref<!tpu.dma_semaphore, #tpu.memory_space<semaphore_mem>>) src(%dma_wait3A_1121 : memref<16xf32, #tpu.memory_space<hbm>>) dst(%dma_wait3A_1116 : memref<16xf32, #tpu.memory_space<vmem>>)
      %dma_wait3A_1122 = arith.constant 0 : i32
      %dma_wait3A_1123 = arith.constant 13 : i32
      %dma_wait3A_1124 = arith.constant 0 : i32
      %dma_wait3A_1125 = tpu.memref_slice %arg14[%dma_wait3A_1123, %dma_wait3A_1124] : memref<16x512xf32, #tpu.memory_space<vmem>> -> memref<1x512xf32, #tpu.memory_space<vmem>>
      %dma_wait3A_1126 = tpu.memref_squeeze %dma_wait3A_1125 : memref<1x512xf32, #tpu.memory_space<vmem>> -> memref<512xf32, #tpu.memory_space<vmem>>
      %dma_wait3A_1127 = tpu.memref_slice %dma_wait3A_1126[%mul3A_22] : memref<512xf32, #tpu.memory_space<vmem>> -> memref<16xf32, #tpu.memory_space<vmem>>
      %dma_wait3A_1128 = arith.constant 0 : i32
      %dma_wait3A_1129 = tpu.memref_slice %arg6[%dma_wait3A_1122, %dma_wait3A_1128] : memref<2x8000512xf32, #tpu.memory_space<hbm>> -> memref<1x8000512xf32, #tpu.memory_space<hbm>>
      %dma_wait3A_1130 = tpu.memref_squeeze %dma_wait3A_1129 : memref<1x8000512xf32, #tpu.memory_space<hbm>> -> memref<8000512xf32, #tpu.memory_space<hbm>>
      %dma_wait3A_1131 = arith.constant 0 : i32
      %dma_wait3A_1132 = tpu.memref_slice %dma_wait3A_1130[%dma_wait3A_1131] : memref<8000512xf32, #tpu.memory_space<hbm>> -> memref<16xf32, #tpu.memory_space<hbm>>
      %dma_wait3A_1133 = arith.constant 0 : i32
      %dma_wait3A_1134 = tpu.memref_slice %arg14[%dma_wait3A_1123, %dma_wait3A_1133] : memref<16x512xf32, #tpu.memory_space<vmem>> -> memref<1x512xf32, #tpu.memory_space<vmem>>
      %dma_wait3A_1135 = tpu.memref_squeeze %dma_wait3A_1134 : memref<1x512xf32, #tpu.memory_space<vmem>> -> memref<512xf32, #tpu.memory_space<vmem>>
      %dma_wait3A_1136 = tpu.memref_slice %dma_wait3A_1135[%mul3A_22] : memref<512xf32, #tpu.memory_space<vmem>> -> memref<16xf32, #tpu.memory_space<vmem>>
      %dma_wait3A_1137 = arith.constant 0 : i32
      %dma_wait3A_1138 = tpu.memref_slice %arg6[%dma_wait3A_1122, %dma_wait3A_1137] : memref<2x8000512xf32, #tpu.memory_space<hbm>> -> memref<1x8000512xf32, #tpu.memory_space<hbm>>
      %dma_wait3A_1139 = tpu.memref_squeeze %dma_wait3A_1138 : memref<1x8000512xf32, #tpu.memory_space<hbm>> -> memref<8000512xf32, #tpu.memory_space<hbm>>
      %dma_wait3A_1140 = arith.constant 0 : i32
      %dma_wait3A_1141 = tpu.memref_slice %dma_wait3A_1139[%dma_wait3A_1140] : memref<8000512xf32, #tpu.memory_space<hbm>> -> memref<16xf32, #tpu.memory_space<hbm>>
      tpu.wait_dma2 semaphore(%arg17 : memref<!tpu.dma_semaphore, #tpu.memory_space<semaphore_mem>>) src(%dma_wait3A_1141 : memref<16xf32, #tpu.memory_space<hbm>>) dst(%dma_wait3A_1136 : memref<16xf32, #tpu.memory_space<vmem>>)
      %dma_wait3A_1142 = arith.constant 0 : i32
      %dma_wait3A_1143 = arith.constant 14 : i32
      %dma_wait3A_1144 = arith.constant 0 : i32
      %dma_wait3A_1145 = tpu.memref_slice %arg11[%dma_wait3A_1143, %dma_wait3A_1144] : memref<16x512xf32, #tpu.memory_space<vmem>> -> memref<1x512xf32, #tpu.memory_space<vmem>>
      %dma_wait3A_1146 = tpu.memref_squeeze %dma_wait3A_1145 : memref<1x512xf32, #tpu.memory_space<vmem>> -> memref<512xf32, #tpu.memory_space<vmem>>
      %dma_wait3A_1147 = tpu.memref_slice %dma_wait3A_1146[%mul3A_22] : memref<512xf32, #tpu.memory_space<vmem>> -> memref<16xf32, #tpu.memory_space<vmem>>
      %dma_wait3A_1148 = arith.constant 0 : i32
      %dma_wait3A_1149 = tpu.memref_slice %arg4[%dma_wait3A_1142, %dma_wait3A_1148] : memref<2x8000512xf32, #tpu.memory_space<hbm>> -> memref<1x8000512xf32, #tpu.memory_space<hbm>>
      %dma_wait3A_1150 = tpu.memref_squeeze %dma_wait3A_1149 : memref<1x8000512xf32, #tpu.memory_space<hbm>> -> memref<8000512xf32, #tpu.memory_space<hbm>>
      %dma_wait3A_1151 = arith.constant 0 : i32
      %dma_wait3A_1152 = tpu.memref_slice %dma_wait3A_1150[%dma_wait3A_1151] : memref<8000512xf32, #tpu.memory_space<hbm>> -> memref<16xf32, #tpu.memory_space<hbm>>
      %dma_wait3A_1153 = arith.constant 0 : i32
      %dma_wait3A_1154 = tpu.memref_slice %arg11[%dma_wait3A_1143, %dma_wait3A_1153] : memref<16x512xf32, #tpu.memory_space<vmem>> -> memref<1x512xf32, #tpu.memory_space<vmem>>
      %dma_wait3A_1155 = tpu.memref_squeeze %dma_wait3A_1154 : memref<1x512xf32, #tpu.memory_space<vmem>> -> memref<512xf32, #tpu.memory_space<vmem>>
      %dma_wait3A_1156 = tpu.memref_slice %dma_wait3A_1155[%mul3A_22] : memref<512xf32, #tpu.memory_space<vmem>> -> memref<16xf32, #tpu.memory_space<vmem>>
      %dma_wait3A_1157 = arith.constant 0 : i32
      %dma_wait3A_1158 = tpu.memref_slice %arg4[%dma_wait3A_1142, %dma_wait3A_1157] : memref<2x8000512xf32, #tpu.memory_space<hbm>> -> memref<1x8000512xf32, #tpu.memory_space<hbm>>
      %dma_wait3A_1159 = tpu.memref_squeeze %dma_wait3A_1158 : memref<1x8000512xf32, #tpu.memory_space<hbm>> -> memref<8000512xf32, #tpu.memory_space<hbm>>
      %dma_wait3A_1160 = arith.constant 0 : i32
      %dma_wait3A_1161 = tpu.memref_slice %dma_wait3A_1159[%dma_wait3A_1160] : memref<8000512xf32, #tpu.memory_space<hbm>> -> memref<16xf32, #tpu.memory_space<hbm>>
      tpu.wait_dma2 semaphore(%arg17 : memref<!tpu.dma_semaphore, #tpu.memory_space<semaphore_mem>>) src(%dma_wait3A_1161 : memref<16xf32, #tpu.memory_space<hbm>>) dst(%dma_wait3A_1156 : memref<16xf32, #tpu.memory_space<vmem>>)
      %dma_wait3A_1162 = arith.constant 0 : i32
      %dma_wait3A_1163 = arith.constant 14 : i32
      %dma_wait3A_1164 = arith.constant 0 : i32
      %dma_wait3A_1165 = tpu.memref_slice %arg12[%dma_wait3A_1163, %dma_wait3A_1164] : memref<16x512xf32, #tpu.memory_space<vmem>> -> memref<1x512xf32, #tpu.memory_space<vmem>>
      %dma_wait3A_1166 = tpu.memref_squeeze %dma_wait3A_1165 : memref<1x512xf32, #tpu.memory_space<vmem>> -> memref<512xf32, #tpu.memory_space<vmem>>
      %dma_wait3A_1167 = tpu.memref_slice %dma_wait3A_1166[%mul3A_22] : memref<512xf32, #tpu.memory_space<vmem>> -> memref<16xf32, #tpu.memory_space<vmem>>
      %dma_wait3A_1168 = arith.constant 0 : i32
      %dma_wait3A_1169 = tpu.memref_slice %arg4[%dma_wait3A_1162, %dma_wait3A_1168] : memref<2x8000512xf32, #tpu.memory_space<hbm>> -> memref<1x8000512xf32, #tpu.memory_space<hbm>>
      %dma_wait3A_1170 = tpu.memref_squeeze %dma_wait3A_1169 : memref<1x8000512xf32, #tpu.memory_space<hbm>> -> memref<8000512xf32, #tpu.memory_space<hbm>>
      %dma_wait3A_1171 = arith.constant 0 : i32
      %dma_wait3A_1172 = tpu.memref_slice %dma_wait3A_1170[%dma_wait3A_1171] : memref<8000512xf32, #tpu.memory_space<hbm>> -> memref<16xf32, #tpu.memory_space<hbm>>
      %dma_wait3A_1173 = arith.constant 0 : i32
      %dma_wait3A_1174 = tpu.memref_slice %arg12[%dma_wait3A_1163, %dma_wait3A_1173] : memref<16x512xf32, #tpu.memory_space<vmem>> -> memref<1x512xf32, #tpu.memory_space<vmem>>
      %dma_wait3A_1175 = tpu.memref_squeeze %dma_wait3A_1174 : memref<1x512xf32, #tpu.memory_space<vmem>> -> memref<512xf32, #tpu.memory_space<vmem>>
      %dma_wait3A_1176 = tpu.memref_slice %dma_wait3A_1175[%mul3A_22] : memref<512xf32, #tpu.memory_space<vmem>> -> memref<16xf32, #tpu.memory_space<vmem>>
      %dma_wait3A_1177 = arith.constant 0 : i32
      %dma_wait3A_1178 = tpu.memref_slice %arg4[%dma_wait3A_1162, %dma_wait3A_1177] : memref<2x8000512xf32, #tpu.memory_space<hbm>> -> memref<1x8000512xf32, #tpu.memory_space<hbm>>
      %dma_wait3A_1179 = tpu.memref_squeeze %dma_wait3A_1178 : memref<1x8000512xf32, #tpu.memory_space<hbm>> -> memref<8000512xf32, #tpu.memory_space<hbm>>
      %dma_wait3A_1180 = arith.constant 0 : i32
      %dma_wait3A_1181 = tpu.memref_slice %dma_wait3A_1179[%dma_wait3A_1180] : memref<8000512xf32, #tpu.memory_space<hbm>> -> memref<16xf32, #tpu.memory_space<hbm>>
      tpu.wait_dma2 semaphore(%arg17 : memref<!tpu.dma_semaphore, #tpu.memory_space<semaphore_mem>>) src(%dma_wait3A_1181 : memref<16xf32, #tpu.memory_space<hbm>>) dst(%dma_wait3A_1176 : memref<16xf32, #tpu.memory_space<vmem>>)
      %dma_wait3A_1182 = arith.constant 0 : i32
      %dma_wait3A_1183 = arith.constant 14 : i32
      %dma_wait3A_1184 = arith.constant 0 : i32
      %dma_wait3A_1185 = tpu.memref_slice %arg13[%dma_wait3A_1183, %dma_wait3A_1184] : memref<16x512xf32, #tpu.memory_space<vmem>> -> memref<1x512xf32, #tpu.memory_space<vmem>>
      %dma_wait3A_1186 = tpu.memref_squeeze %dma_wait3A_1185 : memref<1x512xf32, #tpu.memory_space<vmem>> -> memref<512xf32, #tpu.memory_space<vmem>>
      %dma_wait3A_1187 = tpu.memref_slice %dma_wait3A_1186[%mul3A_22] : memref<512xf32, #tpu.memory_space<vmem>> -> memref<16xf32, #tpu.memory_space<vmem>>
      %dma_wait3A_1188 = arith.constant 0 : i32
      %dma_wait3A_1189 = tpu.memref_slice %arg5[%dma_wait3A_1182, %dma_wait3A_1188] : memref<2x8000512xf32, #tpu.memory_space<hbm>> -> memref<1x8000512xf32, #tpu.memory_space<hbm>>
      %dma_wait3A_1190 = tpu.memref_squeeze %dma_wait3A_1189 : memref<1x8000512xf32, #tpu.memory_space<hbm>> -> memref<8000512xf32, #tpu.memory_space<hbm>>
      %dma_wait3A_1191 = arith.constant 0 : i32
      %dma_wait3A_1192 = tpu.memref_slice %dma_wait3A_1190[%dma_wait3A_1191] : memref<8000512xf32, #tpu.memory_space<hbm>> -> memref<16xf32, #tpu.memory_space<hbm>>
      %dma_wait3A_1193 = arith.constant 0 : i32
      %dma_wait3A_1194 = tpu.memref_slice %arg13[%dma_wait3A_1183, %dma_wait3A_1193] : memref<16x512xf32, #tpu.memory_space<vmem>> -> memref<1x512xf32, #tpu.memory_space<vmem>>
      %dma_wait3A_1195 = tpu.memref_squeeze %dma_wait3A_1194 : memref<1x512xf32, #tpu.memory_space<vmem>> -> memref<512xf32, #tpu.memory_space<vmem>>
      %dma_wait3A_1196 = tpu.memref_slice %dma_wait3A_1195[%mul3A_22] : memref<512xf32, #tpu.memory_space<vmem>> -> memref<16xf32, #tpu.memory_space<vmem>>
      %dma_wait3A_1197 = arith.constant 0 : i32
      %dma_wait3A_1198 = tpu.memref_slice %arg5[%dma_wait3A_1182, %dma_wait3A_1197] : memref<2x8000512xf32, #tpu.memory_space<hbm>> -> memref<1x8000512xf32, #tpu.memory_space<hbm>>
      %dma_wait3A_1199 = tpu.memref_squeeze %dma_wait3A_1198 : memref<1x8000512xf32, #tpu.memory_space<hbm>> -> memref<8000512xf32, #tpu.memory_space<hbm>>
      %dma_wait3A_1200 = arith.constant 0 : i32
      %dma_wait3A_1201 = tpu.memref_slice %dma_wait3A_1199[%dma_wait3A_1200] : memref<8000512xf32, #tpu.memory_space<hbm>> -> memref<16xf32, #tpu.memory_space<hbm>>
      tpu.wait_dma2 semaphore(%arg17 : memref<!tpu.dma_semaphore, #tpu.memory_space<semaphore_mem>>) src(%dma_wait3A_1201 : memref<16xf32, #tpu.memory_space<hbm>>) dst(%dma_wait3A_1196 : memref<16xf32, #tpu.memory_space<vmem>>)
      %dma_wait3A_1202 = arith.constant 0 : i32
      %dma_wait3A_1203 = arith.constant 14 : i32
      %dma_wait3A_1204 = arith.constant 0 : i32
      %dma_wait3A_1205 = tpu.memref_slice %arg14[%dma_wait3A_1203, %dma_wait3A_1204] : memref<16x512xf32, #tpu.memory_space<vmem>> -> memref<1x512xf32, #tpu.memory_space<vmem>>
      %dma_wait3A_1206 = tpu.memref_squeeze %dma_wait3A_1205 : memref<1x512xf32, #tpu.memory_space<vmem>> -> memref<512xf32, #tpu.memory_space<vmem>>
      %dma_wait3A_1207 = tpu.memref_slice %dma_wait3A_1206[%mul3A_22] : memref<512xf32, #tpu.memory_space<vmem>> -> memref<16xf32, #tpu.memory_space<vmem>>
      %dma_wait3A_1208 = arith.constant 0 : i32
      %dma_wait3A_1209 = tpu.memref_slice %arg6[%dma_wait3A_1202, %dma_wait3A_1208] : memref<2x8000512xf32, #tpu.memory_space<hbm>> -> memref<1x8000512xf32, #tpu.memory_space<hbm>>
      %dma_wait3A_1210 = tpu.memref_squeeze %dma_wait3A_1209 : memref<1x8000512xf32, #tpu.memory_space<hbm>> -> memref<8000512xf32, #tpu.memory_space<hbm>>
      %dma_wait3A_1211 = arith.constant 0 : i32
      %dma_wait3A_1212 = tpu.memref_slice %dma_wait3A_1210[%dma_wait3A_1211] : memref<8000512xf32, #tpu.memory_space<hbm>> -> memref<16xf32, #tpu.memory_space<hbm>>
      %dma_wait3A_1213 = arith.constant 0 : i32
      %dma_wait3A_1214 = tpu.memref_slice %arg14[%dma_wait3A_1203, %dma_wait3A_1213] : memref<16x512xf32, #tpu.memory_space<vmem>> -> memref<1x512xf32, #tpu.memory_space<vmem>>
      %dma_wait3A_1215 = tpu.memref_squeeze %dma_wait3A_1214 : memref<1x512xf32, #tpu.memory_space<vmem>> -> memref<512xf32, #tpu.memory_space<vmem>>
      %dma_wait3A_1216 = tpu.memref_slice %dma_wait3A_1215[%mul3A_22] : memref<512xf32, #tpu.memory_space<vmem>> -> memref<16xf32, #tpu.memory_space<vmem>>
      %dma_wait3A_1217 = arith.constant 0 : i32
      %dma_wait3A_1218 = tpu.memref_slice %arg6[%dma_wait3A_1202, %dma_wait3A_1217] : memref<2x8000512xf32, #tpu.memory_space<hbm>> -> memref<1x8000512xf32, #tpu.memory_space<hbm>>
      %dma_wait3A_1219 = tpu.memref_squeeze %dma_wait3A_1218 : memref<1x8000512xf32, #tpu.memory_space<hbm>> -> memref<8000512xf32, #tpu.memory_space<hbm>>
      %dma_wait3A_1220 = arith.constant 0 : i32
      %dma_wait3A_1221 = tpu.memref_slice %dma_wait3A_1219[%dma_wait3A_1220] : memref<8000512xf32, #tpu.memory_space<hbm>> -> memref<16xf32, #tpu.memory_space<hbm>>
      tpu.wait_dma2 semaphore(%arg17 : memref<!tpu.dma_semaphore, #tpu.memory_space<semaphore_mem>>) src(%dma_wait3A_1221 : memref<16xf32, #tpu.memory_space<hbm>>) dst(%dma_wait3A_1216 : memref<16xf32, #tpu.memory_space<vmem>>)
      %dma_wait3A_1222 = arith.constant 0 : i32
      %dma_wait3A_1223 = arith.constant 15 : i32
      %dma_wait3A_1224 = arith.constant 0 : i32
      %dma_wait3A_1225 = tpu.memref_slice %arg11[%dma_wait3A_1223, %dma_wait3A_1224] : memref<16x512xf32, #tpu.memory_space<vmem>> -> memref<1x512xf32, #tpu.memory_space<vmem>>
      %dma_wait3A_1226 = tpu.memref_squeeze %dma_wait3A_1225 : memref<1x512xf32, #tpu.memory_space<vmem>> -> memref<512xf32, #tpu.memory_space<vmem>>
      %dma_wait3A_1227 = tpu.memref_slice %dma_wait3A_1226[%mul3A_22] : memref<512xf32, #tpu.memory_space<vmem>> -> memref<16xf32, #tpu.memory_space<vmem>>
      %dma_wait3A_1228 = arith.constant 0 : i32
      %dma_wait3A_1229 = tpu.memref_slice %arg4[%dma_wait3A_1222, %dma_wait3A_1228] : memref<2x8000512xf32, #tpu.memory_space<hbm>> -> memref<1x8000512xf32, #tpu.memory_space<hbm>>
      %dma_wait3A_1230 = tpu.memref_squeeze %dma_wait3A_1229 : memref<1x8000512xf32, #tpu.memory_space<hbm>> -> memref<8000512xf32, #tpu.memory_space<hbm>>
      %dma_wait3A_1231 = arith.constant 0 : i32
      %dma_wait3A_1232 = tpu.memref_slice %dma_wait3A_1230[%dma_wait3A_1231] : memref<8000512xf32, #tpu.memory_space<hbm>> -> memref<16xf32, #tpu.memory_space<hbm>>
      %dma_wait3A_1233 = arith.constant 0 : i32
      %dma_wait3A_1234 = tpu.memref_slice %arg11[%dma_wait3A_1223, %dma_wait3A_1233] : memref<16x512xf32, #tpu.memory_space<vmem>> -> memref<1x512xf32, #tpu.memory_space<vmem>>
      %dma_wait3A_1235 = tpu.memref_squeeze %dma_wait3A_1234 : memref<1x512xf32, #tpu.memory_space<vmem>> -> memref<512xf32, #tpu.memory_space<vmem>>
      %dma_wait3A_1236 = tpu.memref_slice %dma_wait3A_1235[%mul3A_22] : memref<512xf32, #tpu.memory_space<vmem>> -> memref<16xf32, #tpu.memory_space<vmem>>
      %dma_wait3A_1237 = arith.constant 0 : i32
      %dma_wait3A_1238 = tpu.memref_slice %arg4[%dma_wait3A_1222, %dma_wait3A_1237] : memref<2x8000512xf32, #tpu.memory_space<hbm>> -> memref<1x8000512xf32, #tpu.memory_space<hbm>>
      %dma_wait3A_1239 = tpu.memref_squeeze %dma_wait3A_1238 : memref<1x8000512xf32, #tpu.memory_space<hbm>> -> memref<8000512xf32, #tpu.memory_space<hbm>>
      %dma_wait3A_1240 = arith.constant 0 : i32
      %dma_wait3A_1241 = tpu.memref_slice %dma_wait3A_1239[%dma_wait3A_1240] : memref<8000512xf32, #tpu.memory_space<hbm>> -> memref<16xf32, #tpu.memory_space<hbm>>
      tpu.wait_dma2 semaphore(%arg17 : memref<!tpu.dma_semaphore, #tpu.memory_space<semaphore_mem>>) src(%dma_wait3A_1241 : memref<16xf32, #tpu.memory_space<hbm>>) dst(%dma_wait3A_1236 : memref<16xf32, #tpu.memory_space<vmem>>)
      %dma_wait3A_1242 = arith.constant 0 : i32
      %dma_wait3A_1243 = arith.constant 15 : i32
      %dma_wait3A_1244 = arith.constant 0 : i32
      %dma_wait3A_1245 = tpu.memref_slice %arg12[%dma_wait3A_1243, %dma_wait3A_1244] : memref<16x512xf32, #tpu.memory_space<vmem>> -> memref<1x512xf32, #tpu.memory_space<vmem>>
      %dma_wait3A_1246 = tpu.memref_squeeze %dma_wait3A_1245 : memref<1x512xf32, #tpu.memory_space<vmem>> -> memref<512xf32, #tpu.memory_space<vmem>>
      %dma_wait3A_1247 = tpu.memref_slice %dma_wait3A_1246[%mul3A_22] : memref<512xf32, #tpu.memory_space<vmem>> -> memref<16xf32, #tpu.memory_space<vmem>>
      %dma_wait3A_1248 = arith.constant 0 : i32
      %dma_wait3A_1249 = tpu.memref_slice %arg4[%dma_wait3A_1242, %dma_wait3A_1248] : memref<2x8000512xf32, #tpu.memory_space<hbm>> -> memref<1x8000512xf32, #tpu.memory_space<hbm>>
      %dma_wait3A_1250 = tpu.memref_squeeze %dma_wait3A_1249 : memref<1x8000512xf32, #tpu.memory_space<hbm>> -> memref<8000512xf32, #tpu.memory_space<hbm>>
      %dma_wait3A_1251 = arith.constant 0 : i32
      %dma_wait3A_1252 = tpu.memref_slice %dma_wait3A_1250[%dma_wait3A_1251] : memref<8000512xf32, #tpu.memory_space<hbm>> -> memref<16xf32, #tpu.memory_space<hbm>>
      %dma_wait3A_1253 = arith.constant 0 : i32
      %dma_wait3A_1254 = tpu.memref_slice %arg12[%dma_wait3A_1243, %dma_wait3A_1253] : memref<16x512xf32, #tpu.memory_space<vmem>> -> memref<1x512xf32, #tpu.memory_space<vmem>>
      %dma_wait3A_1255 = tpu.memref_squeeze %dma_wait3A_1254 : memref<1x512xf32, #tpu.memory_space<vmem>> -> memref<512xf32, #tpu.memory_space<vmem>>
      %dma_wait3A_1256 = tpu.memref_slice %dma_wait3A_1255[%mul3A_22] : memref<512xf32, #tpu.memory_space<vmem>> -> memref<16xf32, #tpu.memory_space<vmem>>
      %dma_wait3A_1257 = arith.constant 0 : i32
      %dma_wait3A_1258 = tpu.memref_slice %arg4[%dma_wait3A_1242, %dma_wait3A_1257] : memref<2x8000512xf32, #tpu.memory_space<hbm>> -> memref<1x8000512xf32, #tpu.memory_space<hbm>>
      %dma_wait3A_1259 = tpu.memref_squeeze %dma_wait3A_1258 : memref<1x8000512xf32, #tpu.memory_space<hbm>> -> memref<8000512xf32, #tpu.memory_space<hbm>>
      %dma_wait3A_1260 = arith.constant 0 : i32
      %dma_wait3A_1261 = tpu.memref_slice %dma_wait3A_1259[%dma_wait3A_1260] : memref<8000512xf32, #tpu.memory_space<hbm>> -> memref<16xf32, #tpu.memory_space<hbm>>
      tpu.wait_dma2 semaphore(%arg17 : memref<!tpu.dma_semaphore, #tpu.memory_space<semaphore_mem>>) src(%dma_wait3A_1261 : memref<16xf32, #tpu.memory_space<hbm>>) dst(%dma_wait3A_1256 : memref<16xf32, #tpu.memory_space<vmem>>)
      %dma_wait3A_1262 = arith.constant 0 : i32
      %dma_wait3A_1263 = arith.constant 15 : i32
      %dma_wait3A_1264 = arith.constant 0 : i32
      %dma_wait3A_1265 = tpu.memref_slice %arg13[%dma_wait3A_1263, %dma_wait3A_1264] : memref<16x512xf32, #tpu.memory_space<vmem>> -> memref<1x512xf32, #tpu.memory_space<vmem>>
      %dma_wait3A_1266 = tpu.memref_squeeze %dma_wait3A_1265 : memref<1x512xf32, #tpu.memory_space<vmem>> -> memref<512xf32, #tpu.memory_space<vmem>>
      %dma_wait3A_1267 = tpu.memref_slice %dma_wait3A_1266[%mul3A_22] : memref<512xf32, #tpu.memory_space<vmem>> -> memref<16xf32, #tpu.memory_space<vmem>>
      %dma_wait3A_1268 = arith.constant 0 : i32
      %dma_wait3A_1269 = tpu.memref_slice %arg5[%dma_wait3A_1262, %dma_wait3A_1268] : memref<2x8000512xf32, #tpu.memory_space<hbm>> -> memref<1x8000512xf32, #tpu.memory_space<hbm>>
      %dma_wait3A_1270 = tpu.memref_squeeze %dma_wait3A_1269 : memref<1x8000512xf32, #tpu.memory_space<hbm>> -> memref<8000512xf32, #tpu.memory_space<hbm>>
      %dma_wait3A_1271 = arith.constant 0 : i32
      %dma_wait3A_1272 = tpu.memref_slice %dma_wait3A_1270[%dma_wait3A_1271] : memref<8000512xf32, #tpu.memory_space<hbm>> -> memref<16xf32, #tpu.memory_space<hbm>>
      %dma_wait3A_1273 = arith.constant 0 : i32
      %dma_wait3A_1274 = tpu.memref_slice %arg13[%dma_wait3A_1263, %dma_wait3A_1273] : memref<16x512xf32, #tpu.memory_space<vmem>> -> memref<1x512xf32, #tpu.memory_space<vmem>>
      %dma_wait3A_1275 = tpu.memref_squeeze %dma_wait3A_1274 : memref<1x512xf32, #tpu.memory_space<vmem>> -> memref<512xf32, #tpu.memory_space<vmem>>
      %dma_wait3A_1276 = tpu.memref_slice %dma_wait3A_1275[%mul3A_22] : memref<512xf32, #tpu.memory_space<vmem>> -> memref<16xf32, #tpu.memory_space<vmem>>
      %dma_wait3A_1277 = arith.constant 0 : i32
      %dma_wait3A_1278 = tpu.memref_slice %arg5[%dma_wait3A_1262, %dma_wait3A_1277] : memref<2x8000512xf32, #tpu.memory_space<hbm>> -> memref<1x8000512xf32, #tpu.memory_space<hbm>>
      %dma_wait3A_1279 = tpu.memref_squeeze %dma_wait3A_1278 : memref<1x8000512xf32, #tpu.memory_space<hbm>> -> memref<8000512xf32, #tpu.memory_space<hbm>>
      %dma_wait3A_1280 = arith.constant 0 : i32
      %dma_wait3A_1281 = tpu.memref_slice %dma_wait3A_1279[%dma_wait3A_1280] : memref<8000512xf32, #tpu.memory_space<hbm>> -> memref<16xf32, #tpu.memory_space<hbm>>
      tpu.wait_dma2 semaphore(%arg17 : memref<!tpu.dma_semaphore, #tpu.memory_space<semaphore_mem>>) src(%dma_wait3A_1281 : memref<16xf32, #tpu.memory_space<hbm>>) dst(%dma_wait3A_1276 : memref<16xf32, #tpu.memory_space<vmem>>)
      %dma_wait3A_1282 = arith.constant 0 : i32
      %dma_wait3A_1283 = arith.constant 15 : i32
      %dma_wait3A_1284 = arith.constant 0 : i32
      %dma_wait3A_1285 = tpu.memref_slice %arg14[%dma_wait3A_1283, %dma_wait3A_1284] : memref<16x512xf32, #tpu.memory_space<vmem>> -> memref<1x512xf32, #tpu.memory_space<vmem>>
      %dma_wait3A_1286 = tpu.memref_squeeze %dma_wait3A_1285 : memref<1x512xf32, #tpu.memory_space<vmem>> -> memref<512xf32, #tpu.memory_space<vmem>>
      %dma_wait3A_1287 = tpu.memref_slice %dma_wait3A_1286[%mul3A_22] : memref<512xf32, #tpu.memory_space<vmem>> -> memref<16xf32, #tpu.memory_space<vmem>>
      %dma_wait3A_1288 = arith.constant 0 : i32
      %dma_wait3A_1289 = tpu.memref_slice %arg6[%dma_wait3A_1282, %dma_wait3A_1288] : memref<2x8000512xf32, #tpu.memory_space<hbm>> -> memref<1x8000512xf32, #tpu.memory_space<hbm>>
      %dma_wait3A_1290 = tpu.memref_squeeze %dma_wait3A_1289 : memref<1x8000512xf32, #tpu.memory_space<hbm>> -> memref<8000512xf32, #tpu.memory_space<hbm>>
      %dma_wait3A_1291 = arith.constant 0 : i32
      %dma_wait3A_1292 = tpu.memref_slice %dma_wait3A_1290[%dma_wait3A_1291] : memref<8000512xf32, #tpu.memory_space<hbm>> -> memref<16xf32, #tpu.memory_space<hbm>>
      %dma_wait3A_1293 = arith.constant 0 : i32
      %dma_wait3A_1294 = tpu.memref_slice %arg14[%dma_wait3A_1283, %dma_wait3A_1293] : memref<16x512xf32, #tpu.memory_space<vmem>> -> memref<1x512xf32, #tpu.memory_space<vmem>>
      %dma_wait3A_1295 = tpu.memref_squeeze %dma_wait3A_1294 : memref<1x512xf32, #tpu.memory_space<vmem>> -> memref<512xf32, #tpu.memory_space<vmem>>
      %dma_wait3A_1296 = tpu.memref_slice %dma_wait3A_1295[%mul3A_22] : memref<512xf32, #tpu.memory_space<vmem>> -> memref<16xf32, #tpu.memory_space<vmem>>
      %dma_wait3A_1297 = arith.constant 0 : i32
      %dma_wait3A_1298 = tpu.memref_slice %arg6[%dma_wait3A_1282, %dma_wait3A_1297] : memref<2x8000512xf32, #tpu.memory_space<hbm>> -> memref<1x8000512xf32, #tpu.memory_space<hbm>>
      %dma_wait3A_1299 = tpu.memref_squeeze %dma_wait3A_1298 : memref<1x8000512xf32, #tpu.memory_space<hbm>> -> memref<8000512xf32, #tpu.memory_space<hbm>>
      %dma_wait3A_1300 = arith.constant 0 : i32
      %dma_wait3A_1301 = tpu.memref_slice %dma_wait3A_1299[%dma_wait3A_1300] : memref<8000512xf32, #tpu.memory_space<hbm>> -> memref<16xf32, #tpu.memory_space<hbm>>
      tpu.wait_dma2 semaphore(%arg17 : memref<!tpu.dma_semaphore, #tpu.memory_space<semaphore_mem>>) src(%dma_wait3A_1301 : memref<16xf32, #tpu.memory_space<hbm>>) dst(%dma_wait3A_1296 : memref<16xf32, #tpu.memory_space<vmem>>)
    }
    %scan3A_13 = arith.constant 32 : i32
    %scan3A_14 = arith.constant 0 : i32
    %scan3A_15 = arith.constant 0 : i32
    %scan3A_16 = arith.constant 32 : i32
    %scan3A_17 = arith.addi %scan3A_15, %scan3A_16 : i32
    %scan3A_18 = arith.constant 1 : i32
    scf.for %scan3A_20 = %scan3A_15 to %scan3A_17 step %scan3A_18  : i32 {
      %mul3A_21 = arith.constant 16 : i32
      %mul3A_22 = arith.muli %scan3A_20, %mul3A_21 : i32
      %broadcast_in_dim3A = arith.constant 0.000000e+00 : f32
      %broadcast_in_dim3A_23 = vector.broadcast %broadcast_in_dim3A : f32 to vector<16xf32>
      %broadcast_in_dim3A_24 = arith.constant 0.000000e+00 : f32
      %broadcast_in_dim3A_25 = vector.broadcast %broadcast_in_dim3A_24 : f32 to vector<16xf32>
      %get3A = arith.constant 0 : i32
      %get3A_26 = arith.index_cast %get3A : i32 to index
      %get3A_27 = arith.index_cast %mul3A_22 : i32 to index
      %get3A_28 = tpu.vector_load %arg11[%get3A_26, %get3A_27] {strides = array<i32>} : memref<16x512xf32, #tpu.memory_space<vmem>>, vector<16xf32>,
      %get3A_29 = arith.constant 0 : i32
      %get3A_30 = arith.index_cast %get3A_29 : i32 to index
      %get3A_31 = arith.index_cast %mul3A_22 : i32 to index
      %get3A_32 = tpu.vector_load %arg12[%get3A_30, %get3A_31] {strides = array<i32>} : memref<16x512xf32, #tpu.memory_space<vmem>>, vector<16xf32>,
      %mul3A_33 = arith.mulf %get3A_28, %get3A_32 : vector<16xf32>
      %add3A_34 = arith.addf %broadcast_in_dim3A_23, %mul3A_33 : vector<16xf32>
      %get3A_35 = arith.constant 0 : i32
      %get3A_36 = arith.index_cast %get3A_35 : i32 to index
      %get3A_37 = arith.index_cast %mul3A_22 : i32 to index
      %get3A_38 = tpu.vector_load %arg13[%get3A_36, %get3A_37] {strides = array<i32>} : memref<16x512xf32, #tpu.memory_space<vmem>>, vector<16xf32>,
      %get3A_39 = arith.constant 0 : i32
      %get3A_40 = arith.index_cast %get3A_39 : i32 to index
      %get3A_41 = arith.index_cast %mul3A_22 : i32 to index
      %get3A_42 = tpu.vector_load %arg14[%get3A_40, %get3A_41] {strides = array<i32>} : memref<16x512xf32, #tpu.memory_space<vmem>>, vector<16xf32>,
      %mul3A_43 = arith.mulf %get3A_38, %get3A_42 : vector<16xf32>
      %add3A_44 = arith.addf %broadcast_in_dim3A_25, %mul3A_43 : vector<16xf32>
      %get3A_45 = arith.constant 1 : i32
      %get3A_46 = arith.index_cast %get3A_45 : i32 to index
      %get3A_47 = arith.index_cast %mul3A_22 : i32 to index
      %get3A_48 = tpu.vector_load %arg11[%get3A_46, %get3A_47] {strides = array<i32>} : memref<16x512xf32, #tpu.memory_space<vmem>>, vector<16xf32>,
      %get3A_49 = arith.constant 1 : i32
      %get3A_50 = arith.index_cast %get3A_49 : i32 to index
      %get3A_51 = arith.index_cast %mul3A_22 : i32 to index
      %get3A_52 = tpu.vector_load %arg12[%get3A_50, %get3A_51] {strides = array<i32>} : memref<16x512xf32, #tpu.memory_space<vmem>>, vector<16xf32>,
      %mul3A_53 = arith.mulf %get3A_48, %get3A_52 : vector<16xf32>
      %add3A_54 = arith.addf %add3A_34, %mul3A_53 : vector<16xf32>
      %get3A_55 = arith.constant 1 : i32
      %get3A_56 = arith.index_cast %get3A_55 : i32 to index
      %get3A_57 = arith.index_cast %mul3A_22 : i32 to index
      %get3A_58 = tpu.vector_load %arg13[%get3A_56, %get3A_57] {strides = array<i32>} : memref<16x512xf32, #tpu.memory_space<vmem>>, vector<16xf32>,
      %get3A_59 = arith.constant 1 : i32
      %get3A_60 = arith.index_cast %get3A_59 : i32 to index
      %get3A_61 = arith.index_cast %mul3A_22 : i32 to index
      %get3A_62 = tpu.vector_load %arg14[%get3A_60, %get3A_61] {strides = array<i32>} : memref<16x512xf32, #tpu.memory_space<vmem>>, vector<16xf32>,
      %mul3A_63 = arith.mulf %get3A_58, %get3A_62 : vector<16xf32>
      %add3A_64 = arith.addf %add3A_44, %mul3A_63 : vector<16xf32>
      %get3A_65 = arith.constant 2 : i32
      %get3A_66 = arith.index_cast %get3A_65 : i32 to index
      %get3A_67 = arith.index_cast %mul3A_22 : i32 to index
      %get3A_68 = tpu.vector_load %arg11[%get3A_66, %get3A_67] {strides = array<i32>} : memref<16x512xf32, #tpu.memory_space<vmem>>, vector<16xf32>,
      %get3A_69 = arith.constant 2 : i32
      %get3A_70 = arith.index_cast %get3A_69 : i32 to index
      %get3A_71 = arith.index_cast %mul3A_22 : i32 to index
      %get3A_72 = tpu.vector_load %arg12[%get3A_70, %get3A_71] {strides = array<i32>} : memref<16x512xf32, #tpu.memory_space<vmem>>, vector<16xf32>,
      %mul3A_73 = arith.mulf %get3A_68, %get3A_72 : vector<16xf32>
      %add3A_74 = arith.addf %add3A_54, %mul3A_73 : vector<16xf32>
      %get3A_75 = arith.constant 2 : i32
      %get3A_76 = arith.index_cast %get3A_75 : i32 to index
      %get3A_77 = arith.index_cast %mul3A_22 : i32 to index
      %get3A_78 = tpu.vector_load %arg13[%get3A_76, %get3A_77] {strides = array<i32>} : memref<16x512xf32, #tpu.memory_space<vmem>>, vector<16xf32>,
      %get3A_79 = arith.constant 2 : i32
      %get3A_80 = arith.index_cast %get3A_79 : i32 to index
      %get3A_81 = arith.index_cast %mul3A_22 : i32 to index
      %get3A_82 = tpu.vector_load %arg14[%get3A_80, %get3A_81] {strides = array<i32>} : memref<16x512xf32, #tpu.memory_space<vmem>>, vector<16xf32>,
      %mul3A_83 = arith.mulf %get3A_78, %get3A_82 : vector<16xf32>
      %add3A_84 = arith.addf %add3A_64, %mul3A_83 : vector<16xf32>
      %get3A_85 = arith.constant 3 : i32
      %get3A_86 = arith.index_cast %get3A_85 : i32 to index
      %get3A_87 = arith.index_cast %mul3A_22 : i32 to index
      %get3A_88 = tpu.vector_load %arg11[%get3A_86, %get3A_87] {strides = array<i32>} : memref<16x512xf32, #tpu.memory_space<vmem>>, vector<16xf32>,
      %get3A_89 = arith.constant 3 : i32
      %get3A_90 = arith.index_cast %get3A_89 : i32 to index
      %get3A_91 = arith.index_cast %mul3A_22 : i32 to index
      %get3A_92 = tpu.vector_load %arg12[%get3A_90, %get3A_91] {strides = array<i32>} : memref<16x512xf32, #tpu.memory_space<vmem>>, vector<16xf32>,
      %mul3A_93 = arith.mulf %get3A_88, %get3A_92 : vector<16xf32>
      %add3A_94 = arith.addf %add3A_74, %mul3A_93 : vector<16xf32>
      %get3A_95 = arith.constant 3 : i32
      %get3A_96 = arith.index_cast %get3A_95 : i32 to index
      %get3A_97 = arith.index_cast %mul3A_22 : i32 to index
      %get3A_98 = tpu.vector_load %arg13[%get3A_96, %get3A_97] {strides = array<i32>} : memref<16x512xf32, #tpu.memory_space<vmem>>, vector<16xf32>,
      %get3A_99 = arith.constant 3 : i32
      %get3A_100 = arith.index_cast %get3A_99 : i32 to index
      %get3A_101 = arith.index_cast %mul3A_22 : i32 to index
      %get3A_102 = tpu.vector_load %arg14[%get3A_100, %get3A_101] {strides = array<i32>} : memref<16x512xf32, #tpu.memory_space<vmem>>, vector<16xf32>,
      %mul3A_103 = arith.mulf %get3A_98, %get3A_102 : vector<16xf32>
      %add3A_104 = arith.addf %add3A_84, %mul3A_103 : vector<16xf32>
      %get3A_105 = arith.constant 4 : i32
      %get3A_106 = arith.index_cast %get3A_105 : i32 to index
      %get3A_107 = arith.index_cast %mul3A_22 : i32 to index
      %get3A_108 = tpu.vector_load %arg11[%get3A_106, %get3A_107] {strides = array<i32>} : memref<16x512xf32, #tpu.memory_space<vmem>>, vector<16xf32>,
      %get3A_109 = arith.constant 4 : i32
      %get3A_110 = arith.index_cast %get3A_109 : i32 to index
      %get3A_111 = arith.index_cast %mul3A_22 : i32 to index
      %get3A_112 = tpu.vector_load %arg12[%get3A_110, %get3A_111] {strides = array<i32>} : memref<16x512xf32, #tpu.memory_space<vmem>>, vector<16xf32>,
      %mul3A_113 = arith.mulf %get3A_108, %get3A_112 : vector<16xf32>
      %add3A_114 = arith.addf %add3A_94, %mul3A_113 : vector<16xf32>
      %get3A_115 = arith.constant 4 : i32
      %get3A_116 = arith.index_cast %get3A_115 : i32 to index
      %get3A_117 = arith.index_cast %mul3A_22 : i32 to index
      %get3A_118 = tpu.vector_load %arg13[%get3A_116, %get3A_117] {strides = array<i32>} : memref<16x512xf32, #tpu.memory_space<vmem>>, vector<16xf32>,
      %get3A_119 = arith.constant 4 : i32
      %get3A_120 = arith.index_cast %get3A_119 : i32 to index
      %get3A_121 = arith.index_cast %mul3A_22 : i32 to index
      %get3A_122 = tpu.vector_load %arg14[%get3A_120, %get3A_121] {strides = array<i32>} : memref<16x512xf32, #tpu.memory_space<vmem>>, vector<16xf32>,
      %mul3A_123 = arith.mulf %get3A_118, %get3A_122 : vector<16xf32>
      %add3A_124 = arith.addf %add3A_104, %mul3A_123 : vector<16xf32>
      %get3A_125 = arith.constant 5 : i32
      %get3A_126 = arith.index_cast %get3A_125 : i32 to index
      %get3A_127 = arith.index_cast %mul3A_22 : i32 to index
      %get3A_128 = tpu.vector_load %arg11[%get3A_126, %get3A_127] {strides = array<i32>} : memref<16x512xf32, #tpu.memory_space<vmem>>, vector<16xf32>,
      %get3A_129 = arith.constant 5 : i32
      %get3A_130 = arith.index_cast %get3A_129 : i32 to index
      %get3A_131 = arith.index_cast %mul3A_22 : i32 to index
      %get3A_132 = tpu.vector_load %arg12[%get3A_130, %get3A_131] {strides = array<i32>} : memref<16x512xf32, #tpu.memory_space<vmem>>, vector<16xf32>,
      %mul3A_133 = arith.mulf %get3A_128, %get3A_132 : vector<16xf32>
      %add3A_134 = arith.addf %add3A_114, %mul3A_133 : vector<16xf32>
      %get3A_135 = arith.constant 5 : i32
      %get3A_136 = arith.index_cast %get3A_135 : i32 to index
      %get3A_137 = arith.index_cast %mul3A_22 : i32 to index
      %get3A_138 = tpu.vector_load %arg13[%get3A_136, %get3A_137] {strides = array<i32>} : memref<16x512xf32, #tpu.memory_space<vmem>>, vector<16xf32>,
      %get3A_139 = arith.constant 5 : i32
      %get3A_140 = arith.index_cast %get3A_139 : i32 to index
      %get3A_141 = arith.index_cast %mul3A_22 : i32 to index
      %get3A_142 = tpu.vector_load %arg14[%get3A_140, %get3A_141] {strides = array<i32>} : memref<16x512xf32, #tpu.memory_space<vmem>>, vector<16xf32>,
      %mul3A_143 = arith.mulf %get3A_138, %get3A_142 : vector<16xf32>
      %add3A_144 = arith.addf %add3A_124, %mul3A_143 : vector<16xf32>
      %get3A_145 = arith.constant 6 : i32
      %get3A_146 = arith.index_cast %get3A_145 : i32 to index
      %get3A_147 = arith.index_cast %mul3A_22 : i32 to index
      %get3A_148 = tpu.vector_load %arg11[%get3A_146, %get3A_147] {strides = array<i32>} : memref<16x512xf32, #tpu.memory_space<vmem>>, vector<16xf32>,
      %get3A_149 = arith.constant 6 : i32
      %get3A_150 = arith.index_cast %get3A_149 : i32 to index
      %get3A_151 = arith.index_cast %mul3A_22 : i32 to index
      %get3A_152 = tpu.vector_load %arg12[%get3A_150, %get3A_151] {strides = array<i32>} : memref<16x512xf32, #tpu.memory_space<vmem>>, vector<16xf32>,
      %mul3A_153 = arith.mulf %get3A_148, %get3A_152 : vector<16xf32>
      %add3A_154 = arith.addf %add3A_134, %mul3A_153 : vector<16xf32>
      %get3A_155 = arith.constant 6 : i32
      %get3A_156 = arith.index_cast %get3A_155 : i32 to index
      %get3A_157 = arith.index_cast %mul3A_22 : i32 to index
      %get3A_158 = tpu.vector_load %arg13[%get3A_156, %get3A_157] {strides = array<i32>} : memref<16x512xf32, #tpu.memory_space<vmem>>, vector<16xf32>,
      %get3A_159 = arith.constant 6 : i32
      %get3A_160 = arith.index_cast %get3A_159 : i32 to index
      %get3A_161 = arith.index_cast %mul3A_22 : i32 to index
      %get3A_162 = tpu.vector_load %arg14[%get3A_160, %get3A_161] {strides = array<i32>} : memref<16x512xf32, #tpu.memory_space<vmem>>, vector<16xf32>,
      %mul3A_163 = arith.mulf %get3A_158, %get3A_162 : vector<16xf32>
      %add3A_164 = arith.addf %add3A_144, %mul3A_163 : vector<16xf32>
      %get3A_165 = arith.constant 7 : i32
      %get3A_166 = arith.index_cast %get3A_165 : i32 to index
      %get3A_167 = arith.index_cast %mul3A_22 : i32 to index
      %get3A_168 = tpu.vector_load %arg11[%get3A_166, %get3A_167] {strides = array<i32>} : memref<16x512xf32, #tpu.memory_space<vmem>>, vector<16xf32>,
      %get3A_169 = arith.constant 7 : i32
      %get3A_170 = arith.index_cast %get3A_169 : i32 to index
      %get3A_171 = arith.index_cast %mul3A_22 : i32 to index
      %get3A_172 = tpu.vector_load %arg12[%get3A_170, %get3A_171] {strides = array<i32>} : memref<16x512xf32, #tpu.memory_space<vmem>>, vector<16xf32>,
      %mul3A_173 = arith.mulf %get3A_168, %get3A_172 : vector<16xf32>
      %add3A_174 = arith.addf %add3A_154, %mul3A_173 : vector<16xf32>
      %get3A_175 = arith.constant 7 : i32
      %get3A_176 = arith.index_cast %get3A_175 : i32 to index
      %get3A_177 = arith.index_cast %mul3A_22 : i32 to index
      %get3A_178 = tpu.vector_load %arg13[%get3A_176, %get3A_177] {strides = array<i32>} : memref<16x512xf32, #tpu.memory_space<vmem>>, vector<16xf32>,
      %get3A_179 = arith.constant 7 : i32
      %get3A_180 = arith.index_cast %get3A_179 : i32 to index
      %get3A_181 = arith.index_cast %mul3A_22 : i32 to index
      %get3A_182 = tpu.vector_load %arg14[%get3A_180, %get3A_181] {strides = array<i32>} : memref<16x512xf32, #tpu.memory_space<vmem>>, vector<16xf32>,
      %mul3A_183 = arith.mulf %get3A_178, %get3A_182 : vector<16xf32>
      %add3A_184 = arith.addf %add3A_164, %mul3A_183 : vector<16xf32>
      %get3A_185 = arith.constant 8 : i32
      %get3A_186 = arith.index_cast %get3A_185 : i32 to index
      %get3A_187 = arith.index_cast %mul3A_22 : i32 to index
      %get3A_188 = tpu.vector_load %arg11[%get3A_186, %get3A_187] {strides = array<i32>} : memref<16x512xf32, #tpu.memory_space<vmem>>, vector<16xf32>,
      %get3A_189 = arith.constant 8 : i32
      %get3A_190 = arith.index_cast %get3A_189 : i32 to index
      %get3A_191 = arith.index_cast %mul3A_22 : i32 to index
      %get3A_192 = tpu.vector_load %arg12[%get3A_190, %get3A_191] {strides = array<i32>} : memref<16x512xf32, #tpu.memory_space<vmem>>, vector<16xf32>,
      %mul3A_193 = arith.mulf %get3A_188, %get3A_192 : vector<16xf32>
      %add3A_194 = arith.addf %add3A_174, %mul3A_193 : vector<16xf32>
      %get3A_195 = arith.constant 8 : i32
      %get3A_196 = arith.index_cast %get3A_195 : i32 to index
      %get3A_197 = arith.index_cast %mul3A_22 : i32 to index
      %get3A_198 = tpu.vector_load %arg13[%get3A_196, %get3A_197] {strides = array<i32>} : memref<16x512xf32, #tpu.memory_space<vmem>>, vector<16xf32>,
      %get3A_199 = arith.constant 8 : i32
      %get3A_200 = arith.index_cast %get3A_199 : i32 to index
      %get3A_201 = arith.index_cast %mul3A_22 : i32 to index
      %get3A_202 = tpu.vector_load %arg14[%get3A_200, %get3A_201] {strides = array<i32>} : memref<16x512xf32, #tpu.memory_space<vmem>>, vector<16xf32>,
      %mul3A_203 = arith.mulf %get3A_198, %get3A_202 : vector<16xf32>
      %add3A_204 = arith.addf %add3A_184, %mul3A_203 : vector<16xf32>
      %get3A_205 = arith.constant 9 : i32
      %get3A_206 = arith.index_cast %get3A_205 : i32 to index
      %get3A_207 = arith.index_cast %mul3A_22 : i32 to index
      %get3A_208 = tpu.vector_load %arg11[%get3A_206, %get3A_207] {strides = array<i32>} : memref<16x512xf32, #tpu.memory_space<vmem>>, vector<16xf32>,
      %get3A_209 = arith.constant 9 : i32
      %get3A_210 = arith.index_cast %get3A_209 : i32 to index
      %get3A_211 = arith.index_cast %mul3A_22 : i32 to index
      %get3A_212 = tpu.vector_load %arg12[%get3A_210, %get3A_211] {strides = array<i32>} : memref<16x512xf32, #tpu.memory_space<vmem>>, vector<16xf32>,
      %mul3A_213 = arith.mulf %get3A_208, %get3A_212 : vector<16xf32>
      %add3A_214 = arith.addf %add3A_194, %mul3A_213 : vector<16xf32>
      %get3A_215 = arith.constant 9 : i32
      %get3A_216 = arith.index_cast %get3A_215 : i32 to index
      %get3A_217 = arith.index_cast %mul3A_22 : i32 to index
      %get3A_218 = tpu.vector_load %arg13[%get3A_216, %get3A_217] {strides = array<i32>} : memref<16x512xf32, #tpu.memory_space<vmem>>, vector<16xf32>,
      %get3A_219 = arith.constant 9 : i32
      %get3A_220 = arith.index_cast %get3A_219 : i32 to index
      %get3A_221 = arith.index_cast %mul3A_22 : i32 to index
      %get3A_222 = tpu.vector_load %arg14[%get3A_220, %get3A_221] {strides = array<i32>} : memref<16x512xf32, #tpu.memory_space<vmem>>, vector<16xf32>,
      %mul3A_223 = arith.mulf %get3A_218, %get3A_222 : vector<16xf32>
      %add3A_224 = arith.addf %add3A_204, %mul3A_223 : vector<16xf32>
      %get3A_225 = arith.constant 10 : i32
      %get3A_226 = arith.index_cast %get3A_225 : i32 to index
      %get3A_227 = arith.index_cast %mul3A_22 : i32 to index
      %get3A_228 = tpu.vector_load %arg11[%get3A_226, %get3A_227] {strides = array<i32>} : memref<16x512xf32, #tpu.memory_space<vmem>>, vector<16xf32>,
      %get3A_229 = arith.constant 10 : i32
      %get3A_230 = arith.index_cast %get3A_229 : i32 to index
      %get3A_231 = arith.index_cast %mul3A_22 : i32 to index
      %get3A_232 = tpu.vector_load %arg12[%get3A_230, %get3A_231] {strides = array<i32>} : memref<16x512xf32, #tpu.memory_space<vmem>>, vector<16xf32>,
      %mul3A_233 = arith.mulf %get3A_228, %get3A_232 : vector<16xf32>
      %add3A_234 = arith.addf %add3A_214, %mul3A_233 : vector<16xf32>
      %get3A_235 = arith.constant 10 : i32
      %get3A_236 = arith.index_cast %get3A_235 : i32 to index
      %get3A_237 = arith.index_cast %mul3A_22 : i32 to index
      %get3A_238 = tpu.vector_load %arg13[%get3A_236, %get3A_237] {strides = array<i32>} : memref<16x512xf32, #tpu.memory_space<vmem>>, vector<16xf32>,
      %get3A_239 = arith.constant 10 : i32
      %get3A_240 = arith.index_cast %get3A_239 : i32 to index
      %get3A_241 = arith.index_cast %mul3A_22 : i32 to index
      %get3A_242 = tpu.vector_load %arg14[%get3A_240, %get3A_241] {strides = array<i32>} : memref<16x512xf32, #tpu.memory_space<vmem>>, vector<16xf32>,
      %mul3A_243 = arith.mulf %get3A_238, %get3A_242 : vector<16xf32>
      %add3A_244 = arith.addf %add3A_224, %mul3A_243 : vector<16xf32>
      %get3A_245 = arith.constant 11 : i32
      %get3A_246 = arith.index_cast %get3A_245 : i32 to index
      %get3A_247 = arith.index_cast %mul3A_22 : i32 to index
      %get3A_248 = tpu.vector_load %arg11[%get3A_246, %get3A_247] {strides = array<i32>} : memref<16x512xf32, #tpu.memory_space<vmem>>, vector<16xf32>,
      %get3A_249 = arith.constant 11 : i32
      %get3A_250 = arith.index_cast %get3A_249 : i32 to index
      %get3A_251 = arith.index_cast %mul3A_22 : i32 to index
      %get3A_252 = tpu.vector_load %arg12[%get3A_250, %get3A_251] {strides = array<i32>} : memref<16x512xf32, #tpu.memory_space<vmem>>, vector<16xf32>,
      %mul3A_253 = arith.mulf %get3A_248, %get3A_252 : vector<16xf32>
      %add3A_254 = arith.addf %add3A_234, %mul3A_253 : vector<16xf32>
      %get3A_255 = arith.constant 11 : i32
      %get3A_256 = arith.index_cast %get3A_255 : i32 to index
      %get3A_257 = arith.index_cast %mul3A_22 : i32 to index
      %get3A_258 = tpu.vector_load %arg13[%get3A_256, %get3A_257] {strides = array<i32>} : memref<16x512xf32, #tpu.memory_space<vmem>>, vector<16xf32>,
      %get3A_259 = arith.constant 11 : i32
      %get3A_260 = arith.index_cast %get3A_259 : i32 to index
      %get3A_261 = arith.index_cast %mul3A_22 : i32 to index
      %get3A_262 = tpu.vector_load %arg14[%get3A_260, %get3A_261] {strides = array<i32>} : memref<16x512xf32, #tpu.memory_space<vmem>>, vector<16xf32>,
      %mul3A_263 = arith.mulf %get3A_258, %get3A_262 : vector<16xf32>
      %add3A_264 = arith.addf %add3A_244, %mul3A_263 : vector<16xf32>
      %get3A_265 = arith.constant 12 : i32
      %get3A_266 = arith.index_cast %get3A_265 : i32 to index
      %get3A_267 = arith.index_cast %mul3A_22 : i32 to index
      %get3A_268 = tpu.vector_load %arg11[%get3A_266, %get3A_267] {strides = array<i32>} : memref<16x512xf32, #tpu.memory_space<vmem>>, vector<16xf32>,
      %get3A_269 = arith.constant 12 : i32
      %get3A_270 = arith.index_cast %get3A_269 : i32 to index
      %get3A_271 = arith.index_cast %mul3A_22 : i32 to index
      %get3A_272 = tpu.vector_load %arg12[%get3A_270, %get3A_271] {strides = array<i32>} : memref<16x512xf32, #tpu.memory_space<vmem>>, vector<16xf32>,
      %mul3A_273 = arith.mulf %get3A_268, %get3A_272 : vector<16xf32>
      %add3A_274 = arith.addf %add3A_254, %mul3A_273 : vector<16xf32>
      %get3A_275 = arith.constant 12 : i32
      %get3A_276 = arith.index_cast %get3A_275 : i32 to index
      %get3A_277 = arith.index_cast %mul3A_22 : i32 to index
      %get3A_278 = tpu.vector_load %arg13[%get3A_276, %get3A_277] {strides = array<i32>} : memref<16x512xf32, #tpu.memory_space<vmem>>, vector<16xf32>,
      %get3A_279 = arith.constant 12 : i32
      %get3A_280 = arith.index_cast %get3A_279 : i32 to index
      %get3A_281 = arith.index_cast %mul3A_22 : i32 to index
      %get3A_282 = tpu.vector_load %arg14[%get3A_280, %get3A_281] {strides = array<i32>} : memref<16x512xf32, #tpu.memory_space<vmem>>, vector<16xf32>,
      %mul3A_283 = arith.mulf %get3A_278, %get3A_282 : vector<16xf32>
      %add3A_284 = arith.addf %add3A_264, %mul3A_283 : vector<16xf32>
      %get3A_285 = arith.constant 13 : i32
      %get3A_286 = arith.index_cast %get3A_285 : i32 to index
      %get3A_287 = arith.index_cast %mul3A_22 : i32 to index
      %get3A_288 = tpu.vector_load %arg11[%get3A_286, %get3A_287] {strides = array<i32>} : memref<16x512xf32, #tpu.memory_space<vmem>>, vector<16xf32>,
      %get3A_289 = arith.constant 13 : i32
      %get3A_290 = arith.index_cast %get3A_289 : i32 to index
      %get3A_291 = arith.index_cast %mul3A_22 : i32 to index
      %get3A_292 = tpu.vector_load %arg12[%get3A_290, %get3A_291] {strides = array<i32>} : memref<16x512xf32, #tpu.memory_space<vmem>>, vector<16xf32>,
      %mul3A_293 = arith.mulf %get3A_288, %get3A_292 : vector<16xf32>
      %add3A_294 = arith.addf %add3A_274, %mul3A_293 : vector<16xf32>
      %get3A_295 = arith.constant 13 : i32
      %get3A_296 = arith.index_cast %get3A_295 : i32 to index
      %get3A_297 = arith.index_cast %mul3A_22 : i32 to index
      %get3A_298 = tpu.vector_load %arg13[%get3A_296, %get3A_297] {strides = array<i32>} : memref<16x512xf32, #tpu.memory_space<vmem>>, vector<16xf32>,
      %get3A_299 = arith.constant 13 : i32
      %get3A_300 = arith.index_cast %get3A_299 : i32 to index
      %get3A_301 = arith.index_cast %mul3A_22 : i32 to index
      %get3A_302 = tpu.vector_load %arg14[%get3A_300, %get3A_301] {strides = array<i32>} : memref<16x512xf32, #tpu.memory_space<vmem>>, vector<16xf32>,
      %mul3A_303 = arith.mulf %get3A_298, %get3A_302 : vector<16xf32>
      %add3A_304 = arith.addf %add3A_284, %mul3A_303 : vector<16xf32>
      %get3A_305 = arith.constant 14 : i32
      %get3A_306 = arith.index_cast %get3A_305 : i32 to index
      %get3A_307 = arith.index_cast %mul3A_22 : i32 to index
      %get3A_308 = tpu.vector_load %arg11[%get3A_306, %get3A_307] {strides = array<i32>} : memref<16x512xf32, #tpu.memory_space<vmem>>, vector<16xf32>,
      %get3A_309 = arith.constant 14 : i32
      %get3A_310 = arith.index_cast %get3A_309 : i32 to index
      %get3A_311 = arith.index_cast %mul3A_22 : i32 to index
      %get3A_312 = tpu.vector_load %arg12[%get3A_310, %get3A_311] {strides = array<i32>} : memref<16x512xf32, #tpu.memory_space<vmem>>, vector<16xf32>,
      %mul3A_313 = arith.mulf %get3A_308, %get3A_312 : vector<16xf32>
      %add3A_314 = arith.addf %add3A_294, %mul3A_313 : vector<16xf32>
      %get3A_315 = arith.constant 14 : i32
      %get3A_316 = arith.index_cast %get3A_315 : i32 to index
      %get3A_317 = arith.index_cast %mul3A_22 : i32 to index
      %get3A_318 = tpu.vector_load %arg13[%get3A_316, %get3A_317] {strides = array<i32>} : memref<16x512xf32, #tpu.memory_space<vmem>>, vector<16xf32>,
      %get3A_319 = arith.constant 14 : i32
      %get3A_320 = arith.index_cast %get3A_319 : i32 to index
      %get3A_321 = arith.index_cast %mul3A_22 : i32 to index
      %get3A_322 = tpu.vector_load %arg14[%get3A_320, %get3A_321] {strides = array<i32>} : memref<16x512xf32, #tpu.memory_space<vmem>>, vector<16xf32>,
      %mul3A_323 = arith.mulf %get3A_318, %get3A_322 : vector<16xf32>
      %add3A_324 = arith.addf %add3A_304, %mul3A_323 : vector<16xf32>
      %get3A_325 = arith.constant 15 : i32
      %get3A_326 = arith.index_cast %get3A_325 : i32 to index
      %get3A_327 = arith.index_cast %mul3A_22 : i32 to index
      %get3A_328 = tpu.vector_load %arg11[%get3A_326, %get3A_327] {strides = array<i32>} : memref<16x512xf32, #tpu.memory_space<vmem>>, vector<16xf32>,
      %get3A_329 = arith.constant 15 : i32
      %get3A_330 = arith.index_cast %get3A_329 : i32 to index
      %get3A_331 = arith.index_cast %mul3A_22 : i32 to index
      %get3A_332 = tpu.vector_load %arg12[%get3A_330, %get3A_331] {strides = array<i32>} : memref<16x512xf32, #tpu.memory_space<vmem>>, vector<16xf32>,
      %mul3A_333 = arith.mulf %get3A_328, %get3A_332 : vector<16xf32>
      %add3A_334 = arith.addf %add3A_314, %mul3A_333 : vector<16xf32>
      %get3A_335 = arith.constant 15 : i32
      %get3A_336 = arith.index_cast %get3A_335 : i32 to index
      %get3A_337 = arith.index_cast %mul3A_22 : i32 to index
      %get3A_338 = tpu.vector_load %arg13[%get3A_336, %get3A_337] {strides = array<i32>} : memref<16x512xf32, #tpu.memory_space<vmem>>, vector<16xf32>,
      %get3A_339 = arith.constant 15 : i32
      %get3A_340 = arith.index_cast %get3A_339 : i32 to index
      %get3A_341 = arith.index_cast %mul3A_22 : i32 to index
      %get3A_342 = tpu.vector_load %arg14[%get3A_340, %get3A_341] {strides = array<i32>} : memref<16x512xf32, #tpu.memory_space<vmem>>, vector<16xf32>,
      %mul3A_343 = arith.mulf %get3A_338, %get3A_342 : vector<16xf32>
      %add3A_344 = arith.addf %add3A_324, %mul3A_343 : vector<16xf32>
      %swap3A = arith.index_cast %mul3A_22 : i32 to index
      %swap3A_345 = tpu.vector_load %arg15[%swap3A] {strides = array<i32>} : memref<512xf32, #tpu.memory_space<vmem>>, vector<16xf32>,
      tpu.vector_store %arg15[%swap3A], %add3A_334 {strides = array<i32>} : memref<512xf32, #tpu.memory_space<vmem>>, vector<16xf32>,
      %swap3A_346 = arith.index_cast %mul3A_22 : i32 to index
      %swap3A_347 = tpu.vector_load %arg16[%swap3A_346] {strides = array<i32>} : memref<512xf32, #tpu.memory_space<vmem>>, vector<16xf32>,
      tpu.vector_store %arg16[%swap3A_346], %add3A_344 {strides = array<i32>} : memref<512xf32, #tpu.memory_space<vmem>>, vector<16xf32>,
    }
    %scan3A_19 = arith.constant 32 : i32
    "tpu.region"() ({
      %run_scoped3A = tpu.sem_alloc : memref<!tpu.dma_semaphore, #tpu.memory_space<semaphore_mem>>
      %dma_start3A = tpu.memref_slice %arg7[%mul3A_2] : memref<16384xf32, #tpu.memory_space<hbm>> -> memref<512xf32, #tpu.memory_space<hbm>>
      %dma_start3A_20 = tpu.memref_slice %arg7[%mul3A_2] : memref<16384xf32, #tpu.memory_space<hbm>> -> memref<512xf32, #tpu.memory_space<hbm>>
      tpu.enqueue_dma source(%arg15 : memref<512xf32, #tpu.memory_space<vmem>>) target(%dma_start3A_20 : memref<512xf32, #tpu.memory_space<hbm>>) target_semaphore(%run_scoped3A : memref<!tpu.dma_semaphore, #tpu.memory_space<semaphore_mem>>)
      %dma_wait3A = tpu.memref_slice %arg7[%mul3A_2] : memref<16384xf32, #tpu.memory_space<hbm>> -> memref<512xf32, #tpu.memory_space<hbm>>
      %dma_wait3A_21 = tpu.memref_slice %arg7[%mul3A_2] : memref<16384xf32, #tpu.memory_space<hbm>> -> memref<512xf32, #tpu.memory_space<hbm>>
      tpu.wait_dma2 semaphore(%run_scoped3A : memref<!tpu.dma_semaphore, #tpu.memory_space<semaphore_mem>>) src(%arg15 : memref<512xf32, #tpu.memory_space<vmem>>) dst(%dma_wait3A_21 : memref<512xf32, #tpu.memory_space<hbm>>)
      tpu.yield
    }) : () -> ()
    "tpu.region"() ({
      %run_scoped3A = tpu.sem_alloc : memref<!tpu.dma_semaphore, #tpu.memory_space<semaphore_mem>>
      %dma_start3A = tpu.memref_slice %arg8[%mul3A_2] : memref<16384xf32, #tpu.memory_space<hbm>> -> memref<512xf32, #tpu.memory_space<hbm>>
      %dma_start3A_20 = tpu.memref_slice %arg8[%mul3A_2] : memref<16384xf32, #tpu.memory_space<hbm>> -> memref<512xf32, #tpu.memory_space<hbm>>
      tpu.enqueue_dma source(%arg16 : memref<512xf32, #tpu.memory_space<vmem>>) target(%dma_start3A_20 : memref<512xf32, #tpu.memory_space<hbm>>) target_semaphore(%run_scoped3A : memref<!tpu.dma_semaphore, #tpu.memory_space<semaphore_mem>>)
      %dma_wait3A = tpu.memref_slice %arg8[%mul3A_2] : memref<16384xf32, #tpu.memory_space<hbm>> -> memref<512xf32, #tpu.memory_space<hbm>>
      %dma_wait3A_21 = tpu.memref_slice %arg8[%mul3A_2] : memref<16384xf32, #tpu.memory_space<hbm>> -> memref<512xf32, #tpu.memory_space<hbm>>
      tpu.wait_dma2 semaphore(%run_scoped3A : memref<!tpu.dma_semaphore, #tpu.memory_space<semaphore_mem>>) src(%arg16 : memref<512xf32, #tpu.memory_space<vmem>>) dst(%dma_wait3A_21 : memref<512xf32, #tpu.memory_space<hbm>>)
      tpu.yield
    }) : () -> ()
    return
  }
}

</mosaic_0001>

<sc_bundles>
// kernel: kernel.3.cloned.1.call-start
scs
__scs_entry_jumppad:
0x0: {  	(pc) =	sbr.rel $0x88, $3  }
0x1: {  	(tag) =	ssettag $0x0;
	lr =	simm.s32 $0x1  }
0x2: {  	[smem:$0x3F9C] =	sst lr;
	_ =	strace $0xD0000000  }
0x3: {  	_ = 	snop  }
0x4: {  	_ = 	snop  }
0x5: {  	_ = 	snop  }
0x6: {  	_ = 	snop  }
0x7: {  	_ = 	snop  }
__scs_overlays_trampoline_lowered:
0x8: {  	[smem:$0x3FAB] =	sst s0  }
0x9: {  	[smem:$0x3FAC] =	sst s1  }
0xa: {  	[smem:$0x3FAD] =	sst s2  }
0xb: {  	[smem:$0x3FAE] =	sst s3  }
0xc: {  	[smem:$0x3FAF] =	sst s4  }
0xd: {  	[smem:$0x3FB0] =	sst s5  }
0xe: {  	[smem:$0x3FB1] =	sst s6  }
0xf: {  	[smem:$0x3FB2] =	sst s7  }
0x10: {  	[smem:$0x3FB3] =	sst s8  }
0x11: {  	[smem:$0x3FB4] =	sst s9;
	s0 =	simm.s32 @!p0 $0x0  }
0x12: {  	s1 =	sld [smem:$0x3F9A];
	s0 =	simm.s32 @p0 $0x1  }
0x13: {  	[smem:$0x3FB5] =	sst s0;
	s0 =	simm.s32 @!p1 $0x0  }
0x14: {  	s2 =	sld [smem:$0x3F99];
	s0 =	simm.s32 @p1 $0x1  }
0x15: {  	[smem:$0x3FB6] =	sst s0;
	s0 =	simm.s32 @!p2 $0x0  }
0x16: {  	s3 =	sld [smem:$0x3FDB];
	s0 =	simm.s32 @p2 $0x1  }
0x17: {  	s4 =	simm.s32 $0x1BF5;
	[smem:$0x3FB8] =	sst s0  }
0x18: {  	s0 =	sld [smem:$0x3F9B];
	_ =	swait.ge [sflag:s4], $0x0  }
0x19: {  	s7 =	sld [smem:$0x3F9C]  }
0x1a: {  	s8 =	sadd.s32 $0xFFFFE003, lr  }
0x1b: {  	s9 =	sadd.s32 $0xFFFFFEF7, lr;
	s5 =	simm.s32 $0xFFFFFFFF;
	p2 =	slt.u32 s8, $0xFFFFF086  }
0x1c: {  	p1 =	slt.u32 s9, $0xF7A;
	s5 =	simm.s32 @!p2 $0x0  }
0x1d: {  	s5 =	simm.s32 @p1 $0x1;
	p0 =	seq.s32 s7, s2  }
0x1e: {  	s7 =	smul.u32 @!p0 $0xF7A, s2;
	p2 =	seq.s32 @!p0 s5, $0x0  }
0x1f: {  	s9 =	smul.u32 $0xF7A, s1;
	s8 =	simm.s32 @!p0 $0x1BF5;
	p2 =	por !p2, p0  }
0x20: {  	[sflag:s8] =	ssyncset.s32 @!p0 $0xFFFFF086;
	s6 =	sadd.s32 @!p0 s3, s7;
	s7 =	simm.s32 @!p0 $0x108  }
0x21: {  	s3 =	sadd.s32 s3, s9;
	s6 =	sadd.s32 @!p0 $0x88, s6;
	s7 =	simm.s32 @p2 $0x1082  }
0x22: {  	[simem:s7], [sflag:s8] =	dma.local @!p0 [hbm:s6], $0xF7A  }
0x23: {  	s9 =	sor.u32 $0xD0000000, s2;
	s6 =	simm.s32 $0x108;
	_ =	swait.ge @!p0 [sflag:s8], $0x0  }
0x24: {  	s3 =	sadd.s32 $0x88, s3;
	s6 =	simm.s32 @!p1 $0x1082;
	[sflag:s4] =	ssyncset.s32 $0xFFFFF086  }
0x25: {  	[simem:s6], [sflag:s4] =	dma.local [hbm:s3], $0xF7A  }
0x26: {  	[smem:$0x3F9C] =	sst s1;
	(tag) =	ssettag s2;
	_ =	strace s9  }
0x27: {  	s1 =	sld [smem:$0x3FAC]  }
0x28: {  	s2 =	sld [smem:$0x3FAD]  }
0x29: {  	s4 =	sld [smem:$0x3FAF]  }
0x2a: {  	p0 =	seq.s32 s5, $0x0;
	s5 =	sld [smem:$0x3FB0]  }
0x2b: {  	s6 =	sld [smem:$0x3FB1]  }
0x2c: {  	s7 =	sld [smem:$0x3FB2]  }
0x2d: {  	s3 =	simm.s32 $0x108;
	s8 =	sld [smem:$0x3FB3]  }
0x2e: {  	s3 =	simm.s32 @!p0 $0x1082;
	s9 =	sld [smem:$0x3FB4]  }
0x2f: {  	lr =	sadd.s32 s0, s3;
	s0 =	sld [smem:$0x3FAB]  }
0x30: {  	s3 =	sld [smem:$0x3FAE]  }
0x31: {  	[smem:$0x3FB7] =	sst s10  }
0x32: {  	s10 =	sld [smem:$0x3FB5];
	_ =	sdelay $0x3  }
0x33: {  	p0 =	seq.s32 s10, $0x1;
	s10 =	sld [smem:$0x3FB7];
	_ =	sdelay $0x3  }
0x34: {  	[smem:$0x3FB7] =	sst s10  }
0x35: {  	s10 =	sld [smem:$0x3FB6];
	_ =	sdelay $0x3  }
0x36: {  	p1 =	seq.s32 s10, $0x1;
	s10 =	sld [smem:$0x3FB7];
	_ =	sdelay $0x3  }
0x37: {  	[smem:$0x3FB7] =	sst s10  }
0x38: {  	s10 =	sld [smem:$0x3FB8]  }
0x39: {  	_ = 	snop;
	(pc) =	sbr.ind lr, $3  }
0x3a: {  	_ = 	snop  }
0x3b: {  	_ = 	snop  }
0x3c: {  	p2 =	seq.s32 s10, $0x1;
	s10 =	sld [smem:$0x3FB7]  }
0x3d: {  	_ =	shalt  }
0x3e: {  	_ =	shalt  }
0x3f: {  	_ =	shalt  }
0x40: {  	_ =	shalt  }
0x41: {  	_ =	shalt  }
0x42: {  	_ =	shalt  }
0x43: {  	_ =	shalt  }
0x44: {  	_ =	shalt  }
0x45: {  	_ =	shalt  }
0x46: {  	_ =	shalt  }
0x47: {  	_ =	shalt  }
0x48: {  	_ =	shalt  }
0x49: {  	_ =	shalt  }
0x4a: {  	_ =	shalt  }
0x4b: {  	_ =	shalt  }
0x4c: {  	_ =	shalt  }
0x4d: {  	_ =	shalt  }
0x4e: {  	_ =	shalt  }
0x4f: {  	_ =	shalt  }
0x50: {  	_ =	shalt  }
0x51: {  	_ =	shalt  }
0x52: {  	_ =	shalt  }
0x53: {  	_ =	shalt  }
0x54: {  	_ =	shalt  }
0x55: {  	_ =	shalt  }
0x56: {  	_ =	shalt  }
0x57: {  	_ =	shalt  }
0x58: {  	_ =	shalt  }
0x59: {  	_ =	shalt  }
0x5a: {  	_ =	shalt  }
0x5b: {  	_ =	shalt  }
0x5c: {  	_ =	shalt  }
0x5d: {  	_ =	shalt  }
0x5e: {  	_ =	shalt  }
0x5f: {  	_ =	shalt  }
0x60: {  	_ =	shalt  }
0x61: {  	_ =	shalt  }
0x62: {  	_ =	shalt  }
0x63: {  	_ =	shalt  }
0x64: {  	_ =	shalt  }
0x65: {  	_ =	shalt  }
0x66: {  	_ =	shalt  }
0x67: {  	_ =	shalt  }
0x68: {  	_ =	shalt  }
0x69: {  	_ =	shalt  }
0x6a: {  	_ =	shalt  }
0x6b: {  	_ =	shalt  }
0x6c: {  	_ =	shalt  }
0x6d: {  	_ =	shalt  }
0x6e: {  	_ =	shalt  }
0x6f: {  	_ =	shalt  }
0x70: {  	_ =	shalt  }
0x71: {  	_ =	shalt  }
0x72: {  	_ =	shalt  }
0x73: {  	_ =	shalt  }
0x74: {  	_ =	shalt  }
0x75: {  	_ =	shalt  }
0x76: {  	_ =	shalt  }
0x77: {  	_ =	shalt  }
0x78: {  	_ =	shalt  }
0x79: {  	_ =	shalt  }
0x7a: {  	_ =	shalt  }
0x7b: {  	_ =	shalt  }
0x7c: {  	_ =	shalt  }
0x7d: {  	_ =	shalt  }
0x7e: {  	_ =	shalt  }
0x7f: {  	_ =	shalt  }
0x80: {  	_ =	shalt  }
0x81: {  	_ =	shalt  }
0x82: {  	_ =	shalt  }
0x83: {  	_ =	shalt  }
0x84: {  	_ =	shalt  }
0x85: {  	_ =	shalt  }
0x86: {  	_ =	shalt  }
0x87: {  	_ =	shalt  }
.Lfunc_end0:
.L_simem_size_0:
called_computation_lowered:
.L_overlay_start_0:
0x88: {  	s2 =	sld [smem:$0x3FD9]  }
0x89: {  	s3 =	sld [smem:$0x3FFE];
	_ =	sdelay $0x1  }
0x8a: {  	s1 =	srdreg.scid  }
0x8b: {  	s0 =	sand.u32 $0x1, s1  }
0x8c: {  	s14 =	sshll.u32 s0, $0xA;
	s2 =	sadd.s32 s3, s2  }
0x8d: {  	s2 =	sadd.s32 s2, s14  }
0x8e: {  	[smem:$0x3FC3] =	sst s2  }
0x8f: {  	_ = 	snop  }
0x90: {  	s2 =	sld [smem:$0x3FD0];
	_ =	sdelay $0x1  }
0x91: {  	s15 =	sld [smem:$0x3FC9]  }
0x92: {  	s5 =	simm.s32 $0xA;
	s6 =	simm.s32 $0x10;
	s4 =	sld [smem:$0x3FC8]  }
0x93: {  	[smem:s6], [sflag:s5] =	dma.local [hbm:s2], $0x1  }
0x94: {  	_ =	swait.eq [sflag:s5], $0x1  }
0x95: {  	[sflag:s5] =	ssyncset.done $0x0  }
0x96: {  	s16 =	sld [smem:$0x10];
	[sflag:s5] =	ssyncadd.s32 $0xFFFFFFFF  }
0x97: {  	s17 =	sld [smem:$0x11];
	(tm) =	ssettm $0x1  }
0x98: {  	s18 =	sld [smem:$0x3FFB];
	_ =	sdelay $0x3  }
0x99: {  	_ =	strace s18  }
0x9a: {  	s6 =	sld [smem:$0x3FFC];
	_ =	sdelay $0x3  }
0x9b: {  	_ =	strace s6  }
0x9c: {  	s6 =	sld [smem:$0x3FFD];
	_ =	sdelay $0x3  }
0x9d: {  	_ =	strace s6  }
0x9e: {  	_ =	strace $0x8FFFFFFF  }
0x9f: {  	s19 =	sld [smem:$0x3FDB];
	_ =	sdelay $0x1  }
0xa0: {  	s7 =	simm.s32 $_scs_section_size  }
0xa1: {  	s8 =	simm.s32 $_size__tile_overlayer_lowered;
	s9 =	simm.s32 $_tile_overlayer_lowered  }
0xa2: {  	s22 =	simm.s32 $0x1BFF;
	s21 =	sshll.u32 s9, $0x1;
	s6 =	sadd.s32 s7, s19  }
0xa3: {  	s10 =	simm.s32 $0x0;
	s20 =	sshll.u32 s8, $0x1;
	s8 =	sadd.s32 s21, s6  }
0xa4: {  	[timem:s10], [sflag:s22] =	dma.local [hbm:s8], s20  }
0xa5: {  	_ =	swait.ge [sflag:s22], s20  }
0xa6: {  	s7 =	ssub.s32 $0x0, s20;
	[sflag:s22] =	ssyncset.done $0x0  }
0xa7: {  	[sflag:s22] =	ssyncadd.s32 s7;
	_ =	sdelay $0x1  }
0xa8: {  	s23 =	simm.s32 $0x1B8B  }
0xa9: {  	_ =	swait.ge [sflag:s23], $0x1  }
0xaa: {  	[sflag:s23] =	ssyncset.done $0x0  }
0xab: {  	s25 =	simm.s32 $0x1B8E;
	s24 =	sld [smem:$0x3FFE];
	[sflag:s23] =	ssyncadd.s32 $0xFFFFFFFF  }
0xac: {  	s26 =	simm.s32 $execute0_lowered;
	[smem:$0x3FD2] =	sst s25  }
0xad: {  	s8 =	sshll.u32 s26, $0x1;
	_ =	strace $0x80000046;
	[dreg:$0x1] =	wrdreg $0xFFFFFFFF  }
0xae: {  	s28 =	simm.s32 $_size_execute0_lowered;
	s6 =	sadd.s32 s6, s8;
	[dreg:$0x0] =	wrdreg $0x0  }
0xaf: {  	s8 =	sshll.u32 s28, $0x1;
	[dreg:$0x2] =	wrdreg s6  }
0xb0: {  	[dreg:$0x3] =	wrdreg s8  }
0xb1: {  	[dreg:$0x4] =	wrdreg $0xC0  }
0xb2: {  	_ =	task [dreg:s10], $0x5FFFF  }
0xb3: {  	[dreg:$0x1] =	wrdreg $0xFFFFFFFF  }
0xb4: {  	[dreg:$0x0] =	wrdreg $0x60  }
0xb5: {  	[dreg:$0x2] =	wrdreg s15  }
0xb6: {  	[dreg:$0x3] =	wrdreg s4  }
0xb7: {  	[dreg:$0x4] =	wrdreg s24  }
0xb8: {  	[dreg:$0x5] =	wrdreg s16  }
0xb9: {  	[dreg:$0x6] =	wrdreg s17  }
0xba: {  	[dreg:$0x7] =	wrdreg $0x9  }
0xbb: {  	_ =	task.clear_ibuf [dreg:s10], $0x8FFFF;
	_ =	strace $0x90000046  }
0xbc: {  	s29 =	simm.s32 $0x9;
	_ =	strace $0x80000048  }
0xbd: {  	_ =	swait.ge [sflag:s29], $0x1  }
0xbe: {  	[sflag:s29] =	ssyncadd.s32 $0xFFFFFFFF  }
0xbf: {  	_ =	strace $0x90000048  }
0xc0: {  	_ =	sfence  }
0xc1: {  	s30 =	sld [smem:$0x0];
	_ =	sdelay $0x2  }
0xc2: {  	s31 =	sshll.u32 s1, $0xD;
	s1 =	sshrl.u32 s1, $0x2  }
0xc3: {  	s3 =	sand.u32 $0x4000, s31;
	s1 =	sadd.s32 s1, s30  }
0xc4: {  	s0 =	sor.u32 s3, s0;
	s1 =	sshll.u32 s1, $0x11  }
0xc5: {  	s0 =	sor.u32 s1, s0  }
0xc6: {  	s0 =	sadd.s32 $0x8F2B, s0  }
0xc7: {  	[sflag:s0] =	ssyncadd.remote.s32 $0x1  }
0xc8: {  	_ =	sfence.sel $0xFFFF  }
0xc9: {  	[dreg:$0x0] =	wrdreg $0xFFFFFFFF;
	(pc) =	sbr.abs _section_cstart, $3  }
0xca: {  	[dreg:$0x1] =	wrdreg $0xFFFFFFFF  }
0xcb: {  	_ =	task.clear_ibuf [dreg:s10], $0x2FFFF;
	_ =	strace $0x9FFFFFFF  }
0xcc: {  	(tm) =	ssettm $0x7FFFFFFF  }
0xcd: {  	_ =	shalt  }
tec
execute0_lowered:
.L_overlay_start_1:
0x0: {  	(tag) =	ssettag $0x1  }
0x1: {  	s6 =	rddreg [dreg:$0x0]  }
0x2: {  	s8 =	rddreg [dreg:$0x1]  }
0x3: {  	s10 =	rddreg [dreg:$0x2]  }
0x4: {  	s11 =	rddreg [dreg:$0x3]  }
0x5: {  	s12 =	rddreg [dreg:$0x4]  }
0x6: {  	s0 =	rddreg [dreg:$0x5];
	s1 =	simm.s32 $0x0;
	s5 =	srdreg.scid  }
0x7: {  	s2 =	stileid.u32;
	s15 =	simm.s32 $0x200;
	s16 =	simm.s32 $0x1  }
0x8: {  	s17 =	simm.s32 $0x8400;
	s18 =	simm.s32 $0x8600;
	s19 =	simm.s32 $0x0  }
0x9: {  	[smem:$0x7FF] =	sst s1;
	s3 =	sadd.s32 $0x800, s10;
	s4 =	sadd.s32 $0x1E8E00, s10  }
0xa: {  	s5 =	sand.u32 $0x1, s5;
	s9 =	sshll.u32 s2, $0x7;
	_ =	strace $0x80000047  }
0xb: {  	s7 =	ssub.s32 $0x2, s5;
	s13 =	sshll.u32 s5, $0x6;
	s5 =	sadd.s32 $0x3D1400, s10  }
0xc: {  	s14 =	sshrl.u32 s7, $0x1;
	s13 =	sor.u32 s13, s9;
	s9 =	sadd.s32 $0x2DD080, s10  }
0xd: {  	s14 =	ssub.s32 s7, s14;
	s6 =	sadd.s32 s6, s13;
	s7 =	sadd.s32 $0xF4A80, s10  }
0xe: {  	s8 =	sadd.s32 s8, s13;
	s10 =	sadd.s32 $0x4C5680, s10;
	s11 =	sadd.s32 s11, s13  }
0xf: {  	vm0 =	vmmov $0xffff;
	s12 =	sadd.s32 s12, s13;
	s13 =	smax.u32 s14, $0x1;
	s14 =	simm.s32 $0x2  }
.LBB2_1:
0x10: {  	[tilespmem:s1], [sflag:$0x2] =	stream.linear.gather [hbm4b:s6+s1], $0x200, $0x38;
	[tilespmem:$0x8800] =	vst v63  }
0x11: {  	_ =	swait.ge [sflag:s14], $0x200  }
0x12: {  	[sflag:s14] =	ssyncset.done $0x0  }
0x13: {  	[sflag:s14] =	ssyncadd.s32 $0xFFFFFE00  }
0x14: {  	[tilespmem:s15], [sflag:$0x2] =	stream.linear.gather [hbm4b:s8+s1], $0x200, $0x38;
	[tilespmem:$0x8800] =	vst v63  }
0x15: {  	_ =	swait.ge [sflag:s14], $0x200  }
0x16: {  	[sflag:s14] =	ssyncset.done $0x0  }
0x17: {  	s20 =	simm.s32 $0x0;
	[sflag:s14] =	ssyncadd.s32 $0xFFFFFE00  }
0x18: {  	v0 =	vld [tilespmem:s20+$0x0];
	_ =	sdelay $0x1  }
0x19: {  	v1 =	vld [tilespmem:s20+$0x200];
	_ =	sdelay $0x2  }
0x1a: {  	v2 =	vshll.u32 v0, $0x3  }
0x1b: {  	v0 =	vand.u32 $0x7F, v0;
	v2 =	vand.u32 $0xFFFFFC00, v2  }
0x1c: {  	v2 =	vor.u32 v0, v2;
	v0 =	vshll.u32 v1, $0x3  }
0x1d: {  	v1 =	vand.u32 $0x7F, v1;
	v0 =	vand.u32 $0xFFFFFC00, v0  }
0x1e: {  	v1 =	vor.u32 v1, v0;
	_ =	sdelay $0x1  }
0x1f: {  	s29 =	simm.s32 $0x400  }
0x20: {  	[tilespmem:s29], [sflag:$0x1] =	stream.indirect_vreg.gather [hbm4b:s3+s1], $0x1, v2, vm0, $0xb8;
	[tilespmem:$0x8800] =	vst v63  }
0x21: {  	s30 =	simm.s32 $0x2400  }
0x22: {  	[tilespmem:s30], [sflag:$0x1] =	stream.indirect_vreg.gather [hbm4b:s3+s1], $0x1, v1, vm0, $0xb8;
	[tilespmem:$0x8800] =	vst v63  }
0x23: {  	s31 =	simm.s32 $0x4400;
	v3 =	vor.u32 $0x80, v2  }
0x24: {  	[tilespmem:s31], [sflag:$0x1] =	stream.indirect_vreg.gather [hbm4b:s4+s1], $0x1, v2, vm0, $0xb8;
	[tilespmem:$0x8800] =	vst v63  }
0x25: {  	s21 =	simm.s32 $0x6400;
	v4 =	vor.u32 $0x80, v1  }
0x26: {  	[tilespmem:s21], [sflag:$0x1] =	stream.indirect_vreg.gather [hbm4b:s5+s1], $0x1, v1, vm0, $0xb8;
	[tilespmem:$0x8800] =	vst v63  }
0x27: {  	s22 =	simm.s32 $0x600  }
0x28: {  	[tilespmem:s22], [sflag:$0x1] =	stream.indirect_vreg.gather [hbm4b:s3+s1], $0x1, v3, vm0, $0xb8;
	[tilespmem:$0x8800] =	vst v63  }
0x29: {  	s23 =	simm.s32 $0x2600  }
0x2a: {  	[tilespmem:s23], [sflag:$0x1] =	stream.indirect_vreg.gather [hbm4b:s3+s1], $0x1, v4, vm0, $0xb8;
	[tilespmem:$0x8800] =	vst v63  }
0x2b: {  	s24 =	simm.s32 $0x4600;
	v5 =	vor.u32 $0x100, v2  }
0x2c: {  	[tilespmem:s24], [sflag:$0x1] =	stream.indirect_vreg.gather [hbm4b:s4+s1], $0x1, v3, vm0, $0xb8;
	[tilespmem:$0x8800] =	vst v63  }
0x2d: {  	s25 =	simm.s32 $0x6600;
	v6 =	vor.u32 $0x100, v1  }
0x2e: {  	[tilespmem:s25], [sflag:$0x1] =	stream.indirect_vreg.gather [hbm4b:s5+s1], $0x1, v4, vm0, $0xb8;
	[tilespmem:$0x8800] =	vst v63  }
0x2f: {  	s26 =	simm.s32 $0x800  }
0x30: {  	[tilespmem:s26], [sflag:$0x1] =	stream.indirect_vreg.gather [hbm4b:s3+s1], $0x1, v5, vm0, $0xb8;
	[tilespmem:$0x8800] =	vst v63  }
0x31: {  	s28 =	simm.s32 $0x2800  }
0x32: {  	[tilespmem:s28], [sflag:$0x1] =	stream.indirect_vreg.gather [hbm4b:s3+s1], $0x1, v6, vm0, $0xb8;
	[tilespmem:$0x8800] =	vst v63  }
0x33: {  	v7 =	vor.u32 $0x180, v2;
	s29 =	simm.s32 $0x4800  }
0x34: {  	[tilespmem:s29], [sflag:$0x1] =	stream.indirect_vreg.gather [hbm4b:s4+s1], $0x1, v5, vm0, $0xb8;
	[tilespmem:$0x8800] =	vst v63  }
0x35: {  	v8 =	vor.u32 $0x180, v1;
	s30 =	simm.s32 $0x6800  }
0x36: {  	[tilespmem:s30], [sflag:$0x1] =	stream.indirect_vreg.gather [hbm4b:s5+s1], $0x1, v6, vm0, $0xb8;
	[tilespmem:$0x8800] =	vst v63  }
0x37: {  	s31 =	simm.s32 $0xA00  }
0x38: {  	[tilespmem:s31], [sflag:$0x1] =	stream.indirect_vreg.gather [hbm4b:s3+s1], $0x1, v7, vm0, $0xb8;
	[tilespmem:$0x8800] =	vst v63  }
0x39: {  	s21 =	simm.s32 $0x2A00  }
0x3a: {  	[tilespmem:s21], [sflag:$0x1] =	stream.indirect_vreg.gather [hbm4b:s3+s1], $0x1, v8, vm0, $0xb8;
	[tilespmem:$0x8800] =	vst v63  }
0x3b: {  	v9 =	vor.u32 $0x200, v2;
	s22 =	simm.s32 $0x4A00  }
0x3c: {  	[tilespmem:s22], [sflag:$0x1] =	stream.indirect_vreg.gather [hbm4b:s4+s1], $0x1, v7, vm0, $0xb8;
	[tilespmem:$0x8800] =	vst v63  }
0x3d: {  	v10 =	vor.u32 $0x200, v1;
	s23 =	simm.s32 $0x6A00  }
0x3e: {  	[tilespmem:s23], [sflag:$0x1] =	stream.indirect_vreg.gather [hbm4b:s5+s1], $0x1, v8, vm0, $0xb8;
	[tilespmem:$0x8800] =	vst v63  }
0x3f: {  	s24 =	simm.s32 $0xC00  }
0x40: {  	[tilespmem:s24], [sflag:$0x1] =	stream.indirect_vreg.gather [hbm4b:s3+s1], $0x1, v9, vm0, $0xb8;
	[tilespmem:$0x8800] =	vst v63  }
0x41: {  	s25 =	simm.s32 $0x2C00  }
0x42: {  	[tilespmem:s25], [sflag:$0x1] =	stream.indirect_vreg.gather [hbm4b:s3+s1], $0x1, v10, vm0, $0xb8;
	[tilespmem:$0x8800] =	vst v63  }
0x43: {  	v11 =	vor.u32 $0x280, v2;
	s26 =	simm.s32 $0x4C00  }
0x44: {  	[tilespmem:s26], [sflag:$0x1] =	stream.indirect_vreg.gather [hbm4b:s4+s1], $0x1, v9, vm0, $0xb8;
	[tilespmem:$0x8800] =	vst v63  }
0x45: {  	v12 =	vor.u32 $0x280, v1;
	s28 =	simm.s32 $0x6C00  }
0x46: {  	[tilespmem:s28], [sflag:$0x1] =	stream.indirect_vreg.gather [hbm4b:s5+s1], $0x1, v10, vm0, $0xb8;
	[tilespmem:$0x8800] =	vst v63  }
0x47: {  	s29 =	simm.s32 $0xE00  }
0x48: {  	[tilespmem:s29], [sflag:$0x1] =	stream.indirect_vreg.gather [hbm4b:s3+s1], $0x1, v11, vm0, $0xb8;
	[tilespmem:$0x8800] =	vst v63  }
0x49: {  	s30 =	simm.s32 $0x2E00  }
0x4a: {  	[tilespmem:s30], [sflag:$0x1] =	stream.indirect_vreg.gather [hbm4b:s3+s1], $0x1, v12, vm0, $0xb8;
	[tilespmem:$0x8800] =	vst v63  }
0x4b: {  	v13 =	vor.u32 $0x300, v2;
	s31 =	simm.s32 $0x4E00  }
0x4c: {  	[tilespmem:s31], [sflag:$0x1] =	stream.indirect_vreg.gather [hbm4b:s4+s1], $0x1, v11, vm0, $0xb8;
	[tilespmem:$0x8800] =	vst v63  }
0x4d: {  	v14 =	vor.u32 $0x300, v1;
	s21 =	simm.s32 $0x6E00  }
0x4e: {  	[tilespmem:s21], [sflag:$0x1] =	stream.indirect_vreg.gather [hbm4b:s5+s1], $0x1, v12, vm0, $0xb8;
	[tilespmem:$0x8800] =	vst v63  }
0x4f: {  	s22 =	simm.s32 $0x1000  }
0x50: {  	[tilespmem:s22], [sflag:$0x1] =	stream.indirect_vreg.gather [hbm4b:s3+s1], $0x1, v13, vm0, $0xb8;
	[tilespmem:$0x8800] =	vst v63  }
0x51: {  	s23 =	simm.s32 $0x3000  }
0x52: {  	[tilespmem:s23], [sflag:$0x1] =	stream.indirect_vreg.gather [hbm4b:s3+s1], $0x1, v14, vm0, $0xb8;
	[tilespmem:$0x8800] =	vst v63  }
0x53: {  	v15 =	vor.u32 $0x380, v2;
	s24 =	simm.s32 $0x5000  }
0x54: {  	[tilespmem:s24], [sflag:$0x1] =	stream.indirect_vreg.gather [hbm4b:s4+s1], $0x1, v13, vm0, $0xb8;
	[tilespmem:$0x8800] =	vst v63  }
0x55: {  	v0 =	vor.u32 $0x380, v1;
	s25 =	simm.s32 $0x7000  }
0x56: {  	[tilespmem:s25], [sflag:$0x1] =	stream.indirect_vreg.gather [hbm4b:s5+s1], $0x1, v14, vm0, $0xb8;
	[tilespmem:$0x8800] =	vst v63  }
0x57: {  	s26 =	simm.s32 $0x1200  }
0x58: {  	[tilespmem:s26], [sflag:$0x1] =	stream.indirect_vreg.gather [hbm4b:s3+s1], $0x1, v15, vm0, $0xb8;
	[tilespmem:$0x8800] =	vst v63  }
0x59: {  	s28 =	simm.s32 $0x3200  }
0x5a: {  	[tilespmem:s28], [sflag:$0x1] =	stream.indirect_vreg.gather [hbm4b:s3+s1], $0x1, v0, vm0, $0xb8;
	[tilespmem:$0x8800] =	vst v63  }
0x5b: {  	s29 =	simm.s32 $0x5200  }
0x5c: {  	[tilespmem:s29], [sflag:$0x1] =	stream.indirect_vreg.gather [hbm4b:s4+s1], $0x1, v15, vm0, $0xb8;
	[tilespmem:$0x8800] =	vst v63  }
0x5d: {  	s30 =	simm.s32 $0x7200  }
0x5e: {  	[tilespmem:s30], [sflag:$0x1] =	stream.indirect_vreg.gather [hbm4b:s5+s1], $0x1, v0, vm0, $0xb8;
	[tilespmem:$0x8800] =	vst v63  }
0x5f: {  	s31 =	simm.s32 $0x1400  }
0x60: {  	[tilespmem:s31], [sflag:$0x1] =	stream.indirect_vreg.gather [hbm4b:s7+s1], $0x1, v2, vm0, $0xb8;
	[tilespmem:$0x8800] =	vst v63  }
0x61: {  	s21 =	simm.s32 $0x3400  }
0x62: {  	[tilespmem:s21], [sflag:$0x1] =	stream.indirect_vreg.gather [hbm4b:s7+s1], $0x1, v1, vm0, $0xb8;
	[tilespmem:$0x8800] =	vst v63  }
0x63: {  	s22 =	simm.s32 $0x5400  }
0x64: {  	[tilespmem:s22], [sflag:$0x1] =	stream.indirect_vreg.gather [hbm4b:s9+s1], $0x1, v2, vm0, $0xb8;
	[tilespmem:$0x8800] =	vst v63  }
0x65: {  	s23 =	simm.s32 $0x7400  }
0x66: {  	[tilespmem:s23], [sflag:$0x1] =	stream.indirect_vreg.gather [hbm4b:s10+s1], $0x1, v1, vm0, $0xb8;
	[tilespmem:$0x8800] =	vst v63  }
0x67: {  	s24 =	simm.s32 $0x1600  }
0x68: {  	[tilespmem:s24], [sflag:$0x1] =	stream.indirect_vreg.gather [hbm4b:s7+s1], $0x1, v3, vm0, $0xb8;
	[tilespmem:$0x8800] =	vst v63  }
0x69: {  	s25 =	simm.s32 $0x3600  }
0x6a: {  	[tilespmem:s25], [sflag:$0x1] =	stream.indirect_vreg.gather [hbm4b:s7+s1], $0x1, v4, vm0, $0xb8;
	[tilespmem:$0x8800] =	vst v63  }
0x6b: {  	s26 =	simm.s32 $0x5600  }
0x6c: {  	[tilespmem:s26], [sflag:$0x1] =	stream.indirect_vreg.gather [hbm4b:s9+s1], $0x1, v3, vm0, $0xb8;
	[tilespmem:$0x8800] =	vst v63  }
0x6d: {  	s28 =	simm.s32 $0x7600  }
0x6e: {  	[tilespmem:s28], [sflag:$0x1] =	stream.indirect_vreg.gather [hbm4b:s10+s1], $0x1, v4, vm0, $0xb8;
	[tilespmem:$0x8800] =	vst v63  }
0x6f: {  	s29 =	simm.s32 $0x1800  }
0x70: {  	[tilespmem:s29], [sflag:$0x1] =	stream.indirect_vreg.gather [hbm4b:s7+s1], $0x1, v5, vm0, $0xb8;
	[tilespmem:$0x8800] =	vst v63  }
0x71: {  	s30 =	simm.s32 $0x3800  }
0x72: {  	[tilespmem:s30], [sflag:$0x1] =	stream.indirect_vreg.gather [hbm4b:s7+s1], $0x1, v6, vm0, $0xb8;
	[tilespmem:$0x8800] =	vst v63  }
0x73: {  	s31 =	simm.s32 $0x5800  }
0x74: {  	[tilespmem:s31], [sflag:$0x1] =	stream.indirect_vreg.gather [hbm4b:s9+s1], $0x1, v5, vm0, $0xb8;
	[tilespmem:$0x8800] =	vst v63  }
0x75: {  	s21 =	simm.s32 $0x7800  }
0x76: {  	[tilespmem:s21], [sflag:$0x1] =	stream.indirect_vreg.gather [hbm4b:s10+s1], $0x1, v6, vm0, $0xb8;
	[tilespmem:$0x8800] =	vst v63  }
0x77: {  	s22 =	simm.s32 $0x1A00  }
0x78: {  	[tilespmem:s22], [sflag:$0x1] =	stream.indirect_vreg.gather [hbm4b:s7+s1], $0x1, v7, vm0, $0xb8;
	[tilespmem:$0x8800] =	vst v63  }
0x79: {  	s23 =	simm.s32 $0x3A00  }
0x7a: {  	[tilespmem:s23], [sflag:$0x1] =	stream.indirect_vreg.gather [hbm4b:s7+s1], $0x1, v8, vm0, $0xb8;
	[tilespmem:$0x8800] =	vst v63  }
0x7b: {  	s24 =	simm.s32 $0x5A00  }
0x7c: {  	[tilespmem:s24], [sflag:$0x1] =	stream.indirect_vreg.gather [hbm4b:s9+s1], $0x1, v7, vm0, $0xb8;
	[tilespmem:$0x8800] =	vst v63  }
0x7d: {  	s25 =	simm.s32 $0x7A00  }
0x7e: {  	[tilespmem:s25], [sflag:$0x1] =	stream.indirect_vreg.gather [hbm4b:s10+s1], $0x1, v8, vm0, $0xb8;
	[tilespmem:$0x8800] =	vst v63  }
0x7f: {  	s26 =	simm.s32 $0x1C00  }
0x80: {  	[tilespmem:s26], [sflag:$0x1] =	stream.indirect_vreg.gather [hbm4b:s7+s1], $0x1, v9, vm0, $0xb8;
	[tilespmem:$0x8800] =	vst v63  }
0x81: {  	s28 =	simm.s32 $0x3C00  }
0x82: {  	[tilespmem:s28], [sflag:$0x1] =	stream.indirect_vreg.gather [hbm4b:s7+s1], $0x1, v10, vm0, $0xb8;
	[tilespmem:$0x8800] =	vst v63  }
0x83: {  	s29 =	simm.s32 $0x5C00  }
0x84: {  	[tilespmem:s29], [sflag:$0x1] =	stream.indirect_vreg.gather [hbm4b:s9+s1], $0x1, v9, vm0, $0xb8;
	[tilespmem:$0x8800] =	vst v63  }
0x85: {  	s30 =	simm.s32 $0x7C00  }
0x86: {  	[tilespmem:s30], [sflag:$0x1] =	stream.indirect_vreg.gather [hbm4b:s10+s1], $0x1, v10, vm0, $0xb8;
	[tilespmem:$0x8800] =	vst v63  }
0x87: {  	s31 =	simm.s32 $0x1E00  }
0x88: {  	[tilespmem:s31], [sflag:$0x1] =	stream.indirect_vreg.gather [hbm4b:s7+s1], $0x1, v11, vm0, $0xb8;
	[tilespmem:$0x8800] =	vst v63  }
0x89: {  	s21 =	simm.s32 $0x3E00  }
0x8a: {  	[tilespmem:s21], [sflag:$0x1] =	stream.indirect_vreg.gather [hbm4b:s7+s1], $0x1, v12, vm0, $0xb8;
	[tilespmem:$0x8800] =	vst v63  }
0x8b: {  	s22 =	simm.s32 $0x5E00  }
0x8c: {  	[tilespmem:s22], [sflag:$0x1] =	stream.indirect_vreg.gather [hbm4b:s9+s1], $0x1, v11, vm0, $0xb8;
	[tilespmem:$0x8800] =	vst v63  }
0x8d: {  	s23 =	simm.s32 $0x7E00  }
0x8e: {  	[tilespmem:s23], [sflag:$0x1] =	stream.indirect_vreg.gather [hbm4b:s10+s1], $0x1, v12, vm0, $0xb8;
	[tilespmem:$0x8800] =	vst v63  }
0x8f: {  	s24 =	simm.s32 $0x2000  }
0x90: {  	[tilespmem:s24], [sflag:$0x1] =	stream.indirect_vreg.gather [hbm4b:s7+s1], $0x1, v13, vm0, $0xb8;
	[tilespmem:$0x8800] =	vst v63  }
0x91: {  	s25 =	simm.s32 $0x4000  }
0x92: {  	[tilespmem:s25], [sflag:$0x1] =	stream.indirect_vreg.gather [hbm4b:s7+s1], $0x1, v14, vm0, $0xb8;
	[tilespmem:$0x8800] =	vst v63  }
0x93: {  	s26 =	simm.s32 $0x6000  }
0x94: {  	[tilespmem:s26], [sflag:$0x1] =	stream.indirect_vreg.gather [hbm4b:s9+s1], $0x1, v13, vm0, $0xb8;
	[tilespmem:$0x8800] =	vst v63  }
0x95: {  	s28 =	simm.s32 $0x8000  }
0x96: {  	[tilespmem:s28], [sflag:$0x1] =	stream.indirect_vreg.gather [hbm4b:s10+s1], $0x1, v14, vm0, $0xb8;
	[tilespmem:$0x8800] =	vst v63  }
0x97: {  	s29 =	simm.s32 $0x2200  }
0x98: {  	[tilespmem:s29], [sflag:$0x1] =	stream.indirect_vreg.gather [hbm4b:s7+s1], $0x1, v15, vm0, $0xb8;
	[tilespmem:$0x8800] =	vst v63  }
0x99: {  	s20 =	simm.s32 $0x10;
	s30 =	simm.s32 $0x4200  }
0x9a: {  	[tilespmem:s30], [sflag:$0x1] =	stream.indirect_vreg.gather [hbm4b:s7+s1], $0x1, v0, vm0, $0xb8;
	[tilespmem:$0x8800] =	vst v63  }
0x9b: {  	s31 =	simm.s32 $0x6200;
	s21 =	simm.s32 $0x80;
	s23 =	simm.s32 $0x8200  }
0x9c: {  	[tilespmem:s31], [sflag:$0x1] =	stream.indirect_vreg.gather [hbm4b:s9+s1], $0x1, v15, vm0, $0xb8;
	[tilespmem:$0x8800] =	vst v63  }
.LBB2_2:
0x9d: {  	[tilespmem:s23], [sflag:$0x1] =	stream.indirect_vreg.gather [hbm4b:s10+s1], $0x1, v0, vm0, $0xb8;
	[tilespmem:$0x8800] =	vst v63  }
0x9e: {  	s22 =	sshra.s32 s21, $0x2;
	p0 =	sne.s32 s21, $0x7C0;
	s21 =	sadd.s32 $0x40, s21;
	v0 =	vld [tilespmem:s20+$0x0]  }
0x9f: {  	_ = 	snop  }
0xa0: {  	v2 =	vld [tilespmem:s20+$0x200];
	_ =	sdelay $0x2  }
0xa1: {  	v1 =	vshll.u32 v0, $0x3  }
0xa2: {  	v0 =	vand.u32 $0x7F, v0;
	v1 =	vand.u32 $0xFFFFFC00, v1  }
0xa3: {  	v1 =	vor.u32 v0, v1;
	v0 =	vshll.u32 v2, $0x3  }
0xa4: {  	v2 =	vand.u32 $0x7F, v2;
	v0 =	vand.u32 $0xFFFFFC00, v0  }
0xa5: {  	v2 =	vor.u32 v2, v0;
	_ =	sdelay $0x1  }
0xa6: {  	s23 =	sadd.s32 $0x400, s20  }
0xa7: {  	[tilespmem:s23], [sflag:$0x1] =	stream.indirect_vreg.gather [hbm4b:s3+s1], $0x1, v1, vm0, $0xb8;
	[tilespmem:$0x8800] =	vst v63  }
0xa8: {  	s23 =	sadd.s32 $0x2400, s20  }
0xa9: {  	[tilespmem:s23], [sflag:$0x1] =	stream.indirect_vreg.gather [hbm4b:s3+s1], $0x1, v2, vm0, $0xb8;
	[tilespmem:$0x8800] =	vst v63  }
0xaa: {  	v3 =	vor.u32 $0x80, v1;
	s23 =	sadd.s32 $0x4400, s20  }
0xab: {  	[tilespmem:s23], [sflag:$0x1] =	stream.indirect_vreg.gather [hbm4b:s4+s1], $0x1, v1, vm0, $0xb8;
	[tilespmem:$0x8800] =	vst v63  }
0xac: {  	v4 =	vor.u32 $0x80, v2;
	s23 =	sadd.s32 $0x6400, s20  }
0xad: {  	[tilespmem:s23], [sflag:$0x1] =	stream.indirect_vreg.gather [hbm4b:s5+s1], $0x1, v2, vm0, $0xb8;
	[tilespmem:$0x8800] =	vst v63  }
0xae: {  	s23 =	sadd.s32 $0x600, s20  }
0xaf: {  	[tilespmem:s23], [sflag:$0x1] =	stream.indirect_vreg.gather [hbm4b:s3+s1], $0x1, v3, vm0, $0xb8;
	[tilespmem:$0x8800] =	vst v63  }
0xb0: {  	s23 =	sadd.s32 $0x2600, s20  }
0xb1: {  	[tilespmem:s23], [sflag:$0x1] =	stream.indirect_vreg.gather [hbm4b:s3+s1], $0x1, v4, vm0, $0xb8;
	[tilespmem:$0x8800] =	vst v63  }
0xb2: {  	v5 =	vor.u32 $0x100, v1;
	s23 =	sadd.s32 $0x4600, s20  }
0xb3: {  	[tilespmem:s23], [sflag:$0x1] =	stream.indirect_vreg.gather [hbm4b:s4+s1], $0x1, v3, vm0, $0xb8;
	[tilespmem:$0x8800] =	vst v63  }
0xb4: {  	v6 =	vor.u32 $0x100, v2;
	s23 =	sadd.s32 $0x6600, s20  }
0xb5: {  	[tilespmem:s23], [sflag:$0x1] =	stream.indirect_vreg.gather [hbm4b:s5+s1], $0x1, v4, vm0, $0xb8;
	[tilespmem:$0x8800] =	vst v63  }
0xb6: {  	s23 =	sadd.s32 $0x800, s20  }
0xb7: {  	[tilespmem:s23], [sflag:$0x1] =	stream.indirect_vreg.gather [hbm4b:s3+s1], $0x1, v5, vm0, $0xb8;
	[tilespmem:$0x8800] =	vst v63  }
0xb8: {  	s23 =	sadd.s32 $0x2800, s20  }
0xb9: {  	[tilespmem:s23], [sflag:$0x1] =	stream.indirect_vreg.gather [hbm4b:s3+s1], $0x1, v6, vm0, $0xb8;
	[tilespmem:$0x8800] =	vst v63  }
0xba: {  	v7 =	vor.u32 $0x180, v1;
	s23 =	sadd.s32 $0x4800, s20  }
0xbb: {  	[tilespmem:s23], [sflag:$0x1] =	stream.indirect_vreg.gather [hbm4b:s4+s1], $0x1, v5, vm0, $0xb8;
	[tilespmem:$0x8800] =	vst v63  }
0xbc: {  	v8 =	vor.u32 $0x180, v2;
	s23 =	sadd.s32 $0x6800, s20  }
0xbd: {  	[tilespmem:s23], [sflag:$0x1] =	stream.indirect_vreg.gather [hbm4b:s5+s1], $0x1, v6, vm0, $0xb8;
	[tilespmem:$0x8800] =	vst v63  }
0xbe: {  	s23 =	sadd.s32 $0xA00, s20  }
0xbf: {  	[tilespmem:s23], [sflag:$0x1] =	stream.indirect_vreg.gather [hbm4b:s3+s1], $0x1, v7, vm0, $0xb8;
	[tilespmem:$0x8800] =	vst v63  }
0xc0: {  	s23 =	sadd.s32 $0x2A00, s20  }
0xc1: {  	[tilespmem:s23], [sflag:$0x1] =	stream.indirect_vreg.gather [hbm4b:s3+s1], $0x1, v8, vm0, $0xb8;
	[tilespmem:$0x8800] =	vst v63  }
0xc2: {  	v9 =	vor.u32 $0x200, v1;
	s23 =	sadd.s32 $0x4A00, s20  }
0xc3: {  	[tilespmem:s23], [sflag:$0x1] =	stream.indirect_vreg.gather [hbm4b:s4+s1], $0x1, v7, vm0, $0xb8;
	[tilespmem:$0x8800] =	vst v63  }
0xc4: {  	v10 =	vor.u32 $0x200, v2;
	s23 =	sadd.s32 $0x6A00, s20  }
0xc5: {  	[tilespmem:s23], [sflag:$0x1] =	stream.indirect_vreg.gather [hbm4b:s5+s1], $0x1, v8, vm0, $0xb8;
	[tilespmem:$0x8800] =	vst v63  }
0xc6: {  	s23 =	sadd.s32 $0xC00, s20  }
0xc7: {  	[tilespmem:s23], [sflag:$0x1] =	stream.indirect_vreg.gather [hbm4b:s3+s1], $0x1, v9, vm0, $0xb8;
	[tilespmem:$0x8800] =	vst v63  }
0xc8: {  	s23 =	sadd.s32 $0x2C00, s20  }
0xc9: {  	[tilespmem:s23], [sflag:$0x1] =	stream.indirect_vreg.gather [hbm4b:s3+s1], $0x1, v10, vm0, $0xb8;
	[tilespmem:$0x8800] =	vst v63  }
0xca: {  	v11 =	vor.u32 $0x280, v1;
	s23 =	sadd.s32 $0x4C00, s20  }
0xcb: {  	[tilespmem:s23], [sflag:$0x1] =	stream.indirect_vreg.gather [hbm4b:s4+s1], $0x1, v9, vm0, $0xb8;
	[tilespmem:$0x8800] =	vst v63  }
0xcc: {  	v12 =	vor.u32 $0x280, v2;
	s23 =	sadd.s32 $0x6C00, s20  }
0xcd: {  	[tilespmem:s23], [sflag:$0x1] =	stream.indirect_vreg.gather [hbm4b:s5+s1], $0x1, v10, vm0, $0xb8;
	[tilespmem:$0x8800] =	vst v63  }
0xce: {  	s23 =	sadd.s32 $0xE00, s20  }
0xcf: {  	[tilespmem:s23], [sflag:$0x1] =	stream.indirect_vreg.gather [hbm4b:s3+s1], $0x1, v11, vm0, $0xb8;
	[tilespmem:$0x8800] =	vst v63  }
0xd0: {  	s23 =	sadd.s32 $0x2E00, s20  }
0xd1: {  	[tilespmem:s23], [sflag:$0x1] =	stream.indirect_vreg.gather [hbm4b:s3+s1], $0x1, v12, vm0, $0xb8;
	[tilespmem:$0x8800] =	vst v63  }
0xd2: {  	v13 =	vor.u32 $0x300, v1;
	s23 =	sadd.s32 $0x4E00, s20  }
0xd3: {  	[tilespmem:s23], [sflag:$0x1] =	stream.indirect_vreg.gather [hbm4b:s4+s1], $0x1, v11, vm0, $0xb8;
	[tilespmem:$0x8800] =	vst v63  }
0xd4: {  	v14 =	vor.u32 $0x300, v2;
	s23 =	sadd.s32 $0x6E00, s20  }
0xd5: {  	[tilespmem:s23], [sflag:$0x1] =	stream.indirect_vreg.gather [hbm4b:s5+s1], $0x1, v12, vm0, $0xb8;
	[tilespmem:$0x8800] =	vst v63  }
0xd6: {  	s23 =	sadd.s32 $0x1000, s20  }
0xd7: {  	[tilespmem:s23], [sflag:$0x1] =	stream.indirect_vreg.gather [hbm4b:s3+s1], $0x1, v13, vm0, $0xb8;
	[tilespmem:$0x8800] =	vst v63  }
0xd8: {  	s23 =	sadd.s32 $0x3000, s20  }
0xd9: {  	[tilespmem:s23], [sflag:$0x1] =	stream.indirect_vreg.gather [hbm4b:s3+s1], $0x1, v14, vm0, $0xb8;
	[tilespmem:$0x8800] =	vst v63  }
0xda: {  	v15 =	vor.u32 $0x380, v1;
	s23 =	sadd.s32 $0x5000, s20  }
0xdb: {  	[tilespmem:s23], [sflag:$0x1] =	stream.indirect_vreg.gather [hbm4b:s4+s1], $0x1, v13, vm0, $0xb8;
	[tilespmem:$0x8800] =	vst v63  }
0xdc: {  	v0 =	vor.u32 $0x380, v2;
	s23 =	sadd.s32 $0x7000, s20  }
0xdd: {  	[tilespmem:s23], [sflag:$0x1] =	stream.indirect_vreg.gather [hbm4b:s5+s1], $0x1, v14, vm0, $0xb8;
	[tilespmem:$0x8800] =	vst v63  }
0xde: {  	s23 =	sadd.s32 $0x1200, s20  }
0xdf: {  	[tilespmem:s23], [sflag:$0x1] =	stream.indirect_vreg.gather [hbm4b:s3+s1], $0x1, v15, vm0, $0xb8;
	[tilespmem:$0x8800] =	vst v63  }
0xe0: {  	s23 =	sadd.s32 $0x3200, s20  }
0xe1: {  	[tilespmem:s23], [sflag:$0x1] =	stream.indirect_vreg.gather [hbm4b:s3+s1], $0x1, v0, vm0, $0xb8;
	[tilespmem:$0x8800] =	vst v63  }
0xe2: {  	s23 =	sadd.s32 $0x5200, s20  }
0xe3: {  	[tilespmem:s23], [sflag:$0x1] =	stream.indirect_vreg.gather [hbm4b:s4+s1], $0x1, v15, vm0, $0xb8;
	[tilespmem:$0x8800] =	vst v63  }
0xe4: {  	s23 =	sadd.s32 $0x7200, s20  }
0xe5: {  	[tilespmem:s23], [sflag:$0x1] =	stream.indirect_vreg.gather [hbm4b:s5+s1], $0x1, v0, vm0, $0xb8;
	[tilespmem:$0x8800] =	vst v63  }
0xe6: {  	s23 =	sadd.s32 $0x1400, s20  }
0xe7: {  	[tilespmem:s23], [sflag:$0x1] =	stream.indirect_vreg.gather [hbm4b:s7+s1], $0x1, v1, vm0, $0xb8;
	[tilespmem:$0x8800] =	vst v63  }
0xe8: {  	s23 =	sadd.s32 $0x3400, s20  }
0xe9: {  	[tilespmem:s23], [sflag:$0x1] =	stream.indirect_vreg.gather [hbm4b:s7+s1], $0x1, v2, vm0, $0xb8;
	[tilespmem:$0x8800] =	vst v63  }
0xea: {  	s23 =	sadd.s32 $0x5400, s20  }
0xeb: {  	[tilespmem:s23], [sflag:$0x1] =	stream.indirect_vreg.gather [hbm4b:s9+s1], $0x1, v1, vm0, $0xb8;
	[tilespmem:$0x8800] =	vst v63  }
0xec: {  	s23 =	sadd.s32 $0x7400, s20  }
0xed: {  	[tilespmem:s23], [sflag:$0x1] =	stream.indirect_vreg.gather [hbm4b:s10+s1], $0x1, v2, vm0, $0xb8;
	[tilespmem:$0x8800] =	vst v63  }
0xee: {  	s23 =	sadd.s32 $0x1600, s20  }
0xef: {  	[tilespmem:s23], [sflag:$0x1] =	stream.indirect_vreg.gather [hbm4b:s7+s1], $0x1, v3, vm0, $0xb8;
	[tilespmem:$0x8800] =	vst v63  }
0xf0: {  	s23 =	sadd.s32 $0x3600, s20  }
0xf1: {  	[tilespmem:s23], [sflag:$0x1] =	stream.indirect_vreg.gather [hbm4b:s7+s1], $0x1, v4, vm0, $0xb8;
	[tilespmem:$0x8800] =	vst v63  }
0xf2: {  	s23 =	sadd.s32 $0x5600, s20  }
0xf3: {  	[tilespmem:s23], [sflag:$0x1] =	stream.indirect_vreg.gather [hbm4b:s9+s1], $0x1, v3, vm0, $0xb8;
	[tilespmem:$0x8800] =	vst v63  }
0xf4: {  	s23 =	sadd.s32 $0x7600, s20  }
0xf5: {  	[tilespmem:s23], [sflag:$0x1] =	stream.indirect_vreg.gather [hbm4b:s10+s1], $0x1, v4, vm0, $0xb8;
	[tilespmem:$0x8800] =	vst v63  }
0xf6: {  	s23 =	sadd.s32 $0x1800, s20  }
0xf7: {  	[tilespmem:s23], [sflag:$0x1] =	stream.indirect_vreg.gather [hbm4b:s7+s1], $0x1, v5, vm0, $0xb8;
	[tilespmem:$0x8800] =	vst v63  }
0xf8: {  	s23 =	sadd.s32 $0x3800, s20  }
0xf9: {  	[tilespmem:s23], [sflag:$0x1] =	stream.indirect_vreg.gather [hbm4b:s7+s1], $0x1, v6, vm0, $0xb8;
	[tilespmem:$0x8800] =	vst v63  }
0xfa: {  	s23 =	sadd.s32 $0x5800, s20  }
0xfb: {  	[tilespmem:s23], [sflag:$0x1] =	stream.indirect_vreg.gather [hbm4b:s9+s1], $0x1, v5, vm0, $0xb8;
	[tilespmem:$0x8800] =	vst v63  }
0xfc: {  	s23 =	sadd.s32 $0x7800, s20  }
0xfd: {  	[tilespmem:s23], [sflag:$0x1] =	stream.indirect_vreg.gather [hbm4b:s10+s1], $0x1, v6, vm0, $0xb8;
	[tilespmem:$0x8800] =	vst v63  }
0xfe: {  	s23 =	sadd.s32 $0x1A00, s20  }
0xff: {  	[tilespmem:s23], [sflag:$0x1] =	stream.indirect_vreg.gather [hbm4b:s7+s1], $0x1, v7, vm0, $0xb8;
	[tilespmem:$0x8800] =	vst v63  }
0x100: {  	s23 =	sadd.s32 $0x3A00, s20  }
0x101: {  	[tilespmem:s23], [sflag:$0x1] =	stream.indirect_vreg.gather [hbm4b:s7+s1], $0x1, v8, vm0, $0xb8;
	[tilespmem:$0x8800] =	vst v63  }
0x102: {  	s23 =	sadd.s32 $0x5A00, s20  }
0x103: {  	[tilespmem:s23], [sflag:$0x1] =	stream.indirect_vreg.gather [hbm4b:s9+s1], $0x1, v7, vm0, $0xb8;
	[tilespmem:$0x8800] =	vst v63  }
0x104: {  	s23 =	sadd.s32 $0x7A00, s20  }
0x105: {  	[tilespmem:s23], [sflag:$0x1] =	stream.indirect_vreg.gather [hbm4b:s10+s1], $0x1, v8, vm0, $0xb8;
	[tilespmem:$0x8800] =	vst v63  }
0x106: {  	s23 =	sadd.s32 $0x1C00, s20  }
0x107: {  	[tilespmem:s23], [sflag:$0x1] =	stream.indirect_vreg.gather [hbm4b:s7+s1], $0x1, v9, vm0, $0xb8;
	[tilespmem:$0x8800] =	vst v63  }
0x108: {  	s23 =	sadd.s32 $0x3C00, s20  }
0x109: {  	[tilespmem:s23], [sflag:$0x1] =	stream.indirect_vreg.gather [hbm4b:s7+s1], $0x1, v10, vm0, $0xb8;
	[tilespmem:$0x8800] =	vst v63  }
0x10a: {  	s23 =	sadd.s32 $0x5C00, s20  }
0x10b: {  	[tilespmem:s23], [sflag:$0x1] =	stream.indirect_vreg.gather [hbm4b:s9+s1], $0x1, v9, vm0, $0xb8;
	[tilespmem:$0x8800] =	vst v63  }
0x10c: {  	s23 =	sadd.s32 $0x7C00, s20  }
0x10d: {  	[tilespmem:s23], [sflag:$0x1] =	stream.indirect_vreg.gather [hbm4b:s10+s1], $0x1, v10, vm0, $0xb8;
	[tilespmem:$0x8800] =	vst v63  }
0x10e: {  	s23 =	sadd.s32 $0x1E00, s20  }
0x10f: {  	[tilespmem:s23], [sflag:$0x1] =	stream.indirect_vreg.gather [hbm4b:s7+s1], $0x1, v11, vm0, $0xb8;
	[tilespmem:$0x8800] =	vst v63  }
0x110: {  	s23 =	sadd.s32 $0x3E00, s20  }
0x111: {  	[tilespmem:s23], [sflag:$0x1] =	stream.indirect_vreg.gather [hbm4b:s7+s1], $0x1, v12, vm0, $0xb8;
	[tilespmem:$0x8800] =	vst v63  }
0x112: {  	s23 =	sadd.s32 $0x5E00, s20  }
0x113: {  	[tilespmem:s23], [sflag:$0x1] =	stream.indirect_vreg.gather [hbm4b:s9+s1], $0x1, v11, vm0, $0xb8;
	[tilespmem:$0x8800] =	vst v63  }
0x114: {  	s23 =	sadd.s32 $0x7E00, s20  }
0x115: {  	[tilespmem:s23], [sflag:$0x1] =	stream.indirect_vreg.gather [hbm4b:s10+s1], $0x1, v12, vm0, $0xb8;
	[tilespmem:$0x8800] =	vst v63  }
0x116: {  	s23 =	sadd.s32 $0x2000, s20  }
0x117: {  	[tilespmem:s23], [sflag:$0x1] =	stream.indirect_vreg.gather [hbm4b:s7+s1], $0x1, v13, vm0, $0xb8;
	[tilespmem:$0x8800] =	vst v63  }
0x118: {  	s23 =	sadd.s32 $0x4000, s20  }
0x119: {  	[tilespmem:s23], [sflag:$0x1] =	stream.indirect_vreg.gather [hbm4b:s7+s1], $0x1, v14, vm0, $0xb8;
	[tilespmem:$0x8800] =	vst v63  }
0x11a: {  	s23 =	sadd.s32 $0x6000, s20  }
0x11b: {  	[tilespmem:s23], [sflag:$0x1] =	stream.indirect_vreg.gather [hbm4b:s9+s1], $0x1, v13, vm0, $0xb8;
	[tilespmem:$0x8800] =	vst v63  }
0x11c: {  	s23 =	sadd.s32 $0x8000, s20  }
0x11d: {  	[tilespmem:s23], [sflag:$0x1] =	stream.indirect_vreg.gather [hbm4b:s10+s1], $0x1, v14, vm0, $0xb8;
	[tilespmem:$0x8800] =	vst v63  }
0x11e: {  	s23 =	sadd.s32 $0x2200, s20  }
0x11f: {  	[tilespmem:s23], [sflag:$0x1] =	stream.indirect_vreg.gather [hbm4b:s7+s1], $0x1, v15, vm0, $0xb8;
	[tilespmem:$0x8800] =	vst v63  }
.Ltmp0:
0x120: {  	s23 =	sadd.s32 $0x4200, s20;
	(pc) =	sbr.rel @p0 .LBB2_2-.Ltmp0, $4  }
0x121: {  	[tilespmem:s23], [sflag:$0x1] =	stream.indirect_vreg.gather [hbm4b:s7+s1], $0x1, v0, vm0, $0xb8;
	[tilespmem:$0x8800] =	vst v63  }
0x122: {  	s23 =	sadd.s32 $0x6200, s20  }
0x123: {  	[tilespmem:s23], [sflag:$0x1] =	stream.indirect_vreg.gather [hbm4b:s9+s1], $0x1, v15, vm0, $0xb8;
	[tilespmem:$0x8800] =	vst v63  }
0x124: {  	s23 =	sadd.s32 $0x8200, s20;
	s20 =	smov.u32 s22  }
0x125: {  	_ =	sdelay $0x3  }
0x126: {  	[tilespmem:s23], [sflag:$0x1] =	stream.indirect_vreg.gather [hbm4b:s10+s1], $0x1, v0, vm0, $0xb8;
	[tilespmem:$0x8800] =	vst v63  }
0x127: {  	v0 =	vld [tilespmem:s20+$0x0];
	_ =	sdelay $0x1  }
0x128: {  	v1 =	vld [tilespmem:s20+$0x200];
	_ =	sdelay $0x2  }
0x129: {  	v2 =	vshll.u32 v0, $0x3  }
0x12a: {  	v0 =	vand.u32 $0x7F, v0;
	v2 =	vand.u32 $0xFFFFFC00, v2  }
0x12b: {  	v62 =	vshll.u32 v1, $0x3;
	v0 =	vor.u32 v0, v2  }
0x12c: {  	v1 =	vand.u32 $0x7F, v1;
	v2 =	vand.u32 $0xFFFFFC00, v62  }
0x12d: {  	v1 =	vor.u32 v1, v2;
	_ =	sdelay $0x1  }
0x12e: {  	s21 =	sadd.s32 $0x400, s20  }
0x12f: {  	[tilespmem:s21], [sflag:$0x1] =	stream.indirect_vreg.gather [hbm4b:s3+s1], $0x1, v0, vm0, $0xb8;
	[tilespmem:$0x8800] =	vst v63  }
0x130: {  	s22 =	sadd.s32 $0x2400, s20  }
0x131: {  	[tilespmem:s22], [sflag:$0x1] =	stream.indirect_vreg.gather [hbm4b:s3+s1], $0x1, v1, vm0, $0xb8;
	[tilespmem:$0x8800] =	vst v63  }
0x132: {  	s23 =	sadd.s32 $0x4400, s20;
	v63 =	vor.u32 $0x80, v0  }
0x133: {  	[tilespmem:s23], [sflag:$0x1] =	stream.indirect_vreg.gather [hbm4b:s4+s1], $0x1, v0, vm0, $0xb8;
	[tilespmem:$0x8800] =	vst v63  }
0x134: {  	s24 =	sadd.s32 $0x6400, s20;
	v3 =	vor.u32 $0x80, v1  }
0x135: {  	[tilespmem:s24], [sflag:$0x1] =	stream.indirect_vreg.gather [hbm4b:s5+s1], $0x1, v1, vm0, $0xb8;
	[tilespmem:$0x8800] =	vst v63  }
0x136: {  	s25 =	sadd.s32 $0x600, s20  }
0x137: {  	[tilespmem:s25], [sflag:$0x1] =	stream.indirect_vreg.gather [hbm4b:s3+s1], $0x1, v63, vm0, $0xb8;
	[tilespmem:$0x8800] =	vst v63  }
0x138: {  	s26 =	sadd.s32 $0x2600, s20  }
0x139: {  	[tilespmem:s26], [sflag:$0x1] =	stream.indirect_vreg.gather [hbm4b:s3+s1], $0x1, v3, vm0, $0xb8;
	[tilespmem:$0x8800] =	vst v63  }
0x13a: {  	s28 =	sadd.s32 $0x4600, s20;
	v4 =	vor.u32 $0x100, v0  }
0x13b: {  	[tilespmem:s28], [sflag:$0x1] =	stream.indirect_vreg.gather [hbm4b:s4+s1], $0x1, v63, vm0, $0xb8;
	[tilespmem:$0x8800] =	vst v63  }
0x13c: {  	s29 =	sadd.s32 $0x6600, s20;
	v5 =	vor.u32 $0x100, v1  }
0x13d: {  	[tilespmem:s29], [sflag:$0x1] =	stream.indirect_vreg.gather [hbm4b:s5+s1], $0x1, v3, vm0, $0xb8;
	[tilespmem:$0x8800] =	vst v63  }
0x13e: {  	s30 =	sadd.s32 $0x800, s20  }
0x13f: {  	[tilespmem:s30], [sflag:$0x1] =	stream.indirect_vreg.gather [hbm4b:s3+s1], $0x1, v4, vm0, $0xb8;
	[tilespmem:$0x8800] =	vst v63  }
0x140: {  	s31 =	sadd.s32 $0x2800, s20  }
0x141: {  	[tilespmem:s31], [sflag:$0x1] =	stream.indirect_vreg.gather [hbm4b:s3+s1], $0x1, v5, vm0, $0xb8;
	[tilespmem:$0x8800] =	vst v63  }
0x142: {  	v6 =	vor.u32 $0x180, v0;
	s22 =	sadd.s32 $0x4800, s20  }
0x143: {  	[tilespmem:s22], [sflag:$0x1] =	stream.indirect_vreg.gather [hbm4b:s4+s1], $0x1, v4, vm0, $0xb8;
	[tilespmem:$0x8800] =	vst v63  }
0x144: {  	v7 =	vor.u32 $0x180, v1;
	s23 =	sadd.s32 $0x6800, s20  }
0x145: {  	[tilespmem:s23], [sflag:$0x1] =	stream.indirect_vreg.gather [hbm4b:s5+s1], $0x1, v5, vm0, $0xb8;
	[tilespmem:$0x8800] =	vst v63  }
0x146: {  	s24 =	sadd.s32 $0xA00, s20  }
0x147: {  	[tilespmem:s24], [sflag:$0x1] =	stream.indirect_vreg.gather [hbm4b:s3+s1], $0x1, v6, vm0, $0xb8;
	[tilespmem:$0x8800] =	vst v63  }
0x148: {  	s25 =	sadd.s32 $0x2A00, s20  }
0x149: {  	[tilespmem:s25], [sflag:$0x1] =	stream.indirect_vreg.gather [hbm4b:s3+s1], $0x1, v7, vm0, $0xb8;
	[tilespmem:$0x8800] =	vst v63  }
0x14a: {  	v8 =	vor.u32 $0x200, v0;
	s26 =	sadd.s32 $0x4A00, s20  }
0x14b: {  	[tilespmem:s26], [sflag:$0x1] =	stream.indirect_vreg.gather [hbm4b:s4+s1], $0x1, v6, vm0, $0xb8;
	[tilespmem:$0x8800] =	vst v63  }
0x14c: {  	v9 =	vor.u32 $0x200, v1;
	s28 =	sadd.s32 $0x6A00, s20  }
0x14d: {  	[tilespmem:s28], [sflag:$0x1] =	stream.indirect_vreg.gather [hbm4b:s5+s1], $0x1, v7, vm0, $0xb8;
	[tilespmem:$0x8800] =	vst v63  }
0x14e: {  	s29 =	sadd.s32 $0xC00, s20  }
0x14f: {  	[tilespmem:s29], [sflag:$0x1] =	stream.indirect_vreg.gather [hbm4b:s3+s1], $0x1, v8, vm0, $0xb8;
	[tilespmem:$0x8800] =	vst v63  }
0x150: {  	s30 =	sadd.s32 $0x2C00, s20  }
0x151: {  	[tilespmem:s30], [sflag:$0x1] =	stream.indirect_vreg.gather [hbm4b:s3+s1], $0x1, v9, vm0, $0xb8;
	[tilespmem:$0x8800] =	vst v63  }
0x152: {  	v10 =	vor.u32 $0x280, v0;
	s31 =	sadd.s32 $0x4C00, s20  }
0x153: {  	[tilespmem:s31], [sflag:$0x1] =	stream.indirect_vreg.gather [hbm4b:s4+s1], $0x1, v8, vm0, $0xb8;
	[tilespmem:$0x8800] =	vst v63  }
0x154: {  	v11 =	vor.u32 $0x280, v1;
	s22 =	sadd.s32 $0x6C00, s20  }
0x155: {  	[tilespmem:s22], [sflag:$0x1] =	stream.indirect_vreg.gather [hbm4b:s5+s1], $0x1, v9, vm0, $0xb8;
	[tilespmem:$0x8800] =	vst v63  }
0x156: {  	s23 =	sadd.s32 $0xE00, s20  }
0x157: {  	[tilespmem:s23], [sflag:$0x1] =	stream.indirect_vreg.gather [hbm4b:s3+s1], $0x1, v10, vm0, $0xb8;
	[tilespmem:$0x8800] =	vst v63  }
0x158: {  	s24 =	sadd.s32 $0x2E00, s20  }
0x159: {  	[tilespmem:s24], [sflag:$0x1] =	stream.indirect_vreg.gather [hbm4b:s3+s1], $0x1, v11, vm0, $0xb8;
	[tilespmem:$0x8800] =	vst v63  }
0x15a: {  	v12 =	vor.u32 $0x300, v0;
	s25 =	sadd.s32 $0x4E00, s20  }
0x15b: {  	[tilespmem:s25], [sflag:$0x1] =	stream.indirect_vreg.gather [hbm4b:s4+s1], $0x1, v10, vm0, $0xb8;
	[tilespmem:$0x8800] =	vst v63  }
0x15c: {  	v13 =	vor.u32 $0x300, v1;
	s26 =	sadd.s32 $0x6E00, s20  }
0x15d: {  	[tilespmem:s26], [sflag:$0x1] =	stream.indirect_vreg.gather [hbm4b:s5+s1], $0x1, v11, vm0, $0xb8;
	[tilespmem:$0x8800] =	vst v63  }
0x15e: {  	s28 =	sadd.s32 $0x1000, s20  }
0x15f: {  	[tilespmem:s28], [sflag:$0x1] =	stream.indirect_vreg.gather [hbm4b:s3+s1], $0x1, v12, vm0, $0xb8;
	[tilespmem:$0x8800] =	vst v63  }
0x160: {  	s29 =	sadd.s32 $0x3000, s20  }
0x161: {  	[tilespmem:s29], [sflag:$0x1] =	stream.indirect_vreg.gather [hbm4b:s3+s1], $0x1, v13, vm0, $0xb8;
	[tilespmem:$0x8800] =	vst v63  }
0x162: {  	v14 =	vor.u32 $0x380, v0;
	s30 =	sadd.s32 $0x5000, s20  }
0x163: {  	[tilespmem:s30], [sflag:$0x1] =	stream.indirect_vreg.gather [hbm4b:s4+s1], $0x1, v12, vm0, $0xb8;
	[tilespmem:$0x8800] =	vst v63  }
0x164: {  	v15 =	vor.u32 $0x380, v1;
	s31 =	sadd.s32 $0x7000, s20  }
0x165: {  	[tilespmem:s31], [sflag:$0x1] =	stream.indirect_vreg.gather [hbm4b:s5+s1], $0x1, v13, vm0, $0xb8;
	[tilespmem:$0x8800] =	vst v63  }
0x166: {  	s22 =	sadd.s32 $0x1200, s20  }
0x167: {  	[tilespmem:s22], [sflag:$0x1] =	stream.indirect_vreg.gather [hbm4b:s3+s1], $0x1, v14, vm0, $0xb8;
	[tilespmem:$0x8800] =	vst v63  }
0x168: {  	s23 =	sadd.s32 $0x3200, s20  }
0x169: {  	[tilespmem:s23], [sflag:$0x1] =	stream.indirect_vreg.gather [hbm4b:s3+s1], $0x1, v15, vm0, $0xb8;
	[tilespmem:$0x8800] =	vst v63  }
0x16a: {  	s24 =	sadd.s32 $0x5200, s20  }
0x16b: {  	[tilespmem:s24], [sflag:$0x1] =	stream.indirect_vreg.gather [hbm4b:s4+s1], $0x1, v14, vm0, $0xb8;
	[tilespmem:$0x8800] =	vst v63  }
0x16c: {  	s25 =	sadd.s32 $0x7200, s20  }
0x16d: {  	[tilespmem:s25], [sflag:$0x1] =	stream.indirect_vreg.gather [hbm4b:s5+s1], $0x1, v15, vm0, $0xb8;
	[tilespmem:$0x8800] =	vst v63  }
0x16e: {  	s26 =	sadd.s32 $0x1400, s20  }
0x16f: {  	[tilespmem:s26], [sflag:$0x1] =	stream.indirect_vreg.gather [hbm4b:s7+s1], $0x1, v0, vm0, $0xb8;
	[tilespmem:$0x8800] =	vst v63  }
0x170: {  	s28 =	sadd.s32 $0x3400, s20  }
0x171: {  	[tilespmem:s28], [sflag:$0x1] =	stream.indirect_vreg.gather [hbm4b:s7+s1], $0x1, v1, vm0, $0xb8;
	[tilespmem:$0x8800] =	vst v63  }
0x172: {  	s29 =	sadd.s32 $0x5400, s20  }
0x173: {  	[tilespmem:s29], [sflag:$0x1] =	stream.indirect_vreg.gather [hbm4b:s9+s1], $0x1, v0, vm0, $0xb8;
	[tilespmem:$0x8800] =	vst v63  }
0x174: {  	s30 =	sadd.s32 $0x7400, s20  }
0x175: {  	[tilespmem:s30], [sflag:$0x1] =	stream.indirect_vreg.gather [hbm4b:s10+s1], $0x1, v1, vm0, $0xb8;
	[tilespmem:$0x8800] =	vst v63  }
0x176: {  	s31 =	sadd.s32 $0x1600, s20  }
0x177: {  	[tilespmem:s31], [sflag:$0x1] =	stream.indirect_vreg.gather [hbm4b:s7+s1], $0x1, v63, vm0, $0xb8;
	[tilespmem:$0x8800] =	vst v63  }
0x178: {  	s22 =	sadd.s32 $0x3600, s20  }
0x179: {  	[tilespmem:s22], [sflag:$0x1] =	stream.indirect_vreg.gather [hbm4b:s7+s1], $0x1, v3, vm0, $0xb8;
	[tilespmem:$0x8800] =	vst v63  }
0x17a: {  	s23 =	sadd.s32 $0x5600, s20  }
0x17b: {  	[tilespmem:s23], [sflag:$0x1] =	stream.indirect_vreg.gather [hbm4b:s9+s1], $0x1, v63, vm0, $0xb8;
	[tilespmem:$0x8800] =	vst v63  }
0x17c: {  	s24 =	sadd.s32 $0x7600, s20  }
0x17d: {  	[tilespmem:s24], [sflag:$0x1] =	stream.indirect_vreg.gather [hbm4b:s10+s1], $0x1, v3, vm0, $0xb8;
	[tilespmem:$0x8800] =	vst v63  }
0x17e: {  	s25 =	sadd.s32 $0x1800, s20  }
0x17f: {  	[tilespmem:s25], [sflag:$0x1] =	stream.indirect_vreg.gather [hbm4b:s7+s1], $0x1, v4, vm0, $0xb8;
	[tilespmem:$0x8800] =	vst v63  }
0x180: {  	s26 =	sadd.s32 $0x3800, s20  }
0x181: {  	[tilespmem:s26], [sflag:$0x1] =	stream.indirect_vreg.gather [hbm4b:s7+s1], $0x1, v5, vm0, $0xb8;
	[tilespmem:$0x8800] =	vst v63  }
0x182: {  	s28 =	sadd.s32 $0x5800, s20  }
0x183: {  	[tilespmem:s28], [sflag:$0x1] =	stream.indirect_vreg.gather [hbm4b:s9+s1], $0x1, v4, vm0, $0xb8;
	[tilespmem:$0x8800] =	vst v63  }
0x184: {  	s29 =	sadd.s32 $0x7800, s20  }
0x185: {  	[tilespmem:s29], [sflag:$0x1] =	stream.indirect_vreg.gather [hbm4b:s10+s1], $0x1, v5, vm0, $0xb8;
	[tilespmem:$0x8800] =	vst v63  }
0x186: {  	s30 =	sadd.s32 $0x1A00, s20  }
0x187: {  	[tilespmem:s30], [sflag:$0x1] =	stream.indirect_vreg.gather [hbm4b:s7+s1], $0x1, v6, vm0, $0xb8;
	[tilespmem:$0x8800] =	vst v63  }
0x188: {  	s31 =	sadd.s32 $0x3A00, s20  }
0x189: {  	[tilespmem:s31], [sflag:$0x1] =	stream.indirect_vreg.gather [hbm4b:s7+s1], $0x1, v7, vm0, $0xb8;
	[tilespmem:$0x8800] =	vst v63  }
0x18a: {  	s22 =	sadd.s32 $0x5A00, s20  }
0x18b: {  	[tilespmem:s22], [sflag:$0x1] =	stream.indirect_vreg.gather [hbm4b:s9+s1], $0x1, v6, vm0, $0xb8;
	[tilespmem:$0x8800] =	vst v63  }
0x18c: {  	s23 =	sadd.s32 $0x7A00, s20  }
0x18d: {  	[tilespmem:s23], [sflag:$0x1] =	stream.indirect_vreg.gather [hbm4b:s10+s1], $0x1, v7, vm0, $0xb8;
	[tilespmem:$0x8800] =	vst v63  }
0x18e: {  	s24 =	sadd.s32 $0x1C00, s20  }
0x18f: {  	[tilespmem:s24], [sflag:$0x1] =	stream.indirect_vreg.gather [hbm4b:s7+s1], $0x1, v8, vm0, $0xb8;
	[tilespmem:$0x8800] =	vst v63  }
0x190: {  	s25 =	sadd.s32 $0x3C00, s20  }
0x191: {  	[tilespmem:s25], [sflag:$0x1] =	stream.indirect_vreg.gather [hbm4b:s7+s1], $0x1, v9, vm0, $0xb8;
	[tilespmem:$0x8800] =	vst v63  }
0x192: {  	s26 =	sadd.s32 $0x5C00, s20  }
0x193: {  	[tilespmem:s26], [sflag:$0x1] =	stream.indirect_vreg.gather [hbm4b:s9+s1], $0x1, v8, vm0, $0xb8;
	[tilespmem:$0x8800] =	vst v63  }
0x194: {  	s28 =	sadd.s32 $0x7C00, s20  }
0x195: {  	[tilespmem:s28], [sflag:$0x1] =	stream.indirect_vreg.gather [hbm4b:s10+s1], $0x1, v9, vm0, $0xb8;
	[tilespmem:$0x8800] =	vst v63  }
0x196: {  	s29 =	sadd.s32 $0x1E00, s20  }
0x197: {  	[tilespmem:s29], [sflag:$0x1] =	stream.indirect_vreg.gather [hbm4b:s7+s1], $0x1, v10, vm0, $0xb8;
	[tilespmem:$0x8800] =	vst v63  }
0x198: {  	s30 =	sadd.s32 $0x3E00, s20  }
0x199: {  	[tilespmem:s30], [sflag:$0x1] =	stream.indirect_vreg.gather [hbm4b:s7+s1], $0x1, v11, vm0, $0xb8;
	[tilespmem:$0x8800] =	vst v63  }
0x19a: {  	s31 =	sadd.s32 $0x5E00, s20  }
0x19b: {  	[tilespmem:s31], [sflag:$0x1] =	stream.indirect_vreg.gather [hbm4b:s9+s1], $0x1, v10, vm0, $0xb8;
	[tilespmem:$0x8800] =	vst v63  }
0x19c: {  	s22 =	sadd.s32 $0x7E00, s20  }
0x19d: {  	[tilespmem:s22], [sflag:$0x1] =	stream.indirect_vreg.gather [hbm4b:s10+s1], $0x1, v11, vm0, $0xb8;
	[tilespmem:$0x8800] =	vst v63  }
0x19e: {  	s23 =	sadd.s32 $0x2000, s20  }
0x19f: {  	[tilespmem:s23], [sflag:$0x1] =	stream.indirect_vreg.gather [hbm4b:s7+s1], $0x1, v12, vm0, $0xb8;
	[tilespmem:$0x8800] =	vst v63  }
0x1a0: {  	s24 =	sadd.s32 $0x4000, s20  }
0x1a1: {  	[tilespmem:s24], [sflag:$0x1] =	stream.indirect_vreg.gather [hbm4b:s7+s1], $0x1, v13, vm0, $0xb8;
	[tilespmem:$0x8800] =	vst v63  }
0x1a2: {  	s25 =	sadd.s32 $0x6000, s20  }
0x1a3: {  	[tilespmem:s25], [sflag:$0x1] =	stream.indirect_vreg.gather [hbm4b:s9+s1], $0x1, v12, vm0, $0xb8;
	[tilespmem:$0x8800] =	vst v63  }
0x1a4: {  	s26 =	sadd.s32 $0x8000, s20  }
0x1a5: {  	[tilespmem:s26], [sflag:$0x1] =	stream.indirect_vreg.gather [hbm4b:s10+s1], $0x1, v13, vm0, $0xb8;
	[tilespmem:$0x8800] =	vst v63  }
0x1a6: {  	s28 =	sadd.s32 $0x2200, s20  }
0x1a7: {  	[tilespmem:s28], [sflag:$0x1] =	stream.indirect_vreg.gather [hbm4b:s7+s1], $0x1, v14, vm0, $0xb8;
	[tilespmem:$0x8800] =	vst v63  }
0x1a8: {  	s29 =	sadd.s32 $0x4200, s20  }
0x1a9: {  	[tilespmem:s29], [sflag:$0x1] =	stream.indirect_vreg.gather [hbm4b:s7+s1], $0x1, v15, vm0, $0xb8;
	[tilespmem:$0x8800] =	vst v63  }
0x1aa: {  	s30 =	sadd.s32 $0x6200, s20  }
0x1ab: {  	[tilespmem:s30], [sflag:$0x1] =	stream.indirect_vreg.gather [hbm4b:s9+s1], $0x1, v14, vm0, $0xb8;
	[tilespmem:$0x8800] =	vst v63  }
0x1ac: {  	s31 =	sadd.s32 $0x8200, s20  }
0x1ad: {  	[tilespmem:s31], [sflag:$0x1] =	stream.indirect_vreg.gather [hbm4b:s10+s1], $0x1, v15, vm0, $0xb8;
	[tilespmem:$0x8800] =	vst v63  }
0x1ae: {  	_ =	swait.ge [sflag:s16], $0x10  }
0x1af: {  	[sflag:s16] =	ssyncset.done $0x0  }
0x1b0: {  	[sflag:s16] =	ssyncadd.s32 $0xFFFFFFF0  }
0x1b1: {  	_ =	swait.ge [sflag:s16], $0x10  }
0x1b2: {  	[sflag:s16] =	ssyncset.done $0x0  }
0x1b3: {  	[sflag:s16] =	ssyncadd.s32 $0xFFFFFFF0  }
0x1b4: {  	_ =	swait.ge [sflag:s16], $0x10  }
0x1b5: {  	[sflag:s16] =	ssyncset.done $0x0  }
0x1b6: {  	[sflag:s16] =	ssyncadd.s32 $0xFFFFFFF0  }
0x1b7: {  	_ =	swait.ge [sflag:s16], $0x10  }
0x1b8: {  	[sflag:s16] =	ssyncset.done $0x0  }
0x1b9: {  	[sflag:s16] =	ssyncadd.s32 $0xFFFFFFF0  }
0x1ba: {  	_ =	swait.ge [sflag:s16], $0x10  }
0x1bb: {  	[sflag:s16] =	ssyncset.done $0x0  }
0x1bc: {  	[sflag:s16] =	ssyncadd.s32 $0xFFFFFFF0  }
0x1bd: {  	_ =	swait.ge [sflag:s16], $0x10  }
0x1be: {  	[sflag:s16] =	ssyncset.done $0x0  }
0x1bf: {  	[sflag:s16] =	ssyncadd.s32 $0xFFFFFFF0  }
0x1c0: {  	_ =	swait.ge [sflag:s16], $0x10  }
0x1c1: {  	[sflag:s16] =	ssyncset.done $0x0  }
0x1c2: {  	[sflag:s16] =	ssyncadd.s32 $0xFFFFFFF0  }
0x1c3: {  	_ =	swait.ge [sflag:s16], $0x10  }
0x1c4: {  	[sflag:s16] =	ssyncset.done $0x0  }
0x1c5: {  	[sflag:s16] =	ssyncadd.s32 $0xFFFFFFF0  }
0x1c6: {  	_ =	swait.ge [sflag:s16], $0x10  }
0x1c7: {  	[sflag:s16] =	ssyncset.done $0x0  }
0x1c8: {  	[sflag:s16] =	ssyncadd.s32 $0xFFFFFFF0  }
0x1c9: {  	_ =	swait.ge [sflag:s16], $0x10  }
0x1ca: {  	[sflag:s16] =	ssyncset.done $0x0  }
0x1cb: {  	[sflag:s16] =	ssyncadd.s32 $0xFFFFFFF0  }
0x1cc: {  	_ =	swait.ge [sflag:s16], $0x10  }
0x1cd: {  	[sflag:s16] =	ssyncset.done $0x0  }
0x1ce: {  	[sflag:s16] =	ssyncadd.s32 $0xFFFFFFF0  }
0x1cf: {  	_ =	swait.ge [sflag:s16], $0x10  }
0x1d0: {  	[sflag:s16] =	ssyncset.done $0x0  }
0x1d1: {  	[sflag:s16] =	ssyncadd.s32 $0xFFFFFFF0  }
0x1d2: {  	_ =	swait.ge [sflag:s16], $0x10  }
0x1d3: {  	[sflag:s16] =	ssyncset.done $0x0  }
0x1d4: {  	[sflag:s16] =	ssyncadd.s32 $0xFFFFFFF0  }
0x1d5: {  	_ =	swait.ge [sflag:s16], $0x10  }
0x1d6: {  	[sflag:s16] =	ssyncset.done $0x0  }
0x1d7: {  	[sflag:s16] =	ssyncadd.s32 $0xFFFFFFF0  }
0x1d8: {  	_ =	swait.ge [sflag:s16], $0x10  }
0x1d9: {  	[sflag:s16] =	ssyncset.done $0x0  }
0x1da: {  	[sflag:s16] =	ssyncadd.s32 $0xFFFFFFF0  }
0x1db: {  	_ =	swait.ge [sflag:s16], $0x10  }
0x1dc: {  	[sflag:s16] =	ssyncset.done $0x0  }
0x1dd: {  	[sflag:s16] =	ssyncadd.s32 $0xFFFFFFF0  }
0x1de: {  	_ =	swait.ge [sflag:s16], $0x10  }
0x1df: {  	[sflag:s16] =	ssyncset.done $0x0  }
0x1e0: {  	[sflag:s16] =	ssyncadd.s32 $0xFFFFFFF0  }
0x1e1: {  	_ =	swait.ge [sflag:s16], $0x10  }
0x1e2: {  	[sflag:s16] =	ssyncset.done $0x0  }
0x1e3: {  	[sflag:s16] =	ssyncadd.s32 $0xFFFFFFF0  }
0x1e4: {  	_ =	swait.ge [sflag:s16], $0x10  }
0x1e5: {  	[sflag:s16] =	ssyncset.done $0x0  }
0x1e6: {  	[sflag:s16] =	ssyncadd.s32 $0xFFFFFFF0  }
0x1e7: {  	_ =	swait.ge [sflag:s16], $0x10  }
0x1e8: {  	[sflag:s16] =	ssyncset.done $0x0  }
0x1e9: {  	[sflag:s16] =	ssyncadd.s32 $0xFFFFFFF0  }
0x1ea: {  	_ =	swait.ge [sflag:s16], $0x10  }
0x1eb: {  	[sflag:s16] =	ssyncset.done $0x0  }
0x1ec: {  	[sflag:s16] =	ssyncadd.s32 $0xFFFFFFF0  }
0x1ed: {  	_ =	swait.ge [sflag:s16], $0x10  }
0x1ee: {  	[sflag:s16] =	ssyncset.done $0x0  }
0x1ef: {  	[sflag:s16] =	ssyncadd.s32 $0xFFFFFFF0  }
0x1f0: {  	_ =	swait.ge [sflag:s16], $0x10  }
0x1f1: {  	[sflag:s16] =	ssyncset.done $0x0  }
0x1f2: {  	[sflag:s16] =	ssyncadd.s32 $0xFFFFFFF0  }
0x1f3: {  	_ =	swait.ge [sflag:s16], $0x10  }
0x1f4: {  	[sflag:s16] =	ssyncset.done $0x0  }
0x1f5: {  	[sflag:s16] =	ssyncadd.s32 $0xFFFFFFF0  }
0x1f6: {  	_ =	swait.ge [sflag:s16], $0x10  }
0x1f7: {  	[sflag:s16] =	ssyncset.done $0x0  }
0x1f8: {  	[sflag:s16] =	ssyncadd.s32 $0xFFFFFFF0  }
0x1f9: {  	_ =	swait.ge [sflag:s16], $0x10  }
0x1fa: {  	[sflag:s16] =	ssyncset.done $0x0  }
0x1fb: {  	[sflag:s16] =	ssyncadd.s32 $0xFFFFFFF0  }
0x1fc: {  	_ =	swait.ge [sflag:s16], $0x10  }
0x1fd: {  	[sflag:s16] =	ssyncset.done $0x0  }
0x1fe: {  	[sflag:s16] =	ssyncadd.s32 $0xFFFFFFF0  }
0x1ff: {  	_ =	swait.ge [sflag:s16], $0x10  }
0x200: {  	[sflag:s16] =	ssyncset.done $0x0  }
0x201: {  	[sflag:s16] =	ssyncadd.s32 $0xFFFFFFF0  }
0x202: {  	_ =	swait.ge [sflag:s16], $0x10  }
0x203: {  	[sflag:s16] =	ssyncset.done $0x0  }
0x204: {  	[sflag:s16] =	ssyncadd.s32 $0xFFFFFFF0  }
0x205: {  	_ =	swait.ge [sflag:s16], $0x10  }
0x206: {  	[sflag:s16] =	ssyncset.done $0x0  }
0x207: {  	[sflag:s16] =	ssyncadd.s32 $0xFFFFFFF0  }
0x208: {  	_ =	swait.ge [sflag:s16], $0x10  }
0x209: {  	[sflag:s16] =	ssyncset.done $0x0  }
0x20a: {  	[sflag:s16] =	ssyncadd.s32 $0xFFFFFFF0  }
0x20b: {  	_ =	swait.ge [sflag:s16], $0x10  }
0x20c: {  	[sflag:s16] =	ssyncset.done $0x0  }
0x20d: {  	[sflag:s16] =	ssyncadd.s32 $0xFFFFFFF0  }
0x20e: {  	_ =	swait.ge [sflag:s16], $0x10  }
0x20f: {  	[sflag:s16] =	ssyncset.done $0x0  }
0x210: {  	[sflag:s16] =	ssyncadd.s32 $0xFFFFFFF0  }
0x211: {  	_ =	swait.ge [sflag:s16], $0x10  }
0x212: {  	[sflag:s16] =	ssyncset.done $0x0  }
0x213: {  	[sflag:s16] =	ssyncadd.s32 $0xFFFFFFF0  }
0x214: {  	_ =	swait.ge [sflag:s16], $0x10  }
0x215: {  	[sflag:s16] =	ssyncset.done $0x0  }
0x216: {  	[sflag:s16] =	ssyncadd.s32 $0xFFFFFFF0  }
0x217: {  	_ =	swait.ge [sflag:s16], $0x10  }
0x218: {  	[sflag:s16] =	ssyncset.done $0x0  }
0x219: {  	[sflag:s16] =	ssyncadd.s32 $0xFFFFFFF0  }
0x21a: {  	_ =	swait.ge [sflag:s16], $0x10  }
0x21b: {  	[sflag:s16] =	ssyncset.done $0x0  }
0x21c: {  	[sflag:s16] =	ssyncadd.s32 $0xFFFFFFF0  }
0x21d: {  	_ =	swait.ge [sflag:s16], $0x10  }
0x21e: {  	[sflag:s16] =	ssyncset.done $0x0  }
0x21f: {  	[sflag:s16] =	ssyncadd.s32 $0xFFFFFFF0  }
0x220: {  	_ =	swait.ge [sflag:s16], $0x10  }
0x221: {  	[sflag:s16] =	ssyncset.done $0x0  }
0x222: {  	[sflag:s16] =	ssyncadd.s32 $0xFFFFFFF0  }
0x223: {  	_ =	swait.ge [sflag:s16], $0x10  }
0x224: {  	[sflag:s16] =	ssyncset.done $0x0  }
0x225: {  	[sflag:s16] =	ssyncadd.s32 $0xFFFFFFF0  }
0x226: {  	_ =	swait.ge [sflag:s16], $0x10  }
0x227: {  	[sflag:s16] =	ssyncset.done $0x0  }
0x228: {  	[sflag:s16] =	ssyncadd.s32 $0xFFFFFFF0  }
0x229: {  	_ =	swait.ge [sflag:s16], $0x10  }
0x22a: {  	[sflag:s16] =	ssyncset.done $0x0  }
0x22b: {  	[sflag:s16] =	ssyncadd.s32 $0xFFFFFFF0  }
0x22c: {  	_ =	swait.ge [sflag:s16], $0x10  }
0x22d: {  	[sflag:s16] =	ssyncset.done $0x0  }
0x22e: {  	[sflag:s16] =	ssyncadd.s32 $0xFFFFFFF0  }
0x22f: {  	_ =	swait.ge [sflag:s16], $0x10  }
0x230: {  	[sflag:s16] =	ssyncset.done $0x0  }
0x231: {  	[sflag:s16] =	ssyncadd.s32 $0xFFFFFFF0  }
0x232: {  	_ =	swait.ge [sflag:s16], $0x10  }
0x233: {  	[sflag:s16] =	ssyncset.done $0x0  }
0x234: {  	[sflag:s16] =	ssyncadd.s32 $0xFFFFFFF0  }
0x235: {  	_ =	swait.ge [sflag:s16], $0x10  }
0x236: {  	[sflag:s16] =	ssyncset.done $0x0  }
0x237: {  	[sflag:s16] =	ssyncadd.s32 $0xFFFFFFF0  }
0x238: {  	_ =	swait.ge [sflag:s16], $0x10  }
0x239: {  	[sflag:s16] =	ssyncset.done $0x0  }
0x23a: {  	[sflag:s16] =	ssyncadd.s32 $0xFFFFFFF0  }
0x23b: {  	_ =	swait.ge [sflag:s16], $0x10  }
0x23c: {  	[sflag:s16] =	ssyncset.done $0x0  }
0x23d: {  	[sflag:s16] =	ssyncadd.s32 $0xFFFFFFF0  }
0x23e: {  	_ =	swait.ge [sflag:s16], $0x10  }
0x23f: {  	[sflag:s16] =	ssyncset.done $0x0  }
0x240: {  	[sflag:s16] =	ssyncadd.s32 $0xFFFFFFF0  }
0x241: {  	_ =	swait.ge [sflag:s16], $0x10  }
0x242: {  	[sflag:s16] =	ssyncset.done $0x0  }
0x243: {  	[sflag:s16] =	ssyncadd.s32 $0xFFFFFFF0  }
0x244: {  	_ =	swait.ge [sflag:s16], $0x10  }
0x245: {  	[sflag:s16] =	ssyncset.done $0x0  }
0x246: {  	[sflag:s16] =	ssyncadd.s32 $0xFFFFFFF0  }
0x247: {  	_ =	swait.ge [sflag:s16], $0x10  }
0x248: {  	[sflag:s16] =	ssyncset.done $0x0  }
0x249: {  	[sflag:s16] =	ssyncadd.s32 $0xFFFFFFF0  }
0x24a: {  	_ =	swait.ge [sflag:s16], $0x10  }
0x24b: {  	[sflag:s16] =	ssyncset.done $0x0  }
0x24c: {  	[sflag:s16] =	ssyncadd.s32 $0xFFFFFFF0  }
0x24d: {  	_ =	swait.ge [sflag:s16], $0x10  }
0x24e: {  	[sflag:s16] =	ssyncset.done $0x0  }
0x24f: {  	[sflag:s16] =	ssyncadd.s32 $0xFFFFFFF0  }
0x250: {  	_ =	swait.ge [sflag:s16], $0x10  }
0x251: {  	[sflag:s16] =	ssyncset.done $0x0  }
0x252: {  	[sflag:s16] =	ssyncadd.s32 $0xFFFFFFF0  }
0x253: {  	_ =	swait.ge [sflag:s16], $0x10  }
0x254: {  	[sflag:s16] =	ssyncset.done $0x0  }
0x255: {  	[sflag:s16] =	ssyncadd.s32 $0xFFFFFFF0  }
0x256: {  	_ =	swait.ge [sflag:s16], $0x10  }
0x257: {  	[sflag:s16] =	ssyncset.done $0x0  }
0x258: {  	[sflag:s16] =	ssyncadd.s32 $0xFFFFFFF0  }
0x259: {  	_ =	swait.ge [sflag:s16], $0x10  }
0x25a: {  	[sflag:s16] =	ssyncset.done $0x0  }
0x25b: {  	[sflag:s16] =	ssyncadd.s32 $0xFFFFFFF0  }
0x25c: {  	_ =	swait.ge [sflag:s16], $0x10  }
0x25d: {  	[sflag:s16] =	ssyncset.done $0x0  }
0x25e: {  	[sflag:s16] =	ssyncadd.s32 $0xFFFFFFF0  }
0x25f: {  	_ =	swait.ge [sflag:s16], $0x10  }
0x260: {  	[sflag:s16] =	ssyncset.done $0x0  }
0x261: {  	[sflag:s16] =	ssyncadd.s32 $0xFFFFFFF0  }
0x262: {  	_ =	swait.ge [sflag:s16], $0x10  }
0x263: {  	[sflag:s16] =	ssyncset.done $0x0  }
0x264: {  	[sflag:s16] =	ssyncadd.s32 $0xFFFFFFF0  }
0x265: {  	_ =	swait.ge [sflag:s16], $0x10  }
0x266: {  	[sflag:s16] =	ssyncset.done $0x0  }
0x267: {  	[sflag:s16] =	ssyncadd.s32 $0xFFFFFFF0  }
0x268: {  	_ =	swait.ge [sflag:s16], $0x10  }
0x269: {  	[sflag:s16] =	ssyncset.done $0x0  }
0x26a: {  	[sflag:s16] =	ssyncadd.s32 $0xFFFFFFF0  }
0x26b: {  	_ =	swait.ge [sflag:s16], $0x10  }
0x26c: {  	s20 =	simm.s32 $0x1F;
	[sflag:s16] =	ssyncset.done $0x0  }
.LBB2_4:
0x26d: {  	p0 =	sne.s32 s20, $0x1;
	s20 =	sadd.s32 $0xFFFFFFFF, s20;
	[sflag:s16] =	ssyncadd.s32 $0xFFFFFFF0  }
0x26e: {  	_ =	swait.ge [sflag:s16], $0x10  }
0x26f: {  	[sflag:s16] =	ssyncset.done $0x0  }
0x270: {  	[sflag:s16] =	ssyncadd.s32 $0xFFFFFFF0  }
0x271: {  	_ =	swait.ge [sflag:s16], $0x10  }
0x272: {  	[sflag:s16] =	ssyncset.done $0x0  }
0x273: {  	[sflag:s16] =	ssyncadd.s32 $0xFFFFFFF0  }
0x274: {  	_ =	swait.ge [sflag:s16], $0x10  }
0x275: {  	[sflag:s16] =	ssyncset.done $0x0  }
0x276: {  	[sflag:s16] =	ssyncadd.s32 $0xFFFFFFF0  }
0x277: {  	_ =	swait.ge [sflag:s16], $0x10  }
0x278: {  	[sflag:s16] =	ssyncset.done $0x0  }
0x279: {  	[sflag:s16] =	ssyncadd.s32 $0xFFFFFFF0  }
0x27a: {  	_ =	swait.ge [sflag:s16], $0x10  }
0x27b: {  	[sflag:s16] =	ssyncset.done $0x0  }
0x27c: {  	[sflag:s16] =	ssyncadd.s32 $0xFFFFFFF0  }
0x27d: {  	_ =	swait.ge [sflag:s16], $0x10  }
0x27e: {  	[sflag:s16] =	ssyncset.done $0x0  }
0x27f: {  	[sflag:s16] =	ssyncadd.s32 $0xFFFFFFF0  }
0x280: {  	_ =	swait.ge [sflag:s16], $0x10  }
0x281: {  	[sflag:s16] =	ssyncset.done $0x0  }
0x282: {  	[sflag:s16] =	ssyncadd.s32 $0xFFFFFFF0  }
0x283: {  	_ =	swait.ge [sflag:s16], $0x10  }
0x284: {  	[sflag:s16] =	ssyncset.done $0x0  }
0x285: {  	[sflag:s16] =	ssyncadd.s32 $0xFFFFFFF0  }
0x286: {  	_ =	swait.ge [sflag:s16], $0x10  }
0x287: {  	[sflag:s16] =	ssyncset.done $0x0  }
0x288: {  	[sflag:s16] =	ssyncadd.s32 $0xFFFFFFF0  }
0x289: {  	_ =	swait.ge [sflag:s16], $0x10  }
0x28a: {  	[sflag:s16] =	ssyncset.done $0x0  }
0x28b: {  	[sflag:s16] =	ssyncadd.s32 $0xFFFFFFF0  }
0x28c: {  	_ =	swait.ge [sflag:s16], $0x10  }
0x28d: {  	[sflag:s16] =	ssyncset.done $0x0  }
0x28e: {  	[sflag:s16] =	ssyncadd.s32 $0xFFFFFFF0  }
0x28f: {  	_ =	swait.ge [sflag:s16], $0x10  }
0x290: {  	[sflag:s16] =	ssyncset.done $0x0  }
0x291: {  	[sflag:s16] =	ssyncadd.s32 $0xFFFFFFF0  }
0x292: {  	_ =	swait.ge [sflag:s16], $0x10  }
0x293: {  	[sflag:s16] =	ssyncset.done $0x0  }
0x294: {  	[sflag:s16] =	ssyncadd.s32 $0xFFFFFFF0  }
0x295: {  	_ =	swait.ge [sflag:s16], $0x10  }
0x296: {  	[sflag:s16] =	ssyncset.done $0x0  }
0x297: {  	[sflag:s16] =	ssyncadd.s32 $0xFFFFFFF0  }
0x298: {  	_ =	swait.ge [sflag:s16], $0x10  }
0x299: {  	[sflag:s16] =	ssyncset.done $0x0  }
0x29a: {  	[sflag:s16] =	ssyncadd.s32 $0xFFFFFFF0  }
0x29b: {  	_ =	swait.ge [sflag:s16], $0x10  }
0x29c: {  	[sflag:s16] =	ssyncset.done $0x0  }
0x29d: {  	[sflag:s16] =	ssyncadd.s32 $0xFFFFFFF0  }
0x29e: {  	_ =	swait.ge [sflag:s16], $0x10  }
0x29f: {  	[sflag:s16] =	ssyncset.done $0x0  }
0x2a0: {  	[sflag:s16] =	ssyncadd.s32 $0xFFFFFFF0  }
0x2a1: {  	_ =	swait.ge [sflag:s16], $0x10  }
0x2a2: {  	[sflag:s16] =	ssyncset.done $0x0  }
0x2a3: {  	[sflag:s16] =	ssyncadd.s32 $0xFFFFFFF0  }
0x2a4: {  	_ =	swait.ge [sflag:s16], $0x10  }
0x2a5: {  	[sflag:s16] =	ssyncset.done $0x0  }
0x2a6: {  	[sflag:s16] =	ssyncadd.s32 $0xFFFFFFF0  }
0x2a7: {  	_ =	swait.ge [sflag:s16], $0x10  }
0x2a8: {  	[sflag:s16] =	ssyncset.done $0x0  }
0x2a9: {  	[sflag:s16] =	ssyncadd.s32 $0xFFFFFFF0  }
0x2aa: {  	_ =	swait.ge [sflag:s16], $0x10  }
0x2ab: {  	[sflag:s16] =	ssyncset.done $0x0  }
0x2ac: {  	[sflag:s16] =	ssyncadd.s32 $0xFFFFFFF0  }
0x2ad: {  	_ =	swait.ge [sflag:s16], $0x10  }
0x2ae: {  	[sflag:s16] =	ssyncset.done $0x0  }
0x2af: {  	[sflag:s16] =	ssyncadd.s32 $0xFFFFFFF0  }
0x2b0: {  	_ =	swait.ge [sflag:s16], $0x10  }
0x2b1: {  	[sflag:s16] =	ssyncset.done $0x0  }
0x2b2: {  	[sflag:s16] =	ssyncadd.s32 $0xFFFFFFF0  }
0x2b3: {  	_ =	swait.ge [sflag:s16], $0x10  }
0x2b4: {  	[sflag:s16] =	ssyncset.done $0x0  }
0x2b5: {  	[sflag:s16] =	ssyncadd.s32 $0xFFFFFFF0  }
0x2b6: {  	_ =	swait.ge [sflag:s16], $0x10  }
0x2b7: {  	[sflag:s16] =	ssyncset.done $0x0  }
0x2b8: {  	[sflag:s16] =	ssyncadd.s32 $0xFFFFFFF0  }
0x2b9: {  	_ =	swait.ge [sflag:s16], $0x10  }
0x2ba: {  	[sflag:s16] =	ssyncset.done $0x0  }
0x2bb: {  	[sflag:s16] =	ssyncadd.s32 $0xFFFFFFF0  }
0x2bc: {  	_ =	swait.ge [sflag:s16], $0x10  }
0x2bd: {  	[sflag:s16] =	ssyncset.done $0x0  }
0x2be: {  	[sflag:s16] =	ssyncadd.s32 $0xFFFFFFF0  }
0x2bf: {  	_ =	swait.ge [sflag:s16], $0x10  }
0x2c0: {  	[sflag:s16] =	ssyncset.done $0x0  }
0x2c1: {  	[sflag:s16] =	ssyncadd.s32 $0xFFFFFFF0  }
0x2c2: {  	_ =	swait.ge [sflag:s16], $0x10  }
0x2c3: {  	[sflag:s16] =	ssyncset.done $0x0  }
0x2c4: {  	[sflag:s16] =	ssyncadd.s32 $0xFFFFFFF0  }
0x2c5: {  	_ =	swait.ge [sflag:s16], $0x10  }
0x2c6: {  	[sflag:s16] =	ssyncset.done $0x0  }
0x2c7: {  	[sflag:s16] =	ssyncadd.s32 $0xFFFFFFF0  }
0x2c8: {  	_ =	swait.ge [sflag:s16], $0x10  }
0x2c9: {  	[sflag:s16] =	ssyncset.done $0x0  }
0x2ca: {  	[sflag:s16] =	ssyncadd.s32 $0xFFFFFFF0  }
0x2cb: {  	_ =	swait.ge [sflag:s16], $0x10  }
0x2cc: {  	[sflag:s16] =	ssyncset.done $0x0  }
0x2cd: {  	[sflag:s16] =	ssyncadd.s32 $0xFFFFFFF0  }
0x2ce: {  	_ =	swait.ge [sflag:s16], $0x10  }
0x2cf: {  	[sflag:s16] =	ssyncset.done $0x0  }
0x2d0: {  	[sflag:s16] =	ssyncadd.s32 $0xFFFFFFF0  }
0x2d1: {  	_ =	swait.ge [sflag:s16], $0x10  }
0x2d2: {  	[sflag:s16] =	ssyncset.done $0x0  }
0x2d3: {  	[sflag:s16] =	ssyncadd.s32 $0xFFFFFFF0  }
0x2d4: {  	_ =	swait.ge [sflag:s16], $0x10  }
0x2d5: {  	[sflag:s16] =	ssyncset.done $0x0  }
0x2d6: {  	[sflag:s16] =	ssyncadd.s32 $0xFFFFFFF0  }
0x2d7: {  	_ =	swait.ge [sflag:s16], $0x10  }
0x2d8: {  	[sflag:s16] =	ssyncset.done $0x0  }
0x2d9: {  	[sflag:s16] =	ssyncadd.s32 $0xFFFFFFF0  }
0x2da: {  	_ =	swait.ge [sflag:s16], $0x10  }
0x2db: {  	[sflag:s16] =	ssyncset.done $0x0  }
0x2dc: {  	[sflag:s16] =	ssyncadd.s32 $0xFFFFFFF0  }
0x2dd: {  	_ =	swait.ge [sflag:s16], $0x10  }
0x2de: {  	[sflag:s16] =	ssyncset.done $0x0  }
0x2df: {  	[sflag:s16] =	ssyncadd.s32 $0xFFFFFFF0  }
0x2e0: {  	_ =	swait.ge [sflag:s16], $0x10  }
0x2e1: {  	[sflag:s16] =	ssyncset.done $0x0  }
0x2e2: {  	[sflag:s16] =	ssyncadd.s32 $0xFFFFFFF0  }
0x2e3: {  	_ =	swait.ge [sflag:s16], $0x10  }
0x2e4: {  	[sflag:s16] =	ssyncset.done $0x0  }
0x2e5: {  	[sflag:s16] =	ssyncadd.s32 $0xFFFFFFF0  }
0x2e6: {  	_ =	swait.ge [sflag:s16], $0x10  }
0x2e7: {  	[sflag:s16] =	ssyncset.done $0x0  }
0x2e8: {  	[sflag:s16] =	ssyncadd.s32 $0xFFFFFFF0  }
0x2e9: {  	_ =	swait.ge [sflag:s16], $0x10  }
0x2ea: {  	[sflag:s16] =	ssyncset.done $0x0  }
0x2eb: {  	[sflag:s16] =	ssyncadd.s32 $0xFFFFFFF0  }
0x2ec: {  	_ =	swait.ge [sflag:s16], $0x10  }
0x2ed: {  	[sflag:s16] =	ssyncset.done $0x0  }
0x2ee: {  	[sflag:s16] =	ssyncadd.s32 $0xFFFFFFF0  }
0x2ef: {  	_ =	swait.ge [sflag:s16], $0x10  }
0x2f0: {  	[sflag:s16] =	ssyncset.done $0x0  }
0x2f1: {  	[sflag:s16] =	ssyncadd.s32 $0xFFFFFFF0  }
0x2f2: {  	_ =	swait.ge [sflag:s16], $0x10  }
0x2f3: {  	[sflag:s16] =	ssyncset.done $0x0  }
0x2f4: {  	[sflag:s16] =	ssyncadd.s32 $0xFFFFFFF0  }
0x2f5: {  	_ =	swait.ge [sflag:s16], $0x10  }
0x2f6: {  	[sflag:s16] =	ssyncset.done $0x0  }
0x2f7: {  	[sflag:s16] =	ssyncadd.s32 $0xFFFFFFF0  }
0x2f8: {  	_ =	swait.ge [sflag:s16], $0x10  }
0x2f9: {  	[sflag:s16] =	ssyncset.done $0x0  }
0x2fa: {  	[sflag:s16] =	ssyncadd.s32 $0xFFFFFFF0  }
0x2fb: {  	_ =	swait.ge [sflag:s16], $0x10  }
0x2fc: {  	[sflag:s16] =	ssyncset.done $0x0  }
0x2fd: {  	[sflag:s16] =	ssyncadd.s32 $0xFFFFFFF0  }
0x2fe: {  	_ =	swait.ge [sflag:s16], $0x10  }
0x2ff: {  	[sflag:s16] =	ssyncset.done $0x0  }
0x300: {  	[sflag:s16] =	ssyncadd.s32 $0xFFFFFFF0  }
0x301: {  	_ =	swait.ge [sflag:s16], $0x10  }
0x302: {  	[sflag:s16] =	ssyncset.done $0x0  }
0x303: {  	[sflag:s16] =	ssyncadd.s32 $0xFFFFFFF0  }
0x304: {  	_ =	swait.ge [sflag:s16], $0x10  }
0x305: {  	[sflag:s16] =	ssyncset.done $0x0  }
0x306: {  	[sflag:s16] =	ssyncadd.s32 $0xFFFFFFF0  }
0x307: {  	_ =	swait.ge [sflag:s16], $0x10  }
0x308: {  	[sflag:s16] =	ssyncset.done $0x0  }
0x309: {  	[sflag:s16] =	ssyncadd.s32 $0xFFFFFFF0  }
0x30a: {  	_ =	swait.ge [sflag:s16], $0x10  }
0x30b: {  	[sflag:s16] =	ssyncset.done $0x0  }
0x30c: {  	[sflag:s16] =	ssyncadd.s32 $0xFFFFFFF0  }
0x30d: {  	_ =	swait.ge [sflag:s16], $0x10  }
0x30e: {  	[sflag:s16] =	ssyncset.done $0x0  }
0x30f: {  	[sflag:s16] =	ssyncadd.s32 $0xFFFFFFF0  }
0x310: {  	_ =	swait.ge [sflag:s16], $0x10  }
0x311: {  	[sflag:s16] =	ssyncset.done $0x0  }
0x312: {  	[sflag:s16] =	ssyncadd.s32 $0xFFFFFFF0  }
0x313: {  	_ =	swait.ge [sflag:s16], $0x10  }
0x314: {  	[sflag:s16] =	ssyncset.done $0x0  }
0x315: {  	[sflag:s16] =	ssyncadd.s32 $0xFFFFFFF0  }
0x316: {  	_ =	swait.ge [sflag:s16], $0x10  }
0x317: {  	[sflag:s16] =	ssyncset.done $0x0  }
0x318: {  	[sflag:s16] =	ssyncadd.s32 $0xFFFFFFF0  }
0x319: {  	_ =	swait.ge [sflag:s16], $0x10  }
0x31a: {  	[sflag:s16] =	ssyncset.done $0x0  }
0x31b: {  	[sflag:s16] =	ssyncadd.s32 $0xFFFFFFF0  }
0x31c: {  	_ =	swait.ge [sflag:s16], $0x10  }
0x31d: {  	[sflag:s16] =	ssyncset.done $0x0  }
0x31e: {  	[sflag:s16] =	ssyncadd.s32 $0xFFFFFFF0  }
0x31f: {  	_ =	swait.ge [sflag:s16], $0x10  }
0x320: {  	[sflag:s16] =	ssyncset.done $0x0  }
0x321: {  	[sflag:s16] =	ssyncadd.s32 $0xFFFFFFF0  }
0x322: {  	_ =	swait.ge [sflag:s16], $0x10  }
0x323: {  	[sflag:s16] =	ssyncset.done $0x0  }
0x324: {  	[sflag:s16] =	ssyncadd.s32 $0xFFFFFFF0  }
0x325: {  	_ =	swait.ge [sflag:s16], $0x10  }
0x326: {  	[sflag:s16] =	ssyncset.done $0x0  }
0x327: {  	[sflag:s16] =	ssyncadd.s32 $0xFFFFFFF0  }
.Ltmp1:
0x328: {  	_ =	swait.ge [sflag:s16], $0x10;
	(pc) =	sbr.rel @p0 .LBB2_4-.Ltmp1, $4  }
0x329: {  	[sflag:s16] =	ssyncset.done $0x0  }
0x32a: {  	[sflag:s16] =	ssyncadd.s32 $0xFFFFFFF0  }
0x32b: {  	_ =	swait.ge [sflag:s16], $0x10  }
0x32c: {  	[sflag:s16] =	ssyncset.done $0x0  }
0x32d: {  	[sflag:s16] =	ssyncadd.s32 $0xFFFFFFF0;
	s20 =	simm.s32 $0x0  }
0x32e: {  	v0 =	vld [tilespmem:s20+$0x4400]  }
0x32f: {  	v1 =	vld [tilespmem:s20+$0x6400]  }
0x330: {  	v2 =	vld [tilespmem:s20+$0x4600]  }
0x331: {  	v3 =	vld [tilespmem:s20+$0x6600]  }
0x332: {  	v4 =	vld [tilespmem:s20+$0x4800]  }
0x333: {  	v5 =	vld [tilespmem:s20+$0x6800]  }
0x334: {  	v6 =	vld [tilespmem:s20+$0x4A00]  }
0x335: {  	v7 =	vld [tilespmem:s20+$0x4C00];
	v0 =	vmul.f32 v1, v0  }
0x336: {  	v1 =	vld [tilespmem:s20+$0x6A00]  }
0x337: {  	v8 =	vld [tilespmem:s20+$0x4E00];
	v2 =	vmul.f32 v3, v2;
	v0 =	vadd.f32 $0.0e+00, v0  }
0x338: {  	v3 =	vld [tilespmem:s20+$0x6C00]  }
0x339: {  	v0 =	vadd.f32 v2, v0;
	v2 =	vmul.f32 v5, v4;
	v4 =	vld [tilespmem:s20+$0x6E00]  }
0x33a: {  	v5 =	vld [tilespmem:s20+$0x5000]  }
0x33b: {  	v1 =	vmul.f32 v1, v6;
	v6 =	vld [tilespmem:s20+$0x5200];
	v0 =	vadd.f32 v2, v0  }
0x33c: {  	v2 =	vld [tilespmem:s20+$0x7000]  }
0x33d: {  	v0 =	vadd.f32 v1, v0;
	v1 =	vmul.f32 v3, v7;
	v3 =	vld [tilespmem:s20+$0x7200]  }
0x33e: {  	v7 =	vld [tilespmem:s20+$0x5400]  }
0x33f: {  	v0 =	vadd.f32 v1, v0;
	v1 =	vmul.f32 v4, v8;
	v4 =	vld [tilespmem:s20+$0x7400]  }
0x340: {  	v8 =	vld [tilespmem:s20+$0x5600]  }
0x341: {  	v0 =	vadd.f32 v1, v0;
	v1 =	vmul.f32 v2, v5;
	v2 =	vld [tilespmem:s20+$0x7600]  }
0x342: {  	v5 =	vld [tilespmem:s20+$0x5800]  }
0x343: {  	v0 =	vadd.f32 v1, v0;
	v1 =	vmul.f32 v3, v6;
	v3 =	vld [tilespmem:s20+$0x7800]  }
0x344: {  	v6 =	vld [tilespmem:s20+$0x5A00]  }
0x345: {  	v0 =	vadd.f32 v1, v0;
	v1 =	vmul.f32 v4, v7;
	v4 =	vld [tilespmem:s20+$0x7A00]  }
0x346: {  	v7 =	vld [tilespmem:s20+$0x5C00]  }
0x347: {  	v0 =	vadd.f32 v1, v0;
	v1 =	vmul.f32 v2, v8;
	v2 =	vld [tilespmem:s20+$0x7C00]  }
0x348: {  	v8 =	vld [tilespmem:s20+$0x5E00]  }
0x349: {  	v0 =	vadd.f32 v1, v0;
	v1 =	vmul.f32 v3, v5;
	v3 =	vld [tilespmem:s20+$0x7E00]  }
0x34a: {  	v5 =	vld [tilespmem:s20+$0x6000]  }
0x34b: {  	v0 =	vadd.f32 v1, v0;
	v1 =	vmul.f32 v4, v6;
	v4 =	vld [tilespmem:s20+$0x8000]  }
0x34c: {  	v6 =	vld [tilespmem:s20+$0x6200]  }
0x34d: {  	v0 =	vadd.f32 v1, v0;
	v1 =	vmul.f32 v2, v7;
	v2 =	vld [tilespmem:s20+$0x8200]  }
0x34e: {  	v7 =	vld [tilespmem:s20+$0x400]  }
0x34f: {  	v0 =	vadd.f32 v1, v0;
	v1 =	vmul.f32 v3, v8;
	v3 =	vld [tilespmem:s20+$0x2400]  }
0x350: {  	v8 =	vld [tilespmem:s20+$0x600]  }
0x351: {  	v0 =	vadd.f32 v1, v0;
	v1 =	vmul.f32 v4, v5;
	v4 =	vld [tilespmem:s20+$0x2600]  }
0x352: {  	v5 =	vld [tilespmem:s20+$0x800]  }
0x353: {  	v0 =	vadd.f32 v1, v0;
	v1 =	vmul.f32 v2, v6;
	v2 =	vld [tilespmem:s20+$0x2800]  }
0x354: {  	v6 =	vld [tilespmem:s20+$0xA00];
	v3 =	vmul.f32 v3, v7  }
0x355: {  	v0 =	vadd.f32 v1, v0;
	v1 =	vld [tilespmem:s20+$0x2A00]  }
0x356: {  	v7 =	vld [tilespmem:s20+$0xC00];
	v3 =	vadd.f32 $0.0e+00, v3;
	v4 =	vmul.f32 v4, v8  }
0x357: {  	[tilespmem:s20+$0x8600] =	vst v0;
	v0 =	vld [tilespmem:s20+$0x2C00]  }
0x358: {  	v3 =	vadd.f32 v4, v3;
	v2 =	vmul.f32 v2, v5;
	v4 =	vld [tilespmem:s20+$0xE00]  }
0x359: {  	v5 =	vld [tilespmem:s20+$0x2E00]  }
0x35a: {  	v2 =	vadd.f32 v2, v3;
	v1 =	vmul.f32 v1, v6;
	v3 =	vld [tilespmem:s20+$0x1000]  }
0x35b: {  	v6 =	vld [tilespmem:s20+$0x3000]  }
0x35c: {  	v1 =	vadd.f32 v1, v2;
	v0 =	vmul.f32 v0, v7;
	v2 =	vld [tilespmem:s20+$0x1200]  }
0x35d: {  	v7 =	vld [tilespmem:s20+$0x3200]  }
0x35e: {  	v0 =	vadd.f32 v0, v1;
	v1 =	vmul.f32 v5, v4;
	v4 =	vld [tilespmem:s20+$0x1400]  }
0x35f: {  	v5 =	vld [tilespmem:s20+$0x3400]  }
0x360: {  	v0 =	vadd.f32 v1, v0;
	v1 =	vmul.f32 v6, v3;
	v3 =	vld [tilespmem:s20+$0x1600]  }
0x361: {  	v6 =	vld [tilespmem:s20+$0x3600]  }
0x362: {  	v0 =	vadd.f32 v1, v0;
	v1 =	vmul.f32 v7, v2;
	v2 =	vld [tilespmem:s20+$0x1800]  }
0x363: {  	v7 =	vld [tilespmem:s20+$0x3800]  }
0x364: {  	v0 =	vadd.f32 v1, v0;
	v1 =	vmul.f32 v5, v4;
	v4 =	vld [tilespmem:s20+$0x1A00]  }
0x365: {  	v5 =	vld [tilespmem:s20+$0x3A00]  }
0x366: {  	v8 =	vld [tilespmem:s20+$0x3C00];
	v0 =	vadd.f32 v1, v0;
	v1 =	vmul.f32 v6, v3  }
0x367: {  	v6 =	vld [tilespmem:s20+$0x1C00]  }
0x368: {  	v9 =	vld [tilespmem:s20+$0x3E00];
	v0 =	vadd.f32 v1, v0;
	v1 =	vmul.f32 v7, v2  }
0x369: {  	v7 =	vld [tilespmem:s20+$0x1E00]  }
0x36a: {  	v3 =	vld [tilespmem:s20+$0x4000];
	v2 =	vmul.f32 v5, v4;
	v0 =	vadd.f32 v1, v0  }
0x36b: {  	v1 =	vld [tilespmem:s20+$0x2000]  }
0x36c: {  	v4 =	vld [tilespmem:s20+$0x4200];
	v6 =	vmul.f32 v8, v6;
	v5 =	vadd.f32 v2, v0  }
0x36d: {  	s22 =	simm.s32 $0x10;
	v2 =	vld [tilespmem:s20+$0x2200]  }
0x36e: {  	s21 =	simm.s32 $0x80;
	v0 =	vld [tilespmem:s22+$0x4400];
	v5 =	vadd.f32 v6, v5;
	v6 =	vmul.f32 v9, v7  }
.LBB2_6:
0x36f: {  	p0 =	sne.s32 s21, $0x7C0;
	v7 =	vld [tilespmem:s22+$0x6400]  }
0x370: {  	v8 =	vld [tilespmem:s22+$0x4600];
	v5 =	vadd.f32 v6, v5;
	v1 =	vmul.f32 v3, v1  }
0x371: {  	v3 =	vld [tilespmem:s22+$0x6600]  }
0x372: {  	v6 =	vld [tilespmem:s22+$0x4800];
	v1 =	vadd.f32 v1, v5;
	v2 =	vmul.f32 v4, v2  }
0x373: {  	v4 =	vld [tilespmem:s22+$0x6800]  }
0x374: {  	v0 =	vmul.f32 v7, v0;
	v5 =	vld [tilespmem:s22+$0x4A00];
	v1 =	vadd.f32 v2, v1  }
0x375: {  	v2 =	vld [tilespmem:s22+$0x6A00]  }
0x376: {  	v0 =	vadd.f32 $0.0e+00, v0;
	v3 =	vmul.f32 v3, v8;
	v7 =	vld [tilespmem:s22+$0x4C00];
	[tilespmem:s20+$0x8400] =	vst v1;
	s20 =	smov.u32 s22  }
0x377: {  	v1 =	vld [tilespmem:s20+$0x6C00]  }
0x378: {  	v0 =	vadd.f32 v3, v0;
	v3 =	vmul.f32 v4, v6;
	v4 =	vld [tilespmem:s20+$0x4E00]  }
0x379: {  	v6 =	vld [tilespmem:s20+$0x6E00]  }
0x37a: {  	v0 =	vadd.f32 v3, v0;
	v2 =	vmul.f32 v2, v5;
	v3 =	vld [tilespmem:s20+$0x5000]  }
0x37b: {  	v5 =	vld [tilespmem:s20+$0x7000]  }
0x37c: {  	v0 =	vadd.f32 v2, v0;
	v1 =	vmul.f32 v1, v7;
	v2 =	vld [tilespmem:s20+$0x5200]  }
0x37d: {  	v7 =	vld [tilespmem:s20+$0x7200]  }
0x37e: {  	v0 =	vadd.f32 v1, v0;
	v1 =	vmul.f32 v6, v4;
	v4 =	vld [tilespmem:s20+$0x5400]  }
0x37f: {  	v6 =	vld [tilespmem:s20+$0x7400]  }
0x380: {  	v0 =	vadd.f32 v1, v0;
	v1 =	vmul.f32 v5, v3;
	v3 =	vld [tilespmem:s20+$0x5600]  }
0x381: {  	v5 =	vld [tilespmem:s20+$0x7600]  }
0x382: {  	v0 =	vadd.f32 v1, v0;
	v1 =	vmul.f32 v7, v2;
	v2 =	vld [tilespmem:s20+$0x5800]  }
0x383: {  	v7 =	vld [tilespmem:s20+$0x7800]  }
0x384: {  	v0 =	vadd.f32 v1, v0;
	v1 =	vmul.f32 v6, v4;
	v4 =	vld [tilespmem:s20+$0x5A00]  }
0x385: {  	v6 =	vld [tilespmem:s20+$0x7A00]  }
0x386: {  	v0 =	vadd.f32 v1, v0;
	v1 =	vmul.f32 v5, v3;
	v3 =	vld [tilespmem:s20+$0x5C00]  }
0x387: {  	v5 =	vld [tilespmem:s20+$0x7C00]  }
0x388: {  	v0 =	vadd.f32 v1, v0;
	v1 =	vmul.f32 v7, v2;
	v2 =	vld [tilespmem:s20+$0x5E00]  }
0x389: {  	v7 =	vld [tilespmem:s20+$0x7E00]  }
0x38a: {  	v0 =	vadd.f32 v1, v0;
	v1 =	vmul.f32 v6, v4;
	v4 =	vld [tilespmem:s20+$0x6000]  }
0x38b: {  	v6 =	vld [tilespmem:s20+$0x8000]  }
0x38c: {  	v0 =	vadd.f32 v1, v0;
	v1 =	vmul.f32 v5, v3;
	v3 =	vld [tilespmem:s20+$0x6200]  }
0x38d: {  	v5 =	vld [tilespmem:s20+$0x8200]  }
0x38e: {  	v8 =	vld [tilespmem:s20+$0x400];
	v0 =	vadd.f32 v1, v0;
	v1 =	vmul.f32 v7, v2  }
0x38f: {  	v2 =	vld [tilespmem:s20+$0x2400]  }
0x390: {  	v7 =	vld [tilespmem:s20+$0x600];
	v0 =	vadd.f32 v1, v0;
	v1 =	vmul.f32 v6, v4  }
0x391: {  	v4 =	vld [tilespmem:s20+$0x2600]  }
0x392: {  	v6 =	vld [tilespmem:s20+$0x800];
	v0 =	vadd.f32 v1, v0;
	v1 =	vmul.f32 v5, v3  }
0x393: {  	v3 =	vld [tilespmem:s20+$0x2800]  }
0x394: {  	v2 =	vmul.f32 v2, v8;
	v5 =	vld [tilespmem:s20+$0xA00];
	v0 =	vadd.f32 v1, v0  }
0x395: {  	v1 =	vld [tilespmem:s20+$0x2A00]  }
0x396: {  	v2 =	vadd.f32 $0.0e+00, v2;
	v4 =	vmul.f32 v4, v7;
	v7 =	vld [tilespmem:s20+$0xC00];
	[tilespmem:s20+$0x8600] =	vst v0  }
0x397: {  	v0 =	vld [tilespmem:s20+$0x2C00]  }
0x398: {  	v2 =	vadd.f32 v4, v2;
	v3 =	vmul.f32 v3, v6;
	v4 =	vld [tilespmem:s20+$0xE00]  }
0x399: {  	v6 =	vld [tilespmem:s20+$0x2E00]  }
0x39a: {  	v2 =	vadd.f32 v3, v2;
	v1 =	vmul.f32 v1, v5;
	v3 =	vld [tilespmem:s20+$0x1000]  }
0x39b: {  	v5 =	vld [tilespmem:s20+$0x3000]  }
0x39c: {  	v1 =	vadd.f32 v1, v2;
	v0 =	vmul.f32 v0, v7;
	v2 =	vld [tilespmem:s20+$0x1200]  }
0x39d: {  	v7 =	vld [tilespmem:s20+$0x3200]  }
0x39e: {  	v0 =	vadd.f32 v0, v1;
	v1 =	vmul.f32 v6, v4;
	v4 =	vld [tilespmem:s20+$0x1400]  }
0x39f: {  	v6 =	vld [tilespmem:s20+$0x3400]  }
0x3a0: {  	v0 =	vadd.f32 v1, v0;
	v1 =	vmul.f32 v5, v3;
	v3 =	vld [tilespmem:s20+$0x1600]  }
0x3a1: {  	v5 =	vld [tilespmem:s20+$0x3600]  }
0x3a2: {  	v0 =	vadd.f32 v1, v0;
	v1 =	vmul.f32 v7, v2;
	v2 =	vld [tilespmem:s20+$0x1800]  }
0x3a3: {  	v7 =	vld [tilespmem:s20+$0x3800]  }
0x3a4: {  	v0 =	vadd.f32 v1, v0;
	v1 =	vmul.f32 v6, v4;
	v4 =	vld [tilespmem:s20+$0x1A00]  }
0x3a5: {  	v6 =	vld [tilespmem:s20+$0x3A00]  }
0x3a6: {  	v0 =	vadd.f32 v1, v0;
	v1 =	vmul.f32 v5, v3;
	v5 =	vld [tilespmem:s20+$0x1C00]  }
0x3a7: {  	v8 =	vld [tilespmem:s20+$0x3C00]  }
0x3a8: {  	v0 =	vadd.f32 v1, v0;
	v1 =	vmul.f32 v7, v2;
	v7 =	vld [tilespmem:s20+$0x1E00]  }
0x3a9: {  	v9 =	vld [tilespmem:s20+$0x3E00]  }
.Ltmp2:
0x3aa: {  	v0 =	vadd.f32 v1, v0;
	v2 =	vmul.f32 v6, v4;
	v1 =	vld [tilespmem:s20+$0x2000];
	(pc) =	sbr.rel @p0 .LBB2_6-.Ltmp2, $4  }
0x3ab: {  	v3 =	vld [tilespmem:s20+$0x4000]  }
0x3ac: {  	v6 =	vadd.f32 v2, v0;
	v5 =	vmul.f32 v8, v5;
	v2 =	vld [tilespmem:s20+$0x2200]  }
0x3ad: {  	s22 =	sshra.s32 s21, $0x2;
	v4 =	vld [tilespmem:s20+$0x4200]  }
0x3ae: {  	s21 =	sadd.s32 $0x40, s21;
	v0 =	vld [tilespmem:s22+$0x4400];
	v5 =	vadd.f32 v5, v6;
	v6 =	vmul.f32 v9, v7  }
0x3af: {  	v7 =	vld [tilespmem:s22+$0x6400]  }
0x3b0: {  	v8 =	vld [tilespmem:s22+$0x4600];
	v5 =	vadd.f32 v6, v5;
	v1 =	vmul.f32 v3, v1  }
0x3b1: {  	v31 =	vld [tilespmem:s22+$0x6600]  }
0x3b2: {  	v32 =	vld [tilespmem:s22+$0x4800];
	v1 =	vadd.f32 v1, v5;
	v2 =	vmul.f32 v4, v2  }
0x3b3: {  	v33 =	vld [tilespmem:s22+$0x6800]  }
0x3b4: {  	v34 =	vld [tilespmem:s22+$0x4A00];
	v1 =	vadd.f32 v2, v1  }
0x3b5: {  	v35 =	vld [tilespmem:s22+$0x6A00]  }
0x3b6: {  	v36 =	vld [tilespmem:s22+$0x4C00];
	[tilespmem:s20+$0x8400] =	vst v1  }
0x3b7: {  	v38 =	vld [tilespmem:s22+$0x6C00]  }
0x3b8: {  	v39 =	vld [tilespmem:s22+$0x4E00]  }
0x3b9: {  	v41 =	vld [tilespmem:s22+$0x6E00]  }
0x3ba: {  	v0 =	vmul.f32 v7, v0;
	v42 =	vld [tilespmem:s22+$0x5000]  }
0x3bb: {  	v44 =	vld [tilespmem:s22+$0x7000]  }
0x3bc: {  	v37 =	vmul.f32 v31, v8;
	v0 =	vadd.f32 $0.0e+00, v0;
	v45 =	vld [tilespmem:s22+$0x5200]  }
0x3bd: {  	v47 =	vld [tilespmem:s22+$0x7200]  }
0x3be: {  	v40 =	vmul.f32 v33, v32;
	v48 =	vld [tilespmem:s22+$0x5400];
	v0 =	vadd.f32 v37, v0  }
0x3bf: {  	v50 =	vld [tilespmem:s22+$0x7400]  }
0x3c0: {  	v43 =	vmul.f32 v35, v34;
	v51 =	vld [tilespmem:s22+$0x5600];
	v0 =	vadd.f32 v40, v0  }
0x3c1: {  	v53 =	vld [tilespmem:s22+$0x7600]  }
0x3c2: {  	v54 =	vld [tilespmem:s22+$0x5800];
	v0 =	vadd.f32 v43, v0;
	v46 =	vmul.f32 v38, v36  }
0x3c3: {  	v56 =	vld [tilespmem:s22+$0x7800]  }
0x3c4: {  	v57 =	vld [tilespmem:s22+$0x5A00];
	v49 =	vmul.f32 v41, v39;
	v0 =	vadd.f32 v46, v0  }
0x3c5: {  	v59 =	vld [tilespmem:s22+$0x7A00]  }
0x3c6: {  	v60 =	vld [tilespmem:s22+$0x5C00];
	v52 =	vmul.f32 v44, v42;
	v0 =	vadd.f32 v49, v0  }
0x3c7: {  	v62 =	vld [tilespmem:s22+$0x7C00]  }
0x3c8: {  	v63 =	vld [tilespmem:s22+$0x5E00];
	v55 =	vmul.f32 v47, v45;
	v0 =	vadd.f32 v52, v0  }
0x3c9: {  	v11 =	vld [tilespmem:s22+$0x7E00]  }
0x3ca: {  	v12 =	vld [tilespmem:s22+$0x6000];
	v58 =	vmul.f32 v50, v48;
	v0 =	vadd.f32 v55, v0  }
0x3cb: {  	v14 =	vld [tilespmem:s22+$0x8000]  }
0x3cc: {  	v15 =	vld [tilespmem:s22+$0x6200];
	v61 =	vmul.f32 v53, v51;
	v0 =	vadd.f32 v58, v0  }
0x3cd: {  	v17 =	vld [tilespmem:s22+$0x8200]  }
0x3ce: {  	v18 =	vld [tilespmem:s22+$0x400];
	v10 =	vmul.f32 v56, v54;
	v0 =	vadd.f32 v61, v0  }
0x3cf: {  	v20 =	vld [tilespmem:s22+$0x2400]  }
0x3d0: {  	v21 =	vld [tilespmem:s22+$0x600];
	v13 =	vmul.f32 v59, v57;
	v0 =	vadd.f32 v10, v0  }
0x3d1: {  	v23 =	vld [tilespmem:s22+$0x2600]  }
0x3d2: {  	v24 =	vld [tilespmem:s22+$0x800];
	v16 =	vmul.f32 v62, v60;
	v0 =	vadd.f32 v13, v0  }
0x3d3: {  	v26 =	vld [tilespmem:s22+$0x2800]  }
0x3d4: {  	v27 =	vld [tilespmem:s22+$0xA00];
	v19 =	vmul.f32 v11, v63;
	v3 =	vmul.f32 v20, v18;
	v0 =	vadd.f32 v16, v0  }
0x3d5: {  	v28 =	vld [tilespmem:s22+$0x2A00];
	v22 =	vmul.f32 v14, v12  }
0x3d6: {  	v29 =	vld [tilespmem:s22+$0xC00];
	v4 =	vmul.f32 v23, v21;
	v3 =	vadd.f32 $0.0e+00, v3;
	v0 =	vadd.f32 v19, v0  }
0x3d7: {  	v30 =	vld [tilespmem:s22+$0x2C00];
	v25 =	vmul.f32 v17, v15  }
0x3d8: {  	v31 =	vld [tilespmem:s22+$0xE00];
	v2 =	vmul.f32 v26, v24;
	v3 =	vadd.f32 v4, v3;
	v0 =	vadd.f32 v22, v0  }
0x3d9: {  	v32 =	vld [tilespmem:s22+$0x2E00]  }
0x3da: {  	v33 =	vld [tilespmem:s22+$0x1000];
	v1 =	vmul.f32 v28, v27;
	v2 =	vadd.f32 v2, v3;
	v0 =	vadd.f32 v25, v0  }
0x3db: {  	v34 =	vld [tilespmem:s22+$0x3000]  }
0x3dc: {  	v35 =	vld [tilespmem:s22+$0x1200];
	v1 =	vadd.f32 v1, v2;
	[tilespmem:s22+$0x8600] =	vst v0;
	v0 =	vmul.f32 v30, v29  }
0x3dd: {  	v36 =	vld [tilespmem:s22+$0x3200]  }
0x3de: {  	v37 =	vmul.f32 v32, v31;
	v38 =	vld [tilespmem:s22+$0x1400];
	v0 =	vadd.f32 v0, v1  }
0x3df: {  	v39 =	vld [tilespmem:s22+$0x3400]  }
0x3e0: {  	v40 =	vmul.f32 v34, v33;
	v41 =	vld [tilespmem:s22+$0x1600];
	v0 =	vadd.f32 v37, v0  }
0x3e1: {  	v42 =	vld [tilespmem:s22+$0x3600]  }
0x3e2: {  	v44 =	vld [tilespmem:s22+$0x1800];
	v43 =	vmul.f32 v36, v35;
	v0 =	vadd.f32 v40, v0  }
0x3e3: {  	v45 =	vld [tilespmem:s22+$0x3800]  }
0x3e4: {  	v47 =	vld [tilespmem:s22+$0x1A00];
	v46 =	vmul.f32 v39, v38;
	v0 =	vadd.f32 v43, v0  }
0x3e5: {  	v48 =	vld [tilespmem:s22+$0x3A00]  }
0x3e6: {  	v50 =	vld [tilespmem:s22+$0x1C00];
	v49 =	vmul.f32 v42, v41;
	v0 =	vadd.f32 v46, v0  }
0x3e7: {  	v51 =	vld [tilespmem:s22+$0x3C00]  }
0x3e8: {  	v53 =	vld [tilespmem:s22+$0x1E00];
	v52 =	vmul.f32 v45, v44;
	v0 =	vadd.f32 v49, v0  }
0x3e9: {  	v54 =	vld [tilespmem:s22+$0x3E00]  }
0x3ea: {  	v56 =	vld [tilespmem:s22+$0x2000];
	v55 =	vmul.f32 v48, v47;
	v0 =	vadd.f32 v52, v0  }
0x3eb: {  	v57 =	vld [tilespmem:s22+$0x4000]  }
0x3ec: {  	v59 =	vld [tilespmem:s22+$0x2200];
	v58 =	vmul.f32 v51, v50;
	v0 =	vadd.f32 v55, v0  }
0x3ed: {  	v60 =	vld [tilespmem:s22+$0x4200]  }
0x3ee: {  	v61 =	vmul.f32 v54, v53;
	v0 =	vadd.f32 v58, v0;
	_ =	sdelay $0x1  }
0x3ef: {  	v62 =	vmul.f32 v57, v56;
	v0 =	vadd.f32 v61, v0;
	_ =	sdelay $0x1  }
0x3f0: {  	v63 =	vmul.f32 v60, v59;
	v0 =	vadd.f32 v62, v0;
	_ =	sdelay $0x1  }
0x3f1: {  	v0 =	vadd.f32 v63, v0;
	_ =	sdelay $0x1  }
0x3f2: {  	[tilespmem:s22+$0x8400] =	vst v0  }
0x3f3: {  	[hbm4b:s11+s1] =	stream.linear.scatter [tilespmem:s17], [sflag:$0x2], $0x200, $0x38;
	[tilespmem:$0x8800] =	vst v63  }
0x3f4: {  	s19 =	sadd.s32 $0x1, s19;
	_ =	swait.ge [sflag:s14], $0x200  }
0x3f5: {  	p0 =	sne.s32 s19, s13;
	[sflag:s14] =	ssyncset.done $0x0  }
.Ltmp3:
0x3f6: {  	[sflag:s14] =	ssyncadd.s32 $0xFFFFFE00;
	(pc) =	sbr.rel @p0 .LBB2_1-.Ltmp3, $4  }
0x3f7: {  	[hbm4b:s12+s1] =	stream.linear.scatter [tilespmem:s18], [sflag:$0x2], $0x200, $0x38;
	[tilespmem:$0x8800] =	vst v63  }
0x3f8: {  	_ =	swait.ge [sflag:s14], $0x200  }
0x3f9: {  	[sflag:s14] =	ssyncset.done $0x0  }
0x3fa: {  	[sflag:s14] =	ssyncadd.s32 $0xFFFFFE00  }
0x3fb: {  	_ =	sfence.sel $0x180000  }
0x3fc: {  	[bflag:$0x0] =	sbarrier.arrive $0xFFFF  }
0x3fd: {  	p0 =	sne.s32 s2, $0x0;
	_ =	strace $0x90000047  }
0x3fe: {  	s0 =	sadd.s32 @!p0 $0x100000, s0;
	[bflag:$0x2] =	sbarrier.arrive $0xFFFF  }
0x3ff: {  	[sflag:s0] =	ssyncadd.tile.s32 @!p0 $0x1;
	_ =	shalt  }
.Lfunc_end2:
_tile_overlayer_lowered:
.L_overlay_start_2:
0x400: {  	(tag) =	ssettag $0x2  }
0x401: {  	s0 =	rddreg [dreg:$0x0];
	s2 =	stileid.u32  }
0x402: {  	s1 =	rddreg [dreg:$0x1];
	p0 =	sne.s32 s2, $0x0  }
0x403: {  	s3 =	rddreg [dreg:$0x2];
	[bflag:$0x3] =	sbarrier.arrive $0xFFFF;
	s2 =	simm.s32 @!p0 $0x1C02  }
0x404: {  	[timem:s3], [sflag:s2] =	dma.local @!p0 [hbm:s0], s1  }
0x405: {  	s0 =	simm.s32 @!p0 $0x2  }
0x406: {  	_ =	swait.ge @!p0 [sflag:s0], s1  }
0x407: {  	s1 =	ssub.s32 @!p0 $0x0, s1;
	[sflag:s0] =	ssyncset.done @!p0 $0x0  }
0x408: {  	[sflag:s0] =	ssyncadd.s32 @!p0 s1  }
0x409: {  	[bflag:$0x3] =	sbarrier.arrive $0xFFFF  }
0x40a: {  	_ =	shalt  }

</sc_bundles>
